<compile_context>
chip_gen: v7x
topology: tpu7x:2x2x1
jax: 0.10.2.dev20260603
libtpu: 0.0.44.dev20260713+nightly
codegen_flags: <defaults>
</compile_context>

<pallas_src>
import functools

import jax
import jax.numpy as jnp
from jax import lax
from jax.experimental import pallas as pl
from jax.experimental.pallas import tpu as pltpu
from jax.experimental.pallas import tpu_sc as plsc

_N, _E, _D, _H = 10000, 160000, 256, 4
_HC = 1024
_CH = 40
_NW = 32
_EPW_B = _E // _NW
_NCH_B = _EPW_B // _CH
_EPT_C = _E // 16
_CHA = 40
_NCHA = _EPT_C // _CHA
_RPT = 624

_mesh = plsc.VectorSubcoreMesh(core_axis_name="c", subcore_axis_name="s")
_sc_params = pltpu.CompilerParams(use_tc_tiling_on_sc=False,
                                  needs_layout_passes=False)


def _pack_bf16_pairs(z):
    b = lax.bitcast_convert_type(z, jnp.int32) + 0x8000
    lo = jnp.concatenate([b[:, h * 256:h * 256 + 128] for h in range(_H)],
                         axis=1)
    hi = jnp.concatenate([b[:, h * 256 + 128:(h + 1) * 256] for h in range(_H)],
                         axis=1)
    return (hi & jnp.int32(-65536)) | lax.shift_right_logical(lo, 16)


def _proj_body(x_ref, w_ref, b_ref, q_ref, k_ref,
               v0_ref, v1_ref, v2_ref, v3_ref, sk_ref):
    y = jnp.dot(x_ref[...], w_ref[...], preferred_element_type=jnp.float32)
    y = y + b_ref[...]
    q_ref[...] = _pack_bf16_pairs(y[:, :1024])
    k_ref[...] = _pack_bf16_pairs(y[:, 1024:2048])
    v0_ref[...] = y[:, 2048:2304]
    v1_ref[...] = y[:, 2304:2560]
    v2_ref[...] = y[:, 2560:2816]
    v3_ref[...] = y[:, 2816:3072]
    sk_ref[...] = y[:, 3072:]


_proj = pl.pallas_call(
    _proj_body,
    grid=(10,),
    in_specs=[
        pl.BlockSpec((1000, _D), lambda i: (i, 0)),
        pl.BlockSpec((_D, 3328), lambda i: (0, 0)),
        pl.BlockSpec((1, 3328), lambda i: (0, 0)),
    ],
    out_specs=[
        pl.BlockSpec((1000, 512), lambda i: (i, 0)),
        pl.BlockSpec((1000, 512), lambda i: (i, 0)),
        pl.BlockSpec((1000, 256), lambda i: (i, 0)),
        pl.BlockSpec((1000, 256), lambda i: (i, 0)),
        pl.BlockSpec((1000, 256), lambda i: (i, 0)),
        pl.BlockSpec((1000, 256), lambda i: (i, 0)),
        pl.BlockSpec((1000, 256), lambda i: (i, 0)),
    ],
    out_shape=[
        jax.ShapeDtypeStruct((_N, 512), jnp.int32),
        jax.ShapeDtypeStruct((_N, 512), jnp.int32),
        jax.ShapeDtypeStruct((_N, 256), jnp.float32),
        jax.ShapeDtypeStruct((_N, 256), jnp.float32),
        jax.ShapeDtypeStruct((_N, 256), jnp.float32),
        jax.ShapeDtypeStruct((_N, 256), jnp.float32),
        jax.ShapeDtypeStruct((_N, 256), jnp.float32),
    ],
)


def _edge_body(q_hbm, k_hbm, dst2d_hbm, src2d_hbm,
               ex_hbm, d0_hbm, d1_hbm,
               dstv, srcv, qrows, krows, exstage, zbuf, accum, sem1, sem2):
    cid = lax.axis_index("c")
    sid = lax.axis_index("s")
    wid = sid * 2 + cid

    pltpu.sync_copy(dst2d_hbm.at[wid], dstv)
    pltpu.sync_copy(src2d_hbm.at[wid], srcv)

    zero16 = jnp.zeros((16,), jnp.float32)

    def _z(r, carry):
        zbuf[r] = zero16
        return carry
    lax.fori_loop(0, 640, _z, 0)

    @pl.when(sid < 15)
    def _():
        pltpu.sync_copy(zbuf.at[pl.ds(0, _RPT)], accum.at[pl.ds(sid * _RPT, _RPT)])

    @pl.when(sid == 15)
    def _():
        pltpu.sync_copy(zbuf, accum.at[pl.ds(15 * _RPT, 640)])
    plsc.subcore_barrier()

    lanes = lax.iota(jnp.int32, 16)

    dnums = lax.GatherDimensionNumbers(
        offset_dims=(), collapsed_slice_dims=(0,), start_index_map=(0,))

    def _lane_sum(a):
        for s in (8, 4, 2, 1):
            perm = lax.gather(a, (lanes ^ s)[:, None], dnums, (1,),
                              mode=lax.GatherScatterMode.PROMISE_IN_BOUNDS)
            a = a + perm
        return a

    mask_hi = jnp.full((16,), -65536, jnp.int32)

    def _bf2f32(x):
        hi = plsc.bitcast(x & mask_hi, jnp.float32)
        lo = plsc.bitcast(lax.shift_left(x, 16), jnp.float32)
        return lo, hi

    def _issue(ch):
        par = lax.rem(ch, 2)
        pltpu.async_copy(q_hbm.at[dstv.at[ch]], qrows.at[par], sem1.at[par])
        pltpu.async_copy(k_hbm.at[srcv.at[ch]], krows.at[par], sem2.at[par])

    _issue(0)

    def _chunk(ch, carry):
        par = lax.rem(ch, 2)
        pltpu.make_async_copy(q_hbm.at[dstv.at[ch]], qrows.at[par],
                              sem1.at[par]).wait()
        pltpu.make_async_copy(k_hbm.at[srcv.at[ch]], krows.at[par],
                              sem2.at[par]).wait()

        @pl.when(ch < _NCH_B - 1)
        def _():
            _issue(ch + 1)

        def _edge(i, c2):
            accs = []
            for h in range(_H):
                a = None
                for t in range(8):
                    off = h * 128 + t * 16
                    qw = qrows[par, i, pl.ds(off, 16)]
                    kw = krows[par, i, pl.ds(off, 16)]
                    qa, qb = _bf2f32(qw)
                    ka, kb = _bf2f32(kw)
                    p = qa * ka + qb * kb
                    a = p if a is None else a + p
                accs.append(_lane_sum(a))
            lv = jnp.where(lanes == 0, accs[0],
                           jnp.where(lanes == 1, accs[1],
                                     jnp.where(lanes == 2, accs[2], accs[3])))
            ex = jnp.exp(lv * 0.0625)
            ex = jnp.where(lanes < _H, ex, 0.0)
            exstage[i] = ex
            return c2
        lax.fori_loop(0, _CH, _edge, 0)

        pltpu.sync_copy(exstage, ex_hbm.at[pl.ds(wid * _EPW_B + ch * _CH, _CH)])
        pltpu.sync_copy(exstage, accum.at[dstv.at[ch]], add=True)
        return carry
    lax.fori_loop(0, _NCH_B, _chunk, 0)

    plsc.subcore_barrier()
    r0 = sid * _RPT

    @pl.when(cid == 0)
    def _():
        @pl.when(sid < 15)
        def _():
            pltpu.sync_copy(accum.at[pl.ds(r0, _RPT)], d0_hbm.at[pl.ds(r0, _RPT)])

        @pl.when(sid == 15)
        def _():
            pltpu.sync_copy(accum.at[pl.ds(15 * _RPT, 640)],
                            d0_hbm.at[pl.ds(15 * _RPT, 640)])

    @pl.when(cid == 1)
    def _():
        @pl.when(sid < 15)
        def _():
            pltpu.sync_copy(accum.at[pl.ds(r0, _RPT)], d1_hbm.at[pl.ds(r0, _RPT)])

        @pl.when(sid == 15)
        def _():
            pltpu.sync_copy(accum.at[pl.ds(15 * _RPT, 640)],
                            d1_hbm.at[pl.ds(15 * _RPT, 640)])


_edge_call = pl.kernel(
    _edge_body,
    out_type=[
        jax.ShapeDtypeStruct((_E, 16), jnp.float32),
        jax.ShapeDtypeStruct((_N, 16), jnp.float32),
        jax.ShapeDtypeStruct((_N, 16), jnp.float32),
    ],
    mesh=_mesh,
    scratch_types=[
        pltpu.VMEM((_NCH_B, _CH), jnp.int32),
        pltpu.VMEM((_NCH_B, _CH), jnp.int32),
        pltpu.VMEM((2, _CH, 512), jnp.int32),
        pltpu.VMEM((2, _CH, 512), jnp.int32),
        pltpu.VMEM((_CH, 16), jnp.float32),
        pltpu.VMEM((640, 16), jnp.float32),
        pltpu.VMEM_SHARED((_N, 16), jnp.float32),
        pltpu.SemaphoreType.DMA((2,)),
        pltpu.SemaphoreType.DMA((2,)),
    ],
    compiler_params=_sc_params,
)


def _agg_body(ex_hbm, dinv_hbm, va_hbm, vb_hbm, dst2d_hbm, src2d_hbm,
              pa_hbm, pb_hbm,
              dstv, srcv, vrows2, exrows, divrows2, urows2,
              zbuf, accum, semv, semd):
    cid = lax.axis_index("c")
    sid = lax.axis_index("s")

    pltpu.sync_copy(dst2d_hbm.at[sid], dstv)
    pltpu.sync_copy(src2d_hbm.at[sid], srcv)

    zero16 = jnp.zeros((16,), jnp.float32)

    def _z(r, carry):
        for j in range(4):
            zbuf[r, pl.ds(j * 16, 16)] = zero16
        return carry
    lax.fori_loop(0, 312, _z, 0)
    for j in range(2):
        pltpu.sync_copy(zbuf, accum.at[pl.ds(sid * _RPT + j * 312, 312)])

    @pl.when(sid == 15)
    def _():
        pltpu.sync_copy(zbuf.at[pl.ds(0, 16)], accum.at[pl.ds(9984, 16)])
    plsc.subcore_barrier()

    ebase = sid * _EPT_C

    def _issue(ch):
        par = lax.rem(ch, 2)

        @pl.when(cid == 0)
        def _():
            pltpu.async_copy(va_hbm.at[srcv.at[ch]], vrows2.at[par],
                             semv.at[par])

        @pl.when(cid == 1)
        def _():
            pltpu.async_copy(vb_hbm.at[srcv.at[ch]], vrows2.at[par],
                             semv.at[par])
        pltpu.async_copy(dinv_hbm.at[dstv.at[ch]], divrows2.at[par],
                         semd.at[par])

    _issue(0)

    def _chunk(ch, carry):
        par = lax.rem(ch, 2)
        pltpu.sync_copy(ex_hbm.at[pl.ds(ebase + ch * _CHA, _CHA)], exrows)
        pltpu.make_async_copy(va_hbm.at[srcv.at[ch]], vrows2.at[par],
                              semv.at[par]).wait()
        pltpu.make_async_copy(dinv_hbm.at[dstv.at[ch]], divrows2.at[par],
                              semd.at[par]).wait()

        @pl.when(ch < _NCHA - 1)
        def _():
            _issue(ch + 1)

        def _edge(i, c2):
            c = exrows[i] * divrows2[par, i]
            for j in range(4):
                u = None
                for h in range(_H):
                    seg = vrows2[par, i, pl.ds(h * 64 + j * 16, 16)] * c[h]
                    u = seg if u is None else u + seg
                urows2[par, i, pl.ds(j * 16, 16)] = u
            return c2
        lax.fori_loop(0, _CHA, _edge, 0)

        pltpu.sync_copy(urows2.at[par], accum.at[dstv.at[ch]], add=True)
        return carry
    lax.fori_loop(0, _NCHA, _chunk, 0)

    plsc.subcore_barrier()
    r0 = sid * _RPT

    @pl.when(cid == 0)
    def _():
        @pl.when(sid < 15)
        def _():
            pltpu.sync_copy(accum.at[pl.ds(r0, _RPT)], pa_hbm.at[pl.ds(r0, _RPT)])

        @pl.when(sid == 15)
        def _():
            pltpu.sync_copy(accum.at[pl.ds(15 * _RPT, 640)],
                            pa_hbm.at[pl.ds(15 * _RPT, 640)])

    @pl.when(cid == 1)
    def _():
        @pl.when(sid < 15)
        def _():
            pltpu.sync_copy(accum.at[pl.ds(r0, _RPT)], pb_hbm.at[pl.ds(r0, _RPT)])

        @pl.when(sid == 15)
        def _():
            pltpu.sync_copy(accum.at[pl.ds(15 * _RPT, 640)],
                            pb_hbm.at[pl.ds(15 * _RPT, 640)])


_agg_call = pl.kernel(
    _agg_body,
    out_type=[
        jax.ShapeDtypeStruct((_N, 64), jnp.float32),
        jax.ShapeDtypeStruct((_N, 64), jnp.float32),
    ],
    mesh=_mesh,
    scratch_types=[
        pltpu.VMEM((_NCHA, _CHA), jnp.int32),
        pltpu.VMEM((_NCHA, _CHA), jnp.int32),
        pltpu.VMEM((2, _CHA, 256), jnp.float32),
        pltpu.VMEM((_CHA, 16), jnp.float32),
        pltpu.VMEM((2, _CHA, 16), jnp.float32),
        pltpu.VMEM((2, _CHA, 64), jnp.float32),
        pltpu.VMEM((312, 64), jnp.float32),
        pltpu.VMEM_SHARED((_N, 64), jnp.float32),
        pltpu.SemaphoreType.DMA((2,)),
        pltpu.SemaphoreType.DMA((2,)),
    ],
    compiler_params=_sc_params,
)


def _dinv_body(d0_ref, d1_ref, o_ref):
    o_ref[...] = 0.25 / jnp.maximum(d0_ref[...] + d1_ref[...], 1e-16)


_dinv = pl.pallas_call(
    _dinv_body,
    grid=(10,),
    in_specs=[
        pl.BlockSpec((1000, 16), lambda i: (i, 0)),
        pl.BlockSpec((1000, 16), lambda i: (i, 0)),
    ],
    out_specs=pl.BlockSpec((1000, 16), lambda i: (i, 0)),
    out_shape=jax.ShapeDtypeStruct((_N, 16), jnp.float32),
)


def _final_body(pre_ref, sk_ref, o_ref):
    o_ref[...] = pre_ref[...] + sk_ref[...]


_final = pl.pallas_call(
    _final_body,
    grid=(10,),
    in_specs=[
        pl.BlockSpec((1000, 256), lambda i: (i, 0)),
        pl.BlockSpec((1000, 256), lambda i: (i, 0)),
    ],
    out_specs=pl.BlockSpec((1000, 256), lambda i: (i, 0)),
    out_shape=jax.ShapeDtypeStruct((_N, 256), jnp.float32),
)


def kernel(x, edge_indices, Wq, bq, Wk, bk, Wv, bv, Wskip, bskip):
    ei = edge_indices.astype(jnp.int32)
    srcB = ei[0].reshape(_NW, _NCH_B, _CH)
    dstB = ei[1].reshape(_NW, _NCH_B, _CH)
    srcC = ei[0].reshape(16, _NCHA, _CHA)
    dstC = ei[1].reshape(16, _NCHA, _CHA)

    Wv_r = Wv.reshape(_D, _H, 4, 64)
    bv_r = bv.reshape(_H, 4, 64)
    WvQ = [Wv_r[:, :, q, :].reshape(_D, 256) for q in range(4)]
    bvQ = [bv_r[:, q, :].reshape(256) for q in range(4)]
    W_all = jnp.concatenate([Wq, Wk] + WvQ + [Wskip], axis=1)
    b_all = jnp.concatenate([bq, bk] + bvQ + [bskip]).reshape(1, 3328)

    q, k, v0, v1, v2, v3, skip = _proj(x, W_all, b_all)
    ex, d0, d1 = _edge_call(q, k, dstB, srcB)
    dinv = _dinv(d0, d1)
    p0, p1 = _agg_call(ex, dinv, v0, v1, dstC, srcC)
    p2, p3 = _agg_call(ex, dinv, v2, v3, dstC, srcC)
    pre = jnp.concatenate([p0, p1, p2, p3], axis=1)
    return _final(pre, skip)

# --- scband reference (transcript-rebuilt; emitter-appended) ---
"""Pipeline reference for scband-global-graph-64269890617598 (READ-ONLY COPY).

The authoritative reference and input builder live on the scoring server;
editing this copy changes nothing except your own understanding.
"""

import jax, jax.numpy as jnp
import numpy as np

N = 10000
E = 160000
D = 256
H = 4
C = 256  # out_channels per head (PyG TransformerConv semantics)


def setup_inputs(seed: int = 0) -> dict:
    key = jax.random.key(seed)
    ks = jax.random.split(key, 12)
    x = jax.random.normal(ks[0], (N, D), dtype=jnp.float32)
    edge_indices = jax.random.randint(ks[1], (2, E), 0, N, dtype=jnp.int64)
    s = 0.05
    Wq = jax.random.normal(ks[2], (D, H * C), dtype=jnp.float32) * s
    bq = jax.random.normal(ks[3], (H * C,), dtype=jnp.float32) * s
    Wk = jax.random.normal(ks[4], (D, H * C), dtype=jnp.float32) * s
    bk = jax.random.normal(ks[5], (H * C,), dtype=jnp.float32) * s
    Wv = jax.random.normal(ks[6], (D, H * C), dtype=jnp.float32) * s
    bv = jax.random.normal(ks[7], (H * C,), dtype=jnp.float32) * s
    Wskip = jax.random.normal(ks[8], (D, C), dtype=jnp.float32) * s
    bskip = jax.random.normal(ks[9], (C,), dtype=jnp.float32) * s
    return {"x": x, "edge_indices": edge_indices, "Wq": Wq, "bq": bq,
            "Wk": Wk, "bk": bk, "Wv": Wv, "bv": bv,
            "Wskip": Wskip, "bskip": bskip}


def reference(x, edge_indices, Wq, bq, Wk, bk, Wv, bv, Wskip, bskip):
    # PyG TransformerConv, heads=4, concat=False (mean over heads),
    # root_weight=True skip connection, dropout=0, beta=False, no edge_attr.
    src = edge_indices[0]
    dst = edge_indices[1]
    q = (x @ Wq + bq).reshape(N, H, C)
    k = (x @ Wk + bk).reshape(N, H, C)
    v = (x @ Wv + bv).reshape(N, H, C)
    qd = q[dst]            # [E, H, C]
    ks_ = k[src]           # [E, H, C]
    vs = v[src]            # [E, H, C]
    logits = (qd * ks_).sum(-1) / jnp.sqrt(jnp.float32(C))  # [E, H]
    m = jax.ops.segment_max(logits, dst, num_segments=N)     # [N, H]
    m = jnp.where(jnp.isfinite(m), m, 0.0)
    m = jax.lax.stop_gradient(m)
    ex = jnp.exp(logits - m[dst])                             # [E, H]
    denom = jax.ops.segment_sum(ex, dst, num_segments=N)      # [N, H]
    alpha = ex / jnp.maximum(denom[dst], 1e-16)               # [E, H]
    msg = alpha[..., None] * vs                               # [E, H, C]
    agg = jax.ops.segment_sum(msg, dst, num_segments=N)       # [N, H, C]
    out = agg.mean(axis=1)                                    # [N, C]
    out = out + x @ Wskip + bskip
    return out

if __name__ == "__main__":
    import jax
    _d = setup_inputs()
    print(jax.jit(kernel)(*tuple(_d.values())))

</pallas_src>

<mosaic_0001>
#map = affine_map<(d0, d1) -> (0, 0)>
#map1 = affine_map<(d0, d1) -> (0, 0, 0)>
module attributes {stable_mosaic.version = 14 : i64} {
  func.func @_agg_body(%arg0: i32, %arg1: i32, %arg2: memref<160000x16xf32, #tpu.memory_space<hbm>>, %arg3: memref<10000x16xf32, #tpu.memory_space<hbm>>, %arg4: memref<10000x256xf32, #tpu.memory_space<hbm>>, %arg5: memref<10000x256xf32, #tpu.memory_space<hbm>>, %arg6: memref<16x250x40xi32, #tpu.memory_space<hbm>>, %arg7: memref<16x250x40xi32, #tpu.memory_space<hbm>>, %arg8: memref<10000x64xf32, #tpu.memory_space<hbm>>, %arg9: memref<10000x64xf32, #tpu.memory_space<hbm>>, %arg10: memref<250x40xi32, #tpu.memory_space<vmem>>, %arg11: memref<250x40xi32, #tpu.memory_space<vmem>>, %arg12: memref<2x40x256xf32, #tpu.memory_space<vmem>>, %arg13: memref<40x16xf32, #tpu.memory_space<vmem>>, %arg14: memref<2x40x16xf32, #tpu.memory_space<vmem>>, %arg15: memref<2x40x64xf32, #tpu.memory_space<vmem>>, %arg16: memref<312x64xf32, #tpu.memory_space<vmem>>, %arg17: memref<10000x64xf32, #tpu.memory_space<vmem_shared>>, %arg18: memref<2x!tpu.dma_semaphore, #tpu.memory_space<semaphore_mem>>, %arg19: memref<2x!tpu.dma_semaphore, #tpu.memory_space<semaphore_mem>>) attributes {dimension_semantics = [#tpu.dimension_semantics<core_parallel>, #tpu.dimension_semantics<subcore_parallel>], iteration_bounds = array<i64: 2, 16>, scalar_prefetch = 0 : i64, scratch_operands = 10 : i64, tpu.core_type = #tpu.core_type<sc_vector_subcore>, window_params = [{transform_indices = #map}, {transform_indices = #map}, {transform_indices = #map}, {transform_indices = #map}, {transform_indices = #map1}, {transform_indices = #map1}, {transform_indices = #map}, {transform_indices = #map}]} {
    "tpu.region"() ({
      %run_scoped3A = tpu.sem_alloc : memref<!tpu.dma_semaphore, #tpu.memory_space<semaphore_mem>>
      %dma_start3A_59 = arith.constant 0 : i32
      %dma_start3A_60 = arith.constant 0 : i32
      %dma_start3A_61 = tpu.memref_slice %arg6[%arg1, %dma_start3A_59, %dma_start3A_60] : memref<16x250x40xi32, #tpu.memory_space<hbm>> -> memref<1x250x40xi32, #tpu.memory_space<hbm>>
      %dma_start3A_62 = tpu.memref_squeeze %dma_start3A_61 : memref<1x250x40xi32, #tpu.memory_space<hbm>> -> memref<250x40xi32, #tpu.memory_space<hbm>>
      %dma_start3A_63 = arith.constant 0 : i32
      %dma_start3A_64 = arith.constant 0 : i32
      %dma_start3A_65 = tpu.memref_slice %arg6[%arg1, %dma_start3A_63, %dma_start3A_64] : memref<16x250x40xi32, #tpu.memory_space<hbm>> -> memref<1x250x40xi32, #tpu.memory_space<hbm>>
      %dma_start3A_66 = tpu.memref_squeeze %dma_start3A_65 : memref<1x250x40xi32, #tpu.memory_space<hbm>> -> memref<250x40xi32, #tpu.memory_space<hbm>>
      tpu.enqueue_dma source(%dma_start3A_66 : memref<250x40xi32, #tpu.memory_space<hbm>>) target(%arg10 : memref<250x40xi32, #tpu.memory_space<vmem>>) target_semaphore(%run_scoped3A : memref<!tpu.dma_semaphore, #tpu.memory_space<semaphore_mem>>)
      %dma_wait3A = arith.constant 0 : i32
      %dma_wait3A_67 = arith.constant 0 : i32
      %dma_wait3A_68 = tpu.memref_slice %arg6[%arg1, %dma_wait3A, %dma_wait3A_67] : memref<16x250x40xi32, #tpu.memory_space<hbm>> -> memref<1x250x40xi32, #tpu.memory_space<hbm>>
      %dma_wait3A_69 = tpu.memref_squeeze %dma_wait3A_68 : memref<1x250x40xi32, #tpu.memory_space<hbm>> -> memref<250x40xi32, #tpu.memory_space<hbm>>
      %dma_wait3A_70 = arith.constant 0 : i32
      %dma_wait3A_71 = arith.constant 0 : i32
      %dma_wait3A_72 = tpu.memref_slice %arg6[%arg1, %dma_wait3A_70, %dma_wait3A_71] : memref<16x250x40xi32, #tpu.memory_space<hbm>> -> memref<1x250x40xi32, #tpu.memory_space<hbm>>
      %dma_wait3A_73 = tpu.memref_squeeze %dma_wait3A_72 : memref<1x250x40xi32, #tpu.memory_space<hbm>> -> memref<250x40xi32, #tpu.memory_space<hbm>>
      tpu.wait_dma2 semaphore(%run_scoped3A : memref<!tpu.dma_semaphore, #tpu.memory_space<semaphore_mem>>) src(%dma_wait3A_73 : memref<250x40xi32, #tpu.memory_space<hbm>>) dst(%arg10 : memref<250x40xi32, #tpu.memory_space<vmem>>)
      tpu.yield
    }) : () -> ()
    "tpu.region"() ({
      %run_scoped3A = tpu.sem_alloc : memref<!tpu.dma_semaphore, #tpu.memory_space<semaphore_mem>>
      %dma_start3A_59 = arith.constant 0 : i32
      %dma_start3A_60 = arith.constant 0 : i32
      %dma_start3A_61 = tpu.memref_slice %arg7[%arg1, %dma_start3A_59, %dma_start3A_60] : memref<16x250x40xi32, #tpu.memory_space<hbm>> -> memref<1x250x40xi32, #tpu.memory_space<hbm>>
      %dma_start3A_62 = tpu.memref_squeeze %dma_start3A_61 : memref<1x250x40xi32, #tpu.memory_space<hbm>> -> memref<250x40xi32, #tpu.memory_space<hbm>>
      %dma_start3A_63 = arith.constant 0 : i32
      %dma_start3A_64 = arith.constant 0 : i32
      %dma_start3A_65 = tpu.memref_slice %arg7[%arg1, %dma_start3A_63, %dma_start3A_64] : memref<16x250x40xi32, #tpu.memory_space<hbm>> -> memref<1x250x40xi32, #tpu.memory_space<hbm>>
      %dma_start3A_66 = tpu.memref_squeeze %dma_start3A_65 : memref<1x250x40xi32, #tpu.memory_space<hbm>> -> memref<250x40xi32, #tpu.memory_space<hbm>>
      tpu.enqueue_dma source(%dma_start3A_66 : memref<250x40xi32, #tpu.memory_space<hbm>>) target(%arg11 : memref<250x40xi32, #tpu.memory_space<vmem>>) target_semaphore(%run_scoped3A : memref<!tpu.dma_semaphore, #tpu.memory_space<semaphore_mem>>)
      %dma_wait3A = arith.constant 0 : i32
      %dma_wait3A_67 = arith.constant 0 : i32
      %dma_wait3A_68 = tpu.memref_slice %arg7[%arg1, %dma_wait3A, %dma_wait3A_67] : memref<16x250x40xi32, #tpu.memory_space<hbm>> -> memref<1x250x40xi32, #tpu.memory_space<hbm>>
      %dma_wait3A_69 = tpu.memref_squeeze %dma_wait3A_68 : memref<1x250x40xi32, #tpu.memory_space<hbm>> -> memref<250x40xi32, #tpu.memory_space<hbm>>
      %dma_wait3A_70 = arith.constant 0 : i32
      %dma_wait3A_71 = arith.constant 0 : i32
      %dma_wait3A_72 = tpu.memref_slice %arg7[%arg1, %dma_wait3A_70, %dma_wait3A_71] : memref<16x250x40xi32, #tpu.memory_space<hbm>> -> memref<1x250x40xi32, #tpu.memory_space<hbm>>
      %dma_wait3A_73 = tpu.memref_squeeze %dma_wait3A_72 : memref<1x250x40xi32, #tpu.memory_space<hbm>> -> memref<250x40xi32, #tpu.memory_space<hbm>>
      tpu.wait_dma2 semaphore(%run_scoped3A : memref<!tpu.dma_semaphore, #tpu.memory_space<semaphore_mem>>) src(%dma_wait3A_73 : memref<250x40xi32, #tpu.memory_space<hbm>>) dst(%arg11 : memref<250x40xi32, #tpu.memory_space<vmem>>)
      tpu.yield
    }) : () -> ()
    %broadcast_in_dim3A = arith.constant 0.000000e+00 : f32
    %broadcast_in_dim3A_0 = vector.broadcast %broadcast_in_dim3A : f32 to vector<16xf32>
    %scan3A = arith.constant 0 : i32
    %scan3A_1 = arith.constant 0 : i32
    %scan3A_2 = arith.constant 312 : i32
    %scan3A_3 = arith.addi %scan3A_1, %scan3A_2 : i32
    %scan3A_4 = arith.constant 1 : i32
    scf.for %scan3A_59 = %scan3A_1 to %scan3A_3 step %scan3A_4  : i32 {
      %swap3A = arith.index_cast %scan3A_59 : i32 to index
      %swap3A_60 = arith.constant 0 : index
      %swap3A_61 = tpu.vector_load %arg16[%swap3A, %swap3A_60] {strides = array<i32>} : memref<312x64xf32, #tpu.memory_space<vmem>>, vector<16xf32>,
      tpu.vector_store %arg16[%swap3A, %swap3A_60], %broadcast_in_dim3A_0 {strides = array<i32>} : memref<312x64xf32, #tpu.memory_space<vmem>>, vector<16xf32>,
      %swap3A_62 = arith.index_cast %scan3A_59 : i32 to index
      %swap3A_63 = arith.constant 16 : index
      %swap3A_64 = tpu.vector_load %arg16[%swap3A_62, %swap3A_63] {strides = array<i32>} : memref<312x64xf32, #tpu.memory_space<vmem>>, vector<16xf32>,
      tpu.vector_store %arg16[%swap3A_62, %swap3A_63], %broadcast_in_dim3A_0 {strides = array<i32>} : memref<312x64xf32, #tpu.memory_space<vmem>>, vector<16xf32>,
      %swap3A_65 = arith.index_cast %scan3A_59 : i32 to index
      %swap3A_66 = arith.constant 32 : index
      %swap3A_67 = tpu.vector_load %arg16[%swap3A_65, %swap3A_66] {strides = array<i32>} : memref<312x64xf32, #tpu.memory_space<vmem>>, vector<16xf32>,
      tpu.vector_store %arg16[%swap3A_65, %swap3A_66], %broadcast_in_dim3A_0 {strides = array<i32>} : memref<312x64xf32, #tpu.memory_space<vmem>>, vector<16xf32>,
      %swap3A_68 = arith.index_cast %scan3A_59 : i32 to index
      %swap3A_69 = arith.constant 48 : index
      %swap3A_70 = tpu.vector_load %arg16[%swap3A_68, %swap3A_69] {strides = array<i32>} : memref<312x64xf32, #tpu.memory_space<vmem>>, vector<16xf32>,
      tpu.vector_store %arg16[%swap3A_68, %swap3A_69], %broadcast_in_dim3A_0 {strides = array<i32>} : memref<312x64xf32, #tpu.memory_space<vmem>>, vector<16xf32>,
    }
    %scan3A_5 = arith.constant 312 : i32
    %mul3A = arith.constant 624 : i32
    %mul3A_6 = arith.muli %arg1, %mul3A : i32
    %add3A = arith.constant 0 : i32
    %add3A_7 = arith.addi %mul3A_6, %add3A : i32
    "tpu.region"() ({
      %run_scoped3A = tpu.sem_alloc : memref<!tpu.dma_semaphore, #tpu.memory_space<semaphore_mem>>
      %dma_start3A_59 = arith.constant 0 : i32
      %dma_start3A_60 = tpu.memref_slice %arg17[%add3A_7, %dma_start3A_59] : memref<10000x64xf32, #tpu.memory_space<vmem_shared>> -> memref<312x64xf32, #tpu.memory_space<vmem_shared>>
      %dma_start3A_61 = arith.constant 0 : i32
      %dma_start3A_62 = tpu.memref_slice %arg17[%add3A_7, %dma_start3A_61] : memref<10000x64xf32, #tpu.memory_space<vmem_shared>> -> memref<312x64xf32, #tpu.memory_space<vmem_shared>>
      tpu.enqueue_dma source(%arg16 : memref<312x64xf32, #tpu.memory_space<vmem>>) target(%dma_start3A_62 : memref<312x64xf32, #tpu.memory_space<vmem_shared>>) target_semaphore(%run_scoped3A : memref<!tpu.dma_semaphore, #tpu.memory_space<semaphore_mem>>)
      %dma_wait3A = arith.constant 0 : i32
      %dma_wait3A_63 = tpu.memref_slice %arg17[%add3A_7, %dma_wait3A] : memref<10000x64xf32, #tpu.memory_space<vmem_shared>> -> memref<312x64xf32, #tpu.memory_space<vmem_shared>>
      %dma_wait3A_64 = arith.constant 0 : i32
      %dma_wait3A_65 = tpu.memref_slice %arg17[%add3A_7, %dma_wait3A_64] : memref<10000x64xf32, #tpu.memory_space<vmem_shared>> -> memref<312x64xf32, #tpu.memory_space<vmem_shared>>
      tpu.wait_dma2 semaphore(%run_scoped3A : memref<!tpu.dma_semaphore, #tpu.memory_space<semaphore_mem>>) src(%arg16 : memref<312x64xf32, #tpu.memory_space<vmem>>) dst(%dma_wait3A_65 : memref<312x64xf32, #tpu.memory_space<vmem_shared>>)
      tpu.yield
    }) : () -> ()
    %mul3A_8 = arith.constant 624 : i32
    %mul3A_9 = arith.muli %arg1, %mul3A_8 : i32
    %add3A_10 = arith.constant 312 : i32
    %add3A_11 = arith.addi %mul3A_9, %add3A_10 : i32
    "tpu.region"() ({
      %run_scoped3A = tpu.sem_alloc : memref<!tpu.dma_semaphore, #tpu.memory_space<semaphore_mem>>
      %dma_start3A_59 = arith.constant 0 : i32
      %dma_start3A_60 = tpu.memref_slice %arg17[%add3A_11, %dma_start3A_59] : memref<10000x64xf32, #tpu.memory_space<vmem_shared>> -> memref<312x64xf32, #tpu.memory_space<vmem_shared>>
      %dma_start3A_61 = arith.constant 0 : i32
      %dma_start3A_62 = tpu.memref_slice %arg17[%add3A_11, %dma_start3A_61] : memref<10000x64xf32, #tpu.memory_space<vmem_shared>> -> memref<312x64xf32, #tpu.memory_space<vmem_shared>>
      tpu.enqueue_dma source(%arg16 : memref<312x64xf32, #tpu.memory_space<vmem>>) target(%dma_start3A_62 : memref<312x64xf32, #tpu.memory_space<vmem_shared>>) target_semaphore(%run_scoped3A : memref<!tpu.dma_semaphore, #tpu.memory_space<semaphore_mem>>)
      %dma_wait3A = arith.constant 0 : i32
      %dma_wait3A_63 = tpu.memref_slice %arg17[%add3A_11, %dma_wait3A] : memref<10000x64xf32, #tpu.memory_space<vmem_shared>> -> memref<312x64xf32, #tpu.memory_space<vmem_shared>>
      %dma_wait3A_64 = arith.constant 0 : i32
      %dma_wait3A_65 = tpu.memref_slice %arg17[%add3A_11, %dma_wait3A_64] : memref<10000x64xf32, #tpu.memory_space<vmem_shared>> -> memref<312x64xf32, #tpu.memory_space<vmem_shared>>
      tpu.wait_dma2 semaphore(%run_scoped3A : memref<!tpu.dma_semaphore, #tpu.memory_space<semaphore_mem>>) src(%arg16 : memref<312x64xf32, #tpu.memory_space<vmem>>) dst(%dma_wait3A_65 : memref<312x64xf32, #tpu.memory_space<vmem_shared>>)
      tpu.yield
    }) : () -> ()
    %eq3A = arith.constant 15 : i32
    %eq3A_12 = arith.cmpi eq, %arg1, %eq3A : i32
    %convert_element_type3A = arith.extui %eq3A_12 : i1 to i32
    %cond3A = arith.constant 0 : i32
    %cond3A_13 = arith.cmpi ne, %convert_element_type3A, %cond3A : i32
    scf.if %cond3A_13 {
      "tpu.region"() ({
        %run_scoped3A = tpu.sem_alloc : memref<!tpu.dma_semaphore, #tpu.memory_space<semaphore_mem>>
        %dma_start3A_59 = arith.constant 0 : i32
        %dma_start3A_60 = arith.constant 0 : i32
        %dma_start3A_61 = tpu.memref_slice %arg16[%dma_start3A_59, %dma_start3A_60] : memref<312x64xf32, #tpu.memory_space<vmem>> -> memref<16x64xf32, #tpu.memory_space<vmem>>
        %dma_start3A_62 = arith.constant 9984 : i32
        %dma_start3A_63 = arith.constant 0 : i32
        %dma_start3A_64 = tpu.memref_slice %arg17[%dma_start3A_62, %dma_start3A_63] : memref<10000x64xf32, #tpu.memory_space<vmem_shared>> -> memref<16x64xf32, #tpu.memory_space<vmem_shared>>
        %dma_start3A_65 = arith.constant 9984 : i32
        %dma_start3A_66 = arith.constant 0 : i32
        %dma_start3A_67 = tpu.memref_slice %arg17[%dma_start3A_65, %dma_start3A_66] : memref<10000x64xf32, #tpu.memory_space<vmem_shared>> -> memref<16x64xf32, #tpu.memory_space<vmem_shared>>
        %dma_start3A_68 = arith.constant 0 : i32
        %dma_start3A_69 = arith.constant 0 : i32
        %dma_start3A_70 = tpu.memref_slice %arg16[%dma_start3A_68, %dma_start3A_69] : memref<312x64xf32, #tpu.memory_space<vmem>> -> memref<16x64xf32, #tpu.memory_space<vmem>>
        tpu.enqueue_dma source(%dma_start3A_70 : memref<16x64xf32, #tpu.memory_space<vmem>>) target(%dma_start3A_67 : memref<16x64xf32, #tpu.memory_space<vmem_shared>>) target_semaphore(%run_scoped3A : memref<!tpu.dma_semaphore, #tpu.memory_space<semaphore_mem>>)
        %dma_wait3A = arith.constant 0 : i32
        %dma_wait3A_71 = arith.constant 0 : i32
        %dma_wait3A_72 = tpu.memref_slice %arg16[%dma_wait3A, %dma_wait3A_71] : memref<312x64xf32, #tpu.memory_space<vmem>> -> memref<16x64xf32, #tpu.memory_space<vmem>>
        %dma_wait3A_73 = arith.constant 9984 : i32
        %dma_wait3A_74 = arith.constant 0 : i32
        %dma_wait3A_75 = tpu.memref_slice %arg17[%dma_wait3A_73, %dma_wait3A_74] : memref<10000x64xf32, #tpu.memory_space<vmem_shared>> -> memref<16x64xf32, #tpu.memory_space<vmem_shared>>
        %dma_wait3A_76 = arith.constant 9984 : i32
        %dma_wait3A_77 = arith.constant 0 : i32
        %dma_wait3A_78 = tpu.memref_slice %arg17[%dma_wait3A_76, %dma_wait3A_77] : memref<10000x64xf32, #tpu.memory_space<vmem_shared>> -> memref<16x64xf32, #tpu.memory_space<vmem_shared>>
        %dma_wait3A_79 = arith.constant 0 : i32
        %dma_wait3A_80 = arith.constant 0 : i32
        %dma_wait3A_81 = tpu.memref_slice %arg16[%dma_wait3A_79, %dma_wait3A_80] : memref<312x64xf32, #tpu.memory_space<vmem>> -> memref<16x64xf32, #tpu.memory_space<vmem>>
        tpu.wait_dma2 semaphore(%run_scoped3A : memref<!tpu.dma_semaphore, #tpu.memory_space<semaphore_mem>>) src(%dma_wait3A_81 : memref<16x64xf32, #tpu.memory_space<vmem>>) dst(%dma_wait3A_78 : memref<16x64xf32, #tpu.memory_space<vmem_shared>>)
        tpu.yield
      }) : () -> ()
    } else {
    }
    %barrier3A = arith.constant 0 : index
    tpu.barrier barrier_id(%barrier3A)
    %mul3A_14 = arith.constant 10000 : i32
    %mul3A_15 = arith.muli %arg1, %mul3A_14 : i32
    %rem3A = arith.constant 0 : i32
    %rem3A_16 = arith.constant 2 : i32
    %rem3A_17 = arith.remsi %rem3A, %rem3A_16 : i32
    %eq3A_18 = arith.constant 0 : i32
    %eq3A_19 = arith.cmpi eq, %arg0, %eq3A_18 : i32
    %convert_element_type3A_20 = arith.extui %eq3A_19 : i1 to i32
    %cond3A_21 = arith.constant 0 : i32
    %cond3A_22 = arith.cmpi ne, %convert_element_type3A_20, %cond3A_21 : i32
    scf.if %cond3A_22 {
      %dma_start3A_59 = arith.constant 0 : i32
      %dma_start3A_60 = arith.constant 0 : i32
      %dma_start3A_61 = arith.constant 0 : i32
      %dma_start3A_62 = tpu.memref_slice %arg12[%rem3A_17, %dma_start3A_60, %dma_start3A_61] : memref<2x40x256xf32, #tpu.memory_space<vmem>> -> memref<1x40x256xf32, #tpu.memory_space<vmem>>
      %dma_start3A_63 = tpu.memref_squeeze %dma_start3A_62 : memref<1x40x256xf32, #tpu.memory_space<vmem>> -> memref<40x256xf32, #tpu.memory_space<vmem>>
      %dma_start3A_64 = arith.constant 0 : i32
      %dma_start3A_65 = tpu.memref_slice %arg11[%dma_start3A_59, %dma_start3A_64] : memref<250x40xi32, #tpu.memory_space<vmem>> -> memref<1x40xi32, #tpu.memory_space<vmem>>
      %dma_start3A_66 = tpu.memref_squeeze %dma_start3A_65 : memref<1x40xi32, #tpu.memory_space<vmem>> -> memref<40xi32, #tpu.memory_space<vmem>>
      %dma_start3A_67 = arith.constant 0 : i32
      %dma_start3A_68 = arith.constant 0 : i32
      %dma_start3A_69 = tpu.memref_slice %arg4[%dma_start3A_67, %dma_start3A_68] : memref<10000x256xf32, #tpu.memory_space<hbm>> -> memref<10000x256xf32, #tpu.memory_space<hbm>>
      %dma_start3A_70 = tpu.memref_slice %arg18[%rem3A_17] : memref<2x!tpu.dma_semaphore, #tpu.memory_space<semaphore_mem>> -> memref<1x!tpu.dma_semaphore, #tpu.memory_space<semaphore_mem>>
      %dma_start3A_71 = tpu.memref_squeeze %dma_start3A_70 : memref<1x!tpu.dma_semaphore, #tpu.memory_space<semaphore_mem>> -> memref<!tpu.dma_semaphore, #tpu.memory_space<semaphore_mem>>
      tpu.enqueue_indirect_dma source(%dma_start3A_69 : memref<10000x256xf32, #tpu.memory_space<hbm>>) target(%dma_start3A_63 : memref<40x256xf32, #tpu.memory_space<vmem>>) offsets(%dma_start3A_66 : memref<40xi32, #tpu.memory_space<vmem>>) semaphore(%dma_start3A_71 : memref<!tpu.dma_semaphore, #tpu.memory_space<semaphore_mem>>)
    } else {
    }
    %eq3A_23 = arith.constant 1 : i32
    %eq3A_24 = arith.cmpi eq, %arg0, %eq3A_23 : i32
    %convert_element_type3A_25 = arith.extui %eq3A_24 : i1 to i32
    %cond3A_26 = arith.constant 0 : i32
    %cond3A_27 = arith.cmpi ne, %convert_element_type3A_25, %cond3A_26 : i32
    scf.if %cond3A_27 {
      %dma_start3A_59 = arith.constant 0 : i32
      %dma_start3A_60 = arith.constant 0 : i32
      %dma_start3A_61 = arith.constant 0 : i32
      %dma_start3A_62 = tpu.memref_slice %arg12[%rem3A_17, %dma_start3A_60, %dma_start3A_61] : memref<2x40x256xf32, #tpu.memory_space<vmem>> -> memref<1x40x256xf32, #tpu.memory_space<vmem>>
      %dma_start3A_63 = tpu.memref_squeeze %dma_start3A_62 : memref<1x40x256xf32, #tpu.memory_space<vmem>> -> memref<40x256xf32, #tpu.memory_space<vmem>>
      %dma_start3A_64 = arith.constant 0 : i32
      %dma_start3A_65 = tpu.memref_slice %arg11[%dma_start3A_59, %dma_start3A_64] : memref<250x40xi32, #tpu.memory_space<vmem>> -> memref<1x40xi32, #tpu.memory_space<vmem>>
      %dma_start3A_66 = tpu.memref_squeeze %dma_start3A_65 : memref<1x40xi32, #tpu.memory_space<vmem>> -> memref<40xi32, #tpu.memory_space<vmem>>
      %dma_start3A_67 = arith.constant 0 : i32
      %dma_start3A_68 = arith.constant 0 : i32
      %dma_start3A_69 = tpu.memref_slice %arg5[%dma_start3A_67, %dma_start3A_68] : memref<10000x256xf32, #tpu.memory_space<hbm>> -> memref<10000x256xf32, #tpu.memory_space<hbm>>
      %dma_start3A_70 = tpu.memref_slice %arg18[%rem3A_17] : memref<2x!tpu.dma_semaphore, #tpu.memory_space<semaphore_mem>> -> memref<1x!tpu.dma_semaphore, #tpu.memory_space<semaphore_mem>>
      %dma_start3A_71 = tpu.memref_squeeze %dma_start3A_70 : memref<1x!tpu.dma_semaphore, #tpu.memory_space<semaphore_mem>> -> memref<!tpu.dma_semaphore, #tpu.memory_space<semaphore_mem>>
      tpu.enqueue_indirect_dma source(%dma_start3A_69 : memref<10000x256xf32, #tpu.memory_space<hbm>>) target(%dma_start3A_63 : memref<40x256xf32, #tpu.memory_space<vmem>>) offsets(%dma_start3A_66 : memref<40xi32, #tpu.memory_space<vmem>>) semaphore(%dma_start3A_71 : memref<!tpu.dma_semaphore, #tpu.memory_space<semaphore_mem>>)
    } else {
    }
    %dma_start3A = arith.constant 0 : i32
    %dma_start3A_28 = arith.constant 0 : i32
    %dma_start3A_29 = arith.constant 0 : i32
    %dma_start3A_30 = tpu.memref_slice %arg14[%rem3A_17, %dma_start3A_28, %dma_start3A_29] : memref<2x40x16xf32, #tpu.memory_space<vmem>> -> memref<1x40x16xf32, #tpu.memory_space<vmem>>
    %dma_start3A_31 = tpu.memref_squeeze %dma_start3A_30 : memref<1x40x16xf32, #tpu.memory_space<vmem>> -> memref<40x16xf32, #tpu.memory_space<vmem>>
    %dma_start3A_32 = arith.constant 0 : i32
    %dma_start3A_33 = tpu.memref_slice %arg10[%dma_start3A, %dma_start3A_32] : memref<250x40xi32, #tpu.memory_space<vmem>> -> memref<1x40xi32, #tpu.memory_space<vmem>>
    %dma_start3A_34 = tpu.memref_squeeze %dma_start3A_33 : memref<1x40xi32, #tpu.memory_space<vmem>> -> memref<40xi32, #tpu.memory_space<vmem>>
    %dma_start3A_35 = arith.constant 0 : i32
    %dma_start3A_36 = arith.constant 0 : i32
    %dma_start3A_37 = tpu.memref_slice %arg3[%dma_start3A_35, %dma_start3A_36] : memref<10000x16xf32, #tpu.memory_space<hbm>> -> memref<10000x16xf32, #tpu.memory_space<hbm>>
    %dma_start3A_38 = tpu.memref_slice %arg19[%rem3A_17] : memref<2x!tpu.dma_semaphore, #tpu.memory_space<semaphore_mem>> -> memref<1x!tpu.dma_semaphore, #tpu.memory_space<semaphore_mem>>
    %dma_start3A_39 = tpu.memref_squeeze %dma_start3A_38 : memref<1x!tpu.dma_semaphore, #tpu.memory_space<semaphore_mem>> -> memref<!tpu.dma_semaphore, #tpu.memory_space<semaphore_mem>>
    tpu.enqueue_indirect_dma source(%dma_start3A_37 : memref<10000x16xf32, #tpu.memory_space<hbm>>) target(%dma_start3A_31 : memref<40x16xf32, #tpu.memory_space<vmem>>) offsets(%dma_start3A_34 : memref<40xi32, #tpu.memory_space<vmem>>) semaphore(%dma_start3A_39 : memref<!tpu.dma_semaphore, #tpu.memory_space<semaphore_mem>>)
    %scan3A_40 = arith.constant 0 : i32
    %scan3A_41 = arith.constant 0 : i32
    %scan3A_42 = arith.constant 250 : i32
    %scan3A_43 = arith.addi %scan3A_41, %scan3A_42 : i32
    %scan3A_44 = arith.constant 1 : i32
    scf.for %scan3A_59 = %scan3A_41 to %scan3A_43 step %scan3A_44  : i32 {
      %rem3A_60 = arith.constant 2 : i32
      %rem3A_61 = arith.remsi %scan3A_59, %rem3A_60 : i32
      %mul3A_62 = arith.constant 40 : i32
      %mul3A_63 = arith.muli %scan3A_59, %mul3A_62 : i32
      %add3A_64 = arith.addi %mul3A_15, %mul3A_63 : i32
      "tpu.region"() ({
        %run_scoped3A = tpu.sem_alloc : memref<!tpu.dma_semaphore, #tpu.memory_space<semaphore_mem>>
        %dma_start3A_98 = arith.constant 0 : i32
        %dma_start3A_99 = tpu.memref_slice %arg2[%add3A_64, %dma_start3A_98] : memref<160000x16xf32, #tpu.memory_space<hbm>> -> memref<40x16xf32, #tpu.memory_space<hbm>>
        %dma_start3A_100 = arith.constant 0 : i32
        %dma_start3A_101 = tpu.memref_slice %arg2[%add3A_64, %dma_start3A_100] : memref<160000x16xf32, #tpu.memory_space<hbm>> -> memref<40x16xf32, #tpu.memory_space<hbm>>
        tpu.enqueue_dma source(%dma_start3A_101 : memref<40x16xf32, #tpu.memory_space<hbm>>) target(%arg13 : memref<40x16xf32, #tpu.memory_space<vmem>>) target_semaphore(%run_scoped3A : memref<!tpu.dma_semaphore, #tpu.memory_space<semaphore_mem>>)
        %dma_wait3A_102 = arith.constant 0 : i32
        %dma_wait3A_103 = tpu.memref_slice %arg2[%add3A_64, %dma_wait3A_102] : memref<160000x16xf32, #tpu.memory_space<hbm>> -> memref<40x16xf32, #tpu.memory_space<hbm>>
        %dma_wait3A_104 = arith.constant 0 : i32
        %dma_wait3A_105 = tpu.memref_slice %arg2[%add3A_64, %dma_wait3A_104] : memref<160000x16xf32, #tpu.memory_space<hbm>> -> memref<40x16xf32, #tpu.memory_space<hbm>>
        tpu.wait_dma2 semaphore(%run_scoped3A : memref<!tpu.dma_semaphore, #tpu.memory_space<semaphore_mem>>) src(%dma_wait3A_105 : memref<40x16xf32, #tpu.memory_space<hbm>>) dst(%arg13 : memref<40x16xf32, #tpu.memory_space<vmem>>)
        tpu.yield
      }) : () -> ()
      %dma_wait3A = arith.constant 0 : i32
      %dma_wait3A_65 = arith.constant 0 : i32
      %dma_wait3A_66 = tpu.memref_slice %arg12[%rem3A_61, %dma_wait3A, %dma_wait3A_65] : memref<2x40x256xf32, #tpu.memory_space<vmem>> -> memref<1x40x256xf32, #tpu.memory_space<vmem>>
      %dma_wait3A_67 = tpu.memref_squeeze %dma_wait3A_66 : memref<1x40x256xf32, #tpu.memory_space<vmem>> -> memref<40x256xf32, #tpu.memory_space<vmem>>
      %dma_wait3A_68 = arith.constant 0 : i32
      %dma_wait3A_69 = tpu.memref_slice %arg11[%scan3A_59, %dma_wait3A_68] : memref<250x40xi32, #tpu.memory_space<vmem>> -> memref<1x40xi32, #tpu.memory_space<vmem>>
      %dma_wait3A_70 = tpu.memref_squeeze %dma_wait3A_69 : memref<1x40xi32, #tpu.memory_space<vmem>> -> memref<40xi32, #tpu.memory_space<vmem>>
      %dma_wait3A_71 = arith.constant 0 : i32
      %dma_wait3A_72 = arith.constant 0 : i32
      %dma_wait3A_73 = tpu.memref_slice %arg4[%dma_wait3A_71, %dma_wait3A_72] : memref<10000x256xf32, #tpu.memory_space<hbm>> -> memref<10000x256xf32, #tpu.memory_space<hbm>>
      %dma_wait3A_74 = tpu.memref_slice %arg18[%rem3A_61] : memref<2x!tpu.dma_semaphore, #tpu.memory_space<semaphore_mem>> -> memref<1x!tpu.dma_semaphore, #tpu.memory_space<semaphore_mem>>
      %dma_wait3A_75 = tpu.memref_squeeze %dma_wait3A_74 : memref<1x!tpu.dma_semaphore, #tpu.memory_space<semaphore_mem>> -> memref<!tpu.dma_semaphore, #tpu.memory_space<semaphore_mem>>
      tpu.wait_indirect_dma semaphore(%dma_wait3A_75 : memref<!tpu.dma_semaphore, #tpu.memory_space<semaphore_mem>>) src(%dma_wait3A_73 : memref<10000x256xf32, #tpu.memory_space<hbm>>) dst(%dma_wait3A_67 : memref<40x256xf32, #tpu.memory_space<vmem>>)
      %dma_wait3A_76 = arith.constant 0 : i32
      %dma_wait3A_77 = arith.constant 0 : i32
      %dma_wait3A_78 = tpu.memref_slice %arg14[%rem3A_61, %dma_wait3A_76, %dma_wait3A_77] : memref<2x40x16xf32, #tpu.memory_space<vmem>> -> memref<1x40x16xf32, #tpu.memory_space<vmem>>
      %dma_wait3A_79 = tpu.memref_squeeze %dma_wait3A_78 : memref<1x40x16xf32, #tpu.memory_space<vmem>> -> memref<40x16xf32, #tpu.memory_space<vmem>>
      %dma_wait3A_80 = arith.constant 0 : i32
      %dma_wait3A_81 = tpu.memref_slice %arg10[%scan3A_59, %dma_wait3A_80] : memref<250x40xi32, #tpu.memory_space<vmem>> -> memref<1x40xi32, #tpu.memory_space<vmem>>
      %dma_wait3A_82 = tpu.memref_squeeze %dma_wait3A_81 : memref<1x40xi32, #tpu.memory_space<vmem>> -> memref<40xi32, #tpu.memory_space<vmem>>
      %dma_wait3A_83 = arith.constant 0 : i32
      %dma_wait3A_84 = arith.constant 0 : i32
      %dma_wait3A_85 = tpu.memref_slice %arg3[%dma_wait3A_83, %dma_wait3A_84] : memref<10000x16xf32, #tpu.memory_space<hbm>> -> memref<10000x16xf32, #tpu.memory_space<hbm>>
      %dma_wait3A_86 = tpu.memref_slice %arg19[%rem3A_61] : memref<2x!tpu.dma_semaphore, #tpu.memory_space<semaphore_mem>> -> memref<1x!tpu.dma_semaphore, #tpu.memory_space<semaphore_mem>>
      %dma_wait3A_87 = tpu.memref_squeeze %dma_wait3A_86 : memref<1x!tpu.dma_semaphore, #tpu.memory_space<semaphore_mem>> -> memref<!tpu.dma_semaphore, #tpu.memory_space<semaphore_mem>>
      tpu.wait_indirect_dma semaphore(%dma_wait3A_87 : memref<!tpu.dma_semaphore, #tpu.memory_space<semaphore_mem>>) src(%dma_wait3A_85 : memref<10000x16xf32, #tpu.memory_space<hbm>>) dst(%dma_wait3A_79 : memref<40x16xf32, #tpu.memory_space<vmem>>)
      %lt3A = arith.constant 249 : i32
      %lt3A_88 = arith.cmpi slt, %scan3A_59, %lt3A : i32
      %convert_element_type3A_89 = arith.extui %lt3A_88 : i1 to i32
      %cond3A_90 = arith.constant 0 : i32
      %cond3A_91 = arith.cmpi ne, %convert_element_type3A_89, %cond3A_90 : i32
      scf.if %cond3A_91 {
        %add3A_98 = arith.constant 1 : i32
        %add3A_99 = arith.addi %scan3A_59, %add3A_98 : i32
        %rem3A_100 = arith.constant 2 : i32
        %rem3A_101 = arith.remsi %add3A_99, %rem3A_100 : i32
        %eq3A_102 = arith.constant 0 : i32
        %eq3A_103 = arith.cmpi eq, %arg0, %eq3A_102 : i32
        %convert_element_type3A_104 = arith.extui %eq3A_103 : i1 to i32
        %cond3A_105 = arith.constant 0 : i32
        %cond3A_106 = arith.cmpi ne, %convert_element_type3A_104, %cond3A_105 : i32
        scf.if %cond3A_106 {
          %dma_start3A_124 = arith.constant 0 : i32
          %dma_start3A_125 = arith.constant 0 : i32
          %dma_start3A_126 = tpu.memref_slice %arg12[%rem3A_101, %dma_start3A_124, %dma_start3A_125] : memref<2x40x256xf32, #tpu.memory_space<vmem>> -> memref<1x40x256xf32, #tpu.memory_space<vmem>>
          %dma_start3A_127 = tpu.memref_squeeze %dma_start3A_126 : memref<1x40x256xf32, #tpu.memory_space<vmem>> -> memref<40x256xf32, #tpu.memory_space<vmem>>
          %dma_start3A_128 = arith.constant 0 : i32
          %dma_start3A_129 = tpu.memref_slice %arg11[%add3A_99, %dma_start3A_128] : memref<250x40xi32, #tpu.memory_space<vmem>> -> memref<1x40xi32, #tpu.memory_space<vmem>>
          %dma_start3A_130 = tpu.memref_squeeze %dma_start3A_129 : memref<1x40xi32, #tpu.memory_space<vmem>> -> memref<40xi32, #tpu.memory_space<vmem>>
          %dma_start3A_131 = arith.constant 0 : i32
          %dma_start3A_132 = arith.constant 0 : i32
          %dma_start3A_133 = tpu.memref_slice %arg4[%dma_start3A_131, %dma_start3A_132] : memref<10000x256xf32, #tpu.memory_space<hbm>> -> memref<10000x256xf32, #tpu.memory_space<hbm>>
          %dma_start3A_134 = tpu.memref_slice %arg18[%rem3A_101] : memref<2x!tpu.dma_semaphore, #tpu.memory_space<semaphore_mem>> -> memref<1x!tpu.dma_semaphore, #tpu.memory_space<semaphore_mem>>
          %dma_start3A_135 = tpu.memref_squeeze %dma_start3A_134 : memref<1x!tpu.dma_semaphore, #tpu.memory_space<semaphore_mem>> -> memref<!tpu.dma_semaphore, #tpu.memory_space<semaphore_mem>>
          tpu.enqueue_indirect_dma source(%dma_start3A_133 : memref<10000x256xf32, #tpu.memory_space<hbm>>) target(%dma_start3A_127 : memref<40x256xf32, #tpu.memory_space<vmem>>) offsets(%dma_start3A_130 : memref<40xi32, #tpu.memory_space<vmem>>) semaphore(%dma_start3A_135 : memref<!tpu.dma_semaphore, #tpu.memory_space<semaphore_mem>>)
        } else {
        }
        %eq3A_107 = arith.constant 1 : i32
        %eq3A_108 = arith.cmpi eq, %arg0, %eq3A_107 : i32
        %convert_element_type3A_109 = arith.extui %eq3A_108 : i1 to i32
        %cond3A_110 = arith.constant 0 : i32
        %cond3A_111 = arith.cmpi ne, %convert_element_type3A_109, %cond3A_110 : i32
        scf.if %cond3A_111 {
          %dma_start3A_124 = arith.constant 0 : i32
          %dma_start3A_125 = arith.constant 0 : i32
          %dma_start3A_126 = tpu.memref_slice %arg12[%rem3A_101, %dma_start3A_124, %dma_start3A_125] : memref<2x40x256xf32, #tpu.memory_space<vmem>> -> memref<1x40x256xf32, #tpu.memory_space<vmem>>
          %dma_start3A_127 = tpu.memref_squeeze %dma_start3A_126 : memref<1x40x256xf32, #tpu.memory_space<vmem>> -> memref<40x256xf32, #tpu.memory_space<vmem>>
          %dma_start3A_128 = arith.constant 0 : i32
          %dma_start3A_129 = tpu.memref_slice %arg11[%add3A_99, %dma_start3A_128] : memref<250x40xi32, #tpu.memory_space<vmem>> -> memref<1x40xi32, #tpu.memory_space<vmem>>
          %dma_start3A_130 = tpu.memref_squeeze %dma_start3A_129 : memref<1x40xi32, #tpu.memory_space<vmem>> -> memref<40xi32, #tpu.memory_space<vmem>>
          %dma_start3A_131 = arith.constant 0 : i32
          %dma_start3A_132 = arith.constant 0 : i32
          %dma_start3A_133 = tpu.memref_slice %arg5[%dma_start3A_131, %dma_start3A_132] : memref<10000x256xf32, #tpu.memory_space<hbm>> -> memref<10000x256xf32, #tpu.memory_space<hbm>>
          %dma_start3A_134 = tpu.memref_slice %arg18[%rem3A_101] : memref<2x!tpu.dma_semaphore, #tpu.memory_space<semaphore_mem>> -> memref<1x!tpu.dma_semaphore, #tpu.memory_space<semaphore_mem>>
          %dma_start3A_135 = tpu.memref_squeeze %dma_start3A_134 : memref<1x!tpu.dma_semaphore, #tpu.memory_space<semaphore_mem>> -> memref<!tpu.dma_semaphore, #tpu.memory_space<semaphore_mem>>
          tpu.enqueue_indirect_dma source(%dma_start3A_133 : memref<10000x256xf32, #tpu.memory_space<hbm>>) target(%dma_start3A_127 : memref<40x256xf32, #tpu.memory_space<vmem>>) offsets(%dma_start3A_130 : memref<40xi32, #tpu.memory_space<vmem>>) semaphore(%dma_start3A_135 : memref<!tpu.dma_semaphore, #tpu.memory_space<semaphore_mem>>)
        } else {
        }
        %dma_start3A_112 = arith.constant 0 : i32
        %dma_start3A_113 = arith.constant 0 : i32
        %dma_start3A_114 = tpu.memref_slice %arg14[%rem3A_101, %dma_start3A_112, %dma_start3A_113] : memref<2x40x16xf32, #tpu.memory_space<vmem>> -> memref<1x40x16xf32, #tpu.memory_space<vmem>>
        %dma_start3A_115 = tpu.memref_squeeze %dma_start3A_114 : memref<1x40x16xf32, #tpu.memory_space<vmem>> -> memref<40x16xf32, #tpu.memory_space<vmem>>
        %dma_start3A_116 = arith.constant 0 : i32
        %dma_start3A_117 = tpu.memref_slice %arg10[%add3A_99, %dma_start3A_116] : memref<250x40xi32, #tpu.memory_space<vmem>> -> memref<1x40xi32, #tpu.memory_space<vmem>>
        %dma_start3A_118 = tpu.memref_squeeze %dma_start3A_117 : memref<1x40xi32, #tpu.memory_space<vmem>> -> memref<40xi32, #tpu.memory_space<vmem>>
        %dma_start3A_119 = arith.constant 0 : i32
        %dma_start3A_120 = arith.constant 0 : i32
        %dma_start3A_121 = tpu.memref_slice %arg3[%dma_start3A_119, %dma_start3A_120] : memref<10000x16xf32, #tpu.memory_space<hbm>> -> memref<10000x16xf32, #tpu.memory_space<hbm>>
        %dma_start3A_122 = tpu.memref_slice %arg19[%rem3A_101] : memref<2x!tpu.dma_semaphore, #tpu.memory_space<semaphore_mem>> -> memref<1x!tpu.dma_semaphore, #tpu.memory_space<semaphore_mem>>
        %dma_start3A_123 = tpu.memref_squeeze %dma_start3A_122 : memref<1x!tpu.dma_semaphore, #tpu.memory_space<semaphore_mem>> -> memref<!tpu.dma_semaphore, #tpu.memory_space<semaphore_mem>>
        tpu.enqueue_indirect_dma source(%dma_start3A_121 : memref<10000x16xf32, #tpu.memory_space<hbm>>) target(%dma_start3A_115 : memref<40x16xf32, #tpu.memory_space<vmem>>) offsets(%dma_start3A_118 : memref<40xi32, #tpu.memory_space<vmem>>) semaphore(%dma_start3A_123 : memref<!tpu.dma_semaphore, #tpu.memory_space<semaphore_mem>>)
      } else {
      }
      %scan3A_92 = arith.constant 0 : i32
      %scan3A_93 = arith.constant 0 : i32
      %scan3A_94 = arith.constant 40 : i32
      %scan3A_95 = arith.addi %scan3A_93, %scan3A_94 : i32
      %scan3A_96 = arith.constant 1 : i32
      scf.for %scan3A_98 = %scan3A_93 to %scan3A_95 step %scan3A_96  : i32 {
        %get3A = arith.index_cast %scan3A_98 : i32 to index
        %get3A_99 = arith.constant 0 : index
        %get3A_100 = tpu.vector_load %arg13[%get3A, %get3A_99] {strides = array<i32>} : memref<40x16xf32, #tpu.memory_space<vmem>>, vector<16xf32>,
        %get3A_101 = arith.index_cast %rem3A_61 : i32 to index
        %get3A_102 = arith.index_cast %scan3A_98 : i32 to index
        %get3A_103 = arith.constant 0 : index
        %get3A_104 = tpu.vector_load %arg14[%get3A_101, %get3A_102, %get3A_103] {strides = array<i32>} : memref<2x40x16xf32, #tpu.memory_space<vmem>>, vector<16xf32>,
        %mul3A_105 = arith.mulf %get3A_100, %get3A_104 : vector<16xf32>
        %get3A_106 = arith.index_cast %rem3A_61 : i32 to index
        %get3A_107 = arith.index_cast %scan3A_98 : i32 to index
        %get3A_108 = arith.constant 0 : index
        %get3A_109 = tpu.vector_load %arg12[%get3A_106, %get3A_107, %get3A_108] {strides = array<i32>} : memref<2x40x256xf32, #tpu.memory_space<vmem>>, vector<16xf32>,
        %slice3A = vector.extract_strided_slice %mul3A_105 {offsets = [0], sizes = [1], strides = [1]} : vector<16xf32> to vector<1xf32>
        %squeeze3A = vector.extract %slice3A[0] : f32 from vector<1xf32>
        %mul3A_110 = vector.broadcast %squeeze3A : f32 to vector<16xf32>
        %mul3A_111 = arith.mulf %get3A_109, %mul3A_110 : vector<16xf32>
        %get3A_112 = arith.index_cast %rem3A_61 : i32 to index
        %get3A_113 = arith.index_cast %scan3A_98 : i32 to index
        %get3A_114 = arith.constant 64 : index
        %get3A_115 = tpu.vector_load %arg12[%get3A_112, %get3A_113, %get3A_114] {strides = array<i32>} : memref<2x40x256xf32, #tpu.memory_space<vmem>>, vector<16xf32>,
        %slice3A_116 = vector.extract_strided_slice %mul3A_105 {offsets = [1], sizes = [1], strides = [1]} : vector<16xf32> to vector<1xf32>
        %squeeze3A_117 = vector.extract %slice3A_116[0] : f32 from vector<1xf32>
        %mul3A_118 = vector.broadcast %squeeze3A_117 : f32 to vector<16xf32>
        %mul3A_119 = arith.mulf %get3A_115, %mul3A_118 : vector<16xf32>
        %add3A_120 = arith.addf %mul3A_111, %mul3A_119 : vector<16xf32>
        %get3A_121 = arith.index_cast %rem3A_61 : i32 to index
        %get3A_122 = arith.index_cast %scan3A_98 : i32 to index
        %get3A_123 = arith.constant 128 : index
        %get3A_124 = tpu.vector_load %arg12[%get3A_121, %get3A_122, %get3A_123] {strides = array<i32>} : memref<2x40x256xf32, #tpu.memory_space<vmem>>, vector<16xf32>,
        %slice3A_125 = vector.extract_strided_slice %mul3A_105 {offsets = [2], sizes = [1], strides = [1]} : vector<16xf32> to vector<1xf32>
        %squeeze3A_126 = vector.extract %slice3A_125[0] : f32 from vector<1xf32>
        %mul3A_127 = vector.broadcast %squeeze3A_126 : f32 to vector<16xf32>
        %mul3A_128 = arith.mulf %get3A_124, %mul3A_127 : vector<16xf32>
        %add3A_129 = arith.addf %add3A_120, %mul3A_128 : vector<16xf32>
        %get3A_130 = arith.index_cast %rem3A_61 : i32 to index
        %get3A_131 = arith.index_cast %scan3A_98 : i32 to index
        %get3A_132 = arith.constant 192 : index
        %get3A_133 = tpu.vector_load %arg12[%get3A_130, %get3A_131, %get3A_132] {strides = array<i32>} : memref<2x40x256xf32, #tpu.memory_space<vmem>>, vector<16xf32>,
        %slice3A_134 = vector.extract_strided_slice %mul3A_105 {offsets = [3], sizes = [1], strides = [1]} : vector<16xf32> to vector<1xf32>
        %squeeze3A_135 = vector.extract %slice3A_134[0] : f32 from vector<1xf32>
        %mul3A_136 = vector.broadcast %squeeze3A_135 : f32 to vector<16xf32>
        %mul3A_137 = arith.mulf %get3A_133, %mul3A_136 : vector<16xf32>
        %add3A_138 = arith.addf %add3A_129, %mul3A_137 : vector<16xf32>
        %swap3A = arith.index_cast %rem3A_61 : i32 to index
        %swap3A_139 = arith.index_cast %scan3A_98 : i32 to index
        %swap3A_140 = arith.constant 0 : index
        %swap3A_141 = tpu.vector_load %arg15[%swap3A, %swap3A_139, %swap3A_140] {strides = array<i32>} : memref<2x40x64xf32, #tpu.memory_space<vmem>>, vector<16xf32>,
        tpu.vector_store %arg15[%swap3A, %swap3A_139, %swap3A_140], %add3A_138 {strides = array<i32>} : memref<2x40x64xf32, #tpu.memory_space<vmem>>, vector<16xf32>,
        %get3A_142 = arith.index_cast %rem3A_61 : i32 to index
        %get3A_143 = arith.index_cast %scan3A_98 : i32 to index
        %get3A_144 = arith.constant 16 : index
        %get3A_145 = tpu.vector_load %arg12[%get3A_142, %get3A_143, %get3A_144] {strides = array<i32>} : memref<2x40x256xf32, #tpu.memory_space<vmem>>, vector<16xf32>,
        %slice3A_146 = vector.extract_strided_slice %mul3A_105 {offsets = [0], sizes = [1], strides = [1]} : vector<16xf32> to vector<1xf32>
        %squeeze3A_147 = vector.extract %slice3A_146[0] : f32 from vector<1xf32>
        %mul3A_148 = vector.broadcast %squeeze3A_147 : f32 to vector<16xf32>
        %mul3A_149 = arith.mulf %get3A_145, %mul3A_148 : vector<16xf32>
        %get3A_150 = arith.index_cast %rem3A_61 : i32 to index
        %get3A_151 = arith.index_cast %scan3A_98 : i32 to index
        %get3A_152 = arith.constant 80 : index
        %get3A_153 = tpu.vector_load %arg12[%get3A_150, %get3A_151, %get3A_152] {strides = array<i32>} : memref<2x40x256xf32, #tpu.memory_space<vmem>>, vector<16xf32>,
        %slice3A_154 = vector.extract_strided_slice %mul3A_105 {offsets = [1], sizes = [1], strides = [1]} : vector<16xf32> to vector<1xf32>
        %squeeze3A_155 = vector.extract %slice3A_154[0] : f32 from vector<1xf32>
        %mul3A_156 = vector.broadcast %squeeze3A_155 : f32 to vector<16xf32>
        %mul3A_157 = arith.mulf %get3A_153, %mul3A_156 : vector<16xf32>
        %add3A_158 = arith.addf %mul3A_149, %mul3A_157 : vector<16xf32>
        %get3A_159 = arith.index_cast %rem3A_61 : i32 to index
        %get3A_160 = arith.index_cast %scan3A_98 : i32 to index
        %get3A_161 = arith.constant 144 : index
        %get3A_162 = tpu.vector_load %arg12[%get3A_159, %get3A_160, %get3A_161] {strides = array<i32>} : memref<2x40x256xf32, #tpu.memory_space<vmem>>, vector<16xf32>,
        %slice3A_163 = vector.extract_strided_slice %mul3A_105 {offsets = [2], sizes = [1], strides = [1]} : vector<16xf32> to vector<1xf32>
        %squeeze3A_164 = vector.extract %slice3A_163[0] : f32 from vector<1xf32>
        %mul3A_165 = vector.broadcast %squeeze3A_164 : f32 to vector<16xf32>
        %mul3A_166 = arith.mulf %get3A_162, %mul3A_165 : vector<16xf32>
        %add3A_167 = arith.addf %add3A_158, %mul3A_166 : vector<16xf32>
        %get3A_168 = arith.index_cast %rem3A_61 : i32 to index
        %get3A_169 = arith.index_cast %scan3A_98 : i32 to index
        %get3A_170 = arith.constant 208 : index
        %get3A_171 = tpu.vector_load %arg12[%get3A_168, %get3A_169, %get3A_170] {strides = array<i32>} : memref<2x40x256xf32, #tpu.memory_space<vmem>>, vector<16xf32>,
        %slice3A_172 = vector.extract_strided_slice %mul3A_105 {offsets = [3], sizes = [1], strides = [1]} : vector<16xf32> to vector<1xf32>
        %squeeze3A_173 = vector.extract %slice3A_172[0] : f32 from vector<1xf32>
        %mul3A_174 = vector.broadcast %squeeze3A_173 : f32 to vector<16xf32>
        %mul3A_175 = arith.mulf %get3A_171, %mul3A_174 : vector<16xf32>
        %add3A_176 = arith.addf %add3A_167, %mul3A_175 : vector<16xf32>
        %swap3A_177 = arith.index_cast %rem3A_61 : i32 to index
        %swap3A_178 = arith.index_cast %scan3A_98 : i32 to index
        %swap3A_179 = arith.constant 16 : index
        %swap3A_180 = tpu.vector_load %arg15[%swap3A_177, %swap3A_178, %swap3A_179] {strides = array<i32>} : memref<2x40x64xf32, #tpu.memory_space<vmem>>, vector<16xf32>,
        tpu.vector_store %arg15[%swap3A_177, %swap3A_178, %swap3A_179], %add3A_176 {strides = array<i32>} : memref<2x40x64xf32, #tpu.memory_space<vmem>>, vector<16xf32>,
        %get3A_181 = arith.index_cast %rem3A_61 : i32 to index
        %get3A_182 = arith.index_cast %scan3A_98 : i32 to index
        %get3A_183 = arith.constant 32 : index
        %get3A_184 = tpu.vector_load %arg12[%get3A_181, %get3A_182, %get3A_183] {strides = array<i32>} : memref<2x40x256xf32, #tpu.memory_space<vmem>>, vector<16xf32>,
        %slice3A_185 = vector.extract_strided_slice %mul3A_105 {offsets = [0], sizes = [1], strides = [1]} : vector<16xf32> to vector<1xf32>
        %squeeze3A_186 = vector.extract %slice3A_185[0] : f32 from vector<1xf32>
        %mul3A_187 = vector.broadcast %squeeze3A_186 : f32 to vector<16xf32>
        %mul3A_188 = arith.mulf %get3A_184, %mul3A_187 : vector<16xf32>
        %get3A_189 = arith.index_cast %rem3A_61 : i32 to index
        %get3A_190 = arith.index_cast %scan3A_98 : i32 to index
        %get3A_191 = arith.constant 96 : index
        %get3A_192 = tpu.vector_load %arg12[%get3A_189, %get3A_190, %get3A_191] {strides = array<i32>} : memref<2x40x256xf32, #tpu.memory_space<vmem>>, vector<16xf32>,
        %slice3A_193 = vector.extract_strided_slice %mul3A_105 {offsets = [1], sizes = [1], strides = [1]} : vector<16xf32> to vector<1xf32>
        %squeeze3A_194 = vector.extract %slice3A_193[0] : f32 from vector<1xf32>
        %mul3A_195 = vector.broadcast %squeeze3A_194 : f32 to vector<16xf32>
        %mul3A_196 = arith.mulf %get3A_192, %mul3A_195 : vector<16xf32>
        %add3A_197 = arith.addf %mul3A_188, %mul3A_196 : vector<16xf32>
        %get3A_198 = arith.index_cast %rem3A_61 : i32 to index
        %get3A_199 = arith.index_cast %scan3A_98 : i32 to index
        %get3A_200 = arith.constant 160 : index
        %get3A_201 = tpu.vector_load %arg12[%get3A_198, %get3A_199, %get3A_200] {strides = array<i32>} : memref<2x40x256xf32, #tpu.memory_space<vmem>>, vector<16xf32>,
        %slice3A_202 = vector.extract_strided_slice %mul3A_105 {offsets = [2], sizes = [1], strides = [1]} : vector<16xf32> to vector<1xf32>
        %squeeze3A_203 = vector.extract %slice3A_202[0] : f32 from vector<1xf32>
        %mul3A_204 = vector.broadcast %squeeze3A_203 : f32 to vector<16xf32>
        %mul3A_205 = arith.mulf %get3A_201, %mul3A_204 : vector<16xf32>
        %add3A_206 = arith.addf %add3A_197, %mul3A_205 : vector<16xf32>
        %get3A_207 = arith.index_cast %rem3A_61 : i32 to index
        %get3A_208 = arith.index_cast %scan3A_98 : i32 to index
        %get3A_209 = arith.constant 224 : index
        %get3A_210 = tpu.vector_load %arg12[%get3A_207, %get3A_208, %get3A_209] {strides = array<i32>} : memref<2x40x256xf32, #tpu.memory_space<vmem>>, vector<16xf32>,
        %slice3A_211 = vector.extract_strided_slice %mul3A_105 {offsets = [3], sizes = [1], strides = [1]} : vector<16xf32> to vector<1xf32>
        %squeeze3A_212 = vector.extract %slice3A_211[0] : f32 from vector<1xf32>
        %mul3A_213 = vector.broadcast %squeeze3A_212 : f32 to vector<16xf32>
        %mul3A_214 = arith.mulf %get3A_210, %mul3A_213 : vector<16xf32>
        %add3A_215 = arith.addf %add3A_206, %mul3A_214 : vector<16xf32>
        %swap3A_216 = arith.index_cast %rem3A_61 : i32 to index
        %swap3A_217 = arith.index_cast %scan3A_98 : i32 to index
        %swap3A_218 = arith.constant 32 : index
        %swap3A_219 = tpu.vector_load %arg15[%swap3A_216, %swap3A_217, %swap3A_218] {strides = array<i32>} : memref<2x40x64xf32, #tpu.memory_space<vmem>>, vector<16xf32>,
        tpu.vector_store %arg15[%swap3A_216, %swap3A_217, %swap3A_218], %add3A_215 {strides = array<i32>} : memref<2x40x64xf32, #tpu.memory_space<vmem>>, vector<16xf32>,
        %get3A_220 = arith.index_cast %rem3A_61 : i32 to index
        %get3A_221 = arith.index_cast %scan3A_98 : i32 to index
        %get3A_222 = arith.constant 48 : index
        %get3A_223 = tpu.vector_load %arg12[%get3A_220, %get3A_221, %get3A_222] {strides = array<i32>} : memref<2x40x256xf32, #tpu.memory_space<vmem>>, vector<16xf32>,
        %slice3A_224 = vector.extract_strided_slice %mul3A_105 {offsets = [0], sizes = [1], strides = [1]} : vector<16xf32> to vector<1xf32>
        %squeeze3A_225 = vector.extract %slice3A_224[0] : f32 from vector<1xf32>
        %mul3A_226 = vector.broadcast %squeeze3A_225 : f32 to vector<16xf32>
        %mul3A_227 = arith.mulf %get3A_223, %mul3A_226 : vector<16xf32>
        %get3A_228 = arith.index_cast %rem3A_61 : i32 to index
        %get3A_229 = arith.index_cast %scan3A_98 : i32 to index
        %get3A_230 = arith.constant 112 : index
        %get3A_231 = tpu.vector_load %arg12[%get3A_228, %get3A_229, %get3A_230] {strides = array<i32>} : memref<2x40x256xf32, #tpu.memory_space<vmem>>, vector<16xf32>,
        %slice3A_232 = vector.extract_strided_slice %mul3A_105 {offsets = [1], sizes = [1], strides = [1]} : vector<16xf32> to vector<1xf32>
        %squeeze3A_233 = vector.extract %slice3A_232[0] : f32 from vector<1xf32>
        %mul3A_234 = vector.broadcast %squeeze3A_233 : f32 to vector<16xf32>
        %mul3A_235 = arith.mulf %get3A_231, %mul3A_234 : vector<16xf32>
        %add3A_236 = arith.addf %mul3A_227, %mul3A_235 : vector<16xf32>
        %get3A_237 = arith.index_cast %rem3A_61 : i32 to index
        %get3A_238 = arith.index_cast %scan3A_98 : i32 to index
        %get3A_239 = arith.constant 176 : index
        %get3A_240 = tpu.vector_load %arg12[%get3A_237, %get3A_238, %get3A_239] {strides = array<i32>} : memref<2x40x256xf32, #tpu.memory_space<vmem>>, vector<16xf32>,
        %slice3A_241 = vector.extract_strided_slice %mul3A_105 {offsets = [2], sizes = [1], strides = [1]} : vector<16xf32> to vector<1xf32>
        %squeeze3A_242 = vector.extract %slice3A_241[0] : f32 from vector<1xf32>
        %mul3A_243 = vector.broadcast %squeeze3A_242 : f32 to vector<16xf32>
        %mul3A_244 = arith.mulf %get3A_240, %mul3A_243 : vector<16xf32>
        %add3A_245 = arith.addf %add3A_236, %mul3A_244 : vector<16xf32>
        %get3A_246 = arith.index_cast %rem3A_61 : i32 to index
        %get3A_247 = arith.index_cast %scan3A_98 : i32 to index
        %get3A_248 = arith.constant 240 : index
        %get3A_249 = tpu.vector_load %arg12[%get3A_246, %get3A_247, %get3A_248] {strides = array<i32>} : memref<2x40x256xf32, #tpu.memory_space<vmem>>, vector<16xf32>,
        %slice3A_250 = vector.extract_strided_slice %mul3A_105 {offsets = [3], sizes = [1], strides = [1]} : vector<16xf32> to vector<1xf32>
        %squeeze3A_251 = vector.extract %slice3A_250[0] : f32 from vector<1xf32>
        %mul3A_252 = vector.broadcast %squeeze3A_251 : f32 to vector<16xf32>
        %mul3A_253 = arith.mulf %get3A_249, %mul3A_252 : vector<16xf32>
        %add3A_254 = arith.addf %add3A_245, %mul3A_253 : vector<16xf32>
        %swap3A_255 = arith.index_cast %rem3A_61 : i32 to index
        %swap3A_256 = arith.index_cast %scan3A_98 : i32 to index
        %swap3A_257 = arith.constant 48 : index
        %swap3A_258 = tpu.vector_load %arg15[%swap3A_255, %swap3A_256, %swap3A_257] {strides = array<i32>} : memref<2x40x64xf32, #tpu.memory_space<vmem>>, vector<16xf32>,
        tpu.vector_store %arg15[%swap3A_255, %swap3A_256, %swap3A_257], %add3A_254 {strides = array<i32>} : memref<2x40x64xf32, #tpu.memory_space<vmem>>, vector<16xf32>,
      }
      %scan3A_97 = arith.constant 40 : i32
      "tpu.region"() ({
        %run_scoped3A = tpu.sem_alloc : memref<!tpu.dma_semaphore, #tpu.memory_space<semaphore_mem>>
        %dma_start3A_98 = arith.constant 0 : i32
        %dma_start3A_99 = arith.constant 0 : i32
        %dma_start3A_100 = tpu.memref_slice %arg15[%rem3A_61, %dma_start3A_98, %dma_start3A_99] : memref<2x40x64xf32, #tpu.memory_space<vmem>> -> memref<1x40x64xf32, #tpu.memory_space<vmem>>
        %dma_start3A_101 = tpu.memref_squeeze %dma_start3A_100 : memref<1x40x64xf32, #tpu.memory_space<vmem>> -> memref<40x64xf32, #tpu.memory_space<vmem>>
        %dma_start3A_102 = arith.constant 0 : i32
        %dma_start3A_103 = tpu.memref_slice %arg10[%scan3A_59, %dma_start3A_102] : memref<250x40xi32, #tpu.memory_space<vmem>> -> memref<1x40xi32, #tpu.memory_space<vmem>>
        %dma_start3A_104 = tpu.memref_squeeze %dma_start3A_103 : memref<1x40xi32, #tpu.memory_space<vmem>> -> memref<40xi32, #tpu.memory_space<vmem>>
        %dma_start3A_105 = arith.constant 0 : i32
        %dma_start3A_106 = arith.constant 0 : i32
        %dma_start3A_107 = tpu.memref_slice %arg17[%dma_start3A_105, %dma_start3A_106] : memref<10000x64xf32, #tpu.memory_space<vmem_shared>> -> memref<10000x64xf32, #tpu.memory_space<vmem_shared>>
        tpu.enqueue_indirect_dma source(%dma_start3A_101 : memref<40x64xf32, #tpu.memory_space<vmem>>) target(%dma_start3A_107 : memref<10000x64xf32, #tpu.memory_space<vmem_shared>>) offsets(%dma_start3A_104 : memref<40xi32, #tpu.memory_space<vmem>>) semaphore(%run_scoped3A : memref<!tpu.dma_semaphore, #tpu.memory_space<semaphore_mem>>) {add = true}
        %dma_wait3A_108 = arith.constant 0 : i32
        %dma_wait3A_109 = arith.constant 0 : i32
        %dma_wait3A_110 = tpu.memref_slice %arg15[%rem3A_61, %dma_wait3A_108, %dma_wait3A_109] : memref<2x40x64xf32, #tpu.memory_space<vmem>> -> memref<1x40x64xf32, #tpu.memory_space<vmem>>
        %dma_wait3A_111 = tpu.memref_squeeze %dma_wait3A_110 : memref<1x40x64xf32, #tpu.memory_space<vmem>> -> memref<40x64xf32, #tpu.memory_space<vmem>>
        %dma_wait3A_112 = arith.constant 0 : i32
        %dma_wait3A_113 = tpu.memref_slice %arg10[%scan3A_59, %dma_wait3A_112] : memref<250x40xi32, #tpu.memory_space<vmem>> -> memref<1x40xi32, #tpu.memory_space<vmem>>
        %dma_wait3A_114 = tpu.memref_squeeze %dma_wait3A_113 : memref<1x40xi32, #tpu.memory_space<vmem>> -> memref<40xi32, #tpu.memory_space<vmem>>
        %dma_wait3A_115 = arith.constant 0 : i32
        %dma_wait3A_116 = arith.constant 0 : i32
        %dma_wait3A_117 = tpu.memref_slice %arg17[%dma_wait3A_115, %dma_wait3A_116] : memref<10000x64xf32, #tpu.memory_space<vmem_shared>> -> memref<10000x64xf32, #tpu.memory_space<vmem_shared>>
        tpu.wait_indirect_dma semaphore(%run_scoped3A : memref<!tpu.dma_semaphore, #tpu.memory_space<semaphore_mem>>) src(%dma_wait3A_111 : memref<40x64xf32, #tpu.memory_space<vmem>>) dst(%dma_wait3A_117 : memref<10000x64xf32, #tpu.memory_space<vmem_shared>>)
        tpu.yield
      }) : () -> ()
    }
    %scan3A_45 = arith.constant 250 : i32
    %barrier3A_46 = arith.constant 0 : index
    tpu.barrier barrier_id(%barrier3A_46)
    %mul3A_47 = arith.constant 624 : i32
    %mul3A_48 = arith.muli %arg1, %mul3A_47 : i32
    %eq3A_49 = arith.constant 0 : i32
    %eq3A_50 = arith.cmpi eq, %arg0, %eq3A_49 : i32
    %convert_element_type3A_51 = arith.extui %eq3A_50 : i1 to i32
    %cond3A_52 = arith.constant 0 : i32
    %cond3A_53 = arith.cmpi ne, %convert_element_type3A_51, %cond3A_52 : i32
    scf.if %cond3A_53 {
      %lt3A = arith.constant 15 : i32
      %lt3A_59 = arith.cmpi slt, %arg1, %lt3A : i32
      %convert_element_type3A_60 = arith.extui %lt3A_59 : i1 to i32
      %cond3A_61 = arith.constant 0 : i32
      %cond3A_62 = arith.cmpi ne, %convert_element_type3A_60, %cond3A_61 : i32
      scf.if %cond3A_62 {
        "tpu.region"() ({
          %run_scoped3A = tpu.sem_alloc : memref<!tpu.dma_semaphore, #tpu.memory_space<semaphore_mem>>
          %dma_start3A_68 = arith.constant 0 : i32
          %dma_start3A_69 = tpu.memref_slice %arg8[%mul3A_48, %dma_start3A_68] : memref<10000x64xf32, #tpu.memory_space<hbm>> -> memref<624x64xf32, #tpu.memory_space<hbm>>
          %dma_start3A_70 = arith.constant 0 : i32
          %dma_start3A_71 = tpu.memref_slice %arg17[%mul3A_48, %dma_start3A_70] : memref<10000x64xf32, #tpu.memory_space<vmem_shared>> -> memref<624x64xf32, #tpu.memory_space<vmem_shared>>
          tpu.enqueue_dma source(%dma_start3A_71 : memref<624x64xf32, #tpu.memory_space<vmem_shared>>) target(%dma_start3A_69 : memref<624x64xf32, #tpu.memory_space<hbm>>) target_semaphore(%run_scoped3A : memref<!tpu.dma_semaphore, #tpu.memory_space<semaphore_mem>>)
          %dma_wait3A = arith.constant 0 : i32
          %dma_wait3A_72 = tpu.memref_slice %arg8[%mul3A_48, %dma_wait3A] : memref<10000x64xf32, #tpu.memory_space<hbm>> -> memref<624x64xf32, #tpu.memory_space<hbm>>
          %dma_wait3A_73 = arith.constant 0 : i32
          %dma_wait3A_74 = tpu.memref_slice %arg17[%mul3A_48, %dma_wait3A_73] : memref<10000x64xf32, #tpu.memory_space<vmem_shared>> -> memref<624x64xf32, #tpu.memory_space<vmem_shared>>
          tpu.wait_dma2 semaphore(%run_scoped3A : memref<!tpu.dma_semaphore, #tpu.memory_space<semaphore_mem>>) src(%dma_wait3A_74 : memref<624x64xf32, #tpu.memory_space<vmem_shared>>) dst(%dma_wait3A_72 : memref<624x64xf32, #tpu.memory_space<hbm>>)
          tpu.yield
        }) : () -> ()
      } else {
      }
      %eq3A_63 = arith.constant 15 : i32
      %eq3A_64 = arith.cmpi eq, %arg1, %eq3A_63 : i32
      %convert_element_type3A_65 = arith.extui %eq3A_64 : i1 to i32
      %cond3A_66 = arith.constant 0 : i32
      %cond3A_67 = arith.cmpi ne, %convert_element_type3A_65, %cond3A_66 : i32
      scf.if %cond3A_67 {
        "tpu.region"() ({
          %run_scoped3A = tpu.sem_alloc : memref<!tpu.dma_semaphore, #tpu.memory_space<semaphore_mem>>
          %dma_start3A_68 = arith.constant 9360 : i32
          %dma_start3A_69 = arith.constant 0 : i32
          %dma_start3A_70 = tpu.memref_slice %arg8[%dma_start3A_68, %dma_start3A_69] : memref<10000x64xf32, #tpu.memory_space<hbm>> -> memref<640x64xf32, #tpu.memory_space<hbm>>
          %dma_start3A_71 = arith.constant 9360 : i32
          %dma_start3A_72 = arith.constant 0 : i32
          %dma_start3A_73 = tpu.memref_slice %arg17[%dma_start3A_71, %dma_start3A_72] : memref<10000x64xf32, #tpu.memory_space<vmem_shared>> -> memref<640x64xf32, #tpu.memory_space<vmem_shared>>
          tpu.enqueue_dma source(%dma_start3A_73 : memref<640x64xf32, #tpu.memory_space<vmem_shared>>) target(%dma_start3A_70 : memref<640x64xf32, #tpu.memory_space<hbm>>) target_semaphore(%run_scoped3A : memref<!tpu.dma_semaphore, #tpu.memory_space<semaphore_mem>>)
          %dma_wait3A = arith.constant 9360 : i32
          %dma_wait3A_74 = arith.constant 0 : i32
          %dma_wait3A_75 = tpu.memref_slice %arg8[%dma_wait3A, %dma_wait3A_74] : memref<10000x64xf32, #tpu.memory_space<hbm>> -> memref<640x64xf32, #tpu.memory_space<hbm>>
          %dma_wait3A_76 = arith.constant 9360 : i32
          %dma_wait3A_77 = arith.constant 0 : i32
          %dma_wait3A_78 = tpu.memref_slice %arg17[%dma_wait3A_76, %dma_wait3A_77] : memref<10000x64xf32, #tpu.memory_space<vmem_shared>> -> memref<640x64xf32, #tpu.memory_space<vmem_shared>>
          tpu.wait_dma2 semaphore(%run_scoped3A : memref<!tpu.dma_semaphore, #tpu.memory_space<semaphore_mem>>) src(%dma_wait3A_78 : memref<640x64xf32, #tpu.memory_space<vmem_shared>>) dst(%dma_wait3A_75 : memref<640x64xf32, #tpu.memory_space<hbm>>)
          tpu.yield
        }) : () -> ()
      } else {
      }
    } else {
    }
    %eq3A_54 = arith.constant 1 : i32
    %eq3A_55 = arith.cmpi eq, %arg0, %eq3A_54 : i32
    %convert_element_type3A_56 = arith.extui %eq3A_55 : i1 to i32
    %cond3A_57 = arith.constant 0 : i32
    %cond3A_58 = arith.cmpi ne, %convert_element_type3A_56, %cond3A_57 : i32
    scf.if %cond3A_58 {
      %lt3A = arith.constant 15 : i32
      %lt3A_59 = arith.cmpi slt, %arg1, %lt3A : i32
      %convert_element_type3A_60 = arith.extui %lt3A_59 : i1 to i32
      %cond3A_61 = arith.constant 0 : i32
      %cond3A_62 = arith.cmpi ne, %convert_element_type3A_60, %cond3A_61 : i32
      scf.if %cond3A_62 {
        "tpu.region"() ({
          %run_scoped3A = tpu.sem_alloc : memref<!tpu.dma_semaphore, #tpu.memory_space<semaphore_mem>>
          %dma_start3A_68 = arith.constant 0 : i32
          %dma_start3A_69 = tpu.memref_slice %arg9[%mul3A_48, %dma_start3A_68] : memref<10000x64xf32, #tpu.memory_space<hbm>> -> memref<624x64xf32, #tpu.memory_space<hbm>>
          %dma_start3A_70 = arith.constant 0 : i32
          %dma_start3A_71 = tpu.memref_slice %arg17[%mul3A_48, %dma_start3A_70] : memref<10000x64xf32, #tpu.memory_space<vmem_shared>> -> memref<624x64xf32, #tpu.memory_space<vmem_shared>>
          tpu.enqueue_dma source(%dma_start3A_71 : memref<624x64xf32, #tpu.memory_space<vmem_shared>>) target(%dma_start3A_69 : memref<624x64xf32, #tpu.memory_space<hbm>>) target_semaphore(%run_scoped3A : memref<!tpu.dma_semaphore, #tpu.memory_space<semaphore_mem>>)
          %dma_wait3A = arith.constant 0 : i32
          %dma_wait3A_72 = tpu.memref_slice %arg9[%mul3A_48, %dma_wait3A] : memref<10000x64xf32, #tpu.memory_space<hbm>> -> memref<624x64xf32, #tpu.memory_space<hbm>>
          %dma_wait3A_73 = arith.constant 0 : i32
          %dma_wait3A_74 = tpu.memref_slice %arg17[%mul3A_48, %dma_wait3A_73] : memref<10000x64xf32, #tpu.memory_space<vmem_shared>> -> memref<624x64xf32, #tpu.memory_space<vmem_shared>>
          tpu.wait_dma2 semaphore(%run_scoped3A : memref<!tpu.dma_semaphore, #tpu.memory_space<semaphore_mem>>) src(%dma_wait3A_74 : memref<624x64xf32, #tpu.memory_space<vmem_shared>>) dst(%dma_wait3A_72 : memref<624x64xf32, #tpu.memory_space<hbm>>)
          tpu.yield
        }) : () -> ()
      } else {
      }
      %eq3A_63 = arith.constant 15 : i32
      %eq3A_64 = arith.cmpi eq, %arg1, %eq3A_63 : i32
      %convert_element_type3A_65 = arith.extui %eq3A_64 : i1 to i32
      %cond3A_66 = arith.constant 0 : i32
      %cond3A_67 = arith.cmpi ne, %convert_element_type3A_65, %cond3A_66 : i32
      scf.if %cond3A_67 {
        "tpu.region"() ({
          %run_scoped3A = tpu.sem_alloc : memref<!tpu.dma_semaphore, #tpu.memory_space<semaphore_mem>>
          %dma_start3A_68 = arith.constant 9360 : i32
          %dma_start3A_69 = arith.constant 0 : i32
          %dma_start3A_70 = tpu.memref_slice %arg9[%dma_start3A_68, %dma_start3A_69] : memref<10000x64xf32, #tpu.memory_space<hbm>> -> memref<640x64xf32, #tpu.memory_space<hbm>>
          %dma_start3A_71 = arith.constant 9360 : i32
          %dma_start3A_72 = arith.constant 0 : i32
          %dma_start3A_73 = tpu.memref_slice %arg17[%dma_start3A_71, %dma_start3A_72] : memref<10000x64xf32, #tpu.memory_space<vmem_shared>> -> memref<640x64xf32, #tpu.memory_space<vmem_shared>>
          tpu.enqueue_dma source(%dma_start3A_73 : memref<640x64xf32, #tpu.memory_space<vmem_shared>>) target(%dma_start3A_70 : memref<640x64xf32, #tpu.memory_space<hbm>>) target_semaphore(%run_scoped3A : memref<!tpu.dma_semaphore, #tpu.memory_space<semaphore_mem>>)
          %dma_wait3A = arith.constant 9360 : i32
          %dma_wait3A_74 = arith.constant 0 : i32
          %dma_wait3A_75 = tpu.memref_slice %arg9[%dma_wait3A, %dma_wait3A_74] : memref<10000x64xf32, #tpu.memory_space<hbm>> -> memref<640x64xf32, #tpu.memory_space<hbm>>
          %dma_wait3A_76 = arith.constant 9360 : i32
          %dma_wait3A_77 = arith.constant 0 : i32
          %dma_wait3A_78 = tpu.memref_slice %arg17[%dma_wait3A_76, %dma_wait3A_77] : memref<10000x64xf32, #tpu.memory_space<vmem_shared>> -> memref<640x64xf32, #tpu.memory_space<vmem_shared>>
          tpu.wait_dma2 semaphore(%run_scoped3A : memref<!tpu.dma_semaphore, #tpu.memory_space<semaphore_mem>>) src(%dma_wait3A_78 : memref<640x64xf32, #tpu.memory_space<vmem_shared>>) dst(%dma_wait3A_75 : memref<640x64xf32, #tpu.memory_space<hbm>>)
          tpu.yield
        }) : () -> ()
      } else {
      }
    } else {
    }
    return
  }
}

#map = affine_map<(d0, d1) -> (0, 0)>
#map1 = affine_map<(d0, d1) -> (0, 0, 0)>
module attributes {stable_mosaic.version = 14 : i64} {
  func.func @_agg_body(%arg0: i32, %arg1: i32, %arg2: memref<160000x16xf32, #tpu.memory_space<hbm>>, %arg3: memref<10000x16xf32, #tpu.memory_space<hbm>>, %arg4: memref<10000x256xf32, #tpu.memory_space<hbm>>, %arg5: memref<10000x256xf32, #tpu.memory_space<hbm>>, %arg6: memref<16x250x40xi32, #tpu.memory_space<hbm>>, %arg7: memref<16x250x40xi32, #tpu.memory_space<hbm>>, %arg8: memref<10000x64xf32, #tpu.memory_space<hbm>>, %arg9: memref<10000x64xf32, #tpu.memory_space<hbm>>, %arg10: memref<250x40xi32, #tpu.memory_space<vmem>>, %arg11: memref<250x40xi32, #tpu.memory_space<vmem>>, %arg12: memref<2x40x256xf32, #tpu.memory_space<vmem>>, %arg13: memref<40x16xf32, #tpu.memory_space<vmem>>, %arg14: memref<2x40x16xf32, #tpu.memory_space<vmem>>, %arg15: memref<2x40x64xf32, #tpu.memory_space<vmem>>, %arg16: memref<312x64xf32, #tpu.memory_space<vmem>>, %arg17: memref<10000x64xf32, #tpu.memory_space<vmem_shared>>, %arg18: memref<2x!tpu.dma_semaphore, #tpu.memory_space<semaphore_mem>>, %arg19: memref<2x!tpu.dma_semaphore, #tpu.memory_space<semaphore_mem>>) attributes {dimension_semantics = [#tpu.dimension_semantics<core_parallel>, #tpu.dimension_semantics<subcore_parallel>], iteration_bounds = array<i64: 2, 16>, scalar_prefetch = 0 : i64, scratch_operands = 10 : i64, tpu.core_type = #tpu.core_type<sc_vector_subcore>, window_params = [{transform_indices = #map}, {transform_indices = #map}, {transform_indices = #map}, {transform_indices = #map}, {transform_indices = #map1}, {transform_indices = #map1}, {transform_indices = #map}, {transform_indices = #map}]} {
    "tpu.region"() ({
      %run_scoped3A = tpu.sem_alloc : memref<!tpu.dma_semaphore, #tpu.memory_space<semaphore_mem>>
      %dma_start3A_59 = arith.constant 0 : i32
      %dma_start3A_60 = arith.constant 0 : i32
      %dma_start3A_61 = tpu.memref_slice %arg6[%arg1, %dma_start3A_59, %dma_start3A_60] : memref<16x250x40xi32, #tpu.memory_space<hbm>> -> memref<1x250x40xi32, #tpu.memory_space<hbm>>
      %dma_start3A_62 = tpu.memref_squeeze %dma_start3A_61 : memref<1x250x40xi32, #tpu.memory_space<hbm>> -> memref<250x40xi32, #tpu.memory_space<hbm>>
      %dma_start3A_63 = arith.constant 0 : i32
      %dma_start3A_64 = arith.constant 0 : i32
      %dma_start3A_65 = tpu.memref_slice %arg6[%arg1, %dma_start3A_63, %dma_start3A_64] : memref<16x250x40xi32, #tpu.memory_space<hbm>> -> memref<1x250x40xi32, #tpu.memory_space<hbm>>
      %dma_start3A_66 = tpu.memref_squeeze %dma_start3A_65 : memref<1x250x40xi32, #tpu.memory_space<hbm>> -> memref<250x40xi32, #tpu.memory_space<hbm>>
      tpu.enqueue_dma source(%dma_start3A_66 : memref<250x40xi32, #tpu.memory_space<hbm>>) target(%arg10 : memref<250x40xi32, #tpu.memory_space<vmem>>) target_semaphore(%run_scoped3A : memref<!tpu.dma_semaphore, #tpu.memory_space<semaphore_mem>>)
      %dma_wait3A = arith.constant 0 : i32
      %dma_wait3A_67 = arith.constant 0 : i32
      %dma_wait3A_68 = tpu.memref_slice %arg6[%arg1, %dma_wait3A, %dma_wait3A_67] : memref<16x250x40xi32, #tpu.memory_space<hbm>> -> memref<1x250x40xi32, #tpu.memory_space<hbm>>
      %dma_wait3A_69 = tpu.memref_squeeze %dma_wait3A_68 : memref<1x250x40xi32, #tpu.memory_space<hbm>> -> memref<250x40xi32, #tpu.memory_space<hbm>>
      %dma_wait3A_70 = arith.constant 0 : i32
      %dma_wait3A_71 = arith.constant 0 : i32
      %dma_wait3A_72 = tpu.memref_slice %arg6[%arg1, %dma_wait3A_70, %dma_wait3A_71] : memref<16x250x40xi32, #tpu.memory_space<hbm>> -> memref<1x250x40xi32, #tpu.memory_space<hbm>>
      %dma_wait3A_73 = tpu.memref_squeeze %dma_wait3A_72 : memref<1x250x40xi32, #tpu.memory_space<hbm>> -> memref<250x40xi32, #tpu.memory_space<hbm>>
      tpu.wait_dma2 semaphore(%run_scoped3A : memref<!tpu.dma_semaphore, #tpu.memory_space<semaphore_mem>>) src(%dma_wait3A_73 : memref<250x40xi32, #tpu.memory_space<hbm>>) dst(%arg10 : memref<250x40xi32, #tpu.memory_space<vmem>>)
      tpu.yield
    }) : () -> ()
    "tpu.region"() ({
      %run_scoped3A = tpu.sem_alloc : memref<!tpu.dma_semaphore, #tpu.memory_space<semaphore_mem>>
      %dma_start3A_59 = arith.constant 0 : i32
      %dma_start3A_60 = arith.constant 0 : i32
      %dma_start3A_61 = tpu.memref_slice %arg7[%arg1, %dma_start3A_59, %dma_start3A_60] : memref<16x250x40xi32, #tpu.memory_space<hbm>> -> memref<1x250x40xi32, #tpu.memory_space<hbm>>
      %dma_start3A_62 = tpu.memref_squeeze %dma_start3A_61 : memref<1x250x40xi32, #tpu.memory_space<hbm>> -> memref<250x40xi32, #tpu.memory_space<hbm>>
      %dma_start3A_63 = arith.constant 0 : i32
      %dma_start3A_64 = arith.constant 0 : i32
      %dma_start3A_65 = tpu.memref_slice %arg7[%arg1, %dma_start3A_63, %dma_start3A_64] : memref<16x250x40xi32, #tpu.memory_space<hbm>> -> memref<1x250x40xi32, #tpu.memory_space<hbm>>
      %dma_start3A_66 = tpu.memref_squeeze %dma_start3A_65 : memref<1x250x40xi32, #tpu.memory_space<hbm>> -> memref<250x40xi32, #tpu.memory_space<hbm>>
      tpu.enqueue_dma source(%dma_start3A_66 : memref<250x40xi32, #tpu.memory_space<hbm>>) target(%arg11 : memref<250x40xi32, #tpu.memory_space<vmem>>) target_semaphore(%run_scoped3A : memref<!tpu.dma_semaphore, #tpu.memory_space<semaphore_mem>>)
      %dma_wait3A = arith.constant 0 : i32
      %dma_wait3A_67 = arith.constant 0 : i32
      %dma_wait3A_68 = tpu.memref_slice %arg7[%arg1, %dma_wait3A, %dma_wait3A_67] : memref<16x250x40xi32, #tpu.memory_space<hbm>> -> memref<1x250x40xi32, #tpu.memory_space<hbm>>
      %dma_wait3A_69 = tpu.memref_squeeze %dma_wait3A_68 : memref<1x250x40xi32, #tpu.memory_space<hbm>> -> memref<250x40xi32, #tpu.memory_space<hbm>>
      %dma_wait3A_70 = arith.constant 0 : i32
      %dma_wait3A_71 = arith.constant 0 : i32
      %dma_wait3A_72 = tpu.memref_slice %arg7[%arg1, %dma_wait3A_70, %dma_wait3A_71] : memref<16x250x40xi32, #tpu.memory_space<hbm>> -> memref<1x250x40xi32, #tpu.memory_space<hbm>>
      %dma_wait3A_73 = tpu.memref_squeeze %dma_wait3A_72 : memref<1x250x40xi32, #tpu.memory_space<hbm>> -> memref<250x40xi32, #tpu.memory_space<hbm>>
      tpu.wait_dma2 semaphore(%run_scoped3A : memref<!tpu.dma_semaphore, #tpu.memory_space<semaphore_mem>>) src(%dma_wait3A_73 : memref<250x40xi32, #tpu.memory_space<hbm>>) dst(%arg11 : memref<250x40xi32, #tpu.memory_space<vmem>>)
      tpu.yield
    }) : () -> ()
    %broadcast_in_dim3A = arith.constant 0.000000e+00 : f32
    %broadcast_in_dim3A_0 = vector.broadcast %broadcast_in_dim3A : f32 to vector<16xf32>
    %scan3A = arith.constant 0 : i32
    %scan3A_1 = arith.constant 0 : i32
    %scan3A_2 = arith.constant 312 : i32
    %scan3A_3 = arith.addi %scan3A_1, %scan3A_2 : i32
    %scan3A_4 = arith.constant 1 : i32
    scf.for %scan3A_59 = %scan3A_1 to %scan3A_3 step %scan3A_4  : i32 {
      %swap3A = arith.index_cast %scan3A_59 : i32 to index
      %swap3A_60 = arith.constant 0 : index
      %swap3A_61 = tpu.vector_load %arg16[%swap3A, %swap3A_60] {strides = array<i32>} : memref<312x64xf32, #tpu.memory_space<vmem>>, vector<16xf32>,
      tpu.vector_store %arg16[%swap3A, %swap3A_60], %broadcast_in_dim3A_0 {strides = array<i32>} : memref<312x64xf32, #tpu.memory_space<vmem>>, vector<16xf32>,
      %swap3A_62 = arith.index_cast %scan3A_59 : i32 to index
      %swap3A_63 = arith.constant 16 : index
      %swap3A_64 = tpu.vector_load %arg16[%swap3A_62, %swap3A_63] {strides = array<i32>} : memref<312x64xf32, #tpu.memory_space<vmem>>, vector<16xf32>,
      tpu.vector_store %arg16[%swap3A_62, %swap3A_63], %broadcast_in_dim3A_0 {strides = array<i32>} : memref<312x64xf32, #tpu.memory_space<vmem>>, vector<16xf32>,
      %swap3A_65 = arith.index_cast %scan3A_59 : i32 to index
      %swap3A_66 = arith.constant 32 : index
      %swap3A_67 = tpu.vector_load %arg16[%swap3A_65, %swap3A_66] {strides = array<i32>} : memref<312x64xf32, #tpu.memory_space<vmem>>, vector<16xf32>,
      tpu.vector_store %arg16[%swap3A_65, %swap3A_66], %broadcast_in_dim3A_0 {strides = array<i32>} : memref<312x64xf32, #tpu.memory_space<vmem>>, vector<16xf32>,
      %swap3A_68 = arith.index_cast %scan3A_59 : i32 to index
      %swap3A_69 = arith.constant 48 : index
      %swap3A_70 = tpu.vector_load %arg16[%swap3A_68, %swap3A_69] {strides = array<i32>} : memref<312x64xf32, #tpu.memory_space<vmem>>, vector<16xf32>,
      tpu.vector_store %arg16[%swap3A_68, %swap3A_69], %broadcast_in_dim3A_0 {strides = array<i32>} : memref<312x64xf32, #tpu.memory_space<vmem>>, vector<16xf32>,
    }
    %scan3A_5 = arith.constant 312 : i32
    %mul3A = arith.constant 624 : i32
    %mul3A_6 = arith.muli %arg1, %mul3A : i32
    %add3A = arith.constant 0 : i32
    %add3A_7 = arith.addi %mul3A_6, %add3A : i32
    "tpu.region"() ({
      %run_scoped3A = tpu.sem_alloc : memref<!tpu.dma_semaphore, #tpu.memory_space<semaphore_mem>>
      %dma_start3A_59 = arith.constant 0 : i32
      %dma_start3A_60 = tpu.memref_slice %arg17[%add3A_7, %dma_start3A_59] : memref<10000x64xf32, #tpu.memory_space<vmem_shared>> -> memref<312x64xf32, #tpu.memory_space<vmem_shared>>
      %dma_start3A_61 = arith.constant 0 : i32
      %dma_start3A_62 = tpu.memref_slice %arg17[%add3A_7, %dma_start3A_61] : memref<10000x64xf32, #tpu.memory_space<vmem_shared>> -> memref<312x64xf32, #tpu.memory_space<vmem_shared>>
      tpu.enqueue_dma source(%arg16 : memref<312x64xf32, #tpu.memory_space<vmem>>) target(%dma_start3A_62 : memref<312x64xf32, #tpu.memory_space<vmem_shared>>) target_semaphore(%run_scoped3A : memref<!tpu.dma_semaphore, #tpu.memory_space<semaphore_mem>>)
      %dma_wait3A = arith.constant 0 : i32
      %dma_wait3A_63 = tpu.memref_slice %arg17[%add3A_7, %dma_wait3A] : memref<10000x64xf32, #tpu.memory_space<vmem_shared>> -> memref<312x64xf32, #tpu.memory_space<vmem_shared>>
      %dma_wait3A_64 = arith.constant 0 : i32
      %dma_wait3A_65 = tpu.memref_slice %arg17[%add3A_7, %dma_wait3A_64] : memref<10000x64xf32, #tpu.memory_space<vmem_shared>> -> memref<312x64xf32, #tpu.memory_space<vmem_shared>>
      tpu.wait_dma2 semaphore(%run_scoped3A : memref<!tpu.dma_semaphore, #tpu.memory_space<semaphore_mem>>) src(%arg16 : memref<312x64xf32, #tpu.memory_space<vmem>>) dst(%dma_wait3A_65 : memref<312x64xf32, #tpu.memory_space<vmem_shared>>)
      tpu.yield
    }) : () -> ()
    %mul3A_8 = arith.constant 624 : i32
    %mul3A_9 = arith.muli %arg1, %mul3A_8 : i32
    %add3A_10 = arith.constant 312 : i32
    %add3A_11 = arith.addi %mul3A_9, %add3A_10 : i32
    "tpu.region"() ({
      %run_scoped3A = tpu.sem_alloc : memref<!tpu.dma_semaphore, #tpu.memory_space<semaphore_mem>>
      %dma_start3A_59 = arith.constant 0 : i32
      %dma_start3A_60 = tpu.memref_slice %arg17[%add3A_11, %dma_start3A_59] : memref<10000x64xf32, #tpu.memory_space<vmem_shared>> -> memref<312x64xf32, #tpu.memory_space<vmem_shared>>
      %dma_start3A_61 = arith.constant 0 : i32
      %dma_start3A_62 = tpu.memref_slice %arg17[%add3A_11, %dma_start3A_61] : memref<10000x64xf32, #tpu.memory_space<vmem_shared>> -> memref<312x64xf32, #tpu.memory_space<vmem_shared>>
      tpu.enqueue_dma source(%arg16 : memref<312x64xf32, #tpu.memory_space<vmem>>) target(%dma_start3A_62 : memref<312x64xf32, #tpu.memory_space<vmem_shared>>) target_semaphore(%run_scoped3A : memref<!tpu.dma_semaphore, #tpu.memory_space<semaphore_mem>>)
      %dma_wait3A = arith.constant 0 : i32
      %dma_wait3A_63 = tpu.memref_slice %arg17[%add3A_11, %dma_wait3A] : memref<10000x64xf32, #tpu.memory_space<vmem_shared>> -> memref<312x64xf32, #tpu.memory_space<vmem_shared>>
      %dma_wait3A_64 = arith.constant 0 : i32
      %dma_wait3A_65 = tpu.memref_slice %arg17[%add3A_11, %dma_wait3A_64] : memref<10000x64xf32, #tpu.memory_space<vmem_shared>> -> memref<312x64xf32, #tpu.memory_space<vmem_shared>>
      tpu.wait_dma2 semaphore(%run_scoped3A : memref<!tpu.dma_semaphore, #tpu.memory_space<semaphore_mem>>) src(%arg16 : memref<312x64xf32, #tpu.memory_space<vmem>>) dst(%dma_wait3A_65 : memref<312x64xf32, #tpu.memory_space<vmem_shared>>)
      tpu.yield
    }) : () -> ()
    %eq3A = arith.constant 15 : i32
    %eq3A_12 = arith.cmpi eq, %arg1, %eq3A : i32
    %convert_element_type3A = arith.extui %eq3A_12 : i1 to i32
    %cond3A = arith.constant 0 : i32
    %cond3A_13 = arith.cmpi ne, %convert_element_type3A, %cond3A : i32
    scf.if %cond3A_13 {
      "tpu.region"() ({
        %run_scoped3A = tpu.sem_alloc : memref<!tpu.dma_semaphore, #tpu.memory_space<semaphore_mem>>
        %dma_start3A_59 = arith.constant 0 : i32
        %dma_start3A_60 = arith.constant 0 : i32
        %dma_start3A_61 = tpu.memref_slice %arg16[%dma_start3A_59, %dma_start3A_60] : memref<312x64xf32, #tpu.memory_space<vmem>> -> memref<16x64xf32, #tpu.memory_space<vmem>>
        %dma_start3A_62 = arith.constant 9984 : i32
        %dma_start3A_63 = arith.constant 0 : i32
        %dma_start3A_64 = tpu.memref_slice %arg17[%dma_start3A_62, %dma_start3A_63] : memref<10000x64xf32, #tpu.memory_space<vmem_shared>> -> memref<16x64xf32, #tpu.memory_space<vmem_shared>>
        %dma_start3A_65 = arith.constant 9984 : i32
        %dma_start3A_66 = arith.constant 0 : i32
        %dma_start3A_67 = tpu.memref_slice %arg17[%dma_start3A_65, %dma_start3A_66] : memref<10000x64xf32, #tpu.memory_space<vmem_shared>> -> memref<16x64xf32, #tpu.memory_space<vmem_shared>>
        %dma_start3A_68 = arith.constant 0 : i32
        %dma_start3A_69 = arith.constant 0 : i32
        %dma_start3A_70 = tpu.memref_slice %arg16[%dma_start3A_68, %dma_start3A_69] : memref<312x64xf32, #tpu.memory_space<vmem>> -> memref<16x64xf32, #tpu.memory_space<vmem>>
        tpu.enqueue_dma source(%dma_start3A_70 : memref<16x64xf32, #tpu.memory_space<vmem>>) target(%dma_start3A_67 : memref<16x64xf32, #tpu.memory_space<vmem_shared>>) target_semaphore(%run_scoped3A : memref<!tpu.dma_semaphore, #tpu.memory_space<semaphore_mem>>)
        %dma_wait3A = arith.constant 0 : i32
        %dma_wait3A_71 = arith.constant 0 : i32
        %dma_wait3A_72 = tpu.memref_slice %arg16[%dma_wait3A, %dma_wait3A_71] : memref<312x64xf32, #tpu.memory_space<vmem>> -> memref<16x64xf32, #tpu.memory_space<vmem>>
        %dma_wait3A_73 = arith.constant 9984 : i32
        %dma_wait3A_74 = arith.constant 0 : i32
        %dma_wait3A_75 = tpu.memref_slice %arg17[%dma_wait3A_73, %dma_wait3A_74] : memref<10000x64xf32, #tpu.memory_space<vmem_shared>> -> memref<16x64xf32, #tpu.memory_space<vmem_shared>>
        %dma_wait3A_76 = arith.constant 9984 : i32
        %dma_wait3A_77 = arith.constant 0 : i32
        %dma_wait3A_78 = tpu.memref_slice %arg17[%dma_wait3A_76, %dma_wait3A_77] : memref<10000x64xf32, #tpu.memory_space<vmem_shared>> -> memref<16x64xf32, #tpu.memory_space<vmem_shared>>
        %dma_wait3A_79 = arith.constant 0 : i32
        %dma_wait3A_80 = arith.constant 0 : i32
        %dma_wait3A_81 = tpu.memref_slice %arg16[%dma_wait3A_79, %dma_wait3A_80] : memref<312x64xf32, #tpu.memory_space<vmem>> -> memref<16x64xf32, #tpu.memory_space<vmem>>
        tpu.wait_dma2 semaphore(%run_scoped3A : memref<!tpu.dma_semaphore, #tpu.memory_space<semaphore_mem>>) src(%dma_wait3A_81 : memref<16x64xf32, #tpu.memory_space<vmem>>) dst(%dma_wait3A_78 : memref<16x64xf32, #tpu.memory_space<vmem_shared>>)
        tpu.yield
      }) : () -> ()
    } else {
    }
    %barrier3A = arith.constant 0 : index
    tpu.barrier barrier_id(%barrier3A)
    %mul3A_14 = arith.constant 10000 : i32
    %mul3A_15 = arith.muli %arg1, %mul3A_14 : i32
    %rem3A = arith.constant 0 : i32
    %rem3A_16 = arith.constant 2 : i32
    %rem3A_17 = arith.remsi %rem3A, %rem3A_16 : i32
    %eq3A_18 = arith.constant 0 : i32
    %eq3A_19 = arith.cmpi eq, %arg0, %eq3A_18 : i32
    %convert_element_type3A_20 = arith.extui %eq3A_19 : i1 to i32
    %cond3A_21 = arith.constant 0 : i32
    %cond3A_22 = arith.cmpi ne, %convert_element_type3A_20, %cond3A_21 : i32
    scf.if %cond3A_22 {
      %dma_start3A_59 = arith.constant 0 : i32
      %dma_start3A_60 = arith.constant 0 : i32
      %dma_start3A_61 = arith.constant 0 : i32
      %dma_start3A_62 = tpu.memref_slice %arg12[%rem3A_17, %dma_start3A_60, %dma_start3A_61] : memref<2x40x256xf32, #tpu.memory_space<vmem>> -> memref<1x40x256xf32, #tpu.memory_space<vmem>>
      %dma_start3A_63 = tpu.memref_squeeze %dma_start3A_62 : memref<1x40x256xf32, #tpu.memory_space<vmem>> -> memref<40x256xf32, #tpu.memory_space<vmem>>
      %dma_start3A_64 = arith.constant 0 : i32
      %dma_start3A_65 = tpu.memref_slice %arg11[%dma_start3A_59, %dma_start3A_64] : memref<250x40xi32, #tpu.memory_space<vmem>> -> memref<1x40xi32, #tpu.memory_space<vmem>>
      %dma_start3A_66 = tpu.memref_squeeze %dma_start3A_65 : memref<1x40xi32, #tpu.memory_space<vmem>> -> memref<40xi32, #tpu.memory_space<vmem>>
      %dma_start3A_67 = arith.constant 0 : i32
      %dma_start3A_68 = arith.constant 0 : i32
      %dma_start3A_69 = tpu.memref_slice %arg4[%dma_start3A_67, %dma_start3A_68] : memref<10000x256xf32, #tpu.memory_space<hbm>> -> memref<10000x256xf32, #tpu.memory_space<hbm>>
      %dma_start3A_70 = tpu.memref_slice %arg18[%rem3A_17] : memref<2x!tpu.dma_semaphore, #tpu.memory_space<semaphore_mem>> -> memref<1x!tpu.dma_semaphore, #tpu.memory_space<semaphore_mem>>
      %dma_start3A_71 = tpu.memref_squeeze %dma_start3A_70 : memref<1x!tpu.dma_semaphore, #tpu.memory_space<semaphore_mem>> -> memref<!tpu.dma_semaphore, #tpu.memory_space<semaphore_mem>>
      tpu.enqueue_indirect_dma source(%dma_start3A_69 : memref<10000x256xf32, #tpu.memory_space<hbm>>) target(%dma_start3A_63 : memref<40x256xf32, #tpu.memory_space<vmem>>) offsets(%dma_start3A_66 : memref<40xi32, #tpu.memory_space<vmem>>) semaphore(%dma_start3A_71 : memref<!tpu.dma_semaphore, #tpu.memory_space<semaphore_mem>>)
    } else {
    }
    %eq3A_23 = arith.constant 1 : i32
    %eq3A_24 = arith.cmpi eq, %arg0, %eq3A_23 : i32
    %convert_element_type3A_25 = arith.extui %eq3A_24 : i1 to i32
    %cond3A_26 = arith.constant 0 : i32
    %cond3A_27 = arith.cmpi ne, %convert_element_type3A_25, %cond3A_26 : i32
    scf.if %cond3A_27 {
      %dma_start3A_59 = arith.constant 0 : i32
      %dma_start3A_60 = arith.constant 0 : i32
      %dma_start3A_61 = arith.constant 0 : i32
      %dma_start3A_62 = tpu.memref_slice %arg12[%rem3A_17, %dma_start3A_60, %dma_start3A_61] : memref<2x40x256xf32, #tpu.memory_space<vmem>> -> memref<1x40x256xf32, #tpu.memory_space<vmem>>
      %dma_start3A_63 = tpu.memref_squeeze %dma_start3A_62 : memref<1x40x256xf32, #tpu.memory_space<vmem>> -> memref<40x256xf32, #tpu.memory_space<vmem>>
      %dma_start3A_64 = arith.constant 0 : i32
      %dma_start3A_65 = tpu.memref_slice %arg11[%dma_start3A_59, %dma_start3A_64] : memref<250x40xi32, #tpu.memory_space<vmem>> -> memref<1x40xi32, #tpu.memory_space<vmem>>
      %dma_start3A_66 = tpu.memref_squeeze %dma_start3A_65 : memref<1x40xi32, #tpu.memory_space<vmem>> -> memref<40xi32, #tpu.memory_space<vmem>>
      %dma_start3A_67 = arith.constant 0 : i32
      %dma_start3A_68 = arith.constant 0 : i32
      %dma_start3A_69 = tpu.memref_slice %arg5[%dma_start3A_67, %dma_start3A_68] : memref<10000x256xf32, #tpu.memory_space<hbm>> -> memref<10000x256xf32, #tpu.memory_space<hbm>>
      %dma_start3A_70 = tpu.memref_slice %arg18[%rem3A_17] : memref<2x!tpu.dma_semaphore, #tpu.memory_space<semaphore_mem>> -> memref<1x!tpu.dma_semaphore, #tpu.memory_space<semaphore_mem>>
      %dma_start3A_71 = tpu.memref_squeeze %dma_start3A_70 : memref<1x!tpu.dma_semaphore, #tpu.memory_space<semaphore_mem>> -> memref<!tpu.dma_semaphore, #tpu.memory_space<semaphore_mem>>
      tpu.enqueue_indirect_dma source(%dma_start3A_69 : memref<10000x256xf32, #tpu.memory_space<hbm>>) target(%dma_start3A_63 : memref<40x256xf32, #tpu.memory_space<vmem>>) offsets(%dma_start3A_66 : memref<40xi32, #tpu.memory_space<vmem>>) semaphore(%dma_start3A_71 : memref<!tpu.dma_semaphore, #tpu.memory_space<semaphore_mem>>)
    } else {
    }
    %dma_start3A = arith.constant 0 : i32
    %dma_start3A_28 = arith.constant 0 : i32
    %dma_start3A_29 = arith.constant 0 : i32
    %dma_start3A_30 = tpu.memref_slice %arg14[%rem3A_17, %dma_start3A_28, %dma_start3A_29] : memref<2x40x16xf32, #tpu.memory_space<vmem>> -> memref<1x40x16xf32, #tpu.memory_space<vmem>>
    %dma_start3A_31 = tpu.memref_squeeze %dma_start3A_30 : memref<1x40x16xf32, #tpu.memory_space<vmem>> -> memref<40x16xf32, #tpu.memory_space<vmem>>
    %dma_start3A_32 = arith.constant 0 : i32
    %dma_start3A_33 = tpu.memref_slice %arg10[%dma_start3A, %dma_start3A_32] : memref<250x40xi32, #tpu.memory_space<vmem>> -> memref<1x40xi32, #tpu.memory_space<vmem>>
    %dma_start3A_34 = tpu.memref_squeeze %dma_start3A_33 : memref<1x40xi32, #tpu.memory_space<vmem>> -> memref<40xi32, #tpu.memory_space<vmem>>
    %dma_start3A_35 = arith.constant 0 : i32
    %dma_start3A_36 = arith.constant 0 : i32
    %dma_start3A_37 = tpu.memref_slice %arg3[%dma_start3A_35, %dma_start3A_36] : memref<10000x16xf32, #tpu.memory_space<hbm>> -> memref<10000x16xf32, #tpu.memory_space<hbm>>
    %dma_start3A_38 = tpu.memref_slice %arg19[%rem3A_17] : memref<2x!tpu.dma_semaphore, #tpu.memory_space<semaphore_mem>> -> memref<1x!tpu.dma_semaphore, #tpu.memory_space<semaphore_mem>>
    %dma_start3A_39 = tpu.memref_squeeze %dma_start3A_38 : memref<1x!tpu.dma_semaphore, #tpu.memory_space<semaphore_mem>> -> memref<!tpu.dma_semaphore, #tpu.memory_space<semaphore_mem>>
    tpu.enqueue_indirect_dma source(%dma_start3A_37 : memref<10000x16xf32, #tpu.memory_space<hbm>>) target(%dma_start3A_31 : memref<40x16xf32, #tpu.memory_space<vmem>>) offsets(%dma_start3A_34 : memref<40xi32, #tpu.memory_space<vmem>>) semaphore(%dma_start3A_39 : memref<!tpu.dma_semaphore, #tpu.memory_space<semaphore_mem>>)
    %scan3A_40 = arith.constant 0 : i32
    %scan3A_41 = arith.constant 0 : i32
    %scan3A_42 = arith.constant 250 : i32
    %scan3A_43 = arith.addi %scan3A_41, %scan3A_42 : i32
    %scan3A_44 = arith.constant 1 : i32
    scf.for %scan3A_59 = %scan3A_41 to %scan3A_43 step %scan3A_44  : i32 {
      %rem3A_60 = arith.constant 2 : i32
      %rem3A_61 = arith.remsi %scan3A_59, %rem3A_60 : i32
      %mul3A_62 = arith.constant 40 : i32
      %mul3A_63 = arith.muli %scan3A_59, %mul3A_62 : i32
      %add3A_64 = arith.addi %mul3A_15, %mul3A_63 : i32
      "tpu.region"() ({
        %run_scoped3A = tpu.sem_alloc : memref<!tpu.dma_semaphore, #tpu.memory_space<semaphore_mem>>
        %dma_start3A_98 = arith.constant 0 : i32
        %dma_start3A_99 = tpu.memref_slice %arg2[%add3A_64, %dma_start3A_98] : memref<160000x16xf32, #tpu.memory_space<hbm>> -> memref<40x16xf32, #tpu.memory_space<hbm>>
        %dma_start3A_100 = arith.constant 0 : i32
        %dma_start3A_101 = tpu.memref_slice %arg2[%add3A_64, %dma_start3A_100] : memref<160000x16xf32, #tpu.memory_space<hbm>> -> memref<40x16xf32, #tpu.memory_space<hbm>>
        tpu.enqueue_dma source(%dma_start3A_101 : memref<40x16xf32, #tpu.memory_space<hbm>>) target(%arg13 : memref<40x16xf32, #tpu.memory_space<vmem>>) target_semaphore(%run_scoped3A : memref<!tpu.dma_semaphore, #tpu.memory_space<semaphore_mem>>)
        %dma_wait3A_102 = arith.constant 0 : i32
        %dma_wait3A_103 = tpu.memref_slice %arg2[%add3A_64, %dma_wait3A_102] : memref<160000x16xf32, #tpu.memory_space<hbm>> -> memref<40x16xf32, #tpu.memory_space<hbm>>
        %dma_wait3A_104 = arith.constant 0 : i32
        %dma_wait3A_105 = tpu.memref_slice %arg2[%add3A_64, %dma_wait3A_104] : memref<160000x16xf32, #tpu.memory_space<hbm>> -> memref<40x16xf32, #tpu.memory_space<hbm>>
        tpu.wait_dma2 semaphore(%run_scoped3A : memref<!tpu.dma_semaphore, #tpu.memory_space<semaphore_mem>>) src(%dma_wait3A_105 : memref<40x16xf32, #tpu.memory_space<hbm>>) dst(%arg13 : memref<40x16xf32, #tpu.memory_space<vmem>>)
        tpu.yield
      }) : () -> ()
      %dma_wait3A = arith.constant 0 : i32
      %dma_wait3A_65 = arith.constant 0 : i32
      %dma_wait3A_66 = tpu.memref_slice %arg12[%rem3A_61, %dma_wait3A, %dma_wait3A_65] : memref<2x40x256xf32, #tpu.memory_space<vmem>> -> memref<1x40x256xf32, #tpu.memory_space<vmem>>
      %dma_wait3A_67 = tpu.memref_squeeze %dma_wait3A_66 : memref<1x40x256xf32, #tpu.memory_space<vmem>> -> memref<40x256xf32, #tpu.memory_space<vmem>>
      %dma_wait3A_68 = arith.constant 0 : i32
      %dma_wait3A_69 = tpu.memref_slice %arg11[%scan3A_59, %dma_wait3A_68] : memref<250x40xi32, #tpu.memory_space<vmem>> -> memref<1x40xi32, #tpu.memory_space<vmem>>
      %dma_wait3A_70 = tpu.memref_squeeze %dma_wait3A_69 : memref<1x40xi32, #tpu.memory_space<vmem>> -> memref<40xi32, #tpu.memory_space<vmem>>
      %dma_wait3A_71 = arith.constant 0 : i32
      %dma_wait3A_72 = arith.constant 0 : i32
      %dma_wait3A_73 = tpu.memref_slice %arg4[%dma_wait3A_71, %dma_wait3A_72] : memref<10000x256xf32, #tpu.memory_space<hbm>> -> memref<10000x256xf32, #tpu.memory_space<hbm>>
      %dma_wait3A_74 = tpu.memref_slice %arg18[%rem3A_61] : memref<2x!tpu.dma_semaphore, #tpu.memory_space<semaphore_mem>> -> memref<1x!tpu.dma_semaphore, #tpu.memory_space<semaphore_mem>>
      %dma_wait3A_75 = tpu.memref_squeeze %dma_wait3A_74 : memref<1x!tpu.dma_semaphore, #tpu.memory_space<semaphore_mem>> -> memref<!tpu.dma_semaphore, #tpu.memory_space<semaphore_mem>>
      tpu.wait_indirect_dma semaphore(%dma_wait3A_75 : memref<!tpu.dma_semaphore, #tpu.memory_space<semaphore_mem>>) src(%dma_wait3A_73 : memref<10000x256xf32, #tpu.memory_space<hbm>>) dst(%dma_wait3A_67 : memref<40x256xf32, #tpu.memory_space<vmem>>)
      %dma_wait3A_76 = arith.constant 0 : i32
      %dma_wait3A_77 = arith.constant 0 : i32
      %dma_wait3A_78 = tpu.memref_slice %arg14[%rem3A_61, %dma_wait3A_76, %dma_wait3A_77] : memref<2x40x16xf32, #tpu.memory_space<vmem>> -> memref<1x40x16xf32, #tpu.memory_space<vmem>>
      %dma_wait3A_79 = tpu.memref_squeeze %dma_wait3A_78 : memref<1x40x16xf32, #tpu.memory_space<vmem>> -> memref<40x16xf32, #tpu.memory_space<vmem>>
      %dma_wait3A_80 = arith.constant 0 : i32
      %dma_wait3A_81 = tpu.memref_slice %arg10[%scan3A_59, %dma_wait3A_80] : memref<250x40xi32, #tpu.memory_space<vmem>> -> memref<1x40xi32, #tpu.memory_space<vmem>>
      %dma_wait3A_82 = tpu.memref_squeeze %dma_wait3A_81 : memref<1x40xi32, #tpu.memory_space<vmem>> -> memref<40xi32, #tpu.memory_space<vmem>>
      %dma_wait3A_83 = arith.constant 0 : i32
      %dma_wait3A_84 = arith.constant 0 : i32
      %dma_wait3A_85 = tpu.memref_slice %arg3[%dma_wait3A_83, %dma_wait3A_84] : memref<10000x16xf32, #tpu.memory_space<hbm>> -> memref<10000x16xf32, #tpu.memory_space<hbm>>
      %dma_wait3A_86 = tpu.memref_slice %arg19[%rem3A_61] : memref<2x!tpu.dma_semaphore, #tpu.memory_space<semaphore_mem>> -> memref<1x!tpu.dma_semaphore, #tpu.memory_space<semaphore_mem>>
      %dma_wait3A_87 = tpu.memref_squeeze %dma_wait3A_86 : memref<1x!tpu.dma_semaphore, #tpu.memory_space<semaphore_mem>> -> memref<!tpu.dma_semaphore, #tpu.memory_space<semaphore_mem>>
      tpu.wait_indirect_dma semaphore(%dma_wait3A_87 : memref<!tpu.dma_semaphore, #tpu.memory_space<semaphore_mem>>) src(%dma_wait3A_85 : memref<10000x16xf32, #tpu.memory_space<hbm>>) dst(%dma_wait3A_79 : memref<40x16xf32, #tpu.memory_space<vmem>>)
      %lt3A = arith.constant 249 : i32
      %lt3A_88 = arith.cmpi slt, %scan3A_59, %lt3A : i32
      %convert_element_type3A_89 = arith.extui %lt3A_88 : i1 to i32
      %cond3A_90 = arith.constant 0 : i32
      %cond3A_91 = arith.cmpi ne, %convert_element_type3A_89, %cond3A_90 : i32
      scf.if %cond3A_91 {
        %add3A_98 = arith.constant 1 : i32
        %add3A_99 = arith.addi %scan3A_59, %add3A_98 : i32
        %rem3A_100 = arith.constant 2 : i32
        %rem3A_101 = arith.remsi %add3A_99, %rem3A_100 : i32
        %eq3A_102 = arith.constant 0 : i32
        %eq3A_103 = arith.cmpi eq, %arg0, %eq3A_102 : i32
        %convert_element_type3A_104 = arith.extui %eq3A_103 : i1 to i32
        %cond3A_105 = arith.constant 0 : i32
        %cond3A_106 = arith.cmpi ne, %convert_element_type3A_104, %cond3A_105 : i32
        scf.if %cond3A_106 {
          %dma_start3A_124 = arith.constant 0 : i32
          %dma_start3A_125 = arith.constant 0 : i32
          %dma_start3A_126 = tpu.memref_slice %arg12[%rem3A_101, %dma_start3A_124, %dma_start3A_125] : memref<2x40x256xf32, #tpu.memory_space<vmem>> -> memref<1x40x256xf32, #tpu.memory_space<vmem>>
          %dma_start3A_127 = tpu.memref_squeeze %dma_start3A_126 : memref<1x40x256xf32, #tpu.memory_space<vmem>> -> memref<40x256xf32, #tpu.memory_space<vmem>>
          %dma_start3A_128 = arith.constant 0 : i32
          %dma_start3A_129 = tpu.memref_slice %arg11[%add3A_99, %dma_start3A_128] : memref<250x40xi32, #tpu.memory_space<vmem>> -> memref<1x40xi32, #tpu.memory_space<vmem>>
          %dma_start3A_130 = tpu.memref_squeeze %dma_start3A_129 : memref<1x40xi32, #tpu.memory_space<vmem>> -> memref<40xi32, #tpu.memory_space<vmem>>
          %dma_start3A_131 = arith.constant 0 : i32
          %dma_start3A_132 = arith.constant 0 : i32
          %dma_start3A_133 = tpu.memref_slice %arg4[%dma_start3A_131, %dma_start3A_132] : memref<10000x256xf32, #tpu.memory_space<hbm>> -> memref<10000x256xf32, #tpu.memory_space<hbm>>
          %dma_start3A_134 = tpu.memref_slice %arg18[%rem3A_101] : memref<2x!tpu.dma_semaphore, #tpu.memory_space<semaphore_mem>> -> memref<1x!tpu.dma_semaphore, #tpu.memory_space<semaphore_mem>>
          %dma_start3A_135 = tpu.memref_squeeze %dma_start3A_134 : memref<1x!tpu.dma_semaphore, #tpu.memory_space<semaphore_mem>> -> memref<!tpu.dma_semaphore, #tpu.memory_space<semaphore_mem>>
          tpu.enqueue_indirect_dma source(%dma_start3A_133 : memref<10000x256xf32, #tpu.memory_space<hbm>>) target(%dma_start3A_127 : memref<40x256xf32, #tpu.memory_space<vmem>>) offsets(%dma_start3A_130 : memref<40xi32, #tpu.memory_space<vmem>>) semaphore(%dma_start3A_135 : memref<!tpu.dma_semaphore, #tpu.memory_space<semaphore_mem>>)
        } else {
        }
        %eq3A_107 = arith.constant 1 : i32
        %eq3A_108 = arith.cmpi eq, %arg0, %eq3A_107 : i32
        %convert_element_type3A_109 = arith.extui %eq3A_108 : i1 to i32
        %cond3A_110 = arith.constant 0 : i32
        %cond3A_111 = arith.cmpi ne, %convert_element_type3A_109, %cond3A_110 : i32
        scf.if %cond3A_111 {
          %dma_start3A_124 = arith.constant 0 : i32
          %dma_start3A_125 = arith.constant 0 : i32
          %dma_start3A_126 = tpu.memref_slice %arg12[%rem3A_101, %dma_start3A_124, %dma_start3A_125] : memref<2x40x256xf32, #tpu.memory_space<vmem>> -> memref<1x40x256xf32, #tpu.memory_space<vmem>>
          %dma_start3A_127 = tpu.memref_squeeze %dma_start3A_126 : memref<1x40x256xf32, #tpu.memory_space<vmem>> -> memref<40x256xf32, #tpu.memory_space<vmem>>
          %dma_start3A_128 = arith.constant 0 : i32
          %dma_start3A_129 = tpu.memref_slice %arg11[%add3A_99, %dma_start3A_128] : memref<250x40xi32, #tpu.memory_space<vmem>> -> memref<1x40xi32, #tpu.memory_space<vmem>>
          %dma_start3A_130 = tpu.memref_squeeze %dma_start3A_129 : memref<1x40xi32, #tpu.memory_space<vmem>> -> memref<40xi32, #tpu.memory_space<vmem>>
          %dma_start3A_131 = arith.constant 0 : i32
          %dma_start3A_132 = arith.constant 0 : i32
          %dma_start3A_133 = tpu.memref_slice %arg5[%dma_start3A_131, %dma_start3A_132] : memref<10000x256xf32, #tpu.memory_space<hbm>> -> memref<10000x256xf32, #tpu.memory_space<hbm>>
          %dma_start3A_134 = tpu.memref_slice %arg18[%rem3A_101] : memref<2x!tpu.dma_semaphore, #tpu.memory_space<semaphore_mem>> -> memref<1x!tpu.dma_semaphore, #tpu.memory_space<semaphore_mem>>
          %dma_start3A_135 = tpu.memref_squeeze %dma_start3A_134 : memref<1x!tpu.dma_semaphore, #tpu.memory_space<semaphore_mem>> -> memref<!tpu.dma_semaphore, #tpu.memory_space<semaphore_mem>>
          tpu.enqueue_indirect_dma source(%dma_start3A_133 : memref<10000x256xf32, #tpu.memory_space<hbm>>) target(%dma_start3A_127 : memref<40x256xf32, #tpu.memory_space<vmem>>) offsets(%dma_start3A_130 : memref<40xi32, #tpu.memory_space<vmem>>) semaphore(%dma_start3A_135 : memref<!tpu.dma_semaphore, #tpu.memory_space<semaphore_mem>>)
        } else {
        }
        %dma_start3A_112 = arith.constant 0 : i32
        %dma_start3A_113 = arith.constant 0 : i32
        %dma_start3A_114 = tpu.memref_slice %arg14[%rem3A_101, %dma_start3A_112, %dma_start3A_113] : memref<2x40x16xf32, #tpu.memory_space<vmem>> -> memref<1x40x16xf32, #tpu.memory_space<vmem>>
        %dma_start3A_115 = tpu.memref_squeeze %dma_start3A_114 : memref<1x40x16xf32, #tpu.memory_space<vmem>> -> memref<40x16xf32, #tpu.memory_space<vmem>>
        %dma_start3A_116 = arith.constant 0 : i32
        %dma_start3A_117 = tpu.memref_slice %arg10[%add3A_99, %dma_start3A_116] : memref<250x40xi32, #tpu.memory_space<vmem>> -> memref<1x40xi32, #tpu.memory_space<vmem>>
        %dma_start3A_118 = tpu.memref_squeeze %dma_start3A_117 : memref<1x40xi32, #tpu.memory_space<vmem>> -> memref<40xi32, #tpu.memory_space<vmem>>
        %dma_start3A_119 = arith.constant 0 : i32
        %dma_start3A_120 = arith.constant 0 : i32
        %dma_start3A_121 = tpu.memref_slice %arg3[%dma_start3A_119, %dma_start3A_120] : memref<10000x16xf32, #tpu.memory_space<hbm>> -> memref<10000x16xf32, #tpu.memory_space<hbm>>
        %dma_start3A_122 = tpu.memref_slice %arg19[%rem3A_101] : memref<2x!tpu.dma_semaphore, #tpu.memory_space<semaphore_mem>> -> memref<1x!tpu.dma_semaphore, #tpu.memory_space<semaphore_mem>>
        %dma_start3A_123 = tpu.memref_squeeze %dma_start3A_122 : memref<1x!tpu.dma_semaphore, #tpu.memory_space<semaphore_mem>> -> memref<!tpu.dma_semaphore, #tpu.memory_space<semaphore_mem>>
        tpu.enqueue_indirect_dma source(%dma_start3A_121 : memref<10000x16xf32, #tpu.memory_space<hbm>>) target(%dma_start3A_115 : memref<40x16xf32, #tpu.memory_space<vmem>>) offsets(%dma_start3A_118 : memref<40xi32, #tpu.memory_space<vmem>>) semaphore(%dma_start3A_123 : memref<!tpu.dma_semaphore, #tpu.memory_space<semaphore_mem>>)
      } else {
      }
      %scan3A_92 = arith.constant 0 : i32
      %scan3A_93 = arith.constant 0 : i32
      %scan3A_94 = arith.constant 40 : i32
      %scan3A_95 = arith.addi %scan3A_93, %scan3A_94 : i32
      %scan3A_96 = arith.constant 1 : i32
      scf.for %scan3A_98 = %scan3A_93 to %scan3A_95 step %scan3A_96  : i32 {
        %get3A = arith.index_cast %scan3A_98 : i32 to index
        %get3A_99 = arith.constant 0 : index
        %get3A_100 = tpu.vector_load %arg13[%get3A, %get3A_99] {strides = array<i32>} : memref<40x16xf32, #tpu.memory_space<vmem>>, vector<16xf32>,
        %get3A_101 = arith.index_cast %rem3A_61 : i32 to index
        %get3A_102 = arith.index_cast %scan3A_98 : i32 to index
        %get3A_103 = arith.constant 0 : index
        %get3A_104 = tpu.vector_load %arg14[%get3A_101, %get3A_102, %get3A_103] {strides = array<i32>} : memref<2x40x16xf32, #tpu.memory_space<vmem>>, vector<16xf32>,
        %mul3A_105 = arith.mulf %get3A_100, %get3A_104 : vector<16xf32>
        %get3A_106 = arith.index_cast %rem3A_61 : i32 to index
        %get3A_107 = arith.index_cast %scan3A_98 : i32 to index
        %get3A_108 = arith.constant 0 : index
        %get3A_109 = tpu.vector_load %arg12[%get3A_106, %get3A_107, %get3A_108] {strides = array<i32>} : memref<2x40x256xf32, #tpu.memory_space<vmem>>, vector<16xf32>,
        %slice3A = vector.extract_strided_slice %mul3A_105 {offsets = [0], sizes = [1], strides = [1]} : vector<16xf32> to vector<1xf32>
        %squeeze3A = vector.extract %slice3A[0] : f32 from vector<1xf32>
        %mul3A_110 = vector.broadcast %squeeze3A : f32 to vector<16xf32>
        %mul3A_111 = arith.mulf %get3A_109, %mul3A_110 : vector<16xf32>
        %get3A_112 = arith.index_cast %rem3A_61 : i32 to index
        %get3A_113 = arith.index_cast %scan3A_98 : i32 to index
        %get3A_114 = arith.constant 64 : index
        %get3A_115 = tpu.vector_load %arg12[%get3A_112, %get3A_113, %get3A_114] {strides = array<i32>} : memref<2x40x256xf32, #tpu.memory_space<vmem>>, vector<16xf32>,
        %slice3A_116 = vector.extract_strided_slice %mul3A_105 {offsets = [1], sizes = [1], strides = [1]} : vector<16xf32> to vector<1xf32>
        %squeeze3A_117 = vector.extract %slice3A_116[0] : f32 from vector<1xf32>
        %mul3A_118 = vector.broadcast %squeeze3A_117 : f32 to vector<16xf32>
        %mul3A_119 = arith.mulf %get3A_115, %mul3A_118 : vector<16xf32>
        %add3A_120 = arith.addf %mul3A_111, %mul3A_119 : vector<16xf32>
        %get3A_121 = arith.index_cast %rem3A_61 : i32 to index
        %get3A_122 = arith.index_cast %scan3A_98 : i32 to index
        %get3A_123 = arith.constant 128 : index
        %get3A_124 = tpu.vector_load %arg12[%get3A_121, %get3A_122, %get3A_123] {strides = array<i32>} : memref<2x40x256xf32, #tpu.memory_space<vmem>>, vector<16xf32>,
        %slice3A_125 = vector.extract_strided_slice %mul3A_105 {offsets = [2], sizes = [1], strides = [1]} : vector<16xf32> to vector<1xf32>
        %squeeze3A_126 = vector.extract %slice3A_125[0] : f32 from vector<1xf32>
        %mul3A_127 = vector.broadcast %squeeze3A_126 : f32 to vector<16xf32>
        %mul3A_128 = arith.mulf %get3A_124, %mul3A_127 : vector<16xf32>
        %add3A_129 = arith.addf %add3A_120, %mul3A_128 : vector<16xf32>
        %get3A_130 = arith.index_cast %rem3A_61 : i32 to index
        %get3A_131 = arith.index_cast %scan3A_98 : i32 to index
        %get3A_132 = arith.constant 192 : index
        %get3A_133 = tpu.vector_load %arg12[%get3A_130, %get3A_131, %get3A_132] {strides = array<i32>} : memref<2x40x256xf32, #tpu.memory_space<vmem>>, vector<16xf32>,
        %slice3A_134 = vector.extract_strided_slice %mul3A_105 {offsets = [3], sizes = [1], strides = [1]} : vector<16xf32> to vector<1xf32>
        %squeeze3A_135 = vector.extract %slice3A_134[0] : f32 from vector<1xf32>
        %mul3A_136 = vector.broadcast %squeeze3A_135 : f32 to vector<16xf32>
        %mul3A_137 = arith.mulf %get3A_133, %mul3A_136 : vector<16xf32>
        %add3A_138 = arith.addf %add3A_129, %mul3A_137 : vector<16xf32>
        %swap3A = arith.index_cast %rem3A_61 : i32 to index
        %swap3A_139 = arith.index_cast %scan3A_98 : i32 to index
        %swap3A_140 = arith.constant 0 : index
        %swap3A_141 = tpu.vector_load %arg15[%swap3A, %swap3A_139, %swap3A_140] {strides = array<i32>} : memref<2x40x64xf32, #tpu.memory_space<vmem>>, vector<16xf32>,
        tpu.vector_store %arg15[%swap3A, %swap3A_139, %swap3A_140], %add3A_138 {strides = array<i32>} : memref<2x40x64xf32, #tpu.memory_space<vmem>>, vector<16xf32>,
        %get3A_142 = arith.index_cast %rem3A_61 : i32 to index
        %get3A_143 = arith.index_cast %scan3A_98 : i32 to index
        %get3A_144 = arith.constant 16 : index
        %get3A_145 = tpu.vector_load %arg12[%get3A_142, %get3A_143, %get3A_144] {strides = array<i32>} : memref<2x40x256xf32, #tpu.memory_space<vmem>>, vector<16xf32>,
        %slice3A_146 = vector.extract_strided_slice %mul3A_105 {offsets = [0], sizes = [1], strides = [1]} : vector<16xf32> to vector<1xf32>
        %squeeze3A_147 = vector.extract %slice3A_146[0] : f32 from vector<1xf32>
        %mul3A_148 = vector.broadcast %squeeze3A_147 : f32 to vector<16xf32>
        %mul3A_149 = arith.mulf %get3A_145, %mul3A_148 : vector<16xf32>
        %get3A_150 = arith.index_cast %rem3A_61 : i32 to index
        %get3A_151 = arith.index_cast %scan3A_98 : i32 to index
        %get3A_152 = arith.constant 80 : index
        %get3A_153 = tpu.vector_load %arg12[%get3A_150, %get3A_151, %get3A_152] {strides = array<i32>} : memref<2x40x256xf32, #tpu.memory_space<vmem>>, vector<16xf32>,
        %slice3A_154 = vector.extract_strided_slice %mul3A_105 {offsets = [1], sizes = [1], strides = [1]} : vector<16xf32> to vector<1xf32>
        %squeeze3A_155 = vector.extract %slice3A_154[0] : f32 from vector<1xf32>
        %mul3A_156 = vector.broadcast %squeeze3A_155 : f32 to vector<16xf32>
        %mul3A_157 = arith.mulf %get3A_153, %mul3A_156 : vector<16xf32>
        %add3A_158 = arith.addf %mul3A_149, %mul3A_157 : vector<16xf32>
        %get3A_159 = arith.index_cast %rem3A_61 : i32 to index
        %get3A_160 = arith.index_cast %scan3A_98 : i32 to index
        %get3A_161 = arith.constant 144 : index
        %get3A_162 = tpu.vector_load %arg12[%get3A_159, %get3A_160, %get3A_161] {strides = array<i32>} : memref<2x40x256xf32, #tpu.memory_space<vmem>>, vector<16xf32>,
        %slice3A_163 = vector.extract_strided_slice %mul3A_105 {offsets = [2], sizes = [1], strides = [1]} : vector<16xf32> to vector<1xf32>
        %squeeze3A_164 = vector.extract %slice3A_163[0] : f32 from vector<1xf32>
        %mul3A_165 = vector.broadcast %squeeze3A_164 : f32 to vector<16xf32>
        %mul3A_166 = arith.mulf %get3A_162, %mul3A_165 : vector<16xf32>
        %add3A_167 = arith.addf %add3A_158, %mul3A_166 : vector<16xf32>
        %get3A_168 = arith.index_cast %rem3A_61 : i32 to index
        %get3A_169 = arith.index_cast %scan3A_98 : i32 to index
        %get3A_170 = arith.constant 208 : index
        %get3A_171 = tpu.vector_load %arg12[%get3A_168, %get3A_169, %get3A_170] {strides = array<i32>} : memref<2x40x256xf32, #tpu.memory_space<vmem>>, vector<16xf32>,
        %slice3A_172 = vector.extract_strided_slice %mul3A_105 {offsets = [3], sizes = [1], strides = [1]} : vector<16xf32> to vector<1xf32>
        %squeeze3A_173 = vector.extract %slice3A_172[0] : f32 from vector<1xf32>
        %mul3A_174 = vector.broadcast %squeeze3A_173 : f32 to vector<16xf32>
        %mul3A_175 = arith.mulf %get3A_171, %mul3A_174 : vector<16xf32>
        %add3A_176 = arith.addf %add3A_167, %mul3A_175 : vector<16xf32>
        %swap3A_177 = arith.index_cast %rem3A_61 : i32 to index
        %swap3A_178 = arith.index_cast %scan3A_98 : i32 to index
        %swap3A_179 = arith.constant 16 : index
        %swap3A_180 = tpu.vector_load %arg15[%swap3A_177, %swap3A_178, %swap3A_179] {strides = array<i32>} : memref<2x40x64xf32, #tpu.memory_space<vmem>>, vector<16xf32>,
        tpu.vector_store %arg15[%swap3A_177, %swap3A_178, %swap3A_179], %add3A_176 {strides = array<i32>} : memref<2x40x64xf32, #tpu.memory_space<vmem>>, vector<16xf32>,
        %get3A_181 = arith.index_cast %rem3A_61 : i32 to index
        %get3A_182 = arith.index_cast %scan3A_98 : i32 to index
        %get3A_183 = arith.constant 32 : index
        %get3A_184 = tpu.vector_load %arg12[%get3A_181, %get3A_182, %get3A_183] {strides = array<i32>} : memref<2x40x256xf32, #tpu.memory_space<vmem>>, vector<16xf32>,
        %slice3A_185 = vector.extract_strided_slice %mul3A_105 {offsets = [0], sizes = [1], strides = [1]} : vector<16xf32> to vector<1xf32>
        %squeeze3A_186 = vector.extract %slice3A_185[0] : f32 from vector<1xf32>
        %mul3A_187 = vector.broadcast %squeeze3A_186 : f32 to vector<16xf32>
        %mul3A_188 = arith.mulf %get3A_184, %mul3A_187 : vector<16xf32>
        %get3A_189 = arith.index_cast %rem3A_61 : i32 to index
        %get3A_190 = arith.index_cast %scan3A_98 : i32 to index
        %get3A_191 = arith.constant 96 : index
        %get3A_192 = tpu.vector_load %arg12[%get3A_189, %get3A_190, %get3A_191] {strides = array<i32>} : memref<2x40x256xf32, #tpu.memory_space<vmem>>, vector<16xf32>,
        %slice3A_193 = vector.extract_strided_slice %mul3A_105 {offsets = [1], sizes = [1], strides = [1]} : vector<16xf32> to vector<1xf32>
        %squeeze3A_194 = vector.extract %slice3A_193[0] : f32 from vector<1xf32>
        %mul3A_195 = vector.broadcast %squeeze3A_194 : f32 to vector<16xf32>
        %mul3A_196 = arith.mulf %get3A_192, %mul3A_195 : vector<16xf32>
        %add3A_197 = arith.addf %mul3A_188, %mul3A_196 : vector<16xf32>
        %get3A_198 = arith.index_cast %rem3A_61 : i32 to index
        %get3A_199 = arith.index_cast %scan3A_98 : i32 to index
        %get3A_200 = arith.constant 160 : index
        %get3A_201 = tpu.vector_load %arg12[%get3A_198, %get3A_199, %get3A_200] {strides = array<i32>} : memref<2x40x256xf32, #tpu.memory_space<vmem>>, vector<16xf32>,
        %slice3A_202 = vector.extract_strided_slice %mul3A_105 {offsets = [2], sizes = [1], strides = [1]} : vector<16xf32> to vector<1xf32>
        %squeeze3A_203 = vector.extract %slice3A_202[0] : f32 from vector<1xf32>
        %mul3A_204 = vector.broadcast %squeeze3A_203 : f32 to vector<16xf32>
        %mul3A_205 = arith.mulf %get3A_201, %mul3A_204 : vector<16xf32>
        %add3A_206 = arith.addf %add3A_197, %mul3A_205 : vector<16xf32>
        %get3A_207 = arith.index_cast %rem3A_61 : i32 to index
        %get3A_208 = arith.index_cast %scan3A_98 : i32 to index
        %get3A_209 = arith.constant 224 : index
        %get3A_210 = tpu.vector_load %arg12[%get3A_207, %get3A_208, %get3A_209] {strides = array<i32>} : memref<2x40x256xf32, #tpu.memory_space<vmem>>, vector<16xf32>,
        %slice3A_211 = vector.extract_strided_slice %mul3A_105 {offsets = [3], sizes = [1], strides = [1]} : vector<16xf32> to vector<1xf32>
        %squeeze3A_212 = vector.extract %slice3A_211[0] : f32 from vector<1xf32>
        %mul3A_213 = vector.broadcast %squeeze3A_212 : f32 to vector<16xf32>
        %mul3A_214 = arith.mulf %get3A_210, %mul3A_213 : vector<16xf32>
        %add3A_215 = arith.addf %add3A_206, %mul3A_214 : vector<16xf32>
        %swap3A_216 = arith.index_cast %rem3A_61 : i32 to index
        %swap3A_217 = arith.index_cast %scan3A_98 : i32 to index
        %swap3A_218 = arith.constant 32 : index
        %swap3A_219 = tpu.vector_load %arg15[%swap3A_216, %swap3A_217, %swap3A_218] {strides = array<i32>} : memref<2x40x64xf32, #tpu.memory_space<vmem>>, vector<16xf32>,
        tpu.vector_store %arg15[%swap3A_216, %swap3A_217, %swap3A_218], %add3A_215 {strides = array<i32>} : memref<2x40x64xf32, #tpu.memory_space<vmem>>, vector<16xf32>,
        %get3A_220 = arith.index_cast %rem3A_61 : i32 to index
        %get3A_221 = arith.index_cast %scan3A_98 : i32 to index
        %get3A_222 = arith.constant 48 : index
        %get3A_223 = tpu.vector_load %arg12[%get3A_220, %get3A_221, %get3A_222] {strides = array<i32>} : memref<2x40x256xf32, #tpu.memory_space<vmem>>, vector<16xf32>,
        %slice3A_224 = vector.extract_strided_slice %mul3A_105 {offsets = [0], sizes = [1], strides = [1]} : vector<16xf32> to vector<1xf32>
        %squeeze3A_225 = vector.extract %slice3A_224[0] : f32 from vector<1xf32>
        %mul3A_226 = vector.broadcast %squeeze3A_225 : f32 to vector<16xf32>
        %mul3A_227 = arith.mulf %get3A_223, %mul3A_226 : vector<16xf32>
        %get3A_228 = arith.index_cast %rem3A_61 : i32 to index
        %get3A_229 = arith.index_cast %scan3A_98 : i32 to index
        %get3A_230 = arith.constant 112 : index
        %get3A_231 = tpu.vector_load %arg12[%get3A_228, %get3A_229, %get3A_230] {strides = array<i32>} : memref<2x40x256xf32, #tpu.memory_space<vmem>>, vector<16xf32>,
        %slice3A_232 = vector.extract_strided_slice %mul3A_105 {offsets = [1], sizes = [1], strides = [1]} : vector<16xf32> to vector<1xf32>
        %squeeze3A_233 = vector.extract %slice3A_232[0] : f32 from vector<1xf32>
        %mul3A_234 = vector.broadcast %squeeze3A_233 : f32 to vector<16xf32>
        %mul3A_235 = arith.mulf %get3A_231, %mul3A_234 : vector<16xf32>
        %add3A_236 = arith.addf %mul3A_227, %mul3A_235 : vector<16xf32>
        %get3A_237 = arith.index_cast %rem3A_61 : i32 to index
        %get3A_238 = arith.index_cast %scan3A_98 : i32 to index
        %get3A_239 = arith.constant 176 : index
        %get3A_240 = tpu.vector_load %arg12[%get3A_237, %get3A_238, %get3A_239] {strides = array<i32>} : memref<2x40x256xf32, #tpu.memory_space<vmem>>, vector<16xf32>,
        %slice3A_241 = vector.extract_strided_slice %mul3A_105 {offsets = [2], sizes = [1], strides = [1]} : vector<16xf32> to vector<1xf32>
        %squeeze3A_242 = vector.extract %slice3A_241[0] : f32 from vector<1xf32>
        %mul3A_243 = vector.broadcast %squeeze3A_242 : f32 to vector<16xf32>
        %mul3A_244 = arith.mulf %get3A_240, %mul3A_243 : vector<16xf32>
        %add3A_245 = arith.addf %add3A_236, %mul3A_244 : vector<16xf32>
        %get3A_246 = arith.index_cast %rem3A_61 : i32 to index
        %get3A_247 = arith.index_cast %scan3A_98 : i32 to index
        %get3A_248 = arith.constant 240 : index
        %get3A_249 = tpu.vector_load %arg12[%get3A_246, %get3A_247, %get3A_248] {strides = array<i32>} : memref<2x40x256xf32, #tpu.memory_space<vmem>>, vector<16xf32>,
        %slice3A_250 = vector.extract_strided_slice %mul3A_105 {offsets = [3], sizes = [1], strides = [1]} : vector<16xf32> to vector<1xf32>
        %squeeze3A_251 = vector.extract %slice3A_250[0] : f32 from vector<1xf32>
        %mul3A_252 = vector.broadcast %squeeze3A_251 : f32 to vector<16xf32>
        %mul3A_253 = arith.mulf %get3A_249, %mul3A_252 : vector<16xf32>
        %add3A_254 = arith.addf %add3A_245, %mul3A_253 : vector<16xf32>
        %swap3A_255 = arith.index_cast %rem3A_61 : i32 to index
        %swap3A_256 = arith.index_cast %scan3A_98 : i32 to index
        %swap3A_257 = arith.constant 48 : index
        %swap3A_258 = tpu.vector_load %arg15[%swap3A_255, %swap3A_256, %swap3A_257] {strides = array<i32>} : memref<2x40x64xf32, #tpu.memory_space<vmem>>, vector<16xf32>,
        tpu.vector_store %arg15[%swap3A_255, %swap3A_256, %swap3A_257], %add3A_254 {strides = array<i32>} : memref<2x40x64xf32, #tpu.memory_space<vmem>>, vector<16xf32>,
      }
      %scan3A_97 = arith.constant 40 : i32
      "tpu.region"() ({
        %run_scoped3A = tpu.sem_alloc : memref<!tpu.dma_semaphore, #tpu.memory_space<semaphore_mem>>
        %dma_start3A_98 = arith.constant 0 : i32
        %dma_start3A_99 = arith.constant 0 : i32
        %dma_start3A_100 = tpu.memref_slice %arg15[%rem3A_61, %dma_start3A_98, %dma_start3A_99] : memref<2x40x64xf32, #tpu.memory_space<vmem>> -> memref<1x40x64xf32, #tpu.memory_space<vmem>>
        %dma_start3A_101 = tpu.memref_squeeze %dma_start3A_100 : memref<1x40x64xf32, #tpu.memory_space<vmem>> -> memref<40x64xf32, #tpu.memory_space<vmem>>
        %dma_start3A_102 = arith.constant 0 : i32
        %dma_start3A_103 = tpu.memref_slice %arg10[%scan3A_59, %dma_start3A_102] : memref<250x40xi32, #tpu.memory_space<vmem>> -> memref<1x40xi32, #tpu.memory_space<vmem>>
        %dma_start3A_104 = tpu.memref_squeeze %dma_start3A_103 : memref<1x40xi32, #tpu.memory_space<vmem>> -> memref<40xi32, #tpu.memory_space<vmem>>
        %dma_start3A_105 = arith.constant 0 : i32
        %dma_start3A_106 = arith.constant 0 : i32
        %dma_start3A_107 = tpu.memref_slice %arg17[%dma_start3A_105, %dma_start3A_106] : memref<10000x64xf32, #tpu.memory_space<vmem_shared>> -> memref<10000x64xf32, #tpu.memory_space<vmem_shared>>
        tpu.enqueue_indirect_dma source(%dma_start3A_101 : memref<40x64xf32, #tpu.memory_space<vmem>>) target(%dma_start3A_107 : memref<10000x64xf32, #tpu.memory_space<vmem_shared>>) offsets(%dma_start3A_104 : memref<40xi32, #tpu.memory_space<vmem>>) semaphore(%run_scoped3A : memref<!tpu.dma_semaphore, #tpu.memory_space<semaphore_mem>>) {add = true}
        %dma_wait3A_108 = arith.constant 0 : i32
        %dma_wait3A_109 = arith.constant 0 : i32
        %dma_wait3A_110 = tpu.memref_slice %arg15[%rem3A_61, %dma_wait3A_108, %dma_wait3A_109] : memref<2x40x64xf32, #tpu.memory_space<vmem>> -> memref<1x40x64xf32, #tpu.memory_space<vmem>>
        %dma_wait3A_111 = tpu.memref_squeeze %dma_wait3A_110 : memref<1x40x64xf32, #tpu.memory_space<vmem>> -> memref<40x64xf32, #tpu.memory_space<vmem>>
        %dma_wait3A_112 = arith.constant 0 : i32
        %dma_wait3A_113 = tpu.memref_slice %arg10[%scan3A_59, %dma_wait3A_112] : memref<250x40xi32, #tpu.memory_space<vmem>> -> memref<1x40xi32, #tpu.memory_space<vmem>>
        %dma_wait3A_114 = tpu.memref_squeeze %dma_wait3A_113 : memref<1x40xi32, #tpu.memory_space<vmem>> -> memref<40xi32, #tpu.memory_space<vmem>>
        %dma_wait3A_115 = arith.constant 0 : i32
        %dma_wait3A_116 = arith.constant 0 : i32
        %dma_wait3A_117 = tpu.memref_slice %arg17[%dma_wait3A_115, %dma_wait3A_116] : memref<10000x64xf32, #tpu.memory_space<vmem_shared>> -> memref<10000x64xf32, #tpu.memory_space<vmem_shared>>
        tpu.wait_indirect_dma semaphore(%run_scoped3A : memref<!tpu.dma_semaphore, #tpu.memory_space<semaphore_mem>>) src(%dma_wait3A_111 : memref<40x64xf32, #tpu.memory_space<vmem>>) dst(%dma_wait3A_117 : memref<10000x64xf32, #tpu.memory_space<vmem_shared>>)
        tpu.yield
      }) : () -> ()
    }
    %scan3A_45 = arith.constant 250 : i32
    %barrier3A_46 = arith.constant 0 : index
    tpu.barrier barrier_id(%barrier3A_46)
    %mul3A_47 = arith.constant 624 : i32
    %mul3A_48 = arith.muli %arg1, %mul3A_47 : i32
    %eq3A_49 = arith.constant 0 : i32
    %eq3A_50 = arith.cmpi eq, %arg0, %eq3A_49 : i32
    %convert_element_type3A_51 = arith.extui %eq3A_50 : i1 to i32
    %cond3A_52 = arith.constant 0 : i32
    %cond3A_53 = arith.cmpi ne, %convert_element_type3A_51, %cond3A_52 : i32
    scf.if %cond3A_53 {
      %lt3A = arith.constant 15 : i32
      %lt3A_59 = arith.cmpi slt, %arg1, %lt3A : i32
      %convert_element_type3A_60 = arith.extui %lt3A_59 : i1 to i32
      %cond3A_61 = arith.constant 0 : i32
      %cond3A_62 = arith.cmpi ne, %convert_element_type3A_60, %cond3A_61 : i32
      scf.if %cond3A_62 {
        "tpu.region"() ({
          %run_scoped3A = tpu.sem_alloc : memref<!tpu.dma_semaphore, #tpu.memory_space<semaphore_mem>>
          %dma_start3A_68 = arith.constant 0 : i32
          %dma_start3A_69 = tpu.memref_slice %arg8[%mul3A_48, %dma_start3A_68] : memref<10000x64xf32, #tpu.memory_space<hbm>> -> memref<624x64xf32, #tpu.memory_space<hbm>>
          %dma_start3A_70 = arith.constant 0 : i32
          %dma_start3A_71 = tpu.memref_slice %arg17[%mul3A_48, %dma_start3A_70] : memref<10000x64xf32, #tpu.memory_space<vmem_shared>> -> memref<624x64xf32, #tpu.memory_space<vmem_shared>>
          tpu.enqueue_dma source(%dma_start3A_71 : memref<624x64xf32, #tpu.memory_space<vmem_shared>>) target(%dma_start3A_69 : memref<624x64xf32, #tpu.memory_space<hbm>>) target_semaphore(%run_scoped3A : memref<!tpu.dma_semaphore, #tpu.memory_space<semaphore_mem>>)
          %dma_wait3A = arith.constant 0 : i32
          %dma_wait3A_72 = tpu.memref_slice %arg8[%mul3A_48, %dma_wait3A] : memref<10000x64xf32, #tpu.memory_space<hbm>> -> memref<624x64xf32, #tpu.memory_space<hbm>>
          %dma_wait3A_73 = arith.constant 0 : i32
          %dma_wait3A_74 = tpu.memref_slice %arg17[%mul3A_48, %dma_wait3A_73] : memref<10000x64xf32, #tpu.memory_space<vmem_shared>> -> memref<624x64xf32, #tpu.memory_space<vmem_shared>>
          tpu.wait_dma2 semaphore(%run_scoped3A : memref<!tpu.dma_semaphore, #tpu.memory_space<semaphore_mem>>) src(%dma_wait3A_74 : memref<624x64xf32, #tpu.memory_space<vmem_shared>>) dst(%dma_wait3A_72 : memref<624x64xf32, #tpu.memory_space<hbm>>)
          tpu.yield
        }) : () -> ()
      } else {
      }
      %eq3A_63 = arith.constant 15 : i32
      %eq3A_64 = arith.cmpi eq, %arg1, %eq3A_63 : i32
      %convert_element_type3A_65 = arith.extui %eq3A_64 : i1 to i32
      %cond3A_66 = arith.constant 0 : i32
      %cond3A_67 = arith.cmpi ne, %convert_element_type3A_65, %cond3A_66 : i32
      scf.if %cond3A_67 {
        "tpu.region"() ({
          %run_scoped3A = tpu.sem_alloc : memref<!tpu.dma_semaphore, #tpu.memory_space<semaphore_mem>>
          %dma_start3A_68 = arith.constant 9360 : i32
          %dma_start3A_69 = arith.constant 0 : i32
          %dma_start3A_70 = tpu.memref_slice %arg8[%dma_start3A_68, %dma_start3A_69] : memref<10000x64xf32, #tpu.memory_space<hbm>> -> memref<640x64xf32, #tpu.memory_space<hbm>>
          %dma_start3A_71 = arith.constant 9360 : i32
          %dma_start3A_72 = arith.constant 0 : i32
          %dma_start3A_73 = tpu.memref_slice %arg17[%dma_start3A_71, %dma_start3A_72] : memref<10000x64xf32, #tpu.memory_space<vmem_shared>> -> memref<640x64xf32, #tpu.memory_space<vmem_shared>>
          tpu.enqueue_dma source(%dma_start3A_73 : memref<640x64xf32, #tpu.memory_space<vmem_shared>>) target(%dma_start3A_70 : memref<640x64xf32, #tpu.memory_space<hbm>>) target_semaphore(%run_scoped3A : memref<!tpu.dma_semaphore, #tpu.memory_space<semaphore_mem>>)
          %dma_wait3A = arith.constant 9360 : i32
          %dma_wait3A_74 = arith.constant 0 : i32
          %dma_wait3A_75 = tpu.memref_slice %arg8[%dma_wait3A, %dma_wait3A_74] : memref<10000x64xf32, #tpu.memory_space<hbm>> -> memref<640x64xf32, #tpu.memory_space<hbm>>
          %dma_wait3A_76 = arith.constant 9360 : i32
          %dma_wait3A_77 = arith.constant 0 : i32
          %dma_wait3A_78 = tpu.memref_slice %arg17[%dma_wait3A_76, %dma_wait3A_77] : memref<10000x64xf32, #tpu.memory_space<vmem_shared>> -> memref<640x64xf32, #tpu.memory_space<vmem_shared>>
          tpu.wait_dma2 semaphore(%run_scoped3A : memref<!tpu.dma_semaphore, #tpu.memory_space<semaphore_mem>>) src(%dma_wait3A_78 : memref<640x64xf32, #tpu.memory_space<vmem_shared>>) dst(%dma_wait3A_75 : memref<640x64xf32, #tpu.memory_space<hbm>>)
          tpu.yield
        }) : () -> ()
      } else {
      }
    } else {
    }
    %eq3A_54 = arith.constant 1 : i32
    %eq3A_55 = arith.cmpi eq, %arg0, %eq3A_54 : i32
    %convert_element_type3A_56 = arith.extui %eq3A_55 : i1 to i32
    %cond3A_57 = arith.constant 0 : i32
    %cond3A_58 = arith.cmpi ne, %convert_element_type3A_56, %cond3A_57 : i32
    scf.if %cond3A_58 {
      %lt3A = arith.constant 15 : i32
      %lt3A_59 = arith.cmpi slt, %arg1, %lt3A : i32
      %convert_element_type3A_60 = arith.extui %lt3A_59 : i1 to i32
      %cond3A_61 = arith.constant 0 : i32
      %cond3A_62 = arith.cmpi ne, %convert_element_type3A_60, %cond3A_61 : i32
      scf.if %cond3A_62 {
        "tpu.region"() ({
          %run_scoped3A = tpu.sem_alloc : memref<!tpu.dma_semaphore, #tpu.memory_space<semaphore_mem>>
          %dma_start3A_68 = arith.constant 0 : i32
          %dma_start3A_69 = tpu.memref_slice %arg9[%mul3A_48, %dma_start3A_68] : memref<10000x64xf32, #tpu.memory_space<hbm>> -> memref<624x64xf32, #tpu.memory_space<hbm>>
          %dma_start3A_70 = arith.constant 0 : i32
          %dma_start3A_71 = tpu.memref_slice %arg17[%mul3A_48, %dma_start3A_70] : memref<10000x64xf32, #tpu.memory_space<vmem_shared>> -> memref<624x64xf32, #tpu.memory_space<vmem_shared>>
          tpu.enqueue_dma source(%dma_start3A_71 : memref<624x64xf32, #tpu.memory_space<vmem_shared>>) target(%dma_start3A_69 : memref<624x64xf32, #tpu.memory_space<hbm>>) target_semaphore(%run_scoped3A : memref<!tpu.dma_semaphore, #tpu.memory_space<semaphore_mem>>)
          %dma_wait3A = arith.constant 0 : i32
          %dma_wait3A_72 = tpu.memref_slice %arg9[%mul3A_48, %dma_wait3A] : memref<10000x64xf32, #tpu.memory_space<hbm>> -> memref<624x64xf32, #tpu.memory_space<hbm>>
          %dma_wait3A_73 = arith.constant 0 : i32
          %dma_wait3A_74 = tpu.memref_slice %arg17[%mul3A_48, %dma_wait3A_73] : memref<10000x64xf32, #tpu.memory_space<vmem_shared>> -> memref<624x64xf32, #tpu.memory_space<vmem_shared>>
          tpu.wait_dma2 semaphore(%run_scoped3A : memref<!tpu.dma_semaphore, #tpu.memory_space<semaphore_mem>>) src(%dma_wait3A_74 : memref<624x64xf32, #tpu.memory_space<vmem_shared>>) dst(%dma_wait3A_72 : memref<624x64xf32, #tpu.memory_space<hbm>>)
          tpu.yield
        }) : () -> ()
      } else {
      }
      %eq3A_63 = arith.constant 15 : i32
      %eq3A_64 = arith.cmpi eq, %arg1, %eq3A_63 : i32
      %convert_element_type3A_65 = arith.extui %eq3A_64 : i1 to i32
      %cond3A_66 = arith.constant 0 : i32
      %cond3A_67 = arith.cmpi ne, %convert_element_type3A_65, %cond3A_66 : i32
      scf.if %cond3A_67 {
        "tpu.region"() ({
          %run_scoped3A = tpu.sem_alloc : memref<!tpu.dma_semaphore, #tpu.memory_space<semaphore_mem>>
          %dma_start3A_68 = arith.constant 9360 : i32
          %dma_start3A_69 = arith.constant 0 : i32
          %dma_start3A_70 = tpu.memref_slice %arg9[%dma_start3A_68, %dma_start3A_69] : memref<10000x64xf32, #tpu.memory_space<hbm>> -> memref<640x64xf32, #tpu.memory_space<hbm>>
          %dma_start3A_71 = arith.constant 9360 : i32
          %dma_start3A_72 = arith.constant 0 : i32
          %dma_start3A_73 = tpu.memref_slice %arg17[%dma_start3A_71, %dma_start3A_72] : memref<10000x64xf32, #tpu.memory_space<vmem_shared>> -> memref<640x64xf32, #tpu.memory_space<vmem_shared>>
          tpu.enqueue_dma source(%dma_start3A_73 : memref<640x64xf32, #tpu.memory_space<vmem_shared>>) target(%dma_start3A_70 : memref<640x64xf32, #tpu.memory_space<hbm>>) target_semaphore(%run_scoped3A : memref<!tpu.dma_semaphore, #tpu.memory_space<semaphore_mem>>)
          %dma_wait3A = arith.constant 9360 : i32
          %dma_wait3A_74 = arith.constant 0 : i32
          %dma_wait3A_75 = tpu.memref_slice %arg9[%dma_wait3A, %dma_wait3A_74] : memref<10000x64xf32, #tpu.memory_space<hbm>> -> memref<640x64xf32, #tpu.memory_space<hbm>>
          %dma_wait3A_76 = arith.constant 9360 : i32
          %dma_wait3A_77 = arith.constant 0 : i32
          %dma_wait3A_78 = tpu.memref_slice %arg17[%dma_wait3A_76, %dma_wait3A_77] : memref<10000x64xf32, #tpu.memory_space<vmem_shared>> -> memref<640x64xf32, #tpu.memory_space<vmem_shared>>
          tpu.wait_dma2 semaphore(%run_scoped3A : memref<!tpu.dma_semaphore, #tpu.memory_space<semaphore_mem>>) src(%dma_wait3A_78 : memref<640x64xf32, #tpu.memory_space<vmem_shared>>) dst(%dma_wait3A_75 : memref<640x64xf32, #tpu.memory_space<hbm>>)
          tpu.yield
        }) : () -> ()
      } else {
      }
    } else {
    }
    return
  }
}

#map = affine_map<(d0, d1) -> (0, 0)>
#map1 = affine_map<(d0, d1) -> (0, 0, 0)>
module attributes {stable_mosaic.version = 14 : i64} {
  func.func @_edge_body(%arg0: i32, %arg1: i32, %arg2: memref<10000x512xi32, #tpu.memory_space<hbm>>, %arg3: memref<10000x512xi32, #tpu.memory_space<hbm>>, %arg4: memref<32x125x40xi32, #tpu.memory_space<hbm>>, %arg5: memref<32x125x40xi32, #tpu.memory_space<hbm>>, %arg6: memref<160000x16xf32, #tpu.memory_space<hbm>>, %arg7: memref<10000x16xf32, #tpu.memory_space<hbm>>, %arg8: memref<10000x16xf32, #tpu.memory_space<hbm>>, %arg9: memref<125x40xi32, #tpu.memory_space<vmem>>, %arg10: memref<125x40xi32, #tpu.memory_space<vmem>>, %arg11: memref<2x40x512xi32, #tpu.memory_space<vmem>>, %arg12: memref<2x40x512xi32, #tpu.memory_space<vmem>>, %arg13: memref<40x16xf32, #tpu.memory_space<vmem>>, %arg14: memref<640x16xf32, #tpu.memory_space<vmem>>, %arg15: memref<10000x16xf32, #tpu.memory_space<vmem_shared>>, %arg16: memref<2x!tpu.dma_semaphore, #tpu.memory_space<semaphore_mem>>, %arg17: memref<2x!tpu.dma_semaphore, #tpu.memory_space<semaphore_mem>>) attributes {dimension_semantics = [#tpu.dimension_semantics<core_parallel>, #tpu.dimension_semantics<subcore_parallel>], iteration_bounds = array<i64: 2, 16>, scalar_prefetch = 0 : i64, scratch_operands = 9 : i64, tpu.core_type = #tpu.core_type<sc_vector_subcore>, window_params = [{transform_indices = #map}, {transform_indices = #map}, {transform_indices = #map1}, {transform_indices = #map1}, {transform_indices = #map}, {transform_indices = #map}, {transform_indices = #map}]} {
    %mul3A = arith.constant 2 : i32
    %mul3A_0 = arith.muli %arg1, %mul3A : i32
    %add3A = arith.addi %mul3A_0, %arg0 : i32
    "tpu.region"() ({
      %run_scoped3A = tpu.sem_alloc : memref<!tpu.dma_semaphore, #tpu.memory_space<semaphore_mem>>
      %dma_start3A_61 = arith.constant 0 : i32
      %dma_start3A_62 = arith.constant 0 : i32
      %dma_start3A_63 = tpu.memref_slice %arg4[%add3A, %dma_start3A_61, %dma_start3A_62] : memref<32x125x40xi32, #tpu.memory_space<hbm>> -> memref<1x125x40xi32, #tpu.memory_space<hbm>>
      %dma_start3A_64 = tpu.memref_squeeze %dma_start3A_63 : memref<1x125x40xi32, #tpu.memory_space<hbm>> -> memref<125x40xi32, #tpu.memory_space<hbm>>
      %dma_start3A_65 = arith.constant 0 : i32
      %dma_start3A_66 = arith.constant 0 : i32
      %dma_start3A_67 = tpu.memref_slice %arg4[%add3A, %dma_start3A_65, %dma_start3A_66] : memref<32x125x40xi32, #tpu.memory_space<hbm>> -> memref<1x125x40xi32, #tpu.memory_space<hbm>>
      %dma_start3A_68 = tpu.memref_squeeze %dma_start3A_67 : memref<1x125x40xi32, #tpu.memory_space<hbm>> -> memref<125x40xi32, #tpu.memory_space<hbm>>
      tpu.enqueue_dma source(%dma_start3A_68 : memref<125x40xi32, #tpu.memory_space<hbm>>) target(%arg9 : memref<125x40xi32, #tpu.memory_space<vmem>>) target_semaphore(%run_scoped3A : memref<!tpu.dma_semaphore, #tpu.memory_space<semaphore_mem>>)
      %dma_wait3A = arith.constant 0 : i32
      %dma_wait3A_69 = arith.constant 0 : i32
      %dma_wait3A_70 = tpu.memref_slice %arg4[%add3A, %dma_wait3A, %dma_wait3A_69] : memref<32x125x40xi32, #tpu.memory_space<hbm>> -> memref<1x125x40xi32, #tpu.memory_space<hbm>>
      %dma_wait3A_71 = tpu.memref_squeeze %dma_wait3A_70 : memref<1x125x40xi32, #tpu.memory_space<hbm>> -> memref<125x40xi32, #tpu.memory_space<hbm>>
      %dma_wait3A_72 = arith.constant 0 : i32
      %dma_wait3A_73 = arith.constant 0 : i32
      %dma_wait3A_74 = tpu.memref_slice %arg4[%add3A, %dma_wait3A_72, %dma_wait3A_73] : memref<32x125x40xi32, #tpu.memory_space<hbm>> -> memref<1x125x40xi32, #tpu.memory_space<hbm>>
      %dma_wait3A_75 = tpu.memref_squeeze %dma_wait3A_74 : memref<1x125x40xi32, #tpu.memory_space<hbm>> -> memref<125x40xi32, #tpu.memory_space<hbm>>
      tpu.wait_dma2 semaphore(%run_scoped3A : memref<!tpu.dma_semaphore, #tpu.memory_space<semaphore_mem>>) src(%dma_wait3A_75 : memref<125x40xi32, #tpu.memory_space<hbm>>) dst(%arg9 : memref<125x40xi32, #tpu.memory_space<vmem>>)
      tpu.yield
    }) : () -> ()
    "tpu.region"() ({
      %run_scoped3A = tpu.sem_alloc : memref<!tpu.dma_semaphore, #tpu.memory_space<semaphore_mem>>
      %dma_start3A_61 = arith.constant 0 : i32
      %dma_start3A_62 = arith.constant 0 : i32
      %dma_start3A_63 = tpu.memref_slice %arg5[%add3A, %dma_start3A_61, %dma_start3A_62] : memref<32x125x40xi32, #tpu.memory_space<hbm>> -> memref<1x125x40xi32, #tpu.memory_space<hbm>>
      %dma_start3A_64 = tpu.memref_squeeze %dma_start3A_63 : memref<1x125x40xi32, #tpu.memory_space<hbm>> -> memref<125x40xi32, #tpu.memory_space<hbm>>
      %dma_start3A_65 = arith.constant 0 : i32
      %dma_start3A_66 = arith.constant 0 : i32
      %dma_start3A_67 = tpu.memref_slice %arg5[%add3A, %dma_start3A_65, %dma_start3A_66] : memref<32x125x40xi32, #tpu.memory_space<hbm>> -> memref<1x125x40xi32, #tpu.memory_space<hbm>>
      %dma_start3A_68 = tpu.memref_squeeze %dma_start3A_67 : memref<1x125x40xi32, #tpu.memory_space<hbm>> -> memref<125x40xi32, #tpu.memory_space<hbm>>
      tpu.enqueue_dma source(%dma_start3A_68 : memref<125x40xi32, #tpu.memory_space<hbm>>) target(%arg10 : memref<125x40xi32, #tpu.memory_space<vmem>>) target_semaphore(%run_scoped3A : memref<!tpu.dma_semaphore, #tpu.memory_space<semaphore_mem>>)
      %dma_wait3A = arith.constant 0 : i32
      %dma_wait3A_69 = arith.constant 0 : i32
      %dma_wait3A_70 = tpu.memref_slice %arg5[%add3A, %dma_wait3A, %dma_wait3A_69] : memref<32x125x40xi32, #tpu.memory_space<hbm>> -> memref<1x125x40xi32, #tpu.memory_space<hbm>>
      %dma_wait3A_71 = tpu.memref_squeeze %dma_wait3A_70 : memref<1x125x40xi32, #tpu.memory_space<hbm>> -> memref<125x40xi32, #tpu.memory_space<hbm>>
      %dma_wait3A_72 = arith.constant 0 : i32
      %dma_wait3A_73 = arith.constant 0 : i32
      %dma_wait3A_74 = tpu.memref_slice %arg5[%add3A, %dma_wait3A_72, %dma_wait3A_73] : memref<32x125x40xi32, #tpu.memory_space<hbm>> -> memref<1x125x40xi32, #tpu.memory_space<hbm>>
      %dma_wait3A_75 = tpu.memref_squeeze %dma_wait3A_74 : memref<1x125x40xi32, #tpu.memory_space<hbm>> -> memref<125x40xi32, #tpu.memory_space<hbm>>
      tpu.wait_dma2 semaphore(%run_scoped3A : memref<!tpu.dma_semaphore, #tpu.memory_space<semaphore_mem>>) src(%dma_wait3A_75 : memref<125x40xi32, #tpu.memory_space<hbm>>) dst(%arg10 : memref<125x40xi32, #tpu.memory_space<vmem>>)
      tpu.yield
    }) : () -> ()
    %broadcast_in_dim3A = arith.constant 0.000000e+00 : f32
    %broadcast_in_dim3A_1 = vector.broadcast %broadcast_in_dim3A : f32 to vector<16xf32>
    %scan3A = arith.constant 0 : i32
    %scan3A_2 = arith.constant 0 : i32
    %scan3A_3 = arith.constant 640 : i32
    %scan3A_4 = arith.addi %scan3A_2, %scan3A_3 : i32
    %scan3A_5 = arith.constant 1 : i32
    scf.for %scan3A_61 = %scan3A_2 to %scan3A_4 step %scan3A_5  : i32 {
      %swap3A = arith.index_cast %scan3A_61 : i32 to index
      %swap3A_62 = arith.constant 0 : index
      %swap3A_63 = tpu.vector_load %arg14[%swap3A, %swap3A_62] {strides = array<i32>} : memref<640x16xf32, #tpu.memory_space<vmem>>, vector<16xf32>,
      tpu.vector_store %arg14[%swap3A, %swap3A_62], %broadcast_in_dim3A_1 {strides = array<i32>} : memref<640x16xf32, #tpu.memory_space<vmem>>, vector<16xf32>,
    }
    %scan3A_6 = arith.constant 640 : i32
    %lt3A = arith.constant 15 : i32
    %lt3A_7 = arith.cmpi slt, %arg1, %lt3A : i32
    %convert_element_type3A = arith.extui %lt3A_7 : i1 to i32
    %cond3A = arith.constant 0 : i32
    %cond3A_8 = arith.cmpi ne, %convert_element_type3A, %cond3A : i32
    scf.if %cond3A_8 {
      %mul3A_61 = arith.constant 624 : i32
      %mul3A_62 = arith.muli %arg1, %mul3A_61 : i32
      "tpu.region"() ({
        %run_scoped3A = tpu.sem_alloc : memref<!tpu.dma_semaphore, #tpu.memory_space<semaphore_mem>>
        %dma_start3A_63 = arith.constant 0 : i32
        %dma_start3A_64 = arith.constant 0 : i32
        %dma_start3A_65 = tpu.memref_slice %arg14[%dma_start3A_63, %dma_start3A_64] : memref<640x16xf32, #tpu.memory_space<vmem>> -> memref<624x16xf32, #tpu.memory_space<vmem>>
        %dma_start3A_66 = arith.constant 0 : i32
        %dma_start3A_67 = tpu.memref_slice %arg15[%mul3A_62, %dma_start3A_66] : memref<10000x16xf32, #tpu.memory_space<vmem_shared>> -> memref<624x16xf32, #tpu.memory_space<vmem_shared>>
        %dma_start3A_68 = arith.constant 0 : i32
        %dma_start3A_69 = tpu.memref_slice %arg15[%mul3A_62, %dma_start3A_68] : memref<10000x16xf32, #tpu.memory_space<vmem_shared>> -> memref<624x16xf32, #tpu.memory_space<vmem_shared>>
        %dma_start3A_70 = arith.constant 0 : i32
        %dma_start3A_71 = arith.constant 0 : i32
        %dma_start3A_72 = tpu.memref_slice %arg14[%dma_start3A_70, %dma_start3A_71] : memref<640x16xf32, #tpu.memory_space<vmem>> -> memref<624x16xf32, #tpu.memory_space<vmem>>
        tpu.enqueue_dma source(%dma_start3A_72 : memref<624x16xf32, #tpu.memory_space<vmem>>) target(%dma_start3A_69 : memref<624x16xf32, #tpu.memory_space<vmem_shared>>) target_semaphore(%run_scoped3A : memref<!tpu.dma_semaphore, #tpu.memory_space<semaphore_mem>>)
        %dma_wait3A = arith.constant 0 : i32
        %dma_wait3A_73 = arith.constant 0 : i32
        %dma_wait3A_74 = tpu.memref_slice %arg14[%dma_wait3A, %dma_wait3A_73] : memref<640x16xf32, #tpu.memory_space<vmem>> -> memref<624x16xf32, #tpu.memory_space<vmem>>
        %dma_wait3A_75 = arith.constant 0 : i32
        %dma_wait3A_76 = tpu.memref_slice %arg15[%mul3A_62, %dma_wait3A_75] : memref<10000x16xf32, #tpu.memory_space<vmem_shared>> -> memref<624x16xf32, #tpu.memory_space<vmem_shared>>
        %dma_wait3A_77 = arith.constant 0 : i32
        %dma_wait3A_78 = tpu.memref_slice %arg15[%mul3A_62, %dma_wait3A_77] : memref<10000x16xf32, #tpu.memory_space<vmem_shared>> -> memref<624x16xf32, #tpu.memory_space<vmem_shared>>
        %dma_wait3A_79 = arith.constant 0 : i32
        %dma_wait3A_80 = arith.constant 0 : i32
        %dma_wait3A_81 = tpu.memref_slice %arg14[%dma_wait3A_79, %dma_wait3A_80] : memref<640x16xf32, #tpu.memory_space<vmem>> -> memref<624x16xf32, #tpu.memory_space<vmem>>
        tpu.wait_dma2 semaphore(%run_scoped3A : memref<!tpu.dma_semaphore, #tpu.memory_space<semaphore_mem>>) src(%dma_wait3A_81 : memref<624x16xf32, #tpu.memory_space<vmem>>) dst(%dma_wait3A_78 : memref<624x16xf32, #tpu.memory_space<vmem_shared>>)
        tpu.yield
      }) : () -> ()
    } else {
    }
    %eq3A = arith.constant 15 : i32
    %eq3A_9 = arith.cmpi eq, %arg1, %eq3A : i32
    %convert_element_type3A_10 = arith.extui %eq3A_9 : i1 to i32
    %cond3A_11 = arith.constant 0 : i32
    %cond3A_12 = arith.cmpi ne, %convert_element_type3A_10, %cond3A_11 : i32
    scf.if %cond3A_12 {
      "tpu.region"() ({
        %run_scoped3A = tpu.sem_alloc : memref<!tpu.dma_semaphore, #tpu.memory_space<semaphore_mem>>
        %dma_start3A_61 = arith.constant 9360 : i32
        %dma_start3A_62 = arith.constant 0 : i32
        %dma_start3A_63 = tpu.memref_slice %arg15[%dma_start3A_61, %dma_start3A_62] : memref<10000x16xf32, #tpu.memory_space<vmem_shared>> -> memref<640x16xf32, #tpu.memory_space<vmem_shared>>
        %dma_start3A_64 = arith.constant 9360 : i32
        %dma_start3A_65 = arith.constant 0 : i32
        %dma_start3A_66 = tpu.memref_slice %arg15[%dma_start3A_64, %dma_start3A_65] : memref<10000x16xf32, #tpu.memory_space<vmem_shared>> -> memref<640x16xf32, #tpu.memory_space<vmem_shared>>
        tpu.enqueue_dma source(%arg14 : memref<640x16xf32, #tpu.memory_space<vmem>>) target(%dma_start3A_66 : memref<640x16xf32, #tpu.memory_space<vmem_shared>>) target_semaphore(%run_scoped3A : memref<!tpu.dma_semaphore, #tpu.memory_space<semaphore_mem>>)
        %dma_wait3A = arith.constant 9360 : i32
        %dma_wait3A_67 = arith.constant 0 : i32
        %dma_wait3A_68 = tpu.memref_slice %arg15[%dma_wait3A, %dma_wait3A_67] : memref<10000x16xf32, #tpu.memory_space<vmem_shared>> -> memref<640x16xf32, #tpu.memory_space<vmem_shared>>
        %dma_wait3A_69 = arith.constant 9360 : i32
        %dma_wait3A_70 = arith.constant 0 : i32
        %dma_wait3A_71 = tpu.memref_slice %arg15[%dma_wait3A_69, %dma_wait3A_70] : memref<10000x16xf32, #tpu.memory_space<vmem_shared>> -> memref<640x16xf32, #tpu.memory_space<vmem_shared>>
        tpu.wait_dma2 semaphore(%run_scoped3A : memref<!tpu.dma_semaphore, #tpu.memory_space<semaphore_mem>>) src(%arg14 : memref<640x16xf32, #tpu.memory_space<vmem>>) dst(%dma_wait3A_71 : memref<640x16xf32, #tpu.memory_space<vmem_shared>>)
        tpu.yield
      }) : () -> ()
    } else {
    }
    %barrier3A = arith.constant 0 : index
    tpu.barrier barrier_id(%barrier3A)
    %iota3A = tpu.iota {dimensions = array<i32: 0>} : vector<16xi32>
    %broadcast_in_dim3A_13 = arith.constant -65536 : i32
    %broadcast_in_dim3A_14 = vector.broadcast %broadcast_in_dim3A_13 : i32 to vector<16xi32>
    %rem3A = arith.constant 0 : i32
    %rem3A_15 = arith.constant 2 : i32
    %rem3A_16 = arith.remsi %rem3A, %rem3A_15 : i32
    %dma_start3A = arith.constant 0 : i32
    %dma_start3A_17 = arith.constant 0 : i32
    %dma_start3A_18 = arith.constant 0 : i32
    %dma_start3A_19 = tpu.memref_slice %arg11[%rem3A_16, %dma_start3A_17, %dma_start3A_18] : memref<2x40x512xi32, #tpu.memory_space<vmem>> -> memref<1x40x512xi32, #tpu.memory_space<vmem>>
    %dma_start3A_20 = tpu.memref_squeeze %dma_start3A_19 : memref<1x40x512xi32, #tpu.memory_space<vmem>> -> memref<40x512xi32, #tpu.memory_space<vmem>>
    %dma_start3A_21 = arith.constant 0 : i32
    %dma_start3A_22 = tpu.memref_slice %arg9[%dma_start3A, %dma_start3A_21] : memref<125x40xi32, #tpu.memory_space<vmem>> -> memref<1x40xi32, #tpu.memory_space<vmem>>
    %dma_start3A_23 = tpu.memref_squeeze %dma_start3A_22 : memref<1x40xi32, #tpu.memory_space<vmem>> -> memref<40xi32, #tpu.memory_space<vmem>>
    %dma_start3A_24 = arith.constant 0 : i32
    %dma_start3A_25 = arith.constant 0 : i32
    %dma_start3A_26 = tpu.memref_slice %arg2[%dma_start3A_24, %dma_start3A_25] : memref<10000x512xi32, #tpu.memory_space<hbm>> -> memref<10000x512xi32, #tpu.memory_space<hbm>>
    %dma_start3A_27 = tpu.memref_slice %arg16[%rem3A_16] : memref<2x!tpu.dma_semaphore, #tpu.memory_space<semaphore_mem>> -> memref<1x!tpu.dma_semaphore, #tpu.memory_space<semaphore_mem>>
    %dma_start3A_28 = tpu.memref_squeeze %dma_start3A_27 : memref<1x!tpu.dma_semaphore, #tpu.memory_space<semaphore_mem>> -> memref<!tpu.dma_semaphore, #tpu.memory_space<semaphore_mem>>
    tpu.enqueue_indirect_dma source(%dma_start3A_26 : memref<10000x512xi32, #tpu.memory_space<hbm>>) target(%dma_start3A_20 : memref<40x512xi32, #tpu.memory_space<vmem>>) offsets(%dma_start3A_23 : memref<40xi32, #tpu.memory_space<vmem>>) semaphore(%dma_start3A_28 : memref<!tpu.dma_semaphore, #tpu.memory_space<semaphore_mem>>)
    %dma_start3A_29 = arith.constant 0 : i32
    %dma_start3A_30 = arith.constant 0 : i32
    %dma_start3A_31 = arith.constant 0 : i32
    %dma_start3A_32 = tpu.memref_slice %arg12[%rem3A_16, %dma_start3A_30, %dma_start3A_31] : memref<2x40x512xi32, #tpu.memory_space<vmem>> -> memref<1x40x512xi32, #tpu.memory_space<vmem>>
    %dma_start3A_33 = tpu.memref_squeeze %dma_start3A_32 : memref<1x40x512xi32, #tpu.memory_space<vmem>> -> memref<40x512xi32, #tpu.memory_space<vmem>>
    %dma_start3A_34 = arith.constant 0 : i32
    %dma_start3A_35 = tpu.memref_slice %arg10[%dma_start3A_29, %dma_start3A_34] : memref<125x40xi32, #tpu.memory_space<vmem>> -> memref<1x40xi32, #tpu.memory_space<vmem>>
    %dma_start3A_36 = tpu.memref_squeeze %dma_start3A_35 : memref<1x40xi32, #tpu.memory_space<vmem>> -> memref<40xi32, #tpu.memory_space<vmem>>
    %dma_start3A_37 = arith.constant 0 : i32
    %dma_start3A_38 = arith.constant 0 : i32
    %dma_start3A_39 = tpu.memref_slice %arg3[%dma_start3A_37, %dma_start3A_38] : memref<10000x512xi32, #tpu.memory_space<hbm>> -> memref<10000x512xi32, #tpu.memory_space<hbm>>
    %dma_start3A_40 = tpu.memref_slice %arg17[%rem3A_16] : memref<2x!tpu.dma_semaphore, #tpu.memory_space<semaphore_mem>> -> memref<1x!tpu.dma_semaphore, #tpu.memory_space<semaphore_mem>>
    %dma_start3A_41 = tpu.memref_squeeze %dma_start3A_40 : memref<1x!tpu.dma_semaphore, #tpu.memory_space<semaphore_mem>> -> memref<!tpu.dma_semaphore, #tpu.memory_space<semaphore_mem>>
    tpu.enqueue_indirect_dma source(%dma_start3A_39 : memref<10000x512xi32, #tpu.memory_space<hbm>>) target(%dma_start3A_33 : memref<40x512xi32, #tpu.memory_space<vmem>>) offsets(%dma_start3A_36 : memref<40xi32, #tpu.memory_space<vmem>>) semaphore(%dma_start3A_41 : memref<!tpu.dma_semaphore, #tpu.memory_space<semaphore_mem>>)
    %scan3A_42 = arith.constant 0 : i32
    %scan3A_43 = arith.constant 0 : i32
    %scan3A_44 = arith.constant 125 : i32
    %scan3A_45 = arith.addi %scan3A_43, %scan3A_44 : i32
    %scan3A_46 = arith.constant 1 : i32
    scf.for %scan3A_61 = %scan3A_43 to %scan3A_45 step %scan3A_46  : i32 {
      %rem3A_62 = arith.constant 2 : i32
      %rem3A_63 = arith.remsi %scan3A_61, %rem3A_62 : i32
      %dma_wait3A = arith.constant 0 : i32
      %dma_wait3A_64 = arith.constant 0 : i32
      %dma_wait3A_65 = tpu.memref_slice %arg11[%rem3A_63, %dma_wait3A, %dma_wait3A_64] : memref<2x40x512xi32, #tpu.memory_space<vmem>> -> memref<1x40x512xi32, #tpu.memory_space<vmem>>
      %dma_wait3A_66 = tpu.memref_squeeze %dma_wait3A_65 : memref<1x40x512xi32, #tpu.memory_space<vmem>> -> memref<40x512xi32, #tpu.memory_space<vmem>>
      %dma_wait3A_67 = arith.constant 0 : i32
      %dma_wait3A_68 = tpu.memref_slice %arg9[%scan3A_61, %dma_wait3A_67] : memref<125x40xi32, #tpu.memory_space<vmem>> -> memref<1x40xi32, #tpu.memory_space<vmem>>
      %dma_wait3A_69 = tpu.memref_squeeze %dma_wait3A_68 : memref<1x40xi32, #tpu.memory_space<vmem>> -> memref<40xi32, #tpu.memory_space<vmem>>
      %dma_wait3A_70 = arith.constant 0 : i32
      %dma_wait3A_71 = arith.constant 0 : i32
      %dma_wait3A_72 = tpu.memref_slice %arg2[%dma_wait3A_70, %dma_wait3A_71] : memref<10000x512xi32, #tpu.memory_space<hbm>> -> memref<10000x512xi32, #tpu.memory_space<hbm>>
      %dma_wait3A_73 = tpu.memref_slice %arg16[%rem3A_63] : memref<2x!tpu.dma_semaphore, #tpu.memory_space<semaphore_mem>> -> memref<1x!tpu.dma_semaphore, #tpu.memory_space<semaphore_mem>>
      %dma_wait3A_74 = tpu.memref_squeeze %dma_wait3A_73 : memref<1x!tpu.dma_semaphore, #tpu.memory_space<semaphore_mem>> -> memref<!tpu.dma_semaphore, #tpu.memory_space<semaphore_mem>>
      tpu.wait_indirect_dma semaphore(%dma_wait3A_74 : memref<!tpu.dma_semaphore, #tpu.memory_space<semaphore_mem>>) src(%dma_wait3A_72 : memref<10000x512xi32, #tpu.memory_space<hbm>>) dst(%dma_wait3A_66 : memref<40x512xi32, #tpu.memory_space<vmem>>)
      %dma_wait3A_75 = arith.constant 0 : i32
      %dma_wait3A_76 = arith.constant 0 : i32
      %dma_wait3A_77 = tpu.memref_slice %arg12[%rem3A_63, %dma_wait3A_75, %dma_wait3A_76] : memref<2x40x512xi32, #tpu.memory_space<vmem>> -> memref<1x40x512xi32, #tpu.memory_space<vmem>>
      %dma_wait3A_78 = tpu.memref_squeeze %dma_wait3A_77 : memref<1x40x512xi32, #tpu.memory_space<vmem>> -> memref<40x512xi32, #tpu.memory_space<vmem>>
      %dma_wait3A_79 = arith.constant 0 : i32
      %dma_wait3A_80 = tpu.memref_slice %arg10[%scan3A_61, %dma_wait3A_79] : memref<125x40xi32, #tpu.memory_space<vmem>> -> memref<1x40xi32, #tpu.memory_space<vmem>>
      %dma_wait3A_81 = tpu.memref_squeeze %dma_wait3A_80 : memref<1x40xi32, #tpu.memory_space<vmem>> -> memref<40xi32, #tpu.memory_space<vmem>>
      %dma_wait3A_82 = arith.constant 0 : i32
      %dma_wait3A_83 = arith.constant 0 : i32
      %dma_wait3A_84 = tpu.memref_slice %arg3[%dma_wait3A_82, %dma_wait3A_83] : memref<10000x512xi32, #tpu.memory_space<hbm>> -> memref<10000x512xi32, #tpu.memory_space<hbm>>
      %dma_wait3A_85 = tpu.memref_slice %arg17[%rem3A_63] : memref<2x!tpu.dma_semaphore, #tpu.memory_space<semaphore_mem>> -> memref<1x!tpu.dma_semaphore, #tpu.memory_space<semaphore_mem>>
      %dma_wait3A_86 = tpu.memref_squeeze %dma_wait3A_85 : memref<1x!tpu.dma_semaphore, #tpu.memory_space<semaphore_mem>> -> memref<!tpu.dma_semaphore, #tpu.memory_space<semaphore_mem>>
      tpu.wait_indirect_dma semaphore(%dma_wait3A_86 : memref<!tpu.dma_semaphore, #tpu.memory_space<semaphore_mem>>) src(%dma_wait3A_84 : memref<10000x512xi32, #tpu.memory_space<hbm>>) dst(%dma_wait3A_78 : memref<40x512xi32, #tpu.memory_space<vmem>>)
      %lt3A_87 = arith.constant 124 : i32
      %lt3A_88 = arith.cmpi slt, %scan3A_61, %lt3A_87 : i32
      %convert_element_type3A_89 = arith.extui %lt3A_88 : i1 to i32
      %cond3A_90 = arith.constant 0 : i32
      %cond3A_91 = arith.cmpi ne, %convert_element_type3A_89, %cond3A_90 : i32
      scf.if %cond3A_91 {
        %add3A_103 = arith.constant 1 : i32
        %add3A_104 = arith.addi %scan3A_61, %add3A_103 : i32
        %rem3A_105 = arith.constant 2 : i32
        %rem3A_106 = arith.remsi %add3A_104, %rem3A_105 : i32
        %dma_start3A_107 = arith.constant 0 : i32
        %dma_start3A_108 = arith.constant 0 : i32
        %dma_start3A_109 = tpu.memref_slice %arg11[%rem3A_106, %dma_start3A_107, %dma_start3A_108] : memref<2x40x512xi32, #tpu.memory_space<vmem>> -> memref<1x40x512xi32, #tpu.memory_space<vmem>>
        %dma_start3A_110 = tpu.memref_squeeze %dma_start3A_109 : memref<1x40x512xi32, #tpu.memory_space<vmem>> -> memref<40x512xi32, #tpu.memory_space<vmem>>
        %dma_start3A_111 = arith.constant 0 : i32
        %dma_start3A_112 = tpu.memref_slice %arg9[%add3A_104, %dma_start3A_111] : memref<125x40xi32, #tpu.memory_space<vmem>> -> memref<1x40xi32, #tpu.memory_space<vmem>>
        %dma_start3A_113 = tpu.memref_squeeze %dma_start3A_112 : memref<1x40xi32, #tpu.memory_space<vmem>> -> memref<40xi32, #tpu.memory_space<vmem>>
        %dma_start3A_114 = arith.constant 0 : i32
        %dma_start3A_115 = arith.constant 0 : i32
        %dma_start3A_116 = tpu.memref_slice %arg2[%dma_start3A_114, %dma_start3A_115] : memref<10000x512xi32, #tpu.memory_space<hbm>> -> memref<10000x512xi32, #tpu.memory_space<hbm>>
        %dma_start3A_117 = tpu.memref_slice %arg16[%rem3A_106] : memref<2x!tpu.dma_semaphore, #tpu.memory_space<semaphore_mem>> -> memref<1x!tpu.dma_semaphore, #tpu.memory_space<semaphore_mem>>
        %dma_start3A_118 = tpu.memref_squeeze %dma_start3A_117 : memref<1x!tpu.dma_semaphore, #tpu.memory_space<semaphore_mem>> -> memref<!tpu.dma_semaphore, #tpu.memory_space<semaphore_mem>>
        tpu.enqueue_indirect_dma source(%dma_start3A_116 : memref<10000x512xi32, #tpu.memory_space<hbm>>) target(%dma_start3A_110 : memref<40x512xi32, #tpu.memory_space<vmem>>) offsets(%dma_start3A_113 : memref<40xi32, #tpu.memory_space<vmem>>) semaphore(%dma_start3A_118 : memref<!tpu.dma_semaphore, #tpu.memory_space<semaphore_mem>>)
        %dma_start3A_119 = arith.constant 0 : i32
        %dma_start3A_120 = arith.constant 0 : i32
        %dma_start3A_121 = tpu.memref_slice %arg12[%rem3A_106, %dma_start3A_119, %dma_start3A_120] : memref<2x40x512xi32, #tpu.memory_space<vmem>> -> memref<1x40x512xi32, #tpu.memory_space<vmem>>
        %dma_start3A_122 = tpu.memref_squeeze %dma_start3A_121 : memref<1x40x512xi32, #tpu.memory_space<vmem>> -> memref<40x512xi32, #tpu.memory_space<vmem>>
        %dma_start3A_123 = arith.constant 0 : i32
        %dma_start3A_124 = tpu.memref_slice %arg10[%add3A_104, %dma_start3A_123] : memref<125x40xi32, #tpu.memory_space<vmem>> -> memref<1x40xi32, #tpu.memory_space<vmem>>
        %dma_start3A_125 = tpu.memref_squeeze %dma_start3A_124 : memref<1x40xi32, #tpu.memory_space<vmem>> -> memref<40xi32, #tpu.memory_space<vmem>>
        %dma_start3A_126 = arith.constant 0 : i32
        %dma_start3A_127 = arith.constant 0 : i32
        %dma_start3A_128 = tpu.memref_slice %arg3[%dma_start3A_126, %dma_start3A_127] : memref<10000x512xi32, #tpu.memory_space<hbm>> -> memref<10000x512xi32, #tpu.memory_space<hbm>>
        %dma_start3A_129 = tpu.memref_slice %arg17[%rem3A_106] : memref<2x!tpu.dma_semaphore, #tpu.memory_space<semaphore_mem>> -> memref<1x!tpu.dma_semaphore, #tpu.memory_space<semaphore_mem>>
        %dma_start3A_130 = tpu.memref_squeeze %dma_start3A_129 : memref<1x!tpu.dma_semaphore, #tpu.memory_space<semaphore_mem>> -> memref<!tpu.dma_semaphore, #tpu.memory_space<semaphore_mem>>
        tpu.enqueue_indirect_dma source(%dma_start3A_128 : memref<10000x512xi32, #tpu.memory_space<hbm>>) target(%dma_start3A_122 : memref<40x512xi32, #tpu.memory_space<vmem>>) offsets(%dma_start3A_125 : memref<40xi32, #tpu.memory_space<vmem>>) semaphore(%dma_start3A_130 : memref<!tpu.dma_semaphore, #tpu.memory_space<semaphore_mem>>)
      } else {
      }
      %scan3A_92 = arith.constant 0 : i32
      %scan3A_93 = arith.constant 0 : i32
      %scan3A_94 = arith.constant 40 : i32
      %scan3A_95 = arith.addi %scan3A_93, %scan3A_94 : i32
      %scan3A_96 = arith.constant 1 : i32
      scf.for %scan3A_103 = %scan3A_93 to %scan3A_95 step %scan3A_96  : i32 {
        %get3A = arith.index_cast %rem3A_63 : i32 to index
        %get3A_104 = arith.index_cast %scan3A_103 : i32 to index
        %get3A_105 = arith.constant 0 : index
        %get3A_106 = tpu.vector_load %arg11[%get3A, %get3A_104, %get3A_105] {strides = array<i32>} : memref<2x40x512xi32, #tpu.memory_space<vmem>>, vector<16xi32>,
        %get3A_107 = arith.index_cast %rem3A_63 : i32 to index
        %get3A_108 = arith.index_cast %scan3A_103 : i32 to index
        %get3A_109 = arith.constant 0 : index
        %get3A_110 = tpu.vector_load %arg12[%get3A_107, %get3A_108, %get3A_109] {strides = array<i32>} : memref<2x40x512xi32, #tpu.memory_space<vmem>>, vector<16xi32>,
        %and3A = arith.andi %get3A_106, %broadcast_in_dim3A_14 : vector<16xi32>
        %bitcast3A = vector.bitcast %and3A : vector<16xi32> to vector<16xf32>
        %shift_left3A = arith.constant 16 : i32
        %shift_left3A_111 = vector.broadcast %shift_left3A : i32 to vector<16xi32>
        %shift_left3A_112 = arith.shli %get3A_106, %shift_left3A_111 : vector<16xi32>
        %bitcast3A_113 = vector.bitcast %shift_left3A_112 : vector<16xi32> to vector<16xf32>
        %and3A_114 = arith.andi %get3A_110, %broadcast_in_dim3A_14 : vector<16xi32>
        %bitcast3A_115 = vector.bitcast %and3A_114 : vector<16xi32> to vector<16xf32>
        %shift_left3A_116 = arith.constant 16 : i32
        %shift_left3A_117 = vector.broadcast %shift_left3A_116 : i32 to vector<16xi32>
        %shift_left3A_118 = arith.shli %get3A_110, %shift_left3A_117 : vector<16xi32>
        %bitcast3A_119 = vector.bitcast %shift_left3A_118 : vector<16xi32> to vector<16xf32>
        %mul3A_120 = arith.mulf %bitcast3A_113, %bitcast3A_119 : vector<16xf32>
        %mul3A_121 = arith.mulf %bitcast3A, %bitcast3A_115 : vector<16xf32>
        %add3A_122 = arith.addf %mul3A_120, %mul3A_121 : vector<16xf32>
        %get3A_123 = arith.index_cast %rem3A_63 : i32 to index
        %get3A_124 = arith.index_cast %scan3A_103 : i32 to index
        %get3A_125 = arith.constant 16 : index
        %get3A_126 = tpu.vector_load %arg11[%get3A_123, %get3A_124, %get3A_125] {strides = array<i32>} : memref<2x40x512xi32, #tpu.memory_space<vmem>>, vector<16xi32>,
        %get3A_127 = arith.index_cast %rem3A_63 : i32 to index
        %get3A_128 = arith.index_cast %scan3A_103 : i32 to index
        %get3A_129 = arith.constant 16 : index
        %get3A_130 = tpu.vector_load %arg12[%get3A_127, %get3A_128, %get3A_129] {strides = array<i32>} : memref<2x40x512xi32, #tpu.memory_space<vmem>>, vector<16xi32>,
        %and3A_131 = arith.andi %get3A_126, %broadcast_in_dim3A_14 : vector<16xi32>
        %bitcast3A_132 = vector.bitcast %and3A_131 : vector<16xi32> to vector<16xf32>
        %shift_left3A_133 = arith.constant 16 : i32
        %shift_left3A_134 = vector.broadcast %shift_left3A_133 : i32 to vector<16xi32>
        %shift_left3A_135 = arith.shli %get3A_126, %shift_left3A_134 : vector<16xi32>
        %bitcast3A_136 = vector.bitcast %shift_left3A_135 : vector<16xi32> to vector<16xf32>
        %and3A_137 = arith.andi %get3A_130, %broadcast_in_dim3A_14 : vector<16xi32>
        %bitcast3A_138 = vector.bitcast %and3A_137 : vector<16xi32> to vector<16xf32>
        %shift_left3A_139 = arith.constant 16 : i32
        %shift_left3A_140 = vector.broadcast %shift_left3A_139 : i32 to vector<16xi32>
        %shift_left3A_141 = arith.shli %get3A_130, %shift_left3A_140 : vector<16xi32>
        %bitcast3A_142 = vector.bitcast %shift_left3A_141 : vector<16xi32> to vector<16xf32>
        %mul3A_143 = arith.mulf %bitcast3A_136, %bitcast3A_142 : vector<16xf32>
        %mul3A_144 = arith.mulf %bitcast3A_132, %bitcast3A_138 : vector<16xf32>
        %add3A_145 = arith.addf %mul3A_143, %mul3A_144 : vector<16xf32>
        %add3A_146 = arith.addf %add3A_122, %add3A_145 : vector<16xf32>
        %get3A_147 = arith.index_cast %rem3A_63 : i32 to index
        %get3A_148 = arith.index_cast %scan3A_103 : i32 to index
        %get3A_149 = arith.constant 32 : index
        %get3A_150 = tpu.vector_load %arg11[%get3A_147, %get3A_148, %get3A_149] {strides = array<i32>} : memref<2x40x512xi32, #tpu.memory_space<vmem>>, vector<16xi32>,
        %get3A_151 = arith.index_cast %rem3A_63 : i32 to index
        %get3A_152 = arith.index_cast %scan3A_103 : i32 to index
        %get3A_153 = arith.constant 32 : index
        %get3A_154 = tpu.vector_load %arg12[%get3A_151, %get3A_152, %get3A_153] {strides = array<i32>} : memref<2x40x512xi32, #tpu.memory_space<vmem>>, vector<16xi32>,
        %and3A_155 = arith.andi %get3A_150, %broadcast_in_dim3A_14 : vector<16xi32>
        %bitcast3A_156 = vector.bitcast %and3A_155 : vector<16xi32> to vector<16xf32>
        %shift_left3A_157 = arith.constant 16 : i32
        %shift_left3A_158 = vector.broadcast %shift_left3A_157 : i32 to vector<16xi32>
        %shift_left3A_159 = arith.shli %get3A_150, %shift_left3A_158 : vector<16xi32>
        %bitcast3A_160 = vector.bitcast %shift_left3A_159 : vector<16xi32> to vector<16xf32>
        %and3A_161 = arith.andi %get3A_154, %broadcast_in_dim3A_14 : vector<16xi32>
        %bitcast3A_162 = vector.bitcast %and3A_161 : vector<16xi32> to vector<16xf32>
        %shift_left3A_163 = arith.constant 16 : i32
        %shift_left3A_164 = vector.broadcast %shift_left3A_163 : i32 to vector<16xi32>
        %shift_left3A_165 = arith.shli %get3A_154, %shift_left3A_164 : vector<16xi32>
        %bitcast3A_166 = vector.bitcast %shift_left3A_165 : vector<16xi32> to vector<16xf32>
        %mul3A_167 = arith.mulf %bitcast3A_160, %bitcast3A_166 : vector<16xf32>
        %mul3A_168 = arith.mulf %bitcast3A_156, %bitcast3A_162 : vector<16xf32>
        %add3A_169 = arith.addf %mul3A_167, %mul3A_168 : vector<16xf32>
        %add3A_170 = arith.addf %add3A_146, %add3A_169 : vector<16xf32>
        %get3A_171 = arith.index_cast %rem3A_63 : i32 to index
        %get3A_172 = arith.index_cast %scan3A_103 : i32 to index
        %get3A_173 = arith.constant 48 : index
        %get3A_174 = tpu.vector_load %arg11[%get3A_171, %get3A_172, %get3A_173] {strides = array<i32>} : memref<2x40x512xi32, #tpu.memory_space<vmem>>, vector<16xi32>,
        %get3A_175 = arith.index_cast %rem3A_63 : i32 to index
        %get3A_176 = arith.index_cast %scan3A_103 : i32 to index
        %get3A_177 = arith.constant 48 : index
        %get3A_178 = tpu.vector_load %arg12[%get3A_175, %get3A_176, %get3A_177] {strides = array<i32>} : memref<2x40x512xi32, #tpu.memory_space<vmem>>, vector<16xi32>,
        %and3A_179 = arith.andi %get3A_174, %broadcast_in_dim3A_14 : vector<16xi32>
        %bitcast3A_180 = vector.bitcast %and3A_179 : vector<16xi32> to vector<16xf32>
        %shift_left3A_181 = arith.constant 16 : i32
        %shift_left3A_182 = vector.broadcast %shift_left3A_181 : i32 to vector<16xi32>
        %shift_left3A_183 = arith.shli %get3A_174, %shift_left3A_182 : vector<16xi32>
        %bitcast3A_184 = vector.bitcast %shift_left3A_183 : vector<16xi32> to vector<16xf32>
        %and3A_185 = arith.andi %get3A_178, %broadcast_in_dim3A_14 : vector<16xi32>
        %bitcast3A_186 = vector.bitcast %and3A_185 : vector<16xi32> to vector<16xf32>
        %shift_left3A_187 = arith.constant 16 : i32
        %shift_left3A_188 = vector.broadcast %shift_left3A_187 : i32 to vector<16xi32>
        %shift_left3A_189 = arith.shli %get3A_178, %shift_left3A_188 : vector<16xi32>
        %bitcast3A_190 = vector.bitcast %shift_left3A_189 : vector<16xi32> to vector<16xf32>
        %mul3A_191 = arith.mulf %bitcast3A_184, %bitcast3A_190 : vector<16xf32>
        %mul3A_192 = arith.mulf %bitcast3A_180, %bitcast3A_186 : vector<16xf32>
        %add3A_193 = arith.addf %mul3A_191, %mul3A_192 : vector<16xf32>
        %add3A_194 = arith.addf %add3A_170, %add3A_193 : vector<16xf32>
        %get3A_195 = arith.index_cast %rem3A_63 : i32 to index
        %get3A_196 = arith.index_cast %scan3A_103 : i32 to index
        %get3A_197 = arith.constant 64 : index
        %get3A_198 = tpu.vector_load %arg11[%get3A_195, %get3A_196, %get3A_197] {strides = array<i32>} : memref<2x40x512xi32, #tpu.memory_space<vmem>>, vector<16xi32>,
        %get3A_199 = arith.index_cast %rem3A_63 : i32 to index
        %get3A_200 = arith.index_cast %scan3A_103 : i32 to index
        %get3A_201 = arith.constant 64 : index
        %get3A_202 = tpu.vector_load %arg12[%get3A_199, %get3A_200, %get3A_201] {strides = array<i32>} : memref<2x40x512xi32, #tpu.memory_space<vmem>>, vector<16xi32>,
        %and3A_203 = arith.andi %get3A_198, %broadcast_in_dim3A_14 : vector<16xi32>
        %bitcast3A_204 = vector.bitcast %and3A_203 : vector<16xi32> to vector<16xf32>
        %shift_left3A_205 = arith.constant 16 : i32
        %shift_left3A_206 = vector.broadcast %shift_left3A_205 : i32 to vector<16xi32>
        %shift_left3A_207 = arith.shli %get3A_198, %shift_left3A_206 : vector<16xi32>
        %bitcast3A_208 = vector.bitcast %shift_left3A_207 : vector<16xi32> to vector<16xf32>
        %and3A_209 = arith.andi %get3A_202, %broadcast_in_dim3A_14 : vector<16xi32>
        %bitcast3A_210 = vector.bitcast %and3A_209 : vector<16xi32> to vector<16xf32>
        %shift_left3A_211 = arith.constant 16 : i32
        %shift_left3A_212 = vector.broadcast %shift_left3A_211 : i32 to vector<16xi32>
        %shift_left3A_213 = arith.shli %get3A_202, %shift_left3A_212 : vector<16xi32>
        %bitcast3A_214 = vector.bitcast %shift_left3A_213 : vector<16xi32> to vector<16xf32>
        %mul3A_215 = arith.mulf %bitcast3A_208, %bitcast3A_214 : vector<16xf32>
        %mul3A_216 = arith.mulf %bitcast3A_204, %bitcast3A_210 : vector<16xf32>
        %add3A_217 = arith.addf %mul3A_215, %mul3A_216 : vector<16xf32>
        %add3A_218 = arith.addf %add3A_194, %add3A_217 : vector<16xf32>
        %get3A_219 = arith.index_cast %rem3A_63 : i32 to index
        %get3A_220 = arith.index_cast %scan3A_103 : i32 to index
        %get3A_221 = arith.constant 80 : index
        %get3A_222 = tpu.vector_load %arg11[%get3A_219, %get3A_220, %get3A_221] {strides = array<i32>} : memref<2x40x512xi32, #tpu.memory_space<vmem>>, vector<16xi32>,
        %get3A_223 = arith.index_cast %rem3A_63 : i32 to index
        %get3A_224 = arith.index_cast %scan3A_103 : i32 to index
        %get3A_225 = arith.constant 80 : index
        %get3A_226 = tpu.vector_load %arg12[%get3A_223, %get3A_224, %get3A_225] {strides = array<i32>} : memref<2x40x512xi32, #tpu.memory_space<vmem>>, vector<16xi32>,
        %and3A_227 = arith.andi %get3A_222, %broadcast_in_dim3A_14 : vector<16xi32>
        %bitcast3A_228 = vector.bitcast %and3A_227 : vector<16xi32> to vector<16xf32>
        %shift_left3A_229 = arith.constant 16 : i32
        %shift_left3A_230 = vector.broadcast %shift_left3A_229 : i32 to vector<16xi32>
        %shift_left3A_231 = arith.shli %get3A_222, %shift_left3A_230 : vector<16xi32>
        %bitcast3A_232 = vector.bitcast %shift_left3A_231 : vector<16xi32> to vector<16xf32>
        %and3A_233 = arith.andi %get3A_226, %broadcast_in_dim3A_14 : vector<16xi32>
        %bitcast3A_234 = vector.bitcast %and3A_233 : vector<16xi32> to vector<16xf32>
        %shift_left3A_235 = arith.constant 16 : i32
        %shift_left3A_236 = vector.broadcast %shift_left3A_235 : i32 to vector<16xi32>
        %shift_left3A_237 = arith.shli %get3A_226, %shift_left3A_236 : vector<16xi32>
        %bitcast3A_238 = vector.bitcast %shift_left3A_237 : vector<16xi32> to vector<16xf32>
        %mul3A_239 = arith.mulf %bitcast3A_232, %bitcast3A_238 : vector<16xf32>
        %mul3A_240 = arith.mulf %bitcast3A_228, %bitcast3A_234 : vector<16xf32>
        %add3A_241 = arith.addf %mul3A_239, %mul3A_240 : vector<16xf32>
        %add3A_242 = arith.addf %add3A_218, %add3A_241 : vector<16xf32>
        %get3A_243 = arith.index_cast %rem3A_63 : i32 to index
        %get3A_244 = arith.index_cast %scan3A_103 : i32 to index
        %get3A_245 = arith.constant 96 : index
        %get3A_246 = tpu.vector_load %arg11[%get3A_243, %get3A_244, %get3A_245] {strides = array<i32>} : memref<2x40x512xi32, #tpu.memory_space<vmem>>, vector<16xi32>,
        %get3A_247 = arith.index_cast %rem3A_63 : i32 to index
        %get3A_248 = arith.index_cast %scan3A_103 : i32 to index
        %get3A_249 = arith.constant 96 : index
        %get3A_250 = tpu.vector_load %arg12[%get3A_247, %get3A_248, %get3A_249] {strides = array<i32>} : memref<2x40x512xi32, #tpu.memory_space<vmem>>, vector<16xi32>,
        %and3A_251 = arith.andi %get3A_246, %broadcast_in_dim3A_14 : vector<16xi32>
        %bitcast3A_252 = vector.bitcast %and3A_251 : vector<16xi32> to vector<16xf32>
        %shift_left3A_253 = arith.constant 16 : i32
        %shift_left3A_254 = vector.broadcast %shift_left3A_253 : i32 to vector<16xi32>
        %shift_left3A_255 = arith.shli %get3A_246, %shift_left3A_254 : vector<16xi32>
        %bitcast3A_256 = vector.bitcast %shift_left3A_255 : vector<16xi32> to vector<16xf32>
        %and3A_257 = arith.andi %get3A_250, %broadcast_in_dim3A_14 : vector<16xi32>
        %bitcast3A_258 = vector.bitcast %and3A_257 : vector<16xi32> to vector<16xf32>
        %shift_left3A_259 = arith.constant 16 : i32
        %shift_left3A_260 = vector.broadcast %shift_left3A_259 : i32 to vector<16xi32>
        %shift_left3A_261 = arith.shli %get3A_250, %shift_left3A_260 : vector<16xi32>
        %bitcast3A_262 = vector.bitcast %shift_left3A_261 : vector<16xi32> to vector<16xf32>
        %mul3A_263 = arith.mulf %bitcast3A_256, %bitcast3A_262 : vector<16xf32>
        %mul3A_264 = arith.mulf %bitcast3A_252, %bitcast3A_258 : vector<16xf32>
        %add3A_265 = arith.addf %mul3A_263, %mul3A_264 : vector<16xf32>
        %add3A_266 = arith.addf %add3A_242, %add3A_265 : vector<16xf32>
        %get3A_267 = arith.index_cast %rem3A_63 : i32 to index
        %get3A_268 = arith.index_cast %scan3A_103 : i32 to index
        %get3A_269 = arith.constant 112 : index
        %get3A_270 = tpu.vector_load %arg11[%get3A_267, %get3A_268, %get3A_269] {strides = array<i32>} : memref<2x40x512xi32, #tpu.memory_space<vmem>>, vector<16xi32>,
        %get3A_271 = arith.index_cast %rem3A_63 : i32 to index
        %get3A_272 = arith.index_cast %scan3A_103 : i32 to index
        %get3A_273 = arith.constant 112 : index
        %get3A_274 = tpu.vector_load %arg12[%get3A_271, %get3A_272, %get3A_273] {strides = array<i32>} : memref<2x40x512xi32, #tpu.memory_space<vmem>>, vector<16xi32>,
        %and3A_275 = arith.andi %get3A_270, %broadcast_in_dim3A_14 : vector<16xi32>
        %bitcast3A_276 = vector.bitcast %and3A_275 : vector<16xi32> to vector<16xf32>
        %shift_left3A_277 = arith.constant 16 : i32
        %shift_left3A_278 = vector.broadcast %shift_left3A_277 : i32 to vector<16xi32>
        %shift_left3A_279 = arith.shli %get3A_270, %shift_left3A_278 : vector<16xi32>
        %bitcast3A_280 = vector.bitcast %shift_left3A_279 : vector<16xi32> to vector<16xf32>
        %and3A_281 = arith.andi %get3A_274, %broadcast_in_dim3A_14 : vector<16xi32>
        %bitcast3A_282 = vector.bitcast %and3A_281 : vector<16xi32> to vector<16xf32>
        %shift_left3A_283 = arith.constant 16 : i32
        %shift_left3A_284 = vector.broadcast %shift_left3A_283 : i32 to vector<16xi32>
        %shift_left3A_285 = arith.shli %get3A_274, %shift_left3A_284 : vector<16xi32>
        %bitcast3A_286 = vector.bitcast %shift_left3A_285 : vector<16xi32> to vector<16xf32>
        %mul3A_287 = arith.mulf %bitcast3A_280, %bitcast3A_286 : vector<16xf32>
        %mul3A_288 = arith.mulf %bitcast3A_276, %bitcast3A_282 : vector<16xf32>
        %add3A_289 = arith.addf %mul3A_287, %mul3A_288 : vector<16xf32>
        %add3A_290 = arith.addf %add3A_266, %add3A_289 : vector<16xf32>
        %xor3A = arith.constant 8 : i32
        %xor3A_291 = vector.broadcast %xor3A : i32 to vector<16xi32>
        %xor3A_292 = arith.xori %iota3A, %xor3A_291 : vector<16xi32>
        %broadcast_in_dim3A_293 = vector.shape_cast %xor3A_292 : vector<16xi32> to vector<16x1xi32>
        %gather3A = vector.shape_cast %broadcast_in_dim3A_293 : vector<16x1xi32> to vector<16xi32>
        %gather3A_294 = tpu.dynamic_gather %add3A_290[%gather3A] in [0] : vector<16xf32>, vector<16xi32> -> vector<16xf32>
        %add3A_295 = arith.addf %add3A_290, %gather3A_294 : vector<16xf32>
        %xor3A_296 = arith.constant 4 : i32
        %xor3A_297 = vector.broadcast %xor3A_296 : i32 to vector<16xi32>
        %xor3A_298 = arith.xori %iota3A, %xor3A_297 : vector<16xi32>
        %broadcast_in_dim3A_299 = vector.shape_cast %xor3A_298 : vector<16xi32> to vector<16x1xi32>
        %gather3A_300 = vector.shape_cast %broadcast_in_dim3A_299 : vector<16x1xi32> to vector<16xi32>
        %gather3A_301 = tpu.dynamic_gather %add3A_295[%gather3A_300] in [0] : vector<16xf32>, vector<16xi32> -> vector<16xf32>
        %add3A_302 = arith.addf %add3A_295, %gather3A_301 : vector<16xf32>
        %xor3A_303 = arith.constant 2 : i32
        %xor3A_304 = vector.broadcast %xor3A_303 : i32 to vector<16xi32>
        %xor3A_305 = arith.xori %iota3A, %xor3A_304 : vector<16xi32>
        %broadcast_in_dim3A_306 = vector.shape_cast %xor3A_305 : vector<16xi32> to vector<16x1xi32>
        %gather3A_307 = vector.shape_cast %broadcast_in_dim3A_306 : vector<16x1xi32> to vector<16xi32>
        %gather3A_308 = tpu.dynamic_gather %add3A_302[%gather3A_307] in [0] : vector<16xf32>, vector<16xi32> -> vector<16xf32>
        %add3A_309 = arith.addf %add3A_302, %gather3A_308 : vector<16xf32>
        %xor3A_310 = arith.constant 1 : i32
        %xor3A_311 = vector.broadcast %xor3A_310 : i32 to vector<16xi32>
        %xor3A_312 = arith.xori %iota3A, %xor3A_311 : vector<16xi32>
        %broadcast_in_dim3A_313 = vector.shape_cast %xor3A_312 : vector<16xi32> to vector<16x1xi32>
        %gather3A_314 = vector.shape_cast %broadcast_in_dim3A_313 : vector<16x1xi32> to vector<16xi32>
        %gather3A_315 = tpu.dynamic_gather %add3A_309[%gather3A_314] in [0] : vector<16xf32>, vector<16xi32> -> vector<16xf32>
        %add3A_316 = arith.addf %add3A_309, %gather3A_315 : vector<16xf32>
        %get3A_317 = arith.index_cast %rem3A_63 : i32 to index
        %get3A_318 = arith.index_cast %scan3A_103 : i32 to index
        %get3A_319 = arith.constant 128 : index
        %get3A_320 = tpu.vector_load %arg11[%get3A_317, %get3A_318, %get3A_319] {strides = array<i32>} : memref<2x40x512xi32, #tpu.memory_space<vmem>>, vector<16xi32>,
        %get3A_321 = arith.index_cast %rem3A_63 : i32 to index
        %get3A_322 = arith.index_cast %scan3A_103 : i32 to index
        %get3A_323 = arith.constant 128 : index
        %get3A_324 = tpu.vector_load %arg12[%get3A_321, %get3A_322, %get3A_323] {strides = array<i32>} : memref<2x40x512xi32, #tpu.memory_space<vmem>>, vector<16xi32>,
        %and3A_325 = arith.andi %get3A_320, %broadcast_in_dim3A_14 : vector<16xi32>
        %bitcast3A_326 = vector.bitcast %and3A_325 : vector<16xi32> to vector<16xf32>
        %shift_left3A_327 = arith.constant 16 : i32
        %shift_left3A_328 = vector.broadcast %shift_left3A_327 : i32 to vector<16xi32>
        %shift_left3A_329 = arith.shli %get3A_320, %shift_left3A_328 : vector<16xi32>
        %bitcast3A_330 = vector.bitcast %shift_left3A_329 : vector<16xi32> to vector<16xf32>
        %and3A_331 = arith.andi %get3A_324, %broadcast_in_dim3A_14 : vector<16xi32>
        %bitcast3A_332 = vector.bitcast %and3A_331 : vector<16xi32> to vector<16xf32>
        %shift_left3A_333 = arith.constant 16 : i32
        %shift_left3A_334 = vector.broadcast %shift_left3A_333 : i32 to vector<16xi32>
        %shift_left3A_335 = arith.shli %get3A_324, %shift_left3A_334 : vector<16xi32>
        %bitcast3A_336 = vector.bitcast %shift_left3A_335 : vector<16xi32> to vector<16xf32>
        %mul3A_337 = arith.mulf %bitcast3A_330, %bitcast3A_336 : vector<16xf32>
        %mul3A_338 = arith.mulf %bitcast3A_326, %bitcast3A_332 : vector<16xf32>
        %add3A_339 = arith.addf %mul3A_337, %mul3A_338 : vector<16xf32>
        %get3A_340 = arith.index_cast %rem3A_63 : i32 to index
        %get3A_341 = arith.index_cast %scan3A_103 : i32 to index
        %get3A_342 = arith.constant 144 : index
        %get3A_343 = tpu.vector_load %arg11[%get3A_340, %get3A_341, %get3A_342] {strides = array<i32>} : memref<2x40x512xi32, #tpu.memory_space<vmem>>, vector<16xi32>,
        %get3A_344 = arith.index_cast %rem3A_63 : i32 to index
        %get3A_345 = arith.index_cast %scan3A_103 : i32 to index
        %get3A_346 = arith.constant 144 : index
        %get3A_347 = tpu.vector_load %arg12[%get3A_344, %get3A_345, %get3A_346] {strides = array<i32>} : memref<2x40x512xi32, #tpu.memory_space<vmem>>, vector<16xi32>,
        %and3A_348 = arith.andi %get3A_343, %broadcast_in_dim3A_14 : vector<16xi32>
        %bitcast3A_349 = vector.bitcast %and3A_348 : vector<16xi32> to vector<16xf32>
        %shift_left3A_350 = arith.constant 16 : i32
        %shift_left3A_351 = vector.broadcast %shift_left3A_350 : i32 to vector<16xi32>
        %shift_left3A_352 = arith.shli %get3A_343, %shift_left3A_351 : vector<16xi32>
        %bitcast3A_353 = vector.bitcast %shift_left3A_352 : vector<16xi32> to vector<16xf32>
        %and3A_354 = arith.andi %get3A_347, %broadcast_in_dim3A_14 : vector<16xi32>
        %bitcast3A_355 = vector.bitcast %and3A_354 : vector<16xi32> to vector<16xf32>
        %shift_left3A_356 = arith.constant 16 : i32
        %shift_left3A_357 = vector.broadcast %shift_left3A_356 : i32 to vector<16xi32>
        %shift_left3A_358 = arith.shli %get3A_347, %shift_left3A_357 : vector<16xi32>
        %bitcast3A_359 = vector.bitcast %shift_left3A_358 : vector<16xi32> to vector<16xf32>
        %mul3A_360 = arith.mulf %bitcast3A_353, %bitcast3A_359 : vector<16xf32>
        %mul3A_361 = arith.mulf %bitcast3A_349, %bitcast3A_355 : vector<16xf32>
        %add3A_362 = arith.addf %mul3A_360, %mul3A_361 : vector<16xf32>
        %add3A_363 = arith.addf %add3A_339, %add3A_362 : vector<16xf32>
        %get3A_364 = arith.index_cast %rem3A_63 : i32 to index
        %get3A_365 = arith.index_cast %scan3A_103 : i32 to index
        %get3A_366 = arith.constant 160 : index
        %get3A_367 = tpu.vector_load %arg11[%get3A_364, %get3A_365, %get3A_366] {strides = array<i32>} : memref<2x40x512xi32, #tpu.memory_space<vmem>>, vector<16xi32>,
        %get3A_368 = arith.index_cast %rem3A_63 : i32 to index
        %get3A_369 = arith.index_cast %scan3A_103 : i32 to index
        %get3A_370 = arith.constant 160 : index
        %get3A_371 = tpu.vector_load %arg12[%get3A_368, %get3A_369, %get3A_370] {strides = array<i32>} : memref<2x40x512xi32, #tpu.memory_space<vmem>>, vector<16xi32>,
        %and3A_372 = arith.andi %get3A_367, %broadcast_in_dim3A_14 : vector<16xi32>
        %bitcast3A_373 = vector.bitcast %and3A_372 : vector<16xi32> to vector<16xf32>
        %shift_left3A_374 = arith.constant 16 : i32
        %shift_left3A_375 = vector.broadcast %shift_left3A_374 : i32 to vector<16xi32>
        %shift_left3A_376 = arith.shli %get3A_367, %shift_left3A_375 : vector<16xi32>
        %bitcast3A_377 = vector.bitcast %shift_left3A_376 : vector<16xi32> to vector<16xf32>
        %and3A_378 = arith.andi %get3A_371, %broadcast_in_dim3A_14 : vector<16xi32>
        %bitcast3A_379 = vector.bitcast %and3A_378 : vector<16xi32> to vector<16xf32>
        %shift_left3A_380 = arith.constant 16 : i32
        %shift_left3A_381 = vector.broadcast %shift_left3A_380 : i32 to vector<16xi32>
        %shift_left3A_382 = arith.shli %get3A_371, %shift_left3A_381 : vector<16xi32>
        %bitcast3A_383 = vector.bitcast %shift_left3A_382 : vector<16xi32> to vector<16xf32>
        %mul3A_384 = arith.mulf %bitcast3A_377, %bitcast3A_383 : vector<16xf32>
        %mul3A_385 = arith.mulf %bitcast3A_373, %bitcast3A_379 : vector<16xf32>
        %add3A_386 = arith.addf %mul3A_384, %mul3A_385 : vector<16xf32>
        %add3A_387 = arith.addf %add3A_363, %add3A_386 : vector<16xf32>
        %get3A_388 = arith.index_cast %rem3A_63 : i32 to index
        %get3A_389 = arith.index_cast %scan3A_103 : i32 to index
        %get3A_390 = arith.constant 176 : index
        %get3A_391 = tpu.vector_load %arg11[%get3A_388, %get3A_389, %get3A_390] {strides = array<i32>} : memref<2x40x512xi32, #tpu.memory_space<vmem>>, vector<16xi32>,
        %get3A_392 = arith.index_cast %rem3A_63 : i32 to index
        %get3A_393 = arith.index_cast %scan3A_103 : i32 to index
        %get3A_394 = arith.constant 176 : index
        %get3A_395 = tpu.vector_load %arg12[%get3A_392, %get3A_393, %get3A_394] {strides = array<i32>} : memref<2x40x512xi32, #tpu.memory_space<vmem>>, vector<16xi32>,
        %and3A_396 = arith.andi %get3A_391, %broadcast_in_dim3A_14 : vector<16xi32>
        %bitcast3A_397 = vector.bitcast %and3A_396 : vector<16xi32> to vector<16xf32>
        %shift_left3A_398 = arith.constant 16 : i32
        %shift_left3A_399 = vector.broadcast %shift_left3A_398 : i32 to vector<16xi32>
        %shift_left3A_400 = arith.shli %get3A_391, %shift_left3A_399 : vector<16xi32>
        %bitcast3A_401 = vector.bitcast %shift_left3A_400 : vector<16xi32> to vector<16xf32>
        %and3A_402 = arith.andi %get3A_395, %broadcast_in_dim3A_14 : vector<16xi32>
        %bitcast3A_403 = vector.bitcast %and3A_402 : vector<16xi32> to vector<16xf32>
        %shift_left3A_404 = arith.constant 16 : i32
        %shift_left3A_405 = vector.broadcast %shift_left3A_404 : i32 to vector<16xi32>
        %shift_left3A_406 = arith.shli %get3A_395, %shift_left3A_405 : vector<16xi32>
        %bitcast3A_407 = vector.bitcast %shift_left3A_406 : vector<16xi32> to vector<16xf32>
        %mul3A_408 = arith.mulf %bitcast3A_401, %bitcast3A_407 : vector<16xf32>
        %mul3A_409 = arith.mulf %bitcast3A_397, %bitcast3A_403 : vector<16xf32>
        %add3A_410 = arith.addf %mul3A_408, %mul3A_409 : vector<16xf32>
        %add3A_411 = arith.addf %add3A_387, %add3A_410 : vector<16xf32>
        %get3A_412 = arith.index_cast %rem3A_63 : i32 to index
        %get3A_413 = arith.index_cast %scan3A_103 : i32 to index
        %get3A_414 = arith.constant 192 : index
        %get3A_415 = tpu.vector_load %arg11[%get3A_412, %get3A_413, %get3A_414] {strides = array<i32>} : memref<2x40x512xi32, #tpu.memory_space<vmem>>, vector<16xi32>,
        %get3A_416 = arith.index_cast %rem3A_63 : i32 to index
        %get3A_417 = arith.index_cast %scan3A_103 : i32 to index
        %get3A_418 = arith.constant 192 : index
        %get3A_419 = tpu.vector_load %arg12[%get3A_416, %get3A_417, %get3A_418] {strides = array<i32>} : memref<2x40x512xi32, #tpu.memory_space<vmem>>, vector<16xi32>,
        %and3A_420 = arith.andi %get3A_415, %broadcast_in_dim3A_14 : vector<16xi32>
        %bitcast3A_421 = vector.bitcast %and3A_420 : vector<16xi32> to vector<16xf32>
        %shift_left3A_422 = arith.constant 16 : i32
        %shift_left3A_423 = vector.broadcast %shift_left3A_422 : i32 to vector<16xi32>
        %shift_left3A_424 = arith.shli %get3A_415, %shift_left3A_423 : vector<16xi32>
        %bitcast3A_425 = vector.bitcast %shift_left3A_424 : vector<16xi32> to vector<16xf32>
        %and3A_426 = arith.andi %get3A_419, %broadcast_in_dim3A_14 : vector<16xi32>
        %bitcast3A_427 = vector.bitcast %and3A_426 : vector<16xi32> to vector<16xf32>
        %shift_left3A_428 = arith.constant 16 : i32
        %shift_left3A_429 = vector.broadcast %shift_left3A_428 : i32 to vector<16xi32>
        %shift_left3A_430 = arith.shli %get3A_419, %shift_left3A_429 : vector<16xi32>
        %bitcast3A_431 = vector.bitcast %shift_left3A_430 : vector<16xi32> to vector<16xf32>
        %mul3A_432 = arith.mulf %bitcast3A_425, %bitcast3A_431 : vector<16xf32>
        %mul3A_433 = arith.mulf %bitcast3A_421, %bitcast3A_427 : vector<16xf32>
        %add3A_434 = arith.addf %mul3A_432, %mul3A_433 : vector<16xf32>
        %add3A_435 = arith.addf %add3A_411, %add3A_434 : vector<16xf32>
        %get3A_436 = arith.index_cast %rem3A_63 : i32 to index
        %get3A_437 = arith.index_cast %scan3A_103 : i32 to index
        %get3A_438 = arith.constant 208 : index
        %get3A_439 = tpu.vector_load %arg11[%get3A_436, %get3A_437, %get3A_438] {strides = array<i32>} : memref<2x40x512xi32, #tpu.memory_space<vmem>>, vector<16xi32>,
        %get3A_440 = arith.index_cast %rem3A_63 : i32 to index
        %get3A_441 = arith.index_cast %scan3A_103 : i32 to index
        %get3A_442 = arith.constant 208 : index
        %get3A_443 = tpu.vector_load %arg12[%get3A_440, %get3A_441, %get3A_442] {strides = array<i32>} : memref<2x40x512xi32, #tpu.memory_space<vmem>>, vector<16xi32>,
        %and3A_444 = arith.andi %get3A_439, %broadcast_in_dim3A_14 : vector<16xi32>
        %bitcast3A_445 = vector.bitcast %and3A_444 : vector<16xi32> to vector<16xf32>
        %shift_left3A_446 = arith.constant 16 : i32
        %shift_left3A_447 = vector.broadcast %shift_left3A_446 : i32 to vector<16xi32>
        %shift_left3A_448 = arith.shli %get3A_439, %shift_left3A_447 : vector<16xi32>
        %bitcast3A_449 = vector.bitcast %shift_left3A_448 : vector<16xi32> to vector<16xf32>
        %and3A_450 = arith.andi %get3A_443, %broadcast_in_dim3A_14 : vector<16xi32>
        %bitcast3A_451 = vector.bitcast %and3A_450 : vector<16xi32> to vector<16xf32>
        %shift_left3A_452 = arith.constant 16 : i32
        %shift_left3A_453 = vector.broadcast %shift_left3A_452 : i32 to vector<16xi32>
        %shift_left3A_454 = arith.shli %get3A_443, %shift_left3A_453 : vector<16xi32>
        %bitcast3A_455 = vector.bitcast %shift_left3A_454 : vector<16xi32> to vector<16xf32>
        %mul3A_456 = arith.mulf %bitcast3A_449, %bitcast3A_455 : vector<16xf32>
        %mul3A_457 = arith.mulf %bitcast3A_445, %bitcast3A_451 : vector<16xf32>
        %add3A_458 = arith.addf %mul3A_456, %mul3A_457 : vector<16xf32>
        %add3A_459 = arith.addf %add3A_435, %add3A_458 : vector<16xf32>
        %get3A_460 = arith.index_cast %rem3A_63 : i32 to index
        %get3A_461 = arith.index_cast %scan3A_103 : i32 to index
        %get3A_462 = arith.constant 224 : index
        %get3A_463 = tpu.vector_load %arg11[%get3A_460, %get3A_461, %get3A_462] {strides = array<i32>} : memref<2x40x512xi32, #tpu.memory_space<vmem>>, vector<16xi32>,
        %get3A_464 = arith.index_cast %rem3A_63 : i32 to index
        %get3A_465 = arith.index_cast %scan3A_103 : i32 to index
        %get3A_466 = arith.constant 224 : index
        %get3A_467 = tpu.vector_load %arg12[%get3A_464, %get3A_465, %get3A_466] {strides = array<i32>} : memref<2x40x512xi32, #tpu.memory_space<vmem>>, vector<16xi32>,
        %and3A_468 = arith.andi %get3A_463, %broadcast_in_dim3A_14 : vector<16xi32>
        %bitcast3A_469 = vector.bitcast %and3A_468 : vector<16xi32> to vector<16xf32>
        %shift_left3A_470 = arith.constant 16 : i32
        %shift_left3A_471 = vector.broadcast %shift_left3A_470 : i32 to vector<16xi32>
        %shift_left3A_472 = arith.shli %get3A_463, %shift_left3A_471 : vector<16xi32>
        %bitcast3A_473 = vector.bitcast %shift_left3A_472 : vector<16xi32> to vector<16xf32>
        %and3A_474 = arith.andi %get3A_467, %broadcast_in_dim3A_14 : vector<16xi32>
        %bitcast3A_475 = vector.bitcast %and3A_474 : vector<16xi32> to vector<16xf32>
        %shift_left3A_476 = arith.constant 16 : i32
        %shift_left3A_477 = vector.broadcast %shift_left3A_476 : i32 to vector<16xi32>
        %shift_left3A_478 = arith.shli %get3A_467, %shift_left3A_477 : vector<16xi32>
        %bitcast3A_479 = vector.bitcast %shift_left3A_478 : vector<16xi32> to vector<16xf32>
        %mul3A_480 = arith.mulf %bitcast3A_473, %bitcast3A_479 : vector<16xf32>
        %mul3A_481 = arith.mulf %bitcast3A_469, %bitcast3A_475 : vector<16xf32>
        %add3A_482 = arith.addf %mul3A_480, %mul3A_481 : vector<16xf32>
        %add3A_483 = arith.addf %add3A_459, %add3A_482 : vector<16xf32>
        %get3A_484 = arith.index_cast %rem3A_63 : i32 to index
        %get3A_485 = arith.index_cast %scan3A_103 : i32 to index
        %get3A_486 = arith.constant 240 : index
        %get3A_487 = tpu.vector_load %arg11[%get3A_484, %get3A_485, %get3A_486] {strides = array<i32>} : memref<2x40x512xi32, #tpu.memory_space<vmem>>, vector<16xi32>,
        %get3A_488 = arith.index_cast %rem3A_63 : i32 to index
        %get3A_489 = arith.index_cast %scan3A_103 : i32 to index
        %get3A_490 = arith.constant 240 : index
        %get3A_491 = tpu.vector_load %arg12[%get3A_488, %get3A_489, %get3A_490] {strides = array<i32>} : memref<2x40x512xi32, #tpu.memory_space<vmem>>, vector<16xi32>,
        %and3A_492 = arith.andi %get3A_487, %broadcast_in_dim3A_14 : vector<16xi32>
        %bitcast3A_493 = vector.bitcast %and3A_492 : vector<16xi32> to vector<16xf32>
        %shift_left3A_494 = arith.constant 16 : i32
        %shift_left3A_495 = vector.broadcast %shift_left3A_494 : i32 to vector<16xi32>
        %shift_left3A_496 = arith.shli %get3A_487, %shift_left3A_495 : vector<16xi32>
        %bitcast3A_497 = vector.bitcast %shift_left3A_496 : vector<16xi32> to vector<16xf32>
        %and3A_498 = arith.andi %get3A_491, %broadcast_in_dim3A_14 : vector<16xi32>
        %bitcast3A_499 = vector.bitcast %and3A_498 : vector<16xi32> to vector<16xf32>
        %shift_left3A_500 = arith.constant 16 : i32
        %shift_left3A_501 = vector.broadcast %shift_left3A_500 : i32 to vector<16xi32>
        %shift_left3A_502 = arith.shli %get3A_491, %shift_left3A_501 : vector<16xi32>
        %bitcast3A_503 = vector.bitcast %shift_left3A_502 : vector<16xi32> to vector<16xf32>
        %mul3A_504 = arith.mulf %bitcast3A_497, %bitcast3A_503 : vector<16xf32>
        %mul3A_505 = arith.mulf %bitcast3A_493, %bitcast3A_499 : vector<16xf32>
        %add3A_506 = arith.addf %mul3A_504, %mul3A_505 : vector<16xf32>
        %add3A_507 = arith.addf %add3A_483, %add3A_506 : vector<16xf32>
        %xor3A_508 = arith.constant 8 : i32
        %xor3A_509 = vector.broadcast %xor3A_508 : i32 to vector<16xi32>
        %xor3A_510 = arith.xori %iota3A, %xor3A_509 : vector<16xi32>
        %broadcast_in_dim3A_511 = vector.shape_cast %xor3A_510 : vector<16xi32> to vector<16x1xi32>
        %gather3A_512 = vector.shape_cast %broadcast_in_dim3A_511 : vector<16x1xi32> to vector<16xi32>
        %gather3A_513 = tpu.dynamic_gather %add3A_507[%gather3A_512] in [0] : vector<16xf32>, vector<16xi32> -> vector<16xf32>
        %add3A_514 = arith.addf %add3A_507, %gather3A_513 : vector<16xf32>
        %xor3A_515 = arith.constant 4 : i32
        %xor3A_516 = vector.broadcast %xor3A_515 : i32 to vector<16xi32>
        %xor3A_517 = arith.xori %iota3A, %xor3A_516 : vector<16xi32>
        %broadcast_in_dim3A_518 = vector.shape_cast %xor3A_517 : vector<16xi32> to vector<16x1xi32>
        %gather3A_519 = vector.shape_cast %broadcast_in_dim3A_518 : vector<16x1xi32> to vector<16xi32>
        %gather3A_520 = tpu.dynamic_gather %add3A_514[%gather3A_519] in [0] : vector<16xf32>, vector<16xi32> -> vector<16xf32>
        %add3A_521 = arith.addf %add3A_514, %gather3A_520 : vector<16xf32>
        %xor3A_522 = arith.constant 2 : i32
        %xor3A_523 = vector.broadcast %xor3A_522 : i32 to vector<16xi32>
        %xor3A_524 = arith.xori %iota3A, %xor3A_523 : vector<16xi32>
        %broadcast_in_dim3A_525 = vector.shape_cast %xor3A_524 : vector<16xi32> to vector<16x1xi32>
        %gather3A_526 = vector.shape_cast %broadcast_in_dim3A_525 : vector<16x1xi32> to vector<16xi32>
        %gather3A_527 = tpu.dynamic_gather %add3A_521[%gather3A_526] in [0] : vector<16xf32>, vector<16xi32> -> vector<16xf32>
        %add3A_528 = arith.addf %add3A_521, %gather3A_527 : vector<16xf32>
        %xor3A_529 = arith.constant 1 : i32
        %xor3A_530 = vector.broadcast %xor3A_529 : i32 to vector<16xi32>
        %xor3A_531 = arith.xori %iota3A, %xor3A_530 : vector<16xi32>
        %broadcast_in_dim3A_532 = vector.shape_cast %xor3A_531 : vector<16xi32> to vector<16x1xi32>
        %gather3A_533 = vector.shape_cast %broadcast_in_dim3A_532 : vector<16x1xi32> to vector<16xi32>
        %gather3A_534 = tpu.dynamic_gather %add3A_528[%gather3A_533] in [0] : vector<16xf32>, vector<16xi32> -> vector<16xf32>
        %add3A_535 = arith.addf %add3A_528, %gather3A_534 : vector<16xf32>
        %get3A_536 = arith.index_cast %rem3A_63 : i32 to index
        %get3A_537 = arith.index_cast %scan3A_103 : i32 to index
        %get3A_538 = arith.constant 256 : index
        %get3A_539 = tpu.vector_load %arg11[%get3A_536, %get3A_537, %get3A_538] {strides = array<i32>} : memref<2x40x512xi32, #tpu.memory_space<vmem>>, vector<16xi32>,
        %get3A_540 = arith.index_cast %rem3A_63 : i32 to index
        %get3A_541 = arith.index_cast %scan3A_103 : i32 to index
        %get3A_542 = arith.constant 256 : index
        %get3A_543 = tpu.vector_load %arg12[%get3A_540, %get3A_541, %get3A_542] {strides = array<i32>} : memref<2x40x512xi32, #tpu.memory_space<vmem>>, vector<16xi32>,
        %and3A_544 = arith.andi %get3A_539, %broadcast_in_dim3A_14 : vector<16xi32>
        %bitcast3A_545 = vector.bitcast %and3A_544 : vector<16xi32> to vector<16xf32>
        %shift_left3A_546 = arith.constant 16 : i32
        %shift_left3A_547 = vector.broadcast %shift_left3A_546 : i32 to vector<16xi32>
        %shift_left3A_548 = arith.shli %get3A_539, %shift_left3A_547 : vector<16xi32>
        %bitcast3A_549 = vector.bitcast %shift_left3A_548 : vector<16xi32> to vector<16xf32>
        %and3A_550 = arith.andi %get3A_543, %broadcast_in_dim3A_14 : vector<16xi32>
        %bitcast3A_551 = vector.bitcast %and3A_550 : vector<16xi32> to vector<16xf32>
        %shift_left3A_552 = arith.constant 16 : i32
        %shift_left3A_553 = vector.broadcast %shift_left3A_552 : i32 to vector<16xi32>
        %shift_left3A_554 = arith.shli %get3A_543, %shift_left3A_553 : vector<16xi32>
        %bitcast3A_555 = vector.bitcast %shift_left3A_554 : vector<16xi32> to vector<16xf32>
        %mul3A_556 = arith.mulf %bitcast3A_549, %bitcast3A_555 : vector<16xf32>
        %mul3A_557 = arith.mulf %bitcast3A_545, %bitcast3A_551 : vector<16xf32>
        %add3A_558 = arith.addf %mul3A_556, %mul3A_557 : vector<16xf32>
        %get3A_559 = arith.index_cast %rem3A_63 : i32 to index
        %get3A_560 = arith.index_cast %scan3A_103 : i32 to index
        %get3A_561 = arith.constant 272 : index
        %get3A_562 = tpu.vector_load %arg11[%get3A_559, %get3A_560, %get3A_561] {strides = array<i32>} : memref<2x40x512xi32, #tpu.memory_space<vmem>>, vector<16xi32>,
        %get3A_563 = arith.index_cast %rem3A_63 : i32 to index
        %get3A_564 = arith.index_cast %scan3A_103 : i32 to index
        %get3A_565 = arith.constant 272 : index
        %get3A_566 = tpu.vector_load %arg12[%get3A_563, %get3A_564, %get3A_565] {strides = array<i32>} : memref<2x40x512xi32, #tpu.memory_space<vmem>>, vector<16xi32>,
        %and3A_567 = arith.andi %get3A_562, %broadcast_in_dim3A_14 : vector<16xi32>
        %bitcast3A_568 = vector.bitcast %and3A_567 : vector<16xi32> to vector<16xf32>
        %shift_left3A_569 = arith.constant 16 : i32
        %shift_left3A_570 = vector.broadcast %shift_left3A_569 : i32 to vector<16xi32>
        %shift_left3A_571 = arith.shli %get3A_562, %shift_left3A_570 : vector<16xi32>
        %bitcast3A_572 = vector.bitcast %shift_left3A_571 : vector<16xi32> to vector<16xf32>
        %and3A_573 = arith.andi %get3A_566, %broadcast_in_dim3A_14 : vector<16xi32>
        %bitcast3A_574 = vector.bitcast %and3A_573 : vector<16xi32> to vector<16xf32>
        %shift_left3A_575 = arith.constant 16 : i32
        %shift_left3A_576 = vector.broadcast %shift_left3A_575 : i32 to vector<16xi32>
        %shift_left3A_577 = arith.shli %get3A_566, %shift_left3A_576 : vector<16xi32>
        %bitcast3A_578 = vector.bitcast %shift_left3A_577 : vector<16xi32> to vector<16xf32>
        %mul3A_579 = arith.mulf %bitcast3A_572, %bitcast3A_578 : vector<16xf32>
        %mul3A_580 = arith.mulf %bitcast3A_568, %bitcast3A_574 : vector<16xf32>
        %add3A_581 = arith.addf %mul3A_579, %mul3A_580 : vector<16xf32>
        %add3A_582 = arith.addf %add3A_558, %add3A_581 : vector<16xf32>
        %get3A_583 = arith.index_cast %rem3A_63 : i32 to index
        %get3A_584 = arith.index_cast %scan3A_103 : i32 to index
        %get3A_585 = arith.constant 288 : index
        %get3A_586 = tpu.vector_load %arg11[%get3A_583, %get3A_584, %get3A_585] {strides = array<i32>} : memref<2x40x512xi32, #tpu.memory_space<vmem>>, vector<16xi32>,
        %get3A_587 = arith.index_cast %rem3A_63 : i32 to index
        %get3A_588 = arith.index_cast %scan3A_103 : i32 to index
        %get3A_589 = arith.constant 288 : index
        %get3A_590 = tpu.vector_load %arg12[%get3A_587, %get3A_588, %get3A_589] {strides = array<i32>} : memref<2x40x512xi32, #tpu.memory_space<vmem>>, vector<16xi32>,
        %and3A_591 = arith.andi %get3A_586, %broadcast_in_dim3A_14 : vector<16xi32>
        %bitcast3A_592 = vector.bitcast %and3A_591 : vector<16xi32> to vector<16xf32>
        %shift_left3A_593 = arith.constant 16 : i32
        %shift_left3A_594 = vector.broadcast %shift_left3A_593 : i32 to vector<16xi32>
        %shift_left3A_595 = arith.shli %get3A_586, %shift_left3A_594 : vector<16xi32>
        %bitcast3A_596 = vector.bitcast %shift_left3A_595 : vector<16xi32> to vector<16xf32>
        %and3A_597 = arith.andi %get3A_590, %broadcast_in_dim3A_14 : vector<16xi32>
        %bitcast3A_598 = vector.bitcast %and3A_597 : vector<16xi32> to vector<16xf32>
        %shift_left3A_599 = arith.constant 16 : i32
        %shift_left3A_600 = vector.broadcast %shift_left3A_599 : i32 to vector<16xi32>
        %shift_left3A_601 = arith.shli %get3A_590, %shift_left3A_600 : vector<16xi32>
        %bitcast3A_602 = vector.bitcast %shift_left3A_601 : vector<16xi32> to vector<16xf32>
        %mul3A_603 = arith.mulf %bitcast3A_596, %bitcast3A_602 : vector<16xf32>
        %mul3A_604 = arith.mulf %bitcast3A_592, %bitcast3A_598 : vector<16xf32>
        %add3A_605 = arith.addf %mul3A_603, %mul3A_604 : vector<16xf32>
        %add3A_606 = arith.addf %add3A_582, %add3A_605 : vector<16xf32>
        %get3A_607 = arith.index_cast %rem3A_63 : i32 to index
        %get3A_608 = arith.index_cast %scan3A_103 : i32 to index
        %get3A_609 = arith.constant 304 : index
        %get3A_610 = tpu.vector_load %arg11[%get3A_607, %get3A_608, %get3A_609] {strides = array<i32>} : memref<2x40x512xi32, #tpu.memory_space<vmem>>, vector<16xi32>,
        %get3A_611 = arith.index_cast %rem3A_63 : i32 to index
        %get3A_612 = arith.index_cast %scan3A_103 : i32 to index
        %get3A_613 = arith.constant 304 : index
        %get3A_614 = tpu.vector_load %arg12[%get3A_611, %get3A_612, %get3A_613] {strides = array<i32>} : memref<2x40x512xi32, #tpu.memory_space<vmem>>, vector<16xi32>,
        %and3A_615 = arith.andi %get3A_610, %broadcast_in_dim3A_14 : vector<16xi32>
        %bitcast3A_616 = vector.bitcast %and3A_615 : vector<16xi32> to vector<16xf32>
        %shift_left3A_617 = arith.constant 16 : i32
        %shift_left3A_618 = vector.broadcast %shift_left3A_617 : i32 to vector<16xi32>
        %shift_left3A_619 = arith.shli %get3A_610, %shift_left3A_618 : vector<16xi32>
        %bitcast3A_620 = vector.bitcast %shift_left3A_619 : vector<16xi32> to vector<16xf32>
        %and3A_621 = arith.andi %get3A_614, %broadcast_in_dim3A_14 : vector<16xi32>
        %bitcast3A_622 = vector.bitcast %and3A_621 : vector<16xi32> to vector<16xf32>
        %shift_left3A_623 = arith.constant 16 : i32
        %shift_left3A_624 = vector.broadcast %shift_left3A_623 : i32 to vector<16xi32>
        %shift_left3A_625 = arith.shli %get3A_614, %shift_left3A_624 : vector<16xi32>
        %bitcast3A_626 = vector.bitcast %shift_left3A_625 : vector<16xi32> to vector<16xf32>
        %mul3A_627 = arith.mulf %bitcast3A_620, %bitcast3A_626 : vector<16xf32>
        %mul3A_628 = arith.mulf %bitcast3A_616, %bitcast3A_622 : vector<16xf32>
        %add3A_629 = arith.addf %mul3A_627, %mul3A_628 : vector<16xf32>
        %add3A_630 = arith.addf %add3A_606, %add3A_629 : vector<16xf32>
        %get3A_631 = arith.index_cast %rem3A_63 : i32 to index
        %get3A_632 = arith.index_cast %scan3A_103 : i32 to index
        %get3A_633 = arith.constant 320 : index
        %get3A_634 = tpu.vector_load %arg11[%get3A_631, %get3A_632, %get3A_633] {strides = array<i32>} : memref<2x40x512xi32, #tpu.memory_space<vmem>>, vector<16xi32>,
        %get3A_635 = arith.index_cast %rem3A_63 : i32 to index
        %get3A_636 = arith.index_cast %scan3A_103 : i32 to index
        %get3A_637 = arith.constant 320 : index
        %get3A_638 = tpu.vector_load %arg12[%get3A_635, %get3A_636, %get3A_637] {strides = array<i32>} : memref<2x40x512xi32, #tpu.memory_space<vmem>>, vector<16xi32>,
        %and3A_639 = arith.andi %get3A_634, %broadcast_in_dim3A_14 : vector<16xi32>
        %bitcast3A_640 = vector.bitcast %and3A_639 : vector<16xi32> to vector<16xf32>
        %shift_left3A_641 = arith.constant 16 : i32
        %shift_left3A_642 = vector.broadcast %shift_left3A_641 : i32 to vector<16xi32>
        %shift_left3A_643 = arith.shli %get3A_634, %shift_left3A_642 : vector<16xi32>
        %bitcast3A_644 = vector.bitcast %shift_left3A_643 : vector<16xi32> to vector<16xf32>
        %and3A_645 = arith.andi %get3A_638, %broadcast_in_dim3A_14 : vector<16xi32>
        %bitcast3A_646 = vector.bitcast %and3A_645 : vector<16xi32> to vector<16xf32>
        %shift_left3A_647 = arith.constant 16 : i32
        %shift_left3A_648 = vector.broadcast %shift_left3A_647 : i32 to vector<16xi32>
        %shift_left3A_649 = arith.shli %get3A_638, %shift_left3A_648 : vector<16xi32>
        %bitcast3A_650 = vector.bitcast %shift_left3A_649 : vector<16xi32> to vector<16xf32>
        %mul3A_651 = arith.mulf %bitcast3A_644, %bitcast3A_650 : vector<16xf32>
        %mul3A_652 = arith.mulf %bitcast3A_640, %bitcast3A_646 : vector<16xf32>
        %add3A_653 = arith.addf %mul3A_651, %mul3A_652 : vector<16xf32>
        %add3A_654 = arith.addf %add3A_630, %add3A_653 : vector<16xf32>
        %get3A_655 = arith.index_cast %rem3A_63 : i32 to index
        %get3A_656 = arith.index_cast %scan3A_103 : i32 to index
        %get3A_657 = arith.constant 336 : index
        %get3A_658 = tpu.vector_load %arg11[%get3A_655, %get3A_656, %get3A_657] {strides = array<i32>} : memref<2x40x512xi32, #tpu.memory_space<vmem>>, vector<16xi32>,
        %get3A_659 = arith.index_cast %rem3A_63 : i32 to index
        %get3A_660 = arith.index_cast %scan3A_103 : i32 to index
        %get3A_661 = arith.constant 336 : index
        %get3A_662 = tpu.vector_load %arg12[%get3A_659, %get3A_660, %get3A_661] {strides = array<i32>} : memref<2x40x512xi32, #tpu.memory_space<vmem>>, vector<16xi32>,
        %and3A_663 = arith.andi %get3A_658, %broadcast_in_dim3A_14 : vector<16xi32>
        %bitcast3A_664 = vector.bitcast %and3A_663 : vector<16xi32> to vector<16xf32>
        %shift_left3A_665 = arith.constant 16 : i32
        %shift_left3A_666 = vector.broadcast %shift_left3A_665 : i32 to vector<16xi32>
        %shift_left3A_667 = arith.shli %get3A_658, %shift_left3A_666 : vector<16xi32>
        %bitcast3A_668 = vector.bitcast %shift_left3A_667 : vector<16xi32> to vector<16xf32>
        %and3A_669 = arith.andi %get3A_662, %broadcast_in_dim3A_14 : vector<16xi32>
        %bitcast3A_670 = vector.bitcast %and3A_669 : vector<16xi32> to vector<16xf32>
        %shift_left3A_671 = arith.constant 16 : i32
        %shift_left3A_672 = vector.broadcast %shift_left3A_671 : i32 to vector<16xi32>
        %shift_left3A_673 = arith.shli %get3A_662, %shift_left3A_672 : vector<16xi32>
        %bitcast3A_674 = vector.bitcast %shift_left3A_673 : vector<16xi32> to vector<16xf32>
        %mul3A_675 = arith.mulf %bitcast3A_668, %bitcast3A_674 : vector<16xf32>
        %mul3A_676 = arith.mulf %bitcast3A_664, %bitcast3A_670 : vector<16xf32>
        %add3A_677 = arith.addf %mul3A_675, %mul3A_676 : vector<16xf32>
        %add3A_678 = arith.addf %add3A_654, %add3A_677 : vector<16xf32>
        %get3A_679 = arith.index_cast %rem3A_63 : i32 to index
        %get3A_680 = arith.index_cast %scan3A_103 : i32 to index
        %get3A_681 = arith.constant 352 : index
        %get3A_682 = tpu.vector_load %arg11[%get3A_679, %get3A_680, %get3A_681] {strides = array<i32>} : memref<2x40x512xi32, #tpu.memory_space<vmem>>, vector<16xi32>,
        %get3A_683 = arith.index_cast %rem3A_63 : i32 to index
        %get3A_684 = arith.index_cast %scan3A_103 : i32 to index
        %get3A_685 = arith.constant 352 : index
        %get3A_686 = tpu.vector_load %arg12[%get3A_683, %get3A_684, %get3A_685] {strides = array<i32>} : memref<2x40x512xi32, #tpu.memory_space<vmem>>, vector<16xi32>,
        %and3A_687 = arith.andi %get3A_682, %broadcast_in_dim3A_14 : vector<16xi32>
        %bitcast3A_688 = vector.bitcast %and3A_687 : vector<16xi32> to vector<16xf32>
        %shift_left3A_689 = arith.constant 16 : i32
        %shift_left3A_690 = vector.broadcast %shift_left3A_689 : i32 to vector<16xi32>
        %shift_left3A_691 = arith.shli %get3A_682, %shift_left3A_690 : vector<16xi32>
        %bitcast3A_692 = vector.bitcast %shift_left3A_691 : vector<16xi32> to vector<16xf32>
        %and3A_693 = arith.andi %get3A_686, %broadcast_in_dim3A_14 : vector<16xi32>
        %bitcast3A_694 = vector.bitcast %and3A_693 : vector<16xi32> to vector<16xf32>
        %shift_left3A_695 = arith.constant 16 : i32
        %shift_left3A_696 = vector.broadcast %shift_left3A_695 : i32 to vector<16xi32>
        %shift_left3A_697 = arith.shli %get3A_686, %shift_left3A_696 : vector<16xi32>
        %bitcast3A_698 = vector.bitcast %shift_left3A_697 : vector<16xi32> to vector<16xf32>
        %mul3A_699 = arith.mulf %bitcast3A_692, %bitcast3A_698 : vector<16xf32>
        %mul3A_700 = arith.mulf %bitcast3A_688, %bitcast3A_694 : vector<16xf32>
        %add3A_701 = arith.addf %mul3A_699, %mul3A_700 : vector<16xf32>
        %add3A_702 = arith.addf %add3A_678, %add3A_701 : vector<16xf32>
        %get3A_703 = arith.index_cast %rem3A_63 : i32 to index
        %get3A_704 = arith.index_cast %scan3A_103 : i32 to index
        %get3A_705 = arith.constant 368 : index
        %get3A_706 = tpu.vector_load %arg11[%get3A_703, %get3A_704, %get3A_705] {strides = array<i32>} : memref<2x40x512xi32, #tpu.memory_space<vmem>>, vector<16xi32>,
        %get3A_707 = arith.index_cast %rem3A_63 : i32 to index
        %get3A_708 = arith.index_cast %scan3A_103 : i32 to index
        %get3A_709 = arith.constant 368 : index
        %get3A_710 = tpu.vector_load %arg12[%get3A_707, %get3A_708, %get3A_709] {strides = array<i32>} : memref<2x40x512xi32, #tpu.memory_space<vmem>>, vector<16xi32>,
        %and3A_711 = arith.andi %get3A_706, %broadcast_in_dim3A_14 : vector<16xi32>
        %bitcast3A_712 = vector.bitcast %and3A_711 : vector<16xi32> to vector<16xf32>
        %shift_left3A_713 = arith.constant 16 : i32
        %shift_left3A_714 = vector.broadcast %shift_left3A_713 : i32 to vector<16xi32>
        %shift_left3A_715 = arith.shli %get3A_706, %shift_left3A_714 : vector<16xi32>
        %bitcast3A_716 = vector.bitcast %shift_left3A_715 : vector<16xi32> to vector<16xf32>
        %and3A_717 = arith.andi %get3A_710, %broadcast_in_dim3A_14 : vector<16xi32>
        %bitcast3A_718 = vector.bitcast %and3A_717 : vector<16xi32> to vector<16xf32>
        %shift_left3A_719 = arith.constant 16 : i32
        %shift_left3A_720 = vector.broadcast %shift_left3A_719 : i32 to vector<16xi32>
        %shift_left3A_721 = arith.shli %get3A_710, %shift_left3A_720 : vector<16xi32>
        %bitcast3A_722 = vector.bitcast %shift_left3A_721 : vector<16xi32> to vector<16xf32>
        %mul3A_723 = arith.mulf %bitcast3A_716, %bitcast3A_722 : vector<16xf32>
        %mul3A_724 = arith.mulf %bitcast3A_712, %bitcast3A_718 : vector<16xf32>
        %add3A_725 = arith.addf %mul3A_723, %mul3A_724 : vector<16xf32>
        %add3A_726 = arith.addf %add3A_702, %add3A_725 : vector<16xf32>
        %xor3A_727 = arith.constant 8 : i32
        %xor3A_728 = vector.broadcast %xor3A_727 : i32 to vector<16xi32>
        %xor3A_729 = arith.xori %iota3A, %xor3A_728 : vector<16xi32>
        %broadcast_in_dim3A_730 = vector.shape_cast %xor3A_729 : vector<16xi32> to vector<16x1xi32>
        %gather3A_731 = vector.shape_cast %broadcast_in_dim3A_730 : vector<16x1xi32> to vector<16xi32>
        %gather3A_732 = tpu.dynamic_gather %add3A_726[%gather3A_731] in [0] : vector<16xf32>, vector<16xi32> -> vector<16xf32>
        %add3A_733 = arith.addf %add3A_726, %gather3A_732 : vector<16xf32>
        %xor3A_734 = arith.constant 4 : i32
        %xor3A_735 = vector.broadcast %xor3A_734 : i32 to vector<16xi32>
        %xor3A_736 = arith.xori %iota3A, %xor3A_735 : vector<16xi32>
        %broadcast_in_dim3A_737 = vector.shape_cast %xor3A_736 : vector<16xi32> to vector<16x1xi32>
        %gather3A_738 = vector.shape_cast %broadcast_in_dim3A_737 : vector<16x1xi32> to vector<16xi32>
        %gather3A_739 = tpu.dynamic_gather %add3A_733[%gather3A_738] in [0] : vector<16xf32>, vector<16xi32> -> vector<16xf32>
        %add3A_740 = arith.addf %add3A_733, %gather3A_739 : vector<16xf32>
        %xor3A_741 = arith.constant 2 : i32
        %xor3A_742 = vector.broadcast %xor3A_741 : i32 to vector<16xi32>
        %xor3A_743 = arith.xori %iota3A, %xor3A_742 : vector<16xi32>
        %broadcast_in_dim3A_744 = vector.shape_cast %xor3A_743 : vector<16xi32> to vector<16x1xi32>
        %gather3A_745 = vector.shape_cast %broadcast_in_dim3A_744 : vector<16x1xi32> to vector<16xi32>
        %gather3A_746 = tpu.dynamic_gather %add3A_740[%gather3A_745] in [0] : vector<16xf32>, vector<16xi32> -> vector<16xf32>
        %add3A_747 = arith.addf %add3A_740, %gather3A_746 : vector<16xf32>
        %xor3A_748 = arith.constant 1 : i32
        %xor3A_749 = vector.broadcast %xor3A_748 : i32 to vector<16xi32>
        %xor3A_750 = arith.xori %iota3A, %xor3A_749 : vector<16xi32>
        %broadcast_in_dim3A_751 = vector.shape_cast %xor3A_750 : vector<16xi32> to vector<16x1xi32>
        %gather3A_752 = vector.shape_cast %broadcast_in_dim3A_751 : vector<16x1xi32> to vector<16xi32>
        %gather3A_753 = tpu.dynamic_gather %add3A_747[%gather3A_752] in [0] : vector<16xf32>, vector<16xi32> -> vector<16xf32>
        %add3A_754 = arith.addf %add3A_747, %gather3A_753 : vector<16xf32>
        %get3A_755 = arith.index_cast %rem3A_63 : i32 to index
        %get3A_756 = arith.index_cast %scan3A_103 : i32 to index
        %get3A_757 = arith.constant 384 : index
        %get3A_758 = tpu.vector_load %arg11[%get3A_755, %get3A_756, %get3A_757] {strides = array<i32>} : memref<2x40x512xi32, #tpu.memory_space<vmem>>, vector<16xi32>,
        %get3A_759 = arith.index_cast %rem3A_63 : i32 to index
        %get3A_760 = arith.index_cast %scan3A_103 : i32 to index
        %get3A_761 = arith.constant 384 : index
        %get3A_762 = tpu.vector_load %arg12[%get3A_759, %get3A_760, %get3A_761] {strides = array<i32>} : memref<2x40x512xi32, #tpu.memory_space<vmem>>, vector<16xi32>,
        %and3A_763 = arith.andi %get3A_758, %broadcast_in_dim3A_14 : vector<16xi32>
        %bitcast3A_764 = vector.bitcast %and3A_763 : vector<16xi32> to vector<16xf32>
        %shift_left3A_765 = arith.constant 16 : i32
        %shift_left3A_766 = vector.broadcast %shift_left3A_765 : i32 to vector<16xi32>
        %shift_left3A_767 = arith.shli %get3A_758, %shift_left3A_766 : vector<16xi32>
        %bitcast3A_768 = vector.bitcast %shift_left3A_767 : vector<16xi32> to vector<16xf32>
        %and3A_769 = arith.andi %get3A_762, %broadcast_in_dim3A_14 : vector<16xi32>
        %bitcast3A_770 = vector.bitcast %and3A_769 : vector<16xi32> to vector<16xf32>
        %shift_left3A_771 = arith.constant 16 : i32
        %shift_left3A_772 = vector.broadcast %shift_left3A_771 : i32 to vector<16xi32>
        %shift_left3A_773 = arith.shli %get3A_762, %shift_left3A_772 : vector<16xi32>
        %bitcast3A_774 = vector.bitcast %shift_left3A_773 : vector<16xi32> to vector<16xf32>
        %mul3A_775 = arith.mulf %bitcast3A_768, %bitcast3A_774 : vector<16xf32>
        %mul3A_776 = arith.mulf %bitcast3A_764, %bitcast3A_770 : vector<16xf32>
        %add3A_777 = arith.addf %mul3A_775, %mul3A_776 : vector<16xf32>
        %get3A_778 = arith.index_cast %rem3A_63 : i32 to index
        %get3A_779 = arith.index_cast %scan3A_103 : i32 to index
        %get3A_780 = arith.constant 400 : index
        %get3A_781 = tpu.vector_load %arg11[%get3A_778, %get3A_779, %get3A_780] {strides = array<i32>} : memref<2x40x512xi32, #tpu.memory_space<vmem>>, vector<16xi32>,
        %get3A_782 = arith.index_cast %rem3A_63 : i32 to index
        %get3A_783 = arith.index_cast %scan3A_103 : i32 to index
        %get3A_784 = arith.constant 400 : index
        %get3A_785 = tpu.vector_load %arg12[%get3A_782, %get3A_783, %get3A_784] {strides = array<i32>} : memref<2x40x512xi32, #tpu.memory_space<vmem>>, vector<16xi32>,
        %and3A_786 = arith.andi %get3A_781, %broadcast_in_dim3A_14 : vector<16xi32>
        %bitcast3A_787 = vector.bitcast %and3A_786 : vector<16xi32> to vector<16xf32>
        %shift_left3A_788 = arith.constant 16 : i32
        %shift_left3A_789 = vector.broadcast %shift_left3A_788 : i32 to vector<16xi32>
        %shift_left3A_790 = arith.shli %get3A_781, %shift_left3A_789 : vector<16xi32>
        %bitcast3A_791 = vector.bitcast %shift_left3A_790 : vector<16xi32> to vector<16xf32>
        %and3A_792 = arith.andi %get3A_785, %broadcast_in_dim3A_14 : vector<16xi32>
        %bitcast3A_793 = vector.bitcast %and3A_792 : vector<16xi32> to vector<16xf32>
        %shift_left3A_794 = arith.constant 16 : i32
        %shift_left3A_795 = vector.broadcast %shift_left3A_794 : i32 to vector<16xi32>
        %shift_left3A_796 = arith.shli %get3A_785, %shift_left3A_795 : vector<16xi32>
        %bitcast3A_797 = vector.bitcast %shift_left3A_796 : vector<16xi32> to vector<16xf32>
        %mul3A_798 = arith.mulf %bitcast3A_791, %bitcast3A_797 : vector<16xf32>
        %mul3A_799 = arith.mulf %bitcast3A_787, %bitcast3A_793 : vector<16xf32>
        %add3A_800 = arith.addf %mul3A_798, %mul3A_799 : vector<16xf32>
        %add3A_801 = arith.addf %add3A_777, %add3A_800 : vector<16xf32>
        %get3A_802 = arith.index_cast %rem3A_63 : i32 to index
        %get3A_803 = arith.index_cast %scan3A_103 : i32 to index
        %get3A_804 = arith.constant 416 : index
        %get3A_805 = tpu.vector_load %arg11[%get3A_802, %get3A_803, %get3A_804] {strides = array<i32>} : memref<2x40x512xi32, #tpu.memory_space<vmem>>, vector<16xi32>,
        %get3A_806 = arith.index_cast %rem3A_63 : i32 to index
        %get3A_807 = arith.index_cast %scan3A_103 : i32 to index
        %get3A_808 = arith.constant 416 : index
        %get3A_809 = tpu.vector_load %arg12[%get3A_806, %get3A_807, %get3A_808] {strides = array<i32>} : memref<2x40x512xi32, #tpu.memory_space<vmem>>, vector<16xi32>,
        %and3A_810 = arith.andi %get3A_805, %broadcast_in_dim3A_14 : vector<16xi32>
        %bitcast3A_811 = vector.bitcast %and3A_810 : vector<16xi32> to vector<16xf32>
        %shift_left3A_812 = arith.constant 16 : i32
        %shift_left3A_813 = vector.broadcast %shift_left3A_812 : i32 to vector<16xi32>
        %shift_left3A_814 = arith.shli %get3A_805, %shift_left3A_813 : vector<16xi32>
        %bitcast3A_815 = vector.bitcast %shift_left3A_814 : vector<16xi32> to vector<16xf32>
        %and3A_816 = arith.andi %get3A_809, %broadcast_in_dim3A_14 : vector<16xi32>
        %bitcast3A_817 = vector.bitcast %and3A_816 : vector<16xi32> to vector<16xf32>
        %shift_left3A_818 = arith.constant 16 : i32
        %shift_left3A_819 = vector.broadcast %shift_left3A_818 : i32 to vector<16xi32>
        %shift_left3A_820 = arith.shli %get3A_809, %shift_left3A_819 : vector<16xi32>
        %bitcast3A_821 = vector.bitcast %shift_left3A_820 : vector<16xi32> to vector<16xf32>
        %mul3A_822 = arith.mulf %bitcast3A_815, %bitcast3A_821 : vector<16xf32>
        %mul3A_823 = arith.mulf %bitcast3A_811, %bitcast3A_817 : vector<16xf32>
        %add3A_824 = arith.addf %mul3A_822, %mul3A_823 : vector<16xf32>
        %add3A_825 = arith.addf %add3A_801, %add3A_824 : vector<16xf32>
        %get3A_826 = arith.index_cast %rem3A_63 : i32 to index
        %get3A_827 = arith.index_cast %scan3A_103 : i32 to index
        %get3A_828 = arith.constant 432 : index
        %get3A_829 = tpu.vector_load %arg11[%get3A_826, %get3A_827, %get3A_828] {strides = array<i32>} : memref<2x40x512xi32, #tpu.memory_space<vmem>>, vector<16xi32>,
        %get3A_830 = arith.index_cast %rem3A_63 : i32 to index
        %get3A_831 = arith.index_cast %scan3A_103 : i32 to index
        %get3A_832 = arith.constant 432 : index
        %get3A_833 = tpu.vector_load %arg12[%get3A_830, %get3A_831, %get3A_832] {strides = array<i32>} : memref<2x40x512xi32, #tpu.memory_space<vmem>>, vector<16xi32>,
        %and3A_834 = arith.andi %get3A_829, %broadcast_in_dim3A_14 : vector<16xi32>
        %bitcast3A_835 = vector.bitcast %and3A_834 : vector<16xi32> to vector<16xf32>
        %shift_left3A_836 = arith.constant 16 : i32
        %shift_left3A_837 = vector.broadcast %shift_left3A_836 : i32 to vector<16xi32>
        %shift_left3A_838 = arith.shli %get3A_829, %shift_left3A_837 : vector<16xi32>
        %bitcast3A_839 = vector.bitcast %shift_left3A_838 : vector<16xi32> to vector<16xf32>
        %and3A_840 = arith.andi %get3A_833, %broadcast_in_dim3A_14 : vector<16xi32>
        %bitcast3A_841 = vector.bitcast %and3A_840 : vector<16xi32> to vector<16xf32>
        %shift_left3A_842 = arith.constant 16 : i32
        %shift_left3A_843 = vector.broadcast %shift_left3A_842 : i32 to vector<16xi32>
        %shift_left3A_844 = arith.shli %get3A_833, %shift_left3A_843 : vector<16xi32>
        %bitcast3A_845 = vector.bitcast %shift_left3A_844 : vector<16xi32> to vector<16xf32>
        %mul3A_846 = arith.mulf %bitcast3A_839, %bitcast3A_845 : vector<16xf32>
        %mul3A_847 = arith.mulf %bitcast3A_835, %bitcast3A_841 : vector<16xf32>
        %add3A_848 = arith.addf %mul3A_846, %mul3A_847 : vector<16xf32>
        %add3A_849 = arith.addf %add3A_825, %add3A_848 : vector<16xf32>
        %get3A_850 = arith.index_cast %rem3A_63 : i32 to index
        %get3A_851 = arith.index_cast %scan3A_103 : i32 to index
        %get3A_852 = arith.constant 448 : index
        %get3A_853 = tpu.vector_load %arg11[%get3A_850, %get3A_851, %get3A_852] {strides = array<i32>} : memref<2x40x512xi32, #tpu.memory_space<vmem>>, vector<16xi32>,
        %get3A_854 = arith.index_cast %rem3A_63 : i32 to index
        %get3A_855 = arith.index_cast %scan3A_103 : i32 to index
        %get3A_856 = arith.constant 448 : index
        %get3A_857 = tpu.vector_load %arg12[%get3A_854, %get3A_855, %get3A_856] {strides = array<i32>} : memref<2x40x512xi32, #tpu.memory_space<vmem>>, vector<16xi32>,
        %and3A_858 = arith.andi %get3A_853, %broadcast_in_dim3A_14 : vector<16xi32>
        %bitcast3A_859 = vector.bitcast %and3A_858 : vector<16xi32> to vector<16xf32>
        %shift_left3A_860 = arith.constant 16 : i32
        %shift_left3A_861 = vector.broadcast %shift_left3A_860 : i32 to vector<16xi32>
        %shift_left3A_862 = arith.shli %get3A_853, %shift_left3A_861 : vector<16xi32>
        %bitcast3A_863 = vector.bitcast %shift_left3A_862 : vector<16xi32> to vector<16xf32>
        %and3A_864 = arith.andi %get3A_857, %broadcast_in_dim3A_14 : vector<16xi32>
        %bitcast3A_865 = vector.bitcast %and3A_864 : vector<16xi32> to vector<16xf32>
        %shift_left3A_866 = arith.constant 16 : i32
        %shift_left3A_867 = vector.broadcast %shift_left3A_866 : i32 to vector<16xi32>
        %shift_left3A_868 = arith.shli %get3A_857, %shift_left3A_867 : vector<16xi32>
        %bitcast3A_869 = vector.bitcast %shift_left3A_868 : vector<16xi32> to vector<16xf32>
        %mul3A_870 = arith.mulf %bitcast3A_863, %bitcast3A_869 : vector<16xf32>
        %mul3A_871 = arith.mulf %bitcast3A_859, %bitcast3A_865 : vector<16xf32>
        %add3A_872 = arith.addf %mul3A_870, %mul3A_871 : vector<16xf32>
        %add3A_873 = arith.addf %add3A_849, %add3A_872 : vector<16xf32>
        %get3A_874 = arith.index_cast %rem3A_63 : i32 to index
        %get3A_875 = arith.index_cast %scan3A_103 : i32 to index
        %get3A_876 = arith.constant 464 : index
        %get3A_877 = tpu.vector_load %arg11[%get3A_874, %get3A_875, %get3A_876] {strides = array<i32>} : memref<2x40x512xi32, #tpu.memory_space<vmem>>, vector<16xi32>,
        %get3A_878 = arith.index_cast %rem3A_63 : i32 to index
        %get3A_879 = arith.index_cast %scan3A_103 : i32 to index
        %get3A_880 = arith.constant 464 : index
        %get3A_881 = tpu.vector_load %arg12[%get3A_878, %get3A_879, %get3A_880] {strides = array<i32>} : memref<2x40x512xi32, #tpu.memory_space<vmem>>, vector<16xi32>,
        %and3A_882 = arith.andi %get3A_877, %broadcast_in_dim3A_14 : vector<16xi32>
        %bitcast3A_883 = vector.bitcast %and3A_882 : vector<16xi32> to vector<16xf32>
        %shift_left3A_884 = arith.constant 16 : i32
        %shift_left3A_885 = vector.broadcast %shift_left3A_884 : i32 to vector<16xi32>
        %shift_left3A_886 = arith.shli %get3A_877, %shift_left3A_885 : vector<16xi32>
        %bitcast3A_887 = vector.bitcast %shift_left3A_886 : vector<16xi32> to vector<16xf32>
        %and3A_888 = arith.andi %get3A_881, %broadcast_in_dim3A_14 : vector<16xi32>
        %bitcast3A_889 = vector.bitcast %and3A_888 : vector<16xi32> to vector<16xf32>
        %shift_left3A_890 = arith.constant 16 : i32
        %shift_left3A_891 = vector.broadcast %shift_left3A_890 : i32 to vector<16xi32>
        %shift_left3A_892 = arith.shli %get3A_881, %shift_left3A_891 : vector<16xi32>
        %bitcast3A_893 = vector.bitcast %shift_left3A_892 : vector<16xi32> to vector<16xf32>
        %mul3A_894 = arith.mulf %bitcast3A_887, %bitcast3A_893 : vector<16xf32>
        %mul3A_895 = arith.mulf %bitcast3A_883, %bitcast3A_889 : vector<16xf32>
        %add3A_896 = arith.addf %mul3A_894, %mul3A_895 : vector<16xf32>
        %add3A_897 = arith.addf %add3A_873, %add3A_896 : vector<16xf32>
        %get3A_898 = arith.index_cast %rem3A_63 : i32 to index
        %get3A_899 = arith.index_cast %scan3A_103 : i32 to index
        %get3A_900 = arith.constant 480 : index
        %get3A_901 = tpu.vector_load %arg11[%get3A_898, %get3A_899, %get3A_900] {strides = array<i32>} : memref<2x40x512xi32, #tpu.memory_space<vmem>>, vector<16xi32>,
        %get3A_902 = arith.index_cast %rem3A_63 : i32 to index
        %get3A_903 = arith.index_cast %scan3A_103 : i32 to index
        %get3A_904 = arith.constant 480 : index
        %get3A_905 = tpu.vector_load %arg12[%get3A_902, %get3A_903, %get3A_904] {strides = array<i32>} : memref<2x40x512xi32, #tpu.memory_space<vmem>>, vector<16xi32>,
        %and3A_906 = arith.andi %get3A_901, %broadcast_in_dim3A_14 : vector<16xi32>
        %bitcast3A_907 = vector.bitcast %and3A_906 : vector<16xi32> to vector<16xf32>
        %shift_left3A_908 = arith.constant 16 : i32
        %shift_left3A_909 = vector.broadcast %shift_left3A_908 : i32 to vector<16xi32>
        %shift_left3A_910 = arith.shli %get3A_901, %shift_left3A_909 : vector<16xi32>
        %bitcast3A_911 = vector.bitcast %shift_left3A_910 : vector<16xi32> to vector<16xf32>
        %and3A_912 = arith.andi %get3A_905, %broadcast_in_dim3A_14 : vector<16xi32>
        %bitcast3A_913 = vector.bitcast %and3A_912 : vector<16xi32> to vector<16xf32>
        %shift_left3A_914 = arith.constant 16 : i32
        %shift_left3A_915 = vector.broadcast %shift_left3A_914 : i32 to vector<16xi32>
        %shift_left3A_916 = arith.shli %get3A_905, %shift_left3A_915 : vector<16xi32>
        %bitcast3A_917 = vector.bitcast %shift_left3A_916 : vector<16xi32> to vector<16xf32>
        %mul3A_918 = arith.mulf %bitcast3A_911, %bitcast3A_917 : vector<16xf32>
        %mul3A_919 = arith.mulf %bitcast3A_907, %bitcast3A_913 : vector<16xf32>
        %add3A_920 = arith.addf %mul3A_918, %mul3A_919 : vector<16xf32>
        %add3A_921 = arith.addf %add3A_897, %add3A_920 : vector<16xf32>
        %get3A_922 = arith.index_cast %rem3A_63 : i32 to index
        %get3A_923 = arith.index_cast %scan3A_103 : i32 to index
        %get3A_924 = arith.constant 496 : index
        %get3A_925 = tpu.vector_load %arg11[%get3A_922, %get3A_923, %get3A_924] {strides = array<i32>} : memref<2x40x512xi32, #tpu.memory_space<vmem>>, vector<16xi32>,
        %get3A_926 = arith.index_cast %rem3A_63 : i32 to index
        %get3A_927 = arith.index_cast %scan3A_103 : i32 to index
        %get3A_928 = arith.constant 496 : index
        %get3A_929 = tpu.vector_load %arg12[%get3A_926, %get3A_927, %get3A_928] {strides = array<i32>} : memref<2x40x512xi32, #tpu.memory_space<vmem>>, vector<16xi32>,
        %and3A_930 = arith.andi %get3A_925, %broadcast_in_dim3A_14 : vector<16xi32>
        %bitcast3A_931 = vector.bitcast %and3A_930 : vector<16xi32> to vector<16xf32>
        %shift_left3A_932 = arith.constant 16 : i32
        %shift_left3A_933 = vector.broadcast %shift_left3A_932 : i32 to vector<16xi32>
        %shift_left3A_934 = arith.shli %get3A_925, %shift_left3A_933 : vector<16xi32>
        %bitcast3A_935 = vector.bitcast %shift_left3A_934 : vector<16xi32> to vector<16xf32>
        %and3A_936 = arith.andi %get3A_929, %broadcast_in_dim3A_14 : vector<16xi32>
        %bitcast3A_937 = vector.bitcast %and3A_936 : vector<16xi32> to vector<16xf32>
        %shift_left3A_938 = arith.constant 16 : i32
        %shift_left3A_939 = vector.broadcast %shift_left3A_938 : i32 to vector<16xi32>
        %shift_left3A_940 = arith.shli %get3A_929, %shift_left3A_939 : vector<16xi32>
        %bitcast3A_941 = vector.bitcast %shift_left3A_940 : vector<16xi32> to vector<16xf32>
        %mul3A_942 = arith.mulf %bitcast3A_935, %bitcast3A_941 : vector<16xf32>
        %mul3A_943 = arith.mulf %bitcast3A_931, %bitcast3A_937 : vector<16xf32>
        %add3A_944 = arith.addf %mul3A_942, %mul3A_943 : vector<16xf32>
        %add3A_945 = arith.addf %add3A_921, %add3A_944 : vector<16xf32>
        %xor3A_946 = arith.constant 8 : i32
        %xor3A_947 = vector.broadcast %xor3A_946 : i32 to vector<16xi32>
        %xor3A_948 = arith.xori %iota3A, %xor3A_947 : vector<16xi32>
        %broadcast_in_dim3A_949 = vector.shape_cast %xor3A_948 : vector<16xi32> to vector<16x1xi32>
        %gather3A_950 = vector.shape_cast %broadcast_in_dim3A_949 : vector<16x1xi32> to vector<16xi32>
        %gather3A_951 = tpu.dynamic_gather %add3A_945[%gather3A_950] in [0] : vector<16xf32>, vector<16xi32> -> vector<16xf32>
        %add3A_952 = arith.addf %add3A_945, %gather3A_951 : vector<16xf32>
        %xor3A_953 = arith.constant 4 : i32
        %xor3A_954 = vector.broadcast %xor3A_953 : i32 to vector<16xi32>
        %xor3A_955 = arith.xori %iota3A, %xor3A_954 : vector<16xi32>
        %broadcast_in_dim3A_956 = vector.shape_cast %xor3A_955 : vector<16xi32> to vector<16x1xi32>
        %gather3A_957 = vector.shape_cast %broadcast_in_dim3A_956 : vector<16x1xi32> to vector<16xi32>
        %gather3A_958 = tpu.dynamic_gather %add3A_952[%gather3A_957] in [0] : vector<16xf32>, vector<16xi32> -> vector<16xf32>
        %add3A_959 = arith.addf %add3A_952, %gather3A_958 : vector<16xf32>
        %xor3A_960 = arith.constant 2 : i32
        %xor3A_961 = vector.broadcast %xor3A_960 : i32 to vector<16xi32>
        %xor3A_962 = arith.xori %iota3A, %xor3A_961 : vector<16xi32>
        %broadcast_in_dim3A_963 = vector.shape_cast %xor3A_962 : vector<16xi32> to vector<16x1xi32>
        %gather3A_964 = vector.shape_cast %broadcast_in_dim3A_963 : vector<16x1xi32> to vector<16xi32>
        %gather3A_965 = tpu.dynamic_gather %add3A_959[%gather3A_964] in [0] : vector<16xf32>, vector<16xi32> -> vector<16xf32>
        %add3A_966 = arith.addf %add3A_959, %gather3A_965 : vector<16xf32>
        %xor3A_967 = arith.constant 1 : i32
        %xor3A_968 = vector.broadcast %xor3A_967 : i32 to vector<16xi32>
        %xor3A_969 = arith.xori %iota3A, %xor3A_968 : vector<16xi32>
        %broadcast_in_dim3A_970 = vector.shape_cast %xor3A_969 : vector<16xi32> to vector<16x1xi32>
        %gather3A_971 = vector.shape_cast %broadcast_in_dim3A_970 : vector<16x1xi32> to vector<16xi32>
        %gather3A_972 = tpu.dynamic_gather %add3A_966[%gather3A_971] in [0] : vector<16xf32>, vector<16xi32> -> vector<16xf32>
        %add3A_973 = arith.addf %add3A_966, %gather3A_972 : vector<16xf32>
        %eq3A_974 = arith.constant 0 : i32
        %eq3A_975 = vector.broadcast %eq3A_974 : i32 to vector<16xi32>
        %eq3A_976 = arith.cmpi eq, %iota3A, %eq3A_975 : vector<16xi32>
        %eq3A_977 = arith.constant 1 : i32
        %eq3A_978 = vector.broadcast %eq3A_977 : i32 to vector<16xi32>
        %eq3A_979 = arith.cmpi eq, %iota3A, %eq3A_978 : vector<16xi32>
        %eq3A_980 = arith.constant 2 : i32
        %eq3A_981 = vector.broadcast %eq3A_980 : i32 to vector<16xi32>
        %eq3A_982 = arith.cmpi eq, %iota3A, %eq3A_981 : vector<16xi32>
        %select_n3A = arith.select %eq3A_982, %add3A_754, %add3A_973 : vector<16xi1>, vector<16xf32>
        %select_n3A_983 = arith.select %eq3A_979, %add3A_535, %select_n3A : vector<16xi1>, vector<16xf32>
        %select_n3A_984 = arith.select %eq3A_976, %add3A_316, %select_n3A_983 : vector<16xi1>, vector<16xf32>
        %mul3A_985 = arith.constant 6.250000e-02 : f32
        %mul3A_986 = vector.broadcast %mul3A_985 : f32 to vector<16xf32>
        %mul3A_987 = arith.mulf %select_n3A_984, %mul3A_986 : vector<16xf32>
        %exp3A = math.exp %mul3A_987 : vector<16xf32>
        %lt3A_988 = arith.constant 4 : i32
        %lt3A_989 = vector.broadcast %lt3A_988 : i32 to vector<16xi32>
        %lt3A_990 = arith.cmpi slt, %iota3A, %lt3A_989 : vector<16xi32>
        %jit3A = arith.constant 0.000000e+00 : f32
        %broadcast_in_dim3A_991 = vector.broadcast %jit3A : f32 to vector<16xf32>
        %select_n3A_992 = arith.select %lt3A_990, %exp3A, %broadcast_in_dim3A_991 : vector<16xi1>, vector<16xf32>
        %swap3A = arith.index_cast %scan3A_103 : i32 to index
        %swap3A_993 = arith.constant 0 : index
        %swap3A_994 = tpu.vector_load %arg13[%swap3A, %swap3A_993] {strides = array<i32>} : memref<40x16xf32, #tpu.memory_space<vmem>>, vector<16xf32>,
        tpu.vector_store %arg13[%swap3A, %swap3A_993], %select_n3A_992 {strides = array<i32>} : memref<40x16xf32, #tpu.memory_space<vmem>>, vector<16xf32>,
      }
      %scan3A_97 = arith.constant 40 : i32
      %mul3A_98 = arith.constant 5000 : i32
      %mul3A_99 = arith.muli %add3A, %mul3A_98 : i32
      %mul3A_100 = arith.constant 40 : i32
      %mul3A_101 = arith.muli %scan3A_61, %mul3A_100 : i32
      %add3A_102 = arith.addi %mul3A_99, %mul3A_101 : i32
      "tpu.region"() ({
        %run_scoped3A = tpu.sem_alloc : memref<!tpu.dma_semaphore, #tpu.memory_space<semaphore_mem>>
        %dma_start3A_103 = arith.constant 0 : i32
        %dma_start3A_104 = tpu.memref_slice %arg6[%add3A_102, %dma_start3A_103] : memref<160000x16xf32, #tpu.memory_space<hbm>> -> memref<40x16xf32, #tpu.memory_space<hbm>>
        %dma_start3A_105 = arith.constant 0 : i32
        %dma_start3A_106 = tpu.memref_slice %arg6[%add3A_102, %dma_start3A_105] : memref<160000x16xf32, #tpu.memory_space<hbm>> -> memref<40x16xf32, #tpu.memory_space<hbm>>
        tpu.enqueue_dma source(%arg13 : memref<40x16xf32, #tpu.memory_space<vmem>>) target(%dma_start3A_106 : memref<40x16xf32, #tpu.memory_space<hbm>>) target_semaphore(%run_scoped3A : memref<!tpu.dma_semaphore, #tpu.memory_space<semaphore_mem>>)
        %dma_wait3A_107 = arith.constant 0 : i32
        %dma_wait3A_108 = tpu.memref_slice %arg6[%add3A_102, %dma_wait3A_107] : memref<160000x16xf32, #tpu.memory_space<hbm>> -> memref<40x16xf32, #tpu.memory_space<hbm>>
        %dma_wait3A_109 = arith.constant 0 : i32
        %dma_wait3A_110 = tpu.memref_slice %arg6[%add3A_102, %dma_wait3A_109] : memref<160000x16xf32, #tpu.memory_space<hbm>> -> memref<40x16xf32, #tpu.memory_space<hbm>>
        tpu.wait_dma2 semaphore(%run_scoped3A : memref<!tpu.dma_semaphore, #tpu.memory_space<semaphore_mem>>) src(%arg13 : memref<40x16xf32, #tpu.memory_space<vmem>>) dst(%dma_wait3A_110 : memref<40x16xf32, #tpu.memory_space<hbm>>)
        tpu.yield
      }) : () -> ()
      "tpu.region"() ({
        %run_scoped3A = tpu.sem_alloc : memref<!tpu.dma_semaphore, #tpu.memory_space<semaphore_mem>>
        %dma_start3A_103 = arith.constant 0 : i32
        %dma_start3A_104 = tpu.memref_slice %arg9[%scan3A_61, %dma_start3A_103] : memref<125x40xi32, #tpu.memory_space<vmem>> -> memref<1x40xi32, #tpu.memory_space<vmem>>
        %dma_start3A_105 = tpu.memref_squeeze %dma_start3A_104 : memref<1x40xi32, #tpu.memory_space<vmem>> -> memref<40xi32, #tpu.memory_space<vmem>>
        %dma_start3A_106 = arith.constant 0 : i32
        %dma_start3A_107 = arith.constant 0 : i32
        %dma_start3A_108 = tpu.memref_slice %arg15[%dma_start3A_106, %dma_start3A_107] : memref<10000x16xf32, #tpu.memory_space<vmem_shared>> -> memref<10000x16xf32, #tpu.memory_space<vmem_shared>>
        tpu.enqueue_indirect_dma source(%arg13 : memref<40x16xf32, #tpu.memory_space<vmem>>) target(%dma_start3A_108 : memref<10000x16xf32, #tpu.memory_space<vmem_shared>>) offsets(%dma_start3A_105 : memref<40xi32, #tpu.memory_space<vmem>>) semaphore(%run_scoped3A : memref<!tpu.dma_semaphore, #tpu.memory_space<semaphore_mem>>) {add = true}
        %dma_wait3A_109 = arith.constant 0 : i32
        %dma_wait3A_110 = tpu.memref_slice %arg9[%scan3A_61, %dma_wait3A_109] : memref<125x40xi32, #tpu.memory_space<vmem>> -> memref<1x40xi32, #tpu.memory_space<vmem>>
        %dma_wait3A_111 = tpu.memref_squeeze %dma_wait3A_110 : memref<1x40xi32, #tpu.memory_space<vmem>> -> memref<40xi32, #tpu.memory_space<vmem>>
        %dma_wait3A_112 = arith.constant 0 : i32
        %dma_wait3A_113 = arith.constant 0 : i32
        %dma_wait3A_114 = tpu.memref_slice %arg15[%dma_wait3A_112, %dma_wait3A_113] : memref<10000x16xf32, #tpu.memory_space<vmem_shared>> -> memref<10000x16xf32, #tpu.memory_space<vmem_shared>>
        tpu.wait_indirect_dma semaphore(%run_scoped3A : memref<!tpu.dma_semaphore, #tpu.memory_space<semaphore_mem>>) src(%arg13 : memref<40x16xf32, #tpu.memory_space<vmem>>) dst(%dma_wait3A_114 : memref<10000x16xf32, #tpu.memory_space<vmem_shared>>)
        tpu.yield
      }) : () -> ()
    }
    %scan3A_47 = arith.constant 125 : i32
    %barrier3A_48 = arith.constant 0 : index
    tpu.barrier barrier_id(%barrier3A_48)
    %mul3A_49 = arith.constant 624 : i32
    %mul3A_50 = arith.muli %arg1, %mul3A_49 : i32
    %eq3A_51 = arith.constant 0 : i32
    %eq3A_52 = arith.cmpi eq, %arg0, %eq3A_51 : i32
    %convert_element_type3A_53 = arith.extui %eq3A_52 : i1 to i32
    %cond3A_54 = arith.constant 0 : i32
    %cond3A_55 = arith.cmpi ne, %convert_element_type3A_53, %cond3A_54 : i32
    scf.if %cond3A_55 {
      %lt3A_61 = arith.constant 15 : i32
      %lt3A_62 = arith.cmpi slt, %arg1, %lt3A_61 : i32
      %convert_element_type3A_63 = arith.extui %lt3A_62 : i1 to i32
      %cond3A_64 = arith.constant 0 : i32
      %cond3A_65 = arith.cmpi ne, %convert_element_type3A_63, %cond3A_64 : i32
      scf.if %cond3A_65 {
        "tpu.region"() ({
          %run_scoped3A = tpu.sem_alloc : memref<!tpu.dma_semaphore, #tpu.memory_space<semaphore_mem>>
          %dma_start3A_71 = arith.constant 0 : i32
          %dma_start3A_72 = tpu.memref_slice %arg7[%mul3A_50, %dma_start3A_71] : memref<10000x16xf32, #tpu.memory_space<hbm>> -> memref<624x16xf32, #tpu.memory_space<hbm>>
          %dma_start3A_73 = arith.constant 0 : i32
          %dma_start3A_74 = tpu.memref_slice %arg15[%mul3A_50, %dma_start3A_73] : memref<10000x16xf32, #tpu.memory_space<vmem_shared>> -> memref<624x16xf32, #tpu.memory_space<vmem_shared>>
          tpu.enqueue_dma source(%dma_start3A_74 : memref<624x16xf32, #tpu.memory_space<vmem_shared>>) target(%dma_start3A_72 : memref<624x16xf32, #tpu.memory_space<hbm>>) target_semaphore(%run_scoped3A : memref<!tpu.dma_semaphore, #tpu.memory_space<semaphore_mem>>)
          %dma_wait3A = arith.constant 0 : i32
          %dma_wait3A_75 = tpu.memref_slice %arg7[%mul3A_50, %dma_wait3A] : memref<10000x16xf32, #tpu.memory_space<hbm>> -> memref<624x16xf32, #tpu.memory_space<hbm>>
          %dma_wait3A_76 = arith.constant 0 : i32
          %dma_wait3A_77 = tpu.memref_slice %arg15[%mul3A_50, %dma_wait3A_76] : memref<10000x16xf32, #tpu.memory_space<vmem_shared>> -> memref<624x16xf32, #tpu.memory_space<vmem_shared>>
          tpu.wait_dma2 semaphore(%run_scoped3A : memref<!tpu.dma_semaphore, #tpu.memory_space<semaphore_mem>>) src(%dma_wait3A_77 : memref<624x16xf32, #tpu.memory_space<vmem_shared>>) dst(%dma_wait3A_75 : memref<624x16xf32, #tpu.memory_space<hbm>>)
          tpu.yield
        }) : () -> ()
      } else {
      }
      %eq3A_66 = arith.constant 15 : i32
      %eq3A_67 = arith.cmpi eq, %arg1, %eq3A_66 : i32
      %convert_element_type3A_68 = arith.extui %eq3A_67 : i1 to i32
      %cond3A_69 = arith.constant 0 : i32
      %cond3A_70 = arith.cmpi ne, %convert_element_type3A_68, %cond3A_69 : i32
      scf.if %cond3A_70 {
        "tpu.region"() ({
          %run_scoped3A = tpu.sem_alloc : memref<!tpu.dma_semaphore, #tpu.memory_space<semaphore_mem>>
          %dma_start3A_71 = arith.constant 9360 : i32
          %dma_start3A_72 = arith.constant 0 : i32
          %dma_start3A_73 = tpu.memref_slice %arg7[%dma_start3A_71, %dma_start3A_72] : memref<10000x16xf32, #tpu.memory_space<hbm>> -> memref<640x16xf32, #tpu.memory_space<hbm>>
          %dma_start3A_74 = arith.constant 9360 : i32
          %dma_start3A_75 = arith.constant 0 : i32
          %dma_start3A_76 = tpu.memref_slice %arg15[%dma_start3A_74, %dma_start3A_75] : memref<10000x16xf32, #tpu.memory_space<vmem_shared>> -> memref<640x16xf32, #tpu.memory_space<vmem_shared>>
          tpu.enqueue_dma source(%dma_start3A_76 : memref<640x16xf32, #tpu.memory_space<vmem_shared>>) target(%dma_start3A_73 : memref<640x16xf32, #tpu.memory_space<hbm>>) target_semaphore(%run_scoped3A : memref<!tpu.dma_semaphore, #tpu.memory_space<semaphore_mem>>)
          %dma_wait3A = arith.constant 9360 : i32
          %dma_wait3A_77 = arith.constant 0 : i32
          %dma_wait3A_78 = tpu.memref_slice %arg7[%dma_wait3A, %dma_wait3A_77] : memref<10000x16xf32, #tpu.memory_space<hbm>> -> memref<640x16xf32, #tpu.memory_space<hbm>>
          %dma_wait3A_79 = arith.constant 9360 : i32
          %dma_wait3A_80 = arith.constant 0 : i32
          %dma_wait3A_81 = tpu.memref_slice %arg15[%dma_wait3A_79, %dma_wait3A_80] : memref<10000x16xf32, #tpu.memory_space<vmem_shared>> -> memref<640x16xf32, #tpu.memory_space<vmem_shared>>
          tpu.wait_dma2 semaphore(%run_scoped3A : memref<!tpu.dma_semaphore, #tpu.memory_space<semaphore_mem>>) src(%dma_wait3A_81 : memref<640x16xf32, #tpu.memory_space<vmem_shared>>) dst(%dma_wait3A_78 : memref<640x16xf32, #tpu.memory_space<hbm>>)
          tpu.yield
        }) : () -> ()
      } else {
      }
    } else {
    }
    %eq3A_56 = arith.constant 1 : i32
    %eq3A_57 = arith.cmpi eq, %arg0, %eq3A_56 : i32
    %convert_element_type3A_58 = arith.extui %eq3A_57 : i1 to i32
    %cond3A_59 = arith.constant 0 : i32
    %cond3A_60 = arith.cmpi ne, %convert_element_type3A_58, %cond3A_59 : i32
    scf.if %cond3A_60 {
      %lt3A_61 = arith.constant 15 : i32
      %lt3A_62 = arith.cmpi slt, %arg1, %lt3A_61 : i32
      %convert_element_type3A_63 = arith.extui %lt3A_62 : i1 to i32
      %cond3A_64 = arith.constant 0 : i32
      %cond3A_65 = arith.cmpi ne, %convert_element_type3A_63, %cond3A_64 : i32
      scf.if %cond3A_65 {
        "tpu.region"() ({
          %run_scoped3A = tpu.sem_alloc : memref<!tpu.dma_semaphore, #tpu.memory_space<semaphore_mem>>
          %dma_start3A_71 = arith.constant 0 : i32
          %dma_start3A_72 = tpu.memref_slice %arg8[%mul3A_50, %dma_start3A_71] : memref<10000x16xf32, #tpu.memory_space<hbm>> -> memref<624x16xf32, #tpu.memory_space<hbm>>
          %dma_start3A_73 = arith.constant 0 : i32
          %dma_start3A_74 = tpu.memref_slice %arg15[%mul3A_50, %dma_start3A_73] : memref<10000x16xf32, #tpu.memory_space<vmem_shared>> -> memref<624x16xf32, #tpu.memory_space<vmem_shared>>
          tpu.enqueue_dma source(%dma_start3A_74 : memref<624x16xf32, #tpu.memory_space<vmem_shared>>) target(%dma_start3A_72 : memref<624x16xf32, #tpu.memory_space<hbm>>) target_semaphore(%run_scoped3A : memref<!tpu.dma_semaphore, #tpu.memory_space<semaphore_mem>>)
          %dma_wait3A = arith.constant 0 : i32
          %dma_wait3A_75 = tpu.memref_slice %arg8[%mul3A_50, %dma_wait3A] : memref<10000x16xf32, #tpu.memory_space<hbm>> -> memref<624x16xf32, #tpu.memory_space<hbm>>
          %dma_wait3A_76 = arith.constant 0 : i32
          %dma_wait3A_77 = tpu.memref_slice %arg15[%mul3A_50, %dma_wait3A_76] : memref<10000x16xf32, #tpu.memory_space<vmem_shared>> -> memref<624x16xf32, #tpu.memory_space<vmem_shared>>
          tpu.wait_dma2 semaphore(%run_scoped3A : memref<!tpu.dma_semaphore, #tpu.memory_space<semaphore_mem>>) src(%dma_wait3A_77 : memref<624x16xf32, #tpu.memory_space<vmem_shared>>) dst(%dma_wait3A_75 : memref<624x16xf32, #tpu.memory_space<hbm>>)
          tpu.yield
        }) : () -> ()
      } else {
      }
      %eq3A_66 = arith.constant 15 : i32
      %eq3A_67 = arith.cmpi eq, %arg1, %eq3A_66 : i32
      %convert_element_type3A_68 = arith.extui %eq3A_67 : i1 to i32
      %cond3A_69 = arith.constant 0 : i32
      %cond3A_70 = arith.cmpi ne, %convert_element_type3A_68, %cond3A_69 : i32
      scf.if %cond3A_70 {
        "tpu.region"() ({
          %run_scoped3A = tpu.sem_alloc : memref<!tpu.dma_semaphore, #tpu.memory_space<semaphore_mem>>
          %dma_start3A_71 = arith.constant 9360 : i32
          %dma_start3A_72 = arith.constant 0 : i32
          %dma_start3A_73 = tpu.memref_slice %arg8[%dma_start3A_71, %dma_start3A_72] : memref<10000x16xf32, #tpu.memory_space<hbm>> -> memref<640x16xf32, #tpu.memory_space<hbm>>
          %dma_start3A_74 = arith.constant 9360 : i32
          %dma_start3A_75 = arith.constant 0 : i32
          %dma_start3A_76 = tpu.memref_slice %arg15[%dma_start3A_74, %dma_start3A_75] : memref<10000x16xf32, #tpu.memory_space<vmem_shared>> -> memref<640x16xf32, #tpu.memory_space<vmem_shared>>
          tpu.enqueue_dma source(%dma_start3A_76 : memref<640x16xf32, #tpu.memory_space<vmem_shared>>) target(%dma_start3A_73 : memref<640x16xf32, #tpu.memory_space<hbm>>) target_semaphore(%run_scoped3A : memref<!tpu.dma_semaphore, #tpu.memory_space<semaphore_mem>>)
          %dma_wait3A = arith.constant 9360 : i32
          %dma_wait3A_77 = arith.constant 0 : i32
          %dma_wait3A_78 = tpu.memref_slice %arg8[%dma_wait3A, %dma_wait3A_77] : memref<10000x16xf32, #tpu.memory_space<hbm>> -> memref<640x16xf32, #tpu.memory_space<hbm>>
          %dma_wait3A_79 = arith.constant 9360 : i32
          %dma_wait3A_80 = arith.constant 0 : i32
          %dma_wait3A_81 = tpu.memref_slice %arg15[%dma_wait3A_79, %dma_wait3A_80] : memref<10000x16xf32, #tpu.memory_space<vmem_shared>> -> memref<640x16xf32, #tpu.memory_space<vmem_shared>>
          tpu.wait_dma2 semaphore(%run_scoped3A : memref<!tpu.dma_semaphore, #tpu.memory_space<semaphore_mem>>) src(%dma_wait3A_81 : memref<640x16xf32, #tpu.memory_space<vmem_shared>>) dst(%dma_wait3A_78 : memref<640x16xf32, #tpu.memory_space<hbm>>)
          tpu.yield
        }) : () -> ()
      } else {
      }
    } else {
    }
    return
  }
}

module attributes {stable_mosaic.version = 14 : i64} {
  func.func @_proj_body(%arg0: i32, %arg1: memref<1000x256xf32, #tpu.memory_space<vmem>>, %arg2: memref<256x3328xf32, #tpu.memory_space<vmem>>, %arg3: memref<1x3328xf32, #tpu.memory_space<vmem>>, %arg4: memref<1000x512xi32, #tpu.memory_space<vmem>>, %arg5: memref<1000x512xi32, #tpu.memory_space<vmem>>, %arg6: memref<1000x256xf32, #tpu.memory_space<vmem>>, %arg7: memref<1000x256xf32, #tpu.memory_space<vmem>>, %arg8: memref<1000x256xf32, #tpu.memory_space<vmem>>, %arg9: memref<1000x256xf32, #tpu.memory_space<vmem>>, %arg10: memref<1000x256xf32, #tpu.memory_space<vmem>>) attributes {dimension_semantics = [#tpu.dimension_semantics<arbitrary>], iteration_bounds = array<i64: 10>, scalar_prefetch = 0 : i64, scratch_operands = 0 : i64, tpu.core_type = #tpu.core_type<tc>, window_params = [{transform_indices = @transform_0, window_bounds = array<i64: 1000, 256>}, {pipeline_mode = #tpu.pipeline_mode<synchronous>, transform_indices = @transform_1, window_bounds = array<i64: 256, 3328>}, {pipeline_mode = #tpu.pipeline_mode<synchronous>, transform_indices = @transform_2, window_bounds = array<i64: 1, 3328>}, {transform_indices = @transform_3, window_bounds = array<i64: 1000, 512>}, {transform_indices = @transform_4, window_bounds = array<i64: 1000, 512>}, {transform_indices = @transform_5, window_bounds = array<i64: 1000, 256>}, {transform_indices = @transform_6, window_bounds = array<i64: 1000, 256>}, {transform_indices = @transform_7, window_bounds = array<i64: 1000, 256>}, {transform_indices = @transform_8, window_bounds = array<i64: 1000, 256>}, {transform_indices = @transform_9, window_bounds = array<i64: 1000, 256>}]} {
    %get3A = arith.constant 0 : index
    %get3A_0 = arith.constant 0 : index
    %get3A_1 = vector.load %arg1[%get3A, %get3A_0] : memref<1000x256xf32, #tpu.memory_space<vmem>>, vector<1000x256xf32>
    %get3A_2 = arith.constant 0 : index
    %get3A_3 = arith.constant 0 : index
    %get3A_4 = vector.load %arg2[%get3A_2, %get3A_3] : memref<256x3328xf32, #tpu.memory_space<vmem>>, vector<256x3328xf32>
    %dot_general3A = arith.constant dense<0.000000e+00> : vector<1000x3328xf32>
    %dot_general3A_5 = tpu.matmul %get3A_1, %get3A_4, %dot_general3A {dimension_numbers = #tpu.dot_dimension_numbers<[1], [0], [0], [1], [0, 0, 1, 1], [], []>, transpose_lhs_hint = false} : vector<1000x256xf32>, vector<256x3328xf32>, vector<1000x3328xf32> -> vector<1000x3328xf32>
    %get3A_6 = arith.constant 0 : index
    %get3A_7 = arith.constant 0 : index
    %get3A_8 = vector.load %arg3[%get3A_6, %get3A_7] : memref<1x3328xf32, #tpu.memory_space<vmem>>, vector<1x3328xf32>
    %add3A = vector.broadcast %get3A_8 : vector<1x3328xf32> to vector<1000x3328xf32>
    %add3A_9 = arith.addf %dot_general3A_5, %add3A : vector<1000x3328xf32>
    %slice3A = vector.extract_strided_slice %add3A_9 {offsets = [0, 0], sizes = [1000, 1024], strides = [1, 1]} : vector<1000x3328xf32> to vector<1000x1024xf32>
    %bitcast_convert_type3A = tpu.bitcast %slice3A : vector<1000x1024xf32> -> vector<1000x1024xi32>
    %add3A_10 = arith.constant 32768 : i32
    %add3A_11 = vector.broadcast %add3A_10 : i32 to vector<1000x1024xi32>
    %add3A_12 = arith.addi %bitcast_convert_type3A, %add3A_11 : vector<1000x1024xi32>
    %slice3A_13 = vector.extract_strided_slice %add3A_12 {offsets = [0, 0], sizes = [1000, 128], strides = [1, 1]} : vector<1000x1024xi32> to vector<1000x128xi32>
    %slice3A_14 = vector.extract_strided_slice %add3A_12 {offsets = [0, 256], sizes = [1000, 128], strides = [1, 1]} : vector<1000x1024xi32> to vector<1000x128xi32>
    %slice3A_15 = vector.extract_strided_slice %add3A_12 {offsets = [0, 512], sizes = [1000, 128], strides = [1, 1]} : vector<1000x1024xi32> to vector<1000x128xi32>
    %slice3A_16 = vector.extract_strided_slice %add3A_12 {offsets = [0, 768], sizes = [1000, 128], strides = [1, 1]} : vector<1000x1024xi32> to vector<1000x128xi32>
    %concatenate3A = tpu.concatenate %slice3A_13, %slice3A_14, %slice3A_15, %slice3A_16 in 1 : vector<1000x128xi32>, vector<1000x128xi32>, vector<1000x128xi32>, vector<1000x128xi32> -> vector<1000x512xi32>
    %slice3A_17 = vector.extract_strided_slice %add3A_12 {offsets = [0, 128], sizes = [1000, 128], strides = [1, 1]} : vector<1000x1024xi32> to vector<1000x128xi32>
    %slice3A_18 = vector.extract_strided_slice %add3A_12 {offsets = [0, 384], sizes = [1000, 128], strides = [1, 1]} : vector<1000x1024xi32> to vector<1000x128xi32>
    %slice3A_19 = vector.extract_strided_slice %add3A_12 {offsets = [0, 640], sizes = [1000, 128], strides = [1, 1]} : vector<1000x1024xi32> to vector<1000x128xi32>
    %slice3A_20 = vector.extract_strided_slice %add3A_12 {offsets = [0, 896], sizes = [1000, 128], strides = [1, 1]} : vector<1000x1024xi32> to vector<1000x128xi32>
    %concatenate3A_21 = tpu.concatenate %slice3A_17, %slice3A_18, %slice3A_19, %slice3A_20 in 1 : vector<1000x128xi32>, vector<1000x128xi32>, vector<1000x128xi32>, vector<1000x128xi32> -> vector<1000x512xi32>
    %and3A = arith.constant -65536 : i32
    %and3A_22 = vector.broadcast %and3A : i32 to vector<1000x512xi32>
    %and3A_23 = arith.andi %concatenate3A_21, %and3A_22 : vector<1000x512xi32>
    %shift_right_logical3A = arith.constant 16 : i32
    %shift_right_logical3A_24 = vector.broadcast %shift_right_logical3A : i32 to vector<1000x512xi32>
    %shift_right_logical3A_25 = arith.shrui %concatenate3A, %shift_right_logical3A_24 : vector<1000x512xi32>
    %or3A = arith.ori %and3A_23, %shift_right_logical3A_25 : vector<1000x512xi32>
    %swap3A = arith.constant 0 : index
    %swap3A_26 = arith.constant 0 : index
    %swap3A_27 = vector.load %arg4[%swap3A, %swap3A_26] : memref<1000x512xi32, #tpu.memory_space<vmem>>, vector<1000x512xi32>
    tpu.vector_store %arg4[%swap3A, %swap3A_26], %or3A {strides = array<i32>} : memref<1000x512xi32, #tpu.memory_space<vmem>>, vector<1000x512xi32>,
    %slice3A_28 = vector.extract_strided_slice %add3A_9 {offsets = [0, 1024], sizes = [1000, 1024], strides = [1, 1]} : vector<1000x3328xf32> to vector<1000x1024xf32>
    %bitcast_convert_type3A_29 = tpu.bitcast %slice3A_28 : vector<1000x1024xf32> -> vector<1000x1024xi32>
    %add3A_30 = arith.constant 32768 : i32
    %add3A_31 = vector.broadcast %add3A_30 : i32 to vector<1000x1024xi32>
    %add3A_32 = arith.addi %bitcast_convert_type3A_29, %add3A_31 : vector<1000x1024xi32>
    %slice3A_33 = vector.extract_strided_slice %add3A_32 {offsets = [0, 0], sizes = [1000, 128], strides = [1, 1]} : vector<1000x1024xi32> to vector<1000x128xi32>
    %slice3A_34 = vector.extract_strided_slice %add3A_32 {offsets = [0, 256], sizes = [1000, 128], strides = [1, 1]} : vector<1000x1024xi32> to vector<1000x128xi32>
    %slice3A_35 = vector.extract_strided_slice %add3A_32 {offsets = [0, 512], sizes = [1000, 128], strides = [1, 1]} : vector<1000x1024xi32> to vector<1000x128xi32>
    %slice3A_36 = vector.extract_strided_slice %add3A_32 {offsets = [0, 768], sizes = [1000, 128], strides = [1, 1]} : vector<1000x1024xi32> to vector<1000x128xi32>
    %concatenate3A_37 = tpu.concatenate %slice3A_33, %slice3A_34, %slice3A_35, %slice3A_36 in 1 : vector<1000x128xi32>, vector<1000x128xi32>, vector<1000x128xi32>, vector<1000x128xi32> -> vector<1000x512xi32>
    %slice3A_38 = vector.extract_strided_slice %add3A_32 {offsets = [0, 128], sizes = [1000, 128], strides = [1, 1]} : vector<1000x1024xi32> to vector<1000x128xi32>
    %slice3A_39 = vector.extract_strided_slice %add3A_32 {offsets = [0, 384], sizes = [1000, 128], strides = [1, 1]} : vector<1000x1024xi32> to vector<1000x128xi32>
    %slice3A_40 = vector.extract_strided_slice %add3A_32 {offsets = [0, 640], sizes = [1000, 128], strides = [1, 1]} : vector<1000x1024xi32> to vector<1000x128xi32>
    %slice3A_41 = vector.extract_strided_slice %add3A_32 {offsets = [0, 896], sizes = [1000, 128], strides = [1, 1]} : vector<1000x1024xi32> to vector<1000x128xi32>
    %concatenate3A_42 = tpu.concatenate %slice3A_38, %slice3A_39, %slice3A_40, %slice3A_41 in 1 : vector<1000x128xi32>, vector<1000x128xi32>, vector<1000x128xi32>, vector<1000x128xi32> -> vector<1000x512xi32>
    %and3A_43 = arith.constant -65536 : i32
    %and3A_44 = vector.broadcast %and3A_43 : i32 to vector<1000x512xi32>
    %and3A_45 = arith.andi %concatenate3A_42, %and3A_44 : vector<1000x512xi32>
    %shift_right_logical3A_46 = arith.constant 16 : i32
    %shift_right_logical3A_47 = vector.broadcast %shift_right_logical3A_46 : i32 to vector<1000x512xi32>
    %shift_right_logical3A_48 = arith.shrui %concatenate3A_37, %shift_right_logical3A_47 : vector<1000x512xi32>
    %or3A_49 = arith.ori %and3A_45, %shift_right_logical3A_48 : vector<1000x512xi32>
    %swap3A_50 = arith.constant 0 : index
    %swap3A_51 = arith.constant 0 : index
    %swap3A_52 = vector.load %arg5[%swap3A_50, %swap3A_51] : memref<1000x512xi32, #tpu.memory_space<vmem>>, vector<1000x512xi32>
    tpu.vector_store %arg5[%swap3A_50, %swap3A_51], %or3A_49 {strides = array<i32>} : memref<1000x512xi32, #tpu.memory_space<vmem>>, vector<1000x512xi32>,
    %slice3A_53 = vector.extract_strided_slice %add3A_9 {offsets = [0, 2048], sizes = [1000, 256], strides = [1, 1]} : vector<1000x3328xf32> to vector<1000x256xf32>
    %swap3A_54 = arith.constant 0 : index
    %swap3A_55 = arith.constant 0 : index
    %swap3A_56 = vector.load %arg6[%swap3A_54, %swap3A_55] : memref<1000x256xf32, #tpu.memory_space<vmem>>, vector<1000x256xf32>
    tpu.vector_store %arg6[%swap3A_54, %swap3A_55], %slice3A_53 {strides = array<i32>} : memref<1000x256xf32, #tpu.memory_space<vmem>>, vector<1000x256xf32>,
    %slice3A_57 = vector.extract_strided_slice %add3A_9 {offsets = [0, 2304], sizes = [1000, 256], strides = [1, 1]} : vector<1000x3328xf32> to vector<1000x256xf32>
    %swap3A_58 = arith.constant 0 : index
    %swap3A_59 = arith.constant 0 : index
    %swap3A_60 = vector.load %arg7[%swap3A_58, %swap3A_59] : memref<1000x256xf32, #tpu.memory_space<vmem>>, vector<1000x256xf32>
    tpu.vector_store %arg7[%swap3A_58, %swap3A_59], %slice3A_57 {strides = array<i32>} : memref<1000x256xf32, #tpu.memory_space<vmem>>, vector<1000x256xf32>,
    %slice3A_61 = vector.extract_strided_slice %add3A_9 {offsets = [0, 2560], sizes = [1000, 256], strides = [1, 1]} : vector<1000x3328xf32> to vector<1000x256xf32>
    %swap3A_62 = arith.constant 0 : index
    %swap3A_63 = arith.constant 0 : index
    %swap3A_64 = vector.load %arg8[%swap3A_62, %swap3A_63] : memref<1000x256xf32, #tpu.memory_space<vmem>>, vector<1000x256xf32>
    tpu.vector_store %arg8[%swap3A_62, %swap3A_63], %slice3A_61 {strides = array<i32>} : memref<1000x256xf32, #tpu.memory_space<vmem>>, vector<1000x256xf32>,
    %slice3A_65 = vector.extract_strided_slice %add3A_9 {offsets = [0, 2816], sizes = [1000, 256], strides = [1, 1]} : vector<1000x3328xf32> to vector<1000x256xf32>
    %swap3A_66 = arith.constant 0 : index
    %swap3A_67 = arith.constant 0 : index
    %swap3A_68 = vector.load %arg9[%swap3A_66, %swap3A_67] : memref<1000x256xf32, #tpu.memory_space<vmem>>, vector<1000x256xf32>
    tpu.vector_store %arg9[%swap3A_66, %swap3A_67], %slice3A_65 {strides = array<i32>} : memref<1000x256xf32, #tpu.memory_space<vmem>>, vector<1000x256xf32>,
    %slice3A_69 = vector.extract_strided_slice %add3A_9 {offsets = [0, 3072], sizes = [1000, 256], strides = [1, 1]} : vector<1000x3328xf32> to vector<1000x256xf32>
    %swap3A_70 = arith.constant 0 : index
    %swap3A_71 = arith.constant 0 : index
    %swap3A_72 = vector.load %arg10[%swap3A_70, %swap3A_71] : memref<1000x256xf32, #tpu.memory_space<vmem>>, vector<1000x256xf32>
    tpu.vector_store %arg10[%swap3A_70, %swap3A_71], %slice3A_69 {strides = array<i32>} : memref<1000x256xf32, #tpu.memory_space<vmem>>, vector<1000x256xf32>,
    return
  }
  func.func @transform_0(%arg0: i32) -> (i32, i32) {
    %c0_i32 = arith.constant 0 : i32
    %c0_i32_0 = arith.constant 0 : i32
    return %arg0, %c0_i32 : i32, i32
  }
  func.func @transform_1(%arg0: i32) -> (i32, i32) {
    %c0_i32 = arith.constant 0 : i32
    %c0_i32_0 = arith.constant 0 : i32
    %c0_i32_1 = arith.constant 0 : i32
    return %c0_i32, %c0_i32_0 : i32, i32
  }
  func.func @transform_2(%arg0: i32) -> (i32, i32) {
    %c0_i32 = arith.constant 0 : i32
    %c0_i32_0 = arith.constant 0 : i32
    %c0_i32_1 = arith.constant 0 : i32
    return %c0_i32, %c0_i32_0 : i32, i32
  }
  func.func @transform_3(%arg0: i32) -> (i32, i32) {
    %c0_i32 = arith.constant 0 : i32
    %c0_i32_0 = arith.constant 0 : i32
    return %arg0, %c0_i32 : i32, i32
  }
  func.func @transform_4(%arg0: i32) -> (i32, i32) {
    %c0_i32 = arith.constant 0 : i32
    %c0_i32_0 = arith.constant 0 : i32
    return %arg0, %c0_i32 : i32, i32
  }
  func.func @transform_5(%arg0: i32) -> (i32, i32) {
    %c0_i32 = arith.constant 0 : i32
    %c0_i32_0 = arith.constant 0 : i32
    return %arg0, %c0_i32 : i32, i32
  }
  func.func @transform_6(%arg0: i32) -> (i32, i32) {
    %c0_i32 = arith.constant 0 : i32
    %c0_i32_0 = arith.constant 0 : i32
    return %arg0, %c0_i32 : i32, i32
  }
  func.func @transform_7(%arg0: i32) -> (i32, i32) {
    %c0_i32 = arith.constant 0 : i32
    %c0_i32_0 = arith.constant 0 : i32
    return %arg0, %c0_i32 : i32, i32
  }
  func.func @transform_8(%arg0: i32) -> (i32, i32) {
    %c0_i32 = arith.constant 0 : i32
    %c0_i32_0 = arith.constant 0 : i32
    return %arg0, %c0_i32 : i32, i32
  }
  func.func @transform_9(%arg0: i32) -> (i32, i32) {
    %c0_i32 = arith.constant 0 : i32
    %c0_i32_0 = arith.constant 0 : i32
    return %arg0, %c0_i32 : i32, i32
  }
}

module attributes {stable_mosaic.version = 14 : i64} {
  func.func @_dinv_body(%arg0: i32, %arg1: memref<1000x16xf32, #tpu.memory_space<vmem>>, %arg2: memref<1000x16xf32, #tpu.memory_space<vmem>>, %arg3: memref<1000x16xf32, #tpu.memory_space<vmem>>) attributes {dimension_semantics = [#tpu.dimension_semantics<arbitrary>], iteration_bounds = array<i64: 10>, scalar_prefetch = 0 : i64, scratch_operands = 0 : i64, tpu.core_type = #tpu.core_type<tc>, window_params = [{transform_indices = @transform_0, window_bounds = array<i64: 1000, 16>}, {transform_indices = @transform_1, window_bounds = array<i64: 1000, 16>}, {transform_indices = @transform_2, window_bounds = array<i64: 1000, 16>}]} {
    %get3A = arith.constant 0 : index
    %get3A_0 = arith.constant 0 : index
    %get3A_1 = vector.load %arg1[%get3A, %get3A_0] : memref<1000x16xf32, #tpu.memory_space<vmem>>, vector<1000x16xf32>
    %get3A_2 = arith.constant 0 : index
    %get3A_3 = arith.constant 0 : index
    %get3A_4 = vector.load %arg2[%get3A_2, %get3A_3] : memref<1000x16xf32, #tpu.memory_space<vmem>>, vector<1000x16xf32>
    %add3A = arith.addf %get3A_1, %get3A_4 : vector<1000x16xf32>
    %max3A = arith.constant 1.000000e-16 : f32
    %max3A_5 = vector.broadcast %max3A : f32 to vector<1000x16xf32>
    %max3A_6 = arith.maximumf %add3A, %max3A_5 : vector<1000x16xf32>
    %div3A = arith.constant 2.500000e-01 : f32
    %div3A_7 = vector.broadcast %div3A : f32 to vector<1000x16xf32>
    %div3A_8 = arith.divf %div3A_7, %max3A_6 : vector<1000x16xf32>
    %swap3A = arith.constant 0 : index
    %swap3A_9 = arith.constant 0 : index
    %swap3A_10 = vector.load %arg3[%swap3A, %swap3A_9] : memref<1000x16xf32, #tpu.memory_space<vmem>>, vector<1000x16xf32>
    tpu.vector_store %arg3[%swap3A, %swap3A_9], %div3A_8 {strides = array<i32>} : memref<1000x16xf32, #tpu.memory_space<vmem>>, vector<1000x16xf32>,
    return
  }
  func.func @transform_0(%arg0: i32) -> (i32, i32) {
    %c0_i32 = arith.constant 0 : i32
    %c0_i32_0 = arith.constant 0 : i32
    return %arg0, %c0_i32 : i32, i32
  }
  func.func @transform_1(%arg0: i32) -> (i32, i32) {
    %c0_i32 = arith.constant 0 : i32
    %c0_i32_0 = arith.constant 0 : i32
    return %arg0, %c0_i32 : i32, i32
  }
  func.func @transform_2(%arg0: i32) -> (i32, i32) {
    %c0_i32 = arith.constant 0 : i32
    %c0_i32_0 = arith.constant 0 : i32
    return %arg0, %c0_i32 : i32, i32
  }
}

module attributes {stable_mosaic.version = 14 : i64} {
  func.func @_final_body(%arg0: i32, %arg1: memref<1000x256xf32, #tpu.memory_space<vmem>>, %arg2: memref<1000x256xf32, #tpu.memory_space<vmem>>, %arg3: memref<1000x256xf32, #tpu.memory_space<vmem>>) attributes {dimension_semantics = [#tpu.dimension_semantics<arbitrary>], iteration_bounds = array<i64: 10>, scalar_prefetch = 0 : i64, scratch_operands = 0 : i64, tpu.core_type = #tpu.core_type<tc>, window_params = [{transform_indices = @transform_0, window_bounds = array<i64: 1000, 256>}, {transform_indices = @transform_1, window_bounds = array<i64: 1000, 256>}, {transform_indices = @transform_2, window_bounds = array<i64: 1000, 256>}]} {
    %get3A = arith.constant 0 : index
    %get3A_0 = arith.constant 0 : index
    %get3A_1 = vector.load %arg1[%get3A, %get3A_0] : memref<1000x256xf32, #tpu.memory_space<vmem>>, vector<1000x256xf32>
    %get3A_2 = arith.constant 0 : index
    %get3A_3 = arith.constant 0 : index
    %get3A_4 = vector.load %arg2[%get3A_2, %get3A_3] : memref<1000x256xf32, #tpu.memory_space<vmem>>, vector<1000x256xf32>
    %add3A = arith.addf %get3A_1, %get3A_4 : vector<1000x256xf32>
    %swap3A = arith.constant 0 : index
    %swap3A_5 = arith.constant 0 : index
    %swap3A_6 = vector.load %arg3[%swap3A, %swap3A_5] : memref<1000x256xf32, #tpu.memory_space<vmem>>, vector<1000x256xf32>
    tpu.vector_store %arg3[%swap3A, %swap3A_5], %add3A {strides = array<i32>} : memref<1000x256xf32, #tpu.memory_space<vmem>>, vector<1000x256xf32>,
    return
  }
  func.func @transform_0(%arg0: i32) -> (i32, i32) {
    %c0_i32 = arith.constant 0 : i32
    %c0_i32_0 = arith.constant 0 : i32
    return %arg0, %c0_i32 : i32, i32
  }
  func.func @transform_1(%arg0: i32) -> (i32, i32) {
    %c0_i32 = arith.constant 0 : i32
    %c0_i32_0 = arith.constant 0 : i32
    return %arg0, %c0_i32 : i32, i32
  }
  func.func @transform_2(%arg0: i32) -> (i32, i32) {
    %c0_i32 = arith.constant 0 : i32
    %c0_i32_0 = arith.constant 0 : i32
    return %arg0, %c0_i32 : i32, i32
  }
}

</mosaic_0001>

<sc_bundles>
// kernel: kernel.11.cloned.1.call-start
scs
__scs_entry_jumppad:
0x0: {  	(pc) =	sbr.rel $0x88, $3  }
0x1: {  	(tag) =	ssettag $0x0;
	lr =	simm.s32 $0x1  }
0x2: {  	[smem:$0x3F97] =	sst lr;
	_ =	strace $0xD0000000  }
0x3: {  	_ = 	snop  }
0x4: {  	_ = 	snop  }
0x5: {  	_ = 	snop  }
0x6: {  	_ = 	snop  }
0x7: {  	_ = 	snop  }
__scs_overlays_trampoline_lowered:
0x8: {  	[smem:$0x3FA6] =	sst s0  }
0x9: {  	[smem:$0x3FA7] =	sst s1  }
0xa: {  	[smem:$0x3FA8] =	sst s2  }
0xb: {  	[smem:$0x3FA9] =	sst s3  }
0xc: {  	[smem:$0x3FAA] =	sst s4  }
0xd: {  	[smem:$0x3FAB] =	sst s5  }
0xe: {  	[smem:$0x3FAC] =	sst s6  }
0xf: {  	[smem:$0x3FAD] =	sst s7  }
0x10: {  	[smem:$0x3FAE] =	sst s8  }
0x11: {  	[smem:$0x3FAF] =	sst s9;
	s0 =	simm.s32 @!p0 $0x0  }
0x12: {  	s1 =	sld [smem:$0x3F95];
	s0 =	simm.s32 @p0 $0x1  }
0x13: {  	[smem:$0x3FB0] =	sst s0;
	s0 =	simm.s32 @!p1 $0x0  }
0x14: {  	s2 =	sld [smem:$0x3F94];
	s0 =	simm.s32 @p1 $0x1  }
0x15: {  	[smem:$0x3FB1] =	sst s0;
	s0 =	simm.s32 @!p2 $0x0  }
0x16: {  	s3 =	sld [smem:$0x3FDB];
	s0 =	simm.s32 @p2 $0x1  }
0x17: {  	s4 =	simm.s32 $0x1BF5;
	[smem:$0x3FB3] =	sst s0  }
0x18: {  	s0 =	sld [smem:$0x3F96];
	_ =	swait.ge [sflag:s4], $0x0  }
0x19: {  	s7 =	sld [smem:$0x3F97]  }
0x1a: {  	s8 =	sadd.s32 $0xFFFFE003, lr  }
0x1b: {  	s9 =	sadd.s32 $0xFFFFFEF7, lr;
	s5 =	simm.s32 $0xFFFFFFFF;
	p2 =	slt.u32 s8, $0xFFFFF086  }
0x1c: {  	p1 =	slt.u32 s9, $0xF7A;
	s5 =	simm.s32 @!p2 $0x0  }
0x1d: {  	s5 =	simm.s32 @p1 $0x1;
	p0 =	seq.s32 s7, s2  }
0x1e: {  	s7 =	smul.u32 @!p0 $0xF7A, s2;
	p2 =	seq.s32 @!p0 s5, $0x0  }
0x1f: {  	s9 =	smul.u32 $0xF7A, s1;
	s8 =	simm.s32 @!p0 $0x1BF5;
	p2 =	por !p2, p0  }
0x20: {  	[sflag:s8] =	ssyncset.s32 @!p0 $0xFFFFF086;
	s6 =	sadd.s32 @!p0 s3, s7;
	s7 =	simm.s32 @!p0 $0x108  }
0x21: {  	s3 =	sadd.s32 s3, s9;
	s6 =	sadd.s32 @!p0 $0x88, s6;
	s7 =	simm.s32 @p2 $0x1082  }
0x22: {  	[simem:s7], [sflag:s8] =	dma.local @!p0 [hbm:s6], $0xF7A  }
0x23: {  	s9 =	sor.u32 $0xD0000000, s2;
	s6 =	simm.s32 $0x108;
	_ =	swait.ge @!p0 [sflag:s8], $0x0  }
0x24: {  	s3 =	sadd.s32 $0x88, s3;
	s6 =	simm.s32 @!p1 $0x1082;
	[sflag:s4] =	ssyncset.s32 $0xFFFFF086  }
0x25: {  	[simem:s6], [sflag:s4] =	dma.local [hbm:s3], $0xF7A  }
0x26: {  	[smem:$0x3F97] =	sst s1;
	(tag) =	ssettag s2;
	_ =	strace s9  }
0x27: {  	s1 =	sld [smem:$0x3FA7]  }
0x28: {  	s2 =	sld [smem:$0x3FA8]  }
0x29: {  	s4 =	sld [smem:$0x3FAA]  }
0x2a: {  	p0 =	seq.s32 s5, $0x0;
	s5 =	sld [smem:$0x3FAB]  }
0x2b: {  	s6 =	sld [smem:$0x3FAC]  }
0x2c: {  	s7 =	sld [smem:$0x3FAD]  }
0x2d: {  	s3 =	simm.s32 $0x108;
	s8 =	sld [smem:$0x3FAE]  }
0x2e: {  	s3 =	simm.s32 @!p0 $0x1082;
	s9 =	sld [smem:$0x3FAF]  }
0x2f: {  	lr =	sadd.s32 s0, s3;
	s0 =	sld [smem:$0x3FA6]  }
0x30: {  	s3 =	sld [smem:$0x3FA9]  }
0x31: {  	[smem:$0x3FB2] =	sst s10  }
0x32: {  	s10 =	sld [smem:$0x3FB0];
	_ =	sdelay $0x3  }
0x33: {  	p0 =	seq.s32 s10, $0x1;
	s10 =	sld [smem:$0x3FB2];
	_ =	sdelay $0x3  }
0x34: {  	[smem:$0x3FB2] =	sst s10  }
0x35: {  	s10 =	sld [smem:$0x3FB1];
	_ =	sdelay $0x3  }
0x36: {  	p1 =	seq.s32 s10, $0x1;
	s10 =	sld [smem:$0x3FB2];
	_ =	sdelay $0x3  }
0x37: {  	[smem:$0x3FB2] =	sst s10  }
0x38: {  	s10 =	sld [smem:$0x3FB3]  }
0x39: {  	_ = 	snop;
	(pc) =	sbr.ind lr, $3  }
0x3a: {  	_ = 	snop  }
0x3b: {  	_ = 	snop  }
0x3c: {  	p2 =	seq.s32 s10, $0x1;
	s10 =	sld [smem:$0x3FB2]  }
0x3d: {  	_ =	shalt  }
0x3e: {  	_ =	shalt  }
0x3f: {  	_ =	shalt  }
0x40: {  	_ =	shalt  }
0x41: {  	_ =	shalt  }
0x42: {  	_ =	shalt  }
0x43: {  	_ =	shalt  }
0x44: {  	_ =	shalt  }
0x45: {  	_ =	shalt  }
0x46: {  	_ =	shalt  }
0x47: {  	_ =	shalt  }
0x48: {  	_ =	shalt  }
0x49: {  	_ =	shalt  }
0x4a: {  	_ =	shalt  }
0x4b: {  	_ =	shalt  }
0x4c: {  	_ =	shalt  }
0x4d: {  	_ =	shalt  }
0x4e: {  	_ =	shalt  }
0x4f: {  	_ =	shalt  }
0x50: {  	_ =	shalt  }
0x51: {  	_ =	shalt  }
0x52: {  	_ =	shalt  }
0x53: {  	_ =	shalt  }
0x54: {  	_ =	shalt  }
0x55: {  	_ =	shalt  }
0x56: {  	_ =	shalt  }
0x57: {  	_ =	shalt  }
0x58: {  	_ =	shalt  }
0x59: {  	_ =	shalt  }
0x5a: {  	_ =	shalt  }
0x5b: {  	_ =	shalt  }
0x5c: {  	_ =	shalt  }
0x5d: {  	_ =	shalt  }
0x5e: {  	_ =	shalt  }
0x5f: {  	_ =	shalt  }
0x60: {  	_ =	shalt  }
0x61: {  	_ =	shalt  }
0x62: {  	_ =	shalt  }
0x63: {  	_ =	shalt  }
0x64: {  	_ =	shalt  }
0x65: {  	_ =	shalt  }
0x66: {  	_ =	shalt  }
0x67: {  	_ =	shalt  }
0x68: {  	_ =	shalt  }
0x69: {  	_ =	shalt  }
0x6a: {  	_ =	shalt  }
0x6b: {  	_ =	shalt  }
0x6c: {  	_ =	shalt  }
0x6d: {  	_ =	shalt  }
0x6e: {  	_ =	shalt  }
0x6f: {  	_ =	shalt  }
0x70: {  	_ =	shalt  }
0x71: {  	_ =	shalt  }
0x72: {  	_ =	shalt  }
0x73: {  	_ =	shalt  }
0x74: {  	_ =	shalt  }
0x75: {  	_ =	shalt  }
0x76: {  	_ =	shalt  }
0x77: {  	_ =	shalt  }
0x78: {  	_ =	shalt  }
0x79: {  	_ =	shalt  }
0x7a: {  	_ =	shalt  }
0x7b: {  	_ =	shalt  }
0x7c: {  	_ =	shalt  }
0x7d: {  	_ =	shalt  }
0x7e: {  	_ =	shalt  }
0x7f: {  	_ =	shalt  }
0x80: {  	_ =	shalt  }
0x81: {  	_ =	shalt  }
0x82: {  	_ =	shalt  }
0x83: {  	_ =	shalt  }
0x84: {  	_ =	shalt  }
0x85: {  	_ =	shalt  }
0x86: {  	_ =	shalt  }
0x87: {  	_ =	shalt  }
.Lfunc_end0:
.L_simem_size_0:
called_computation.1_lowered:
.L_overlay_start_0:
0x88: {  	s2 =	sld [smem:$0x3FD9]  }
0x89: {  	s3 =	sld [smem:$0x3FFE];
	_ =	sdelay $0x1  }
0x8a: {  	s1 =	srdreg.scid  }
0x8b: {  	s0 =	sand.u32 $0x1, s1  }
0x8c: {  	s16 =	sshll.u32 s0, $0xA;
	s2 =	sadd.s32 s3, s2  }
0x8d: {  	s2 =	sadd.s32 s2, s16  }
0x8e: {  	[smem:$0x3FBE] =	sst s2  }
0x8f: {  	_ = 	snop  }
0x90: {  	(tm) =	ssettm $0x1  }
0x91: {  	s17 =	sld [smem:$0x3FFB];
	_ =	sdelay $0x3  }
0x92: {  	_ =	strace s17  }
0x93: {  	s2 =	sld [smem:$0x3FFC];
	_ =	sdelay $0x3  }
0x94: {  	_ =	strace s2  }
0x95: {  	s2 =	sld [smem:$0x3FFD];
	_ =	sdelay $0x3  }
0x96: {  	_ =	strace s2  }
0x97: {  	_ =	strace $0x8FFFFFFF  }
0x98: {  	s18 =	sld [smem:$0x3FDB];
	_ =	sdelay $0x1  }
0x99: {  	s19 =	simm.s32 $_scs_section_size  }
0x9a: {  	s4 =	simm.s32 $_size__tile_overlayer_lowered;
	s5 =	simm.s32 $_tile_overlayer_lowered  }
0x9b: {  	s22 =	simm.s32 $0x1BFF;
	s21 =	sshll.u32 s5, $0x1;
	s2 =	sadd.s32 s19, s18  }
0x9c: {  	s6 =	simm.s32 $0x0;
	s20 =	sshll.u32 s4, $0x1;
	s4 =	sadd.s32 s21, s2  }
0x9d: {  	[timem:s6], [sflag:s22] =	dma.local [hbm:s4], s20  }
0x9e: {  	_ =	swait.ge [sflag:s22], s20  }
0x9f: {  	s3 =	ssub.s32 $0x0, s20;
	[sflag:s22] =	ssyncset.done $0x0  }
0xa0: {  	[sflag:s22] =	ssyncadd.s32 s3;
	_ =	sdelay $0x1  }
0xa1: {  	s23 =	simm.s32 $0x1B8B  }
0xa2: {  	_ =	swait.ge [sflag:s23], $0x1  }
0xa3: {  	[sflag:s23] =	ssyncset.done $0x0  }
0xa4: {  	s25 =	simm.s32 $0x1B8E;
	s24 =	sld [smem:$0x3FFE];
	[sflag:s23] =	ssyncadd.s32 $0xFFFFFFFF  }
0xa5: {  	s26 =	simm.s32 $execute0_lowered;
	[smem:$0x3FD2] =	sst s25  }
0xa6: {  	s4 =	sshll.u32 s26, $0x1;
	_ =	strace $0x80000049;
	[dreg:$0x1] =	wrdreg $0xFFFFFFFF  }
0xa7: {  	s28 =	simm.s32 $_size_execute0_lowered;
	s2 =	sadd.s32 s2, s4;
	[dreg:$0x0] =	wrdreg $0x0  }
0xa8: {  	s4 =	sshll.u32 s28, $0x1;
	[dreg:$0x2] =	wrdreg s2  }
0xa9: {  	[dreg:$0x3] =	wrdreg s4  }
0xaa: {  	[dreg:$0x4] =	wrdreg $0xC0  }
0xab: {  	_ =	task [dreg:s6], $0x5FFFF  }
0xac: {  	[dreg:$0x1] =	wrdreg $0xFFFFFFFF  }
0xad: {  	[dreg:$0x0] =	wrdreg $0x60  }
0xae: {  	[dreg:$0x2] =	wrdreg s24  }
0xaf: {  	[dreg:$0x3] =	wrdreg $0x107A00  }
0xb0: {  	[dreg:$0x4] =	wrdreg $0x9  }
0xb1: {  	_ =	task.clear_ibuf [dreg:s6], $0x5FFFF;
	_ =	strace $0x90000049  }
0xb2: {  	s29 =	simm.s32 $0x9;
	_ =	strace $0x8000004B  }
0xb3: {  	_ =	swait.ge [sflag:s29], $0x1  }
0xb4: {  	[sflag:s29] =	ssyncadd.s32 $0xFFFFFFFF  }
0xb5: {  	_ =	strace $0x9000004B  }
0xb6: {  	_ =	sfence  }
0xb7: {  	s30 =	sld [smem:$0x0];
	_ =	sdelay $0x2  }
0xb8: {  	s31 =	sshll.u32 s1, $0xD;
	s1 =	sshrl.u32 s1, $0x2  }
0xb9: {  	s3 =	sand.u32 $0x4000, s31;
	s1 =	sadd.s32 s1, s30  }
0xba: {  	s0 =	sor.u32 s3, s0;
	s1 =	sshll.u32 s1, $0x11  }
0xbb: {  	s0 =	sor.u32 s1, s0  }
0xbc: {  	s0 =	sadd.s32 $0x8F2B, s0  }
0xbd: {  	[sflag:s0] =	ssyncadd.remote.s32 $0x1  }
0xbe: {  	_ =	sfence.sel $0xFFFF  }
0xbf: {  	[dreg:$0x0] =	wrdreg $0xFFFFFFFF;
	(pc) =	sbr.abs _section_cstart, $3  }
0xc0: {  	[dreg:$0x1] =	wrdreg $0xFFFFFFFF  }
0xc1: {  	_ =	task.clear_ibuf [dreg:s6], $0x2FFFF;
	_ =	strace $0x9FFFFFFF  }
0xc2: {  	(tm) =	ssettm $0x7FFFFFFF  }
0xc3: {  	_ =	shalt  }
tec
execute0_lowered:
.L_overlay_start_1:
0x0: {  	(tag) =	ssettag $0x1  }
0x1: {  	s0 =	rddreg [dreg:$0x0]  }
0x2: {  	s2 =	rddreg [dreg:$0x1]  }
0x3: {  	s3 =	simm.s32 $0x0;
	s1 =	stileid.u32;
	s8 =	srdreg.scid  }
0x4: {  	s19 =	simm.s32 $0x5;
	s20 =	simm.s32 $0x2710;
	s21 =	simm.s32 $0xB9A0  }
0x5: {  	s22 =	simm.s32 $0x28;
	s25 =	simm.s32 $0x9E20;
	s5 =	smul.u32 $0x2710, s1  }
0x6: {  	[smem:$0x7FF] =	sst s3;
	s4 =	sadd.s32 $0xB5C00, s0;
	s7 =	smul.u32 $0x9C00, s1  }
0x7: {  	s6 =	sadd.s32 $0xABC00, s0;
	s8 =	sand.u32 $0x1, s8;
	s10 =	smul.u32 $0x27000, s1  }
0x8: {  	s30 =	sadd.s32 $0x9C000, s2;
	s13 =	sadd.s32 $0x116280, s0;
	s14 =	sadd.s32 $0x92400, s2  }
0x9: {  	s16 =	sadd.s32 $0x129C80, s0;
	_ =	strace $0x8000004A;
	s12 =	ssub.s32 $0x2, s8  }
0xa: {  	[dreg:$0x6] =	wrdreg s30;
	p0 =	seq.s32 s8, $0x0;
	p4 =	sne.s32 s8, $0x0  }
0xb: {  	s9 =	sshrl.u32 s5, $0x3;
	s11 =	sshrl.u32 s7, $0x3;
	s26 =	sshrl.u32 s12, $0x1  }
0xc: {  	s10 =	sshrl.u32 s10, $0x2;
	p2 =	seq.s32 @p4 s1, $0xF;
	p5 =	seq.s32 @!p4 s1, $0xF  }
0xd: {  	s9 =	sadd.s32 s9, s0;
	s15 =	sadd.s32 s11, s0;
	s17 =	ssub.s32 s12, s26  }
0xe: {  	s10 =	sadd.s32 s10, s2;
	s11 =	sadd.s32 s7, s2;
	s7 =	simm.s32 $0x312C00  }
0xf: {  	p1 =	por !p2, !p4;
	p2 =	por p2, !p4;
	p3 =	por !p5, p4  }
0x10: {  	p4 =	por p5, p4;
	s26 =	simm.s32 $0x0;
	s28 =	sadd.s32 $0xA6C00, s9  }
0x11: {  	s9 =	sadd.s32 $0xA1C00, s9;
	s29 =	sadd.s32 $0x4E00, s10;
	[dreg:$0x3] =	wrdreg s28  }
0x12: {  	s31 =	sadd.s32 $0x103E00, s15;
	s15 =	sadd.s32 $0x117800, s15;
	[dreg:$0x4] =	wrdreg s9  }
0x13: {  	s7 =	simm.s32 @!p0 $0x2C4A00;
	s17 =	smax.u32 s17, $0x1;
	[dreg:$0x5] =	wrdreg s29  }
0x14: {  	v0 =	vimm.f32 $0.0e+00;
	p0 =	sne.s32 s1, $0xF;
	[dreg:$0x7] =	wrdreg s31;
	s18 =	sadd.s32 s7, s0  }
.LBB2_1:
0x15: {  	s0 =	rddreg [dreg:$0x3]  }
0x16: {  	[tilespmem:s3], [sflag:$0x5] =	stream.linear.gather [hbm4b:s0+s3], $0x2710, $0x38;
	[tilespmem:$0x1A3E0] =	vst v63  }
0x17: {  	_ =	swait.ge [sflag:s19], $0x2710  }
0x18: {  	[sflag:s19] =	ssyncset.done $0x0  }
0x19: {  	s31 =	rddreg [dreg:$0x4];
	[sflag:s19] =	ssyncadd.s32 $0xFFFFD8F0  }
0x1a: {  	[tilespmem:s20], [sflag:$0x5] =	stream.linear.gather [hbm4b:s31+s3], $0x2710, $0x38;
	[tilespmem:$0x1A3E0] =	vst v63  }
0x1b: {  	_ =	swait.ge [sflag:s19], $0x2710  }
0x1c: {  	[sflag:s19] =	ssyncset.done $0x0  }
0x1d: {  	s7 =	simm.s32 $0x100;
	s0 =	simm.s32 $0x0;
	[sflag:s19] =	ssyncadd.s32 $0xFFFFD8F0  }
.LBB2_2:
0x1e: {  	p5 =	sne.s32 s7, $0x13700;
	[tilespmem:s0+$0xB9D0] =	vst v0;
	s8 =	smov.u32 s7;
	s7 =	sadd.s32 $0x100, s7  }
.Ltmp0:
0x1f: {  	[tilespmem:s0+$0xB9C0] =	vst v0;
	(pc) =	sbr.rel @p5 .LBB2_2-.Ltmp0, $3  }
0x20: {  	[tilespmem:s0+$0xB9A0] =	vst v0  }
0x21: {  	[tilespmem:s0+$0xB9B0] =	vst v0;
	_ =	sdelay $0x1  }
0x22: {  	s0 =	sshra.s32 s8, $0x2  }
0x23: {  	[tilespmem:s0+$0xB9D0] =	vst v0  }
0x24: {  	[tilespmem:s0+$0xB9C0] =	vst v0  }
0x25: {  	[tilespmem:s0+$0xB9A0] =	vst v0  }
0x26: {  	[tilespmem:s0+$0xB9B0] =	vst v0  }
0x27: {  	[spmem:s11] =	stream.linear.scatter [tilespmem:s21], [sflag:$0x5], $0x4E00, $0x38;
	[tilespmem:$0x1A3E0] =	vst v63  }
0x28: {  	_ =	swait.ge [sflag:s19], $0x4E00  }
0x29: {  	[sflag:s19] =	ssyncset.done $0x0  }
0x2a: {  	s29 =	rddreg [dreg:$0x5];
	[sflag:s19] =	ssyncadd.s32 $0xFFFFB200  }
0x2b: {  	[spmem:s29] =	stream.linear.scatter [tilespmem:s21], [sflag:$0x5], $0x4E00, $0x38;
	[tilespmem:$0x1A3E0] =	vst v63  }
0x2c: {  	_ =	swait.ge [sflag:s19], $0x4E00  }
0x2d: {  	[sflag:s19] =	ssyncset.done $0x0  }
0x2e: {  	s0 =	simm.s32 @!p0 $0xB9A0;
	s7 =	rddreg [dreg:$0x6];
	[sflag:s19] =	ssyncadd.s32 $0xFFFFB200  }
0x2f: {  	[spmem:s7] =	stream.linear.scatter @!p0 [tilespmem:s0], [sflag:$0x5], $0x400, $0x38;
	[tilespmem:$0x1A3E0] =	vst v63  }
0x30: {  	s0 =	simm.s32 @!p0 $0x5  }
0x31: {  	_ =	swait.ge @!p0 [sflag:s0], $0x400  }
0x32: {  	[sflag:s0] =	ssyncset.done @!p0 $0x0  }
0x33: {  	[sflag:s0] =	ssyncadd.s32 @!p0 $0xFFFFFC00  }
0x34: {  	s30 =	simm.s32 $0x4E20;
	[bflag:$0x0] =	sbarrier.arrive $0xFFFF  }
0x35: {  	[tilespmem:s30], [sflag:$0x1] =	stream.indirect.gather [hbm4b:s18+s22], $0x100, s20, s22, $0xb8;
	[tilespmem:$0x1A3E0] =	vst v63  }
0x36: {  	s28 =	simm.s32 $0x0;
	s31 =	simm.s32 $0xA0A0;
	p5 =	por $0x0, $0x0  }
0x37: {  	[tilespmem:s31], [sflag:$0x3] =	stream.indirect.gather [hbm4b:s6+s22], $0x10, s28, s22, $0xb8;
	[tilespmem:$0x1A3E0] =	vst v63  }
.LBB2_4:
0x38: {  	s29 =	smul.u32 $0x28, s28;
	_ =	sdelay $0x1  }
0x39: {  	s0 =	sadd.s32 s5, s29  }
0x3a: {  	s0 =	sshll.u32 s0, $0x1  }
0x3b: {  	s7 =	simm.s32 $0x1;
	s30 =	sand.u32 $0x1, s28;
	s0 =	sadd.s32 s4, s0  }
0x3c: {  	[tilespmem:s25], [sflag:$0x5] =	stream.linear.gather [hbm4b:s0+s3], $0x280, $0x38;
	[tilespmem:$0x1A3E0] =	vst v63  }
0x3d: {  	p6 =	seq.s32 s28, $0xF9;
	s7 =	simm.s32 @!p5 $0x0;
	_ =	swait.ge [sflag:s19], $0x280  }
0x3e: {  	s8 =	sadd.s32 $0x1, s30;
	s23 =	sadd.s32 @!p6 $0x1, s28;
	[sflag:s19] =	ssyncset.done $0x0  }
0x3f: {  	s12 =	sadd.s32 $0x3, s30;
	s10 =	smul.u32 $0xA00, s7;
	[sflag:s19] =	ssyncadd.s32 $0xFFFFFD80  }
0x40: {  	s24 =	sand.u32 @!p6 $0x1, s23;
	s23 =	smul.u32 @!p6 $0xA0, s23;
	_ =	swait.ge [sflag:s8], $0x2800  }
0x41: {  	s31 =	smul.u32 @!p6 $0xA000, s24;
	s9 =	sadd.s32 @!p6 $0x1, s24;
	[sflag:s8] =	ssyncset.done $0x0  }
0x42: {  	s23 =	sshra.s32 @!p6 s23, $0x2;
	s0 =	sshrl.u32 s10, $0x2;
	[sflag:s8] =	ssyncadd.s32 $0xFFFFD800  }
0x43: {  	s31 =	sshrl.u32 @!p6 s31, $0x2;
	s10 =	simm.s32 @!p6 $0x28;
	_ =	swait.ge [sflag:s12], $0x280  }
0x44: {  	s0 =	sadd.s32 $0xA0A0, s0;
	s8 =	sadd.s32 @!p6 $0x4E20, s31;
	[sflag:s12] =	ssyncset.done $0x0  }
0x45: {  	s31 =	sadd.s32 @!p6 $0x2710, s23;
	[sflag:s12] =	ssyncadd.s32 $0xFFFFFD80;
	s12 =	smul.u32 @!p6 $0xA00, s24  }
0x46: {  	v1 =	vmov s0;
	[tilespmem:s8], [sflag:s9] =	stream.indirect.gather @!p6 [hbm4b:s18+s10], $0x100, s31, s10, $0xb8;
	[tilespmem:$0x1A3E0] =	vst v63  }
0x47: {  	s0 =	smul.u32 $0x2800, s7;
	s8 =	sshrl.u32 @!p6 s12, $0x2  }
0x48: {  	s7 =	smul.u32 $0xA000, s7;
	s9 =	sadd.s32 @!p6 $0x3, s24;
	s8 =	sadd.s32 @!p6 $0xA0A0, s8  }
0x49: {  	[tilespmem:s8], [sflag:s9] =	stream.indirect.gather @!p6 [hbm4b:s6+s10], $0x10, s23, s10, $0xb8;
	[tilespmem:$0x1A3E0] =	vst v63  }
0x4a: {  	s0 =	sshrl.u32 s0, $0x2;
	s7 =	sshrl.u32 s7, $0x2;
	s23 =	simm.s32 $0x0  }
0x4b: {  	s31 =	sadd.s32 $0xA5C0, s0;
	s0 =	sadd.s32 $0x4EA0, s7;
	v2 =	vld.idx.msk [tilespmem:v1+s23+$0x0 ss:$0x1], $0xffff  }
0x4c: {  	s24 =	simm.s32 $0x40;
	s7 =	smov.u32 s0;
	v3 =	vld [tilespmem:s23+$0x9E20];
	s23 =	smov.u32 s31  }
.LBB2_5:
0x4d: {  	_ =	sdelay $0x1  }
0x4e: {  	p6 =	sne.s32 s24, $0x9C0;
	v4 =	vld [tilespmem:s0+$0xFFFFFFC0];
	s31 =	sadd.s32 $0x40, s31;
	s7 =	sadd.s32 $0x100, s7  }
0x4f: {  	s8 =	smov.u32 s24;
	s24 =	sadd.s32 $0x40, s24;
	v5 =	vld [tilespmem:s0+$0xFFFFFF80]  }
0x50: {  	v2 =	vmul.f32 v2, v3  }
0x51: {  	s8 =	sshra.s32 s8, $0x2;
	v3 =	vld [tilespmem:s0+$0x0]  }
0x52: {  	v6 =	vbroadcast v2, $0x0;
	v7 =	vbroadcast v2, $0x1  }
0x53: {  	v8 =	vbroadcast v2, $0x2;
	v2 =	vbroadcast v2, $0x3;
	v9 =	vld [tilespmem:s0+$0x40]  }
0x54: {  	v5 =	vmul.f32 v6, v5;
	v4 =	vmul.f32 v7, v4;
	_ =	sdelay $0x1  }
0x55: {  	v4 =	vadd.f32 v4, v5;
	v3 =	vmul.f32 v3, v8;
	_ =	sdelay $0x1  }
0x56: {  	v3 =	vadd.f32 v3, v4;
	v4 =	vmul.f32 v9, v2;
	_ =	sdelay $0x1  }
0x57: {  	v3 =	vadd.f32 v4, v3;
	_ =	sdelay $0x1  }
0x58: {  	[tilespmem:s23+$0xFFFFFFE0] =	vst v3  }
0x59: {  	v3 =	vld [tilespmem:s0+$0xFFFFFF90]  }
0x5a: {  	v4 =	vld [tilespmem:s0+$0xFFFFFFD0];
	_ =	sdelay $0x1  }
0x5b: {  	v5 =	vld [tilespmem:s0+$0x10];
	_ =	sdelay $0x1  }
0x5c: {  	v3 =	vmul.f32 v3, v6;
	v9 =	vld [tilespmem:s0+$0x50]  }
0x5d: {  	v4 =	vmul.f32 v4, v7;
	_ =	sdelay $0x1  }
0x5e: {  	v3 =	vadd.f32 v4, v3;
	v4 =	vmul.f32 v5, v8;
	_ =	sdelay $0x1  }
0x5f: {  	v3 =	vadd.f32 v4, v3;
	v4 =	vmul.f32 v9, v2;
	_ =	sdelay $0x1  }
0x60: {  	v3 =	vadd.f32 v4, v3;
	_ =	sdelay $0x1  }
0x61: {  	[tilespmem:s23+$0xFFFFFFF0] =	vst v3  }
0x62: {  	v3 =	vld [tilespmem:s0+$0xFFFFFFA0]  }
0x63: {  	v4 =	vld [tilespmem:s0+$0xFFFFFFE0];
	_ =	sdelay $0x1  }
0x64: {  	v5 =	vld [tilespmem:s0+$0x20];
	_ =	sdelay $0x1  }
0x65: {  	v3 =	vmul.f32 v3, v6;
	v9 =	vld [tilespmem:s0+$0x60]  }
0x66: {  	v4 =	vmul.f32 v4, v7;
	_ =	sdelay $0x1  }
0x67: {  	v3 =	vadd.f32 v4, v3;
	v4 =	vmul.f32 v5, v8;
	_ =	sdelay $0x1  }
0x68: {  	v3 =	vadd.f32 v4, v3;
	v4 =	vmul.f32 v9, v2;
	_ =	sdelay $0x1  }
0x69: {  	v3 =	vadd.f32 v4, v3;
	_ =	sdelay $0x1  }
0x6a: {  	[tilespmem:s23+$0x0] =	vst v3  }
0x6b: {  	v3 =	vld [tilespmem:s0+$0xFFFFFFB0]  }
0x6c: {  	v4 =	vld [tilespmem:s0+$0xFFFFFFF0]  }
0x6d: {  	v5 =	vld [tilespmem:s0+$0x30]  }
0x6e: {  	v9 =	vld [tilespmem:s0+$0x70];
	s0 =	smov.u32 s7;
	_ =	sdelay $0x1  }
0x6f: {  	v3 =	vmul.f32 v3, v6  }
0x70: {  	v4 =	vmul.f32 v4, v7  }
0x71: {  	v5 =	vmul.f32 v5, v8  }
0x72: {  	v3 =	vadd.f32 v4, v3;
	v2 =	vmul.f32 v9, v2;
	_ =	sdelay $0x1  }
0x73: {  	v3 =	vadd.f32 v5, v3;
	_ =	sdelay $0x1  }
.Ltmp1:
0x74: {  	v2 =	vadd.f32 v2, v3;
	(pc) =	sbr.rel @p6 .LBB2_5-.Ltmp1, $4  }
0x75: {  	_ = 	snop  }
0x76: {  	[tilespmem:s23+$0x10] =	vst v2;
	s23 =	smov.u32 s31  }
0x77: {  	v2 =	vld.idx.msk [tilespmem:v1+s8+$0x0 ss:$0x1], $0xffff  }
0x78: {  	v3 =	vld [tilespmem:s8+$0x9E20]  }
0x79: {  	_ =	sdelay $0x1  }
0x7a: {  	v1 =	vld [tilespmem:s0+$0xFFFFFFC0]  }
0x7b: {  	v4 =	vld [tilespmem:s0+$0xFFFFFF80]  }
0x7c: {  	v2 =	vmul.f32 v2, v3  }
0x7d: {  	v3 =	vld [tilespmem:s0+$0x0]  }
0x7e: {  	v5 =	vbroadcast v2, $0x0;
	v6 =	vbroadcast v2, $0x1  }
0x7f: {  	v8 =	vld [tilespmem:s0+$0x40];
	v7 =	vbroadcast v2, $0x2  }
0x80: {  	v4 =	vmul.f32 v5, v4;
	v1 =	vmul.f32 v6, v1;
	_ =	sdelay $0x1  }
0x81: {  	v2 =	vbroadcast v2, $0x3;
	v3 =	vmul.f32 v3, v7;
	v1 =	vadd.f32 v1, v4;
	_ =	sdelay $0x1  }
0x82: {  	v1 =	vadd.f32 v3, v1;
	v3 =	vmul.f32 v8, v2;
	_ =	sdelay $0x1  }
0x83: {  	v1 =	vadd.f32 v3, v1;
	_ =	sdelay $0x1  }
0x84: {  	[tilespmem:s23+$0xFFFFFFE0] =	vst v1  }
0x85: {  	v1 =	vld [tilespmem:s0+$0xFFFFFF90]  }
0x86: {  	v3 =	vld [tilespmem:s0+$0xFFFFFFD0];
	_ =	sdelay $0x1  }
0x87: {  	v58 =	vld [tilespmem:s0+$0x10];
	_ =	sdelay $0x1  }
0x88: {  	v59 =	vld [tilespmem:s0+$0x50]  }
0x89: {  	v1 =	vmul.f32 v1, v5;
	v3 =	vmul.f32 v3, v6;
	_ =	sdelay $0x1  }
0x8a: {  	v1 =	vadd.f32 v3, v1;
	v3 =	vmul.f32 v58, v7;
	_ =	sdelay $0x1  }
0x8b: {  	v1 =	vadd.f32 v3, v1;
	v3 =	vmul.f32 v59, v2;
	_ =	sdelay $0x1  }
0x8c: {  	v1 =	vadd.f32 v3, v1;
	_ =	sdelay $0x1  }
0x8d: {  	[tilespmem:s23+$0xFFFFFFF0] =	vst v1  }
0x8e: {  	v1 =	vld [tilespmem:s0+$0xFFFFFFA0]  }
0x8f: {  	v3 =	vld [tilespmem:s0+$0xFFFFFFE0];
	_ =	sdelay $0x1  }
0x90: {  	v60 =	vld [tilespmem:s0+$0x20];
	_ =	sdelay $0x1  }
0x91: {  	v61 =	vld [tilespmem:s0+$0x60]  }
0x92: {  	v1 =	vmul.f32 v1, v5;
	v3 =	vmul.f32 v3, v6;
	_ =	sdelay $0x1  }
0x93: {  	v1 =	vadd.f32 v3, v1;
	v3 =	vmul.f32 v60, v7;
	_ =	sdelay $0x1  }
0x94: {  	v1 =	vadd.f32 v3, v1;
	v3 =	vmul.f32 v61, v2;
	_ =	sdelay $0x1  }
0x95: {  	v1 =	vadd.f32 v3, v1;
	_ =	sdelay $0x1  }
0x96: {  	[tilespmem:s23+$0x0] =	vst v1  }
0x97: {  	v1 =	vld [tilespmem:s0+$0xFFFFFFB0]  }
0x98: {  	v3 =	vld [tilespmem:s0+$0xFFFFFFF0];
	_ =	sdelay $0x1  }
0x99: {  	v62 =	vld [tilespmem:s0+$0x30];
	_ =	sdelay $0x1  }
0x9a: {  	v63 =	vld [tilespmem:s0+$0x70]  }
0x9b: {  	v1 =	vmul.f32 v1, v5;
	v3 =	vmul.f32 v3, v6;
	_ =	sdelay $0x1  }
0x9c: {  	v4 =	vmul.f32 v62, v7;
	v1 =	vadd.f32 v3, v1;
	_ =	sdelay $0x1  }
0x9d: {  	v2 =	vmul.f32 v63, v2;
	v1 =	vadd.f32 v4, v1  }
0x9e: {  	s31 =	smul.u32 $0x2800, s30  }
0x9f: {  	s28 =	sadd.s32 $0x1, s28;
	v1 =	vadd.f32 v2, v1  }
0xa0: {  	p6 =	sne.s32 s28, $0xFA;
	s0 =	sshrl.u32 s31, $0x2  }
.Ltmp2:
0xa1: {  	s0 =	sadd.s32 $0xA5A0, s0;
	[tilespmem:s23+$0x10] =	vst v1;
	(pc) =	sbr.rel @p6 .LBB2_4-.Ltmp2, $4  }
0xa2: {  	[spmem:s2] =	stream.indirect.scatter.add.f32 [tilespmem:s0], [sflag:$0x5], $0x40, s29, s22, $0xb8;
	[tilespmem:$0x1A3E0] =	vst v63  }
0xa3: {  	_ =	swait.ge [sflag:s19], $0xA00  }
0xa4: {  	[sflag:s19] =	ssyncset.done $0x0  }
0xa5: {  	p5 =	por !p5, !p5;
	[sflag:s19] =	ssyncadd.s32 $0xFFFFF600  }
0xa6: {  	[bflag:$0x0] =	sbarrier.arrive $0xFFFF;
	s0 =	sshrl.u32 @!p1 s14, $0x3;
	s7 =	simm.s32 @!p1 $0x1FC5  }
0xa7: {  	[hbm:s13], [sflag:s7] =	dma.local @!p1 [spmem:s0], $0x1400  }
0xa8: {  	s0 =	simm.s32 @!p1 $0x5  }
0xa9: {  	_ =	swait.ge @!p1 [sflag:s0], $0x1400  }
0xaa: {  	s7 =	sshll.u32 @!p2 s1, $0x6;
	[sflag:s0] =	ssyncset.done @!p1 $0x0;
	s8 =	rddreg [dreg:$0x7]  }
0xab: {  	[sflag:s0] =	ssyncadd.s32 @!p1 $0xFFFFEC00;
	s0 =	sor.u32 @!p2 $0x1C05, s7;
	s7 =	sshrl.u32 @!p2 s11, $0x3  }
0xac: {  	[hbm:s8], [sflag:s0] =	dma.local @!p2 [spmem:s7], $0x1380  }
0xad: {  	s0 =	simm.s32 @!p2 $0x5  }
0xae: {  	_ =	swait.ge @!p2 [sflag:s0], $0x1380  }
0xaf: {  	[sflag:s0] =	ssyncset.done @!p2 $0x0  }
0xb0: {  	s7 =	simm.s32 @!p3 $0x1FC5;
	[sflag:s0] =	ssyncadd.s32 @!p2 $0xFFFFEC80;
	s0 =	sshrl.u32 @!p3 s14, $0x3  }
0xb1: {  	[hbm:s16], [sflag:s7] =	dma.local @!p3 [spmem:s0], $0x1400  }
0xb2: {  	s0 =	simm.s32 @!p3 $0x5  }
0xb3: {  	s26 =	sadd.s32 $0x1, s26;
	_ =	swait.ge @!p3 [sflag:s0], $0x1400  }
0xb4: {  	p5 =	sne.s32 s26, s17;
	s7 =	sshll.u32 @!p4 s1, $0x6;
	[sflag:s0] =	ssyncset.done @!p3 $0x0  }
0xb5: {  	[sflag:s0] =	ssyncadd.s32 @!p3 $0xFFFFEC00;
	s0 =	sor.u32 @!p4 $0x1C05, s7;
	s7 =	sshrl.u32 @!p4 s11, $0x3  }
0xb6: {  	[hbm:s15], [sflag:s0] =	dma.local @!p4 [spmem:s7], $0x1380  }
.Ltmp3:
0xb7: {  	_ = 	snop;
	(pc) =	sbr.rel @p5 .LBB2_1-.Ltmp3, $4  }
0xb8: {  	s0 =	simm.s32 @!p4 $0x5  }
0xb9: {  	_ =	swait.ge @!p4 [sflag:s0], $0x1380  }
0xba: {  	[sflag:s0] =	ssyncset.done @!p4 $0x0  }
0xbb: {  	[sflag:s0] =	ssyncadd.s32 @!p4 $0xFFFFEC80  }
0xbc: {  	_ =	sfence.sel $0x180000  }
0xbd: {  	[bflag:$0x0] =	sbarrier.arrive $0xFFFF  }
0xbe: {  	_ =	strace $0x9000004A  }
0xbf: {  	[bflag:$0x2] =	sbarrier.arrive $0xFFFF  }
0xc0: {  	p0 =	sne.s32 s1, $0x0;
	s0 =	rddreg [dreg:$0x2]  }
0xc1: {  	s0 =	sadd.s32 @!p0 $0x100000, s0  }
0xc2: {  	[sflag:s0] =	ssyncadd.tile.s32 @!p0 $0x1;
	_ =	shalt  }
.Lfunc_end2:
_tile_overlayer_lowered:
.L_overlay_start_2:
0xc3: {  	(tag) =	ssettag $0x2  }
0xc4: {  	s0 =	rddreg [dreg:$0x0];
	s2 =	stileid.u32  }
0xc5: {  	s1 =	rddreg [dreg:$0x1];
	p0 =	sne.s32 s2, $0x0  }
0xc6: {  	s3 =	rddreg [dreg:$0x2];
	[bflag:$0x3] =	sbarrier.arrive $0xFFFF;
	s2 =	simm.s32 @!p0 $0x1C05  }
0xc7: {  	[timem:s3], [sflag:s2] =	dma.local @!p0 [hbm:s0], s1  }
0xc8: {  	s0 =	simm.s32 @!p0 $0x5  }
0xc9: {  	_ =	swait.ge @!p0 [sflag:s0], s1  }
0xca: {  	s1 =	ssub.s32 @!p0 $0x0, s1;
	[sflag:s0] =	ssyncset.done @!p0 $0x0  }
0xcb: {  	[sflag:s0] =	ssyncadd.s32 @!p0 s1  }
0xcc: {  	[bflag:$0x3] =	sbarrier.arrive $0xFFFF  }
0xcd: {  	_ =	shalt  }

// kernel: kernel.14.cloned.1.call-start
scs
__scs_entry_jumppad:
0x0: {  	(pc) =	sbr.rel $0x88, $3  }
0x1: {  	(tag) =	ssettag $0x0;
	lr =	simm.s32 $0x1  }
0x2: {  	[smem:$0x3F97] =	sst lr;
	_ =	strace $0xD0000000  }
0x3: {  	_ = 	snop  }
0x4: {  	_ = 	snop  }
0x5: {  	_ = 	snop  }
0x6: {  	_ = 	snop  }
0x7: {  	_ = 	snop  }
__scs_overlays_trampoline_lowered:
0x8: {  	[smem:$0x3FA6] =	sst s0  }
0x9: {  	[smem:$0x3FA7] =	sst s1  }
0xa: {  	[smem:$0x3FA8] =	sst s2  }
0xb: {  	[smem:$0x3FA9] =	sst s3  }
0xc: {  	[smem:$0x3FAA] =	sst s4  }
0xd: {  	[smem:$0x3FAB] =	sst s5  }
0xe: {  	[smem:$0x3FAC] =	sst s6  }
0xf: {  	[smem:$0x3FAD] =	sst s7  }
0x10: {  	[smem:$0x3FAE] =	sst s8  }
0x11: {  	[smem:$0x3FAF] =	sst s9;
	s0 =	simm.s32 @!p0 $0x0  }
0x12: {  	s1 =	sld [smem:$0x3F95];
	s0 =	simm.s32 @p0 $0x1  }
0x13: {  	[smem:$0x3FB0] =	sst s0;
	s0 =	simm.s32 @!p1 $0x0  }
0x14: {  	s2 =	sld [smem:$0x3F94];
	s0 =	simm.s32 @p1 $0x1  }
0x15: {  	[smem:$0x3FB1] =	sst s0;
	s0 =	simm.s32 @!p2 $0x0  }
0x16: {  	s3 =	sld [smem:$0x3FDB];
	s0 =	simm.s32 @p2 $0x1  }
0x17: {  	s4 =	simm.s32 $0x1BF5;
	[smem:$0x3FB3] =	sst s0  }
0x18: {  	s0 =	sld [smem:$0x3F96];
	_ =	swait.ge [sflag:s4], $0x0  }
0x19: {  	s7 =	sld [smem:$0x3F97]  }
0x1a: {  	s8 =	sadd.s32 $0xFFFFE003, lr  }
0x1b: {  	s9 =	sadd.s32 $0xFFFFFEF7, lr;
	s5 =	simm.s32 $0xFFFFFFFF;
	p2 =	slt.u32 s8, $0xFFFFF086  }
0x1c: {  	p1 =	slt.u32 s9, $0xF7A;
	s5 =	simm.s32 @!p2 $0x0  }
0x1d: {  	s5 =	simm.s32 @p1 $0x1;
	p0 =	seq.s32 s7, s2  }
0x1e: {  	s7 =	smul.u32 @!p0 $0xF7A, s2;
	p2 =	seq.s32 @!p0 s5, $0x0  }
0x1f: {  	s9 =	smul.u32 $0xF7A, s1;
	s8 =	simm.s32 @!p0 $0x1BF5;
	p2 =	por !p2, p0  }
0x20: {  	[sflag:s8] =	ssyncset.s32 @!p0 $0xFFFFF086;
	s6 =	sadd.s32 @!p0 s3, s7;
	s7 =	simm.s32 @!p0 $0x108  }
0x21: {  	s3 =	sadd.s32 s3, s9;
	s6 =	sadd.s32 @!p0 $0x88, s6;
	s7 =	simm.s32 @p2 $0x1082  }
0x22: {  	[simem:s7], [sflag:s8] =	dma.local @!p0 [hbm:s6], $0xF7A  }
0x23: {  	s9 =	sor.u32 $0xD0000000, s2;
	s6 =	simm.s32 $0x108;
	_ =	swait.ge @!p0 [sflag:s8], $0x0  }
0x24: {  	s3 =	sadd.s32 $0x88, s3;
	s6 =	simm.s32 @!p1 $0x1082;
	[sflag:s4] =	ssyncset.s32 $0xFFFFF086  }
0x25: {  	[simem:s6], [sflag:s4] =	dma.local [hbm:s3], $0xF7A  }
0x26: {  	[smem:$0x3F97] =	sst s1;
	(tag) =	ssettag s2;
	_ =	strace s9  }
0x27: {  	s1 =	sld [smem:$0x3FA7]  }
0x28: {  	s2 =	sld [smem:$0x3FA8]  }
0x29: {  	s4 =	sld [smem:$0x3FAA]  }
0x2a: {  	p0 =	seq.s32 s5, $0x0;
	s5 =	sld [smem:$0x3FAB]  }
0x2b: {  	s6 =	sld [smem:$0x3FAC]  }
0x2c: {  	s7 =	sld [smem:$0x3FAD]  }
0x2d: {  	s3 =	simm.s32 $0x108;
	s8 =	sld [smem:$0x3FAE]  }
0x2e: {  	s3 =	simm.s32 @!p0 $0x1082;
	s9 =	sld [smem:$0x3FAF]  }
0x2f: {  	lr =	sadd.s32 s0, s3;
	s0 =	sld [smem:$0x3FA6]  }
0x30: {  	s3 =	sld [smem:$0x3FA9]  }
0x31: {  	[smem:$0x3FB2] =	sst s10  }
0x32: {  	s10 =	sld [smem:$0x3FB0];
	_ =	sdelay $0x3  }
0x33: {  	p0 =	seq.s32 s10, $0x1;
	s10 =	sld [smem:$0x3FB2];
	_ =	sdelay $0x3  }
0x34: {  	[smem:$0x3FB2] =	sst s10  }
0x35: {  	s10 =	sld [smem:$0x3FB1];
	_ =	sdelay $0x3  }
0x36: {  	p1 =	seq.s32 s10, $0x1;
	s10 =	sld [smem:$0x3FB2];
	_ =	sdelay $0x3  }
0x37: {  	[smem:$0x3FB2] =	sst s10  }
0x38: {  	s10 =	sld [smem:$0x3FB3]  }
0x39: {  	_ = 	snop;
	(pc) =	sbr.ind lr, $3  }
0x3a: {  	_ = 	snop  }
0x3b: {  	_ = 	snop  }
0x3c: {  	p2 =	seq.s32 s10, $0x1;
	s10 =	sld [smem:$0x3FB2]  }
0x3d: {  	_ =	shalt  }
0x3e: {  	_ =	shalt  }
0x3f: {  	_ =	shalt  }
0x40: {  	_ =	shalt  }
0x41: {  	_ =	shalt  }
0x42: {  	_ =	shalt  }
0x43: {  	_ =	shalt  }
0x44: {  	_ =	shalt  }
0x45: {  	_ =	shalt  }
0x46: {  	_ =	shalt  }
0x47: {  	_ =	shalt  }
0x48: {  	_ =	shalt  }
0x49: {  	_ =	shalt  }
0x4a: {  	_ =	shalt  }
0x4b: {  	_ =	shalt  }
0x4c: {  	_ =	shalt  }
0x4d: {  	_ =	shalt  }
0x4e: {  	_ =	shalt  }
0x4f: {  	_ =	shalt  }
0x50: {  	_ =	shalt  }
0x51: {  	_ =	shalt  }
0x52: {  	_ =	shalt  }
0x53: {  	_ =	shalt  }
0x54: {  	_ =	shalt  }
0x55: {  	_ =	shalt  }
0x56: {  	_ =	shalt  }
0x57: {  	_ =	shalt  }
0x58: {  	_ =	shalt  }
0x59: {  	_ =	shalt  }
0x5a: {  	_ =	shalt  }
0x5b: {  	_ =	shalt  }
0x5c: {  	_ =	shalt  }
0x5d: {  	_ =	shalt  }
0x5e: {  	_ =	shalt  }
0x5f: {  	_ =	shalt  }
0x60: {  	_ =	shalt  }
0x61: {  	_ =	shalt  }
0x62: {  	_ =	shalt  }
0x63: {  	_ =	shalt  }
0x64: {  	_ =	shalt  }
0x65: {  	_ =	shalt  }
0x66: {  	_ =	shalt  }
0x67: {  	_ =	shalt  }
0x68: {  	_ =	shalt  }
0x69: {  	_ =	shalt  }
0x6a: {  	_ =	shalt  }
0x6b: {  	_ =	shalt  }
0x6c: {  	_ =	shalt  }
0x6d: {  	_ =	shalt  }
0x6e: {  	_ =	shalt  }
0x6f: {  	_ =	shalt  }
0x70: {  	_ =	shalt  }
0x71: {  	_ =	shalt  }
0x72: {  	_ =	shalt  }
0x73: {  	_ =	shalt  }
0x74: {  	_ =	shalt  }
0x75: {  	_ =	shalt  }
0x76: {  	_ =	shalt  }
0x77: {  	_ =	shalt  }
0x78: {  	_ =	shalt  }
0x79: {  	_ =	shalt  }
0x7a: {  	_ =	shalt  }
0x7b: {  	_ =	shalt  }
0x7c: {  	_ =	shalt  }
0x7d: {  	_ =	shalt  }
0x7e: {  	_ =	shalt  }
0x7f: {  	_ =	shalt  }
0x80: {  	_ =	shalt  }
0x81: {  	_ =	shalt  }
0x82: {  	_ =	shalt  }
0x83: {  	_ =	shalt  }
0x84: {  	_ =	shalt  }
0x85: {  	_ =	shalt  }
0x86: {  	_ =	shalt  }
0x87: {  	_ =	shalt  }
.Lfunc_end0:
.L_simem_size_0:
called_computation.2_lowered:
.L_overlay_start_0:
0x88: {  	s2 =	sld [smem:$0x3FD9]  }
0x89: {  	s3 =	sld [smem:$0x3FFE];
	_ =	sdelay $0x1  }
0x8a: {  	s1 =	srdreg.scid  }
0x8b: {  	s0 =	sand.u32 $0x1, s1  }
0x8c: {  	s17 =	sshll.u32 s0, $0xA;
	s2 =	sadd.s32 s3, s2  }
0x8d: {  	s2 =	sadd.s32 s2, s17  }
0x8e: {  	[smem:$0x3FBE] =	sst s2  }
0x8f: {  	_ = 	snop  }
0x90: {  	s18 =	sld [smem:$0x3FD0];
	(tm) =	ssettm $0x1  }
0x91: {  	s19 =	sld [smem:$0x3FFB];
	_ =	sdelay $0x3  }
0x92: {  	_ =	strace s19  }
0x93: {  	s2 =	sld [smem:$0x3FFC];
	_ =	sdelay $0x3  }
0x94: {  	_ =	strace s2  }
0x95: {  	s2 =	sld [smem:$0x3FFD];
	_ =	sdelay $0x3  }
0x96: {  	_ =	strace s2  }
0x97: {  	_ =	strace $0x8FFFFFFF  }
0x98: {  	s20 =	sld [smem:$0x3FDB];
	_ =	sdelay $0x1  }
0x99: {  	s4 =	simm.s32 $_scs_section_size  }
0x9a: {  	s5 =	simm.s32 $_size__tile_overlayer_lowered;
	s6 =	simm.s32 $_tile_overlayer_lowered  }
0x9b: {  	s7 =	simm.s32 $0x1BFF;
	s21 =	sshll.u32 s6, $0x1;
	s4 =	sadd.s32 s4, s20  }
0x9c: {  	s22 =	simm.s32 $0x0;
	s5 =	sshll.u32 s5, $0x1;
	s6 =	sadd.s32 s21, s4  }
0x9d: {  	[timem:s22], [sflag:s7] =	dma.local [hbm:s6], s5  }
0x9e: {  	_ =	swait.ge [sflag:s7], s5  }
0x9f: {  	s5 =	ssub.s32 $0x0, s5;
	[sflag:s7] =	ssyncset.done $0x0  }
0xa0: {  	[sflag:s7] =	ssyncadd.s32 s5;
	_ =	sdelay $0x1  }
0xa1: {  	s23 =	simm.s32 $0x1B8B  }
0xa2: {  	_ =	swait.ge [sflag:s23], $0x1  }
0xa3: {  	[sflag:s23] =	ssyncset.done $0x0  }
0xa4: {  	[sflag:s23] =	ssyncadd.s32 $0xFFFFFFFF  }
0xa5: {  	s5 =	sld [smem:$0x0]  }
0xa6: {  	s6 =	sand.u32 $0xFFFFFFFE, s1  }
0xa7: {  	p0 =	sne.s32 s1, s6  }
0xa8: {  	s6 =	sshll.u32 @p0 s6, $0xE  }
0xa9: {  	s6 =	sadd.s32 @p0 $0x11B8D, s6;
	s7 =	sshll.u32 @p0 s5, $0x11  }
0xaa: {  	s6 =	sor.u32 @p0 s7, s6  }
0xab: {  	[sflag:s6] =	ssyncadd.remote.s32 @p0 $0x1;
	_ =	sdelay $0x1  }
0xac: {  	s6 =	simm.s32 @p0 $0x1B8D  }
0xad: {  	_ =	swait.eq @p0 [sflag:s6], $0x1  }
0xae: {  	[sflag:s6] =	ssyncadd.s32 @p0 $0xFFFFFFFF  }
0xaf: {  	s7 =	sshll.u32 @!p0 s1, $0xE  }
0xb0: {  	s7 =	sor.u32 @!p0 $0x4000, s7;
	s6 =	simm.s32 @!p0 $0x1B8D  }
0xb1: {  	s5 =	sshll.u32 @!p0 s5, $0x11;
	s7 =	sadd.s32 @!p0 $0x11B8D, s7;
	_ =	swait.eq @!p0 [sflag:s6], $0x1  }
0xb2: {  	s5 =	sor.u32 @!p0 s5, s7;
	[sflag:s6] =	ssyncadd.s32 @!p0 $0xFFFFFFFF  }
0xb3: {  	s25 =	simm.s32 $0x1B8E;
	s24 =	sld [smem:$0x3FFE];
	[sflag:s5] =	ssyncadd.remote.s32 @!p0 $0x1  }
0xb4: {  	s26 =	simm.s32 $execute0_lowered;
	[smem:$0x3FD2] =	sst s25  }
0xb5: {  	s6 =	sshll.u32 s26, $0x1;
	_ =	strace $0x8000004C;
	[dreg:$0x1] =	wrdreg $0xFFFFFFFF  }
0xb6: {  	s28 =	simm.s32 $_size_execute0_lowered;
	s4 =	sadd.s32 s4, s6;
	[dreg:$0x0] =	wrdreg $0x0  }
0xb7: {  	s6 =	sshll.u32 s28, $0x1;
	[dreg:$0x2] =	wrdreg s4  }
0xb8: {  	[dreg:$0x3] =	wrdreg s6  }
0xb9: {  	[dreg:$0x4] =	wrdreg $0xC0  }
0xba: {  	_ =	task [dreg:s22], $0x5FFFF  }
0xbb: {  	[dreg:$0x1] =	wrdreg $0xFFFFFFFF  }
0xbc: {  	[dreg:$0x0] =	wrdreg $0x60  }
0xbd: {  	[dreg:$0x2] =	wrdreg s24  }
0xbe: {  	[dreg:$0x3] =	wrdreg s18  }
0xbf: {  	[dreg:$0x4] =	wrdreg $0x107A00  }
0xc0: {  	[dreg:$0x5] =	wrdreg $0xA  }
0xc1: {  	_ =	task.clear_ibuf [dreg:s22], $0x6FFFF;
	_ =	strace $0x9000004C  }
0xc2: {  	s29 =	simm.s32 $0xA;
	_ =	strace $0x8000004E  }
0xc3: {  	_ =	swait.ge [sflag:s29], $0x1  }
0xc4: {  	[sflag:s29] =	ssyncadd.s32 $0xFFFFFFFF  }
0xc5: {  	_ =	strace $0x9000004E  }
0xc6: {  	_ =	sfence  }
0xc7: {  	s30 =	sld [smem:$0x0];
	_ =	sdelay $0x2  }
0xc8: {  	s31 =	sshll.u32 s1, $0xD;
	s1 =	sshrl.u32 s1, $0x2  }
0xc9: {  	s4 =	sand.u32 $0x4000, s31;
	s1 =	sadd.s32 s1, s30  }
0xca: {  	s0 =	sor.u32 s4, s0;
	s1 =	sshll.u32 s1, $0x11  }
0xcb: {  	s0 =	sor.u32 s1, s0  }
0xcc: {  	s0 =	sadd.s32 $0x8F2B, s0  }
0xcd: {  	[sflag:s0] =	ssyncadd.remote.s32 $0x1  }
0xce: {  	_ =	sfence.sel $0xFFFF  }
0xcf: {  	[dreg:$0x0] =	wrdreg $0xFFFFFFFF;
	(pc) =	sbr.abs _section_cstart, $3  }
0xd0: {  	[dreg:$0x1] =	wrdreg $0xFFFFFFFF  }
0xd1: {  	_ =	task.clear_ibuf [dreg:s22], $0x2FFFF;
	_ =	strace $0x9FFFFFFF  }
0xd2: {  	(tm) =	ssettm $0x7FFFFFFF  }
0xd3: {  	_ =	shalt  }
tec
execute0_lowered:
.L_overlay_start_1:
0x0: {  	(tag) =	ssettag $0x1  }
0x1: {  	s0 =	rddreg [dreg:$0x0]  }
0x2: {  	s8 =	rddreg [dreg:$0x1]  }
0x3: {  	s1 =	rddreg [dreg:$0x2];
	s3 =	simm.s32 $0x0;
	s2 =	stileid.u32  }
0x4: {  	s9 =	srdreg.scid;
	s19 =	simm.s32 $0x5;
	s20 =	simm.s32 $0x2710  }
0x5: {  	s21 =	simm.s32 $0xB9A0;
	s22 =	simm.s32 $0x28;
	s25 =	simm.s32 $0x9E20  }
0x6: {  	[smem:$0x7FF] =	sst s3;
	s4 =	sadd.s32 $0xB5C00, s0;
	s6 =	smul.u32 $0x2710, s2  }
0x7: {  	s5 =	sadd.s32 $0xABC00, s0;
	s7 =	sadd.s32 $0x12B200, s0;
	s10 =	smul.u32 $0x9C00, s2  }
0x8: {  	s9 =	sand.u32 $0x1, s9;
	s13 =	smul.u32 $0x27000, s2;
	s31 =	sadd.s32 $0x9C000, s1  }
0x9: {  	s17 =	sadd.s32 $0x19F280, s0;
	_ =	strace $0x8000004D;
	s12 =	ssub.s32 $0x2, s9  }
0xa: {  	[dreg:$0x8] =	wrdreg s31;
	p0 =	seq.s32 s9, $0x0;
	p4 =	sne.s32 s9, $0x0  }
0xb: {  	s11 =	sshrl.u32 s6, $0x3;
	s14 =	sshrl.u32 s10, $0x3;
	s15 =	sshrl.u32 s12, $0x1  }
0xc: {  	s26 =	sshrl.u32 s13, $0x2;
	s10 =	sadd.s32 s10, s1;
	s7 =	smov.u32 @p0 s8  }
0xd: {  	p0 =	sne.s32 s2, $0xF;
	p2 =	seq.s32 @p4 s2, $0xF;
	p5 =	seq.s32 @!p4 s2, $0xF  }
0xe: {  	s11 =	sadd.s32 s11, s0;
	s16 =	sadd.s32 s14, s0;
	s18 =	ssub.s32 s12, s15  }
0xf: {  	s29 =	sadd.s32 s26, s1;
	s14 =	sadd.s32 $0x18B880, s0;
	s15 =	sadd.s32 $0x92400, s1  }
0x10: {  	p1 =	por !p2, !p4;
	p2 =	por p2, !p4;
	s28 =	sadd.s32 $0xA6C00, s11  }
0x11: {  	p3 =	por !p5, p4;
	s11 =	sadd.s32 $0xA1C00, s11;
	[dreg:$0x4] =	wrdreg s28  }
0x12: {  	p4 =	por p5, p4;
	s30 =	sadd.s32 $0x179400, s16;
	[dreg:$0x5] =	wrdreg s11  }
0x13: {  	s26 =	simm.s32 $0x0;
	s11 =	sadd.s32 $0x4E00, s29;
	[dreg:$0x7] =	wrdreg s30  }
0x14: {  	v0 =	vimm.f32 $0.0e+00;
	s16 =	sadd.s32 $0x18CE00, s16;
	s18 =	smax.u32 s18, $0x1;
	[dreg:$0x6] =	wrdreg s11  }
.LBB2_1:
0x15: {  	s0 =	rddreg [dreg:$0x4]  }
0x16: {  	[tilespmem:s3], [sflag:$0x5] =	stream.linear.gather [hbm4b:s0+s3], $0x2710, $0x38;
	[tilespmem:$0x1A3E0] =	vst v63  }
0x17: {  	_ =	swait.ge [sflag:s19], $0x2710  }
0x18: {  	[sflag:s19] =	ssyncset.done $0x0  }
0x19: {  	s31 =	rddreg [dreg:$0x5];
	[sflag:s19] =	ssyncadd.s32 $0xFFFFD8F0  }
0x1a: {  	[tilespmem:s20], [sflag:$0x5] =	stream.linear.gather [hbm4b:s31+s3], $0x2710, $0x38;
	[tilespmem:$0x1A3E0] =	vst v63  }
0x1b: {  	_ =	swait.ge [sflag:s19], $0x2710  }
0x1c: {  	[sflag:s19] =	ssyncset.done $0x0  }
0x1d: {  	s8 =	simm.s32 $0x100;
	s0 =	simm.s32 $0x0;
	[sflag:s19] =	ssyncadd.s32 $0xFFFFD8F0  }
.LBB2_2:
0x1e: {  	p5 =	sne.s32 s8, $0x13700;
	[tilespmem:s0+$0xB9D0] =	vst v0;
	s9 =	smov.u32 s8;
	s8 =	sadd.s32 $0x100, s8  }
.Ltmp0:
0x1f: {  	[tilespmem:s0+$0xB9C0] =	vst v0;
	(pc) =	sbr.rel @p5 .LBB2_2-.Ltmp0, $3  }
0x20: {  	[tilespmem:s0+$0xB9A0] =	vst v0  }
0x21: {  	[tilespmem:s0+$0xB9B0] =	vst v0;
	_ =	sdelay $0x1  }
0x22: {  	s0 =	sshra.s32 s9, $0x2  }
0x23: {  	[tilespmem:s0+$0xB9D0] =	vst v0  }
0x24: {  	[tilespmem:s0+$0xB9C0] =	vst v0  }
0x25: {  	[tilespmem:s0+$0xB9A0] =	vst v0  }
0x26: {  	[tilespmem:s0+$0xB9B0] =	vst v0  }
0x27: {  	[spmem:s10] =	stream.linear.scatter [tilespmem:s21], [sflag:$0x5], $0x4E00, $0x38;
	[tilespmem:$0x1A3E0] =	vst v63  }
0x28: {  	_ =	swait.ge [sflag:s19], $0x4E00  }
0x29: {  	[sflag:s19] =	ssyncset.done $0x0  }
0x2a: {  	s29 =	rddreg [dreg:$0x6];
	[sflag:s19] =	ssyncadd.s32 $0xFFFFB200  }
0x2b: {  	[spmem:s29] =	stream.linear.scatter [tilespmem:s21], [sflag:$0x5], $0x4E00, $0x38;
	[tilespmem:$0x1A3E0] =	vst v63  }
0x2c: {  	_ =	swait.ge [sflag:s19], $0x4E00  }
0x2d: {  	[sflag:s19] =	ssyncset.done $0x0  }
0x2e: {  	s0 =	simm.s32 @!p0 $0xB9A0;
	s8 =	rddreg [dreg:$0x8];
	[sflag:s19] =	ssyncadd.s32 $0xFFFFB200  }
0x2f: {  	[spmem:s8] =	stream.linear.scatter @!p0 [tilespmem:s0], [sflag:$0x5], $0x400, $0x38;
	[tilespmem:$0x1A3E0] =	vst v63  }
0x30: {  	s0 =	simm.s32 @!p0 $0x5  }
0x31: {  	_ =	swait.ge @!p0 [sflag:s0], $0x400  }
0x32: {  	[sflag:s0] =	ssyncset.done @!p0 $0x0  }
0x33: {  	[sflag:s0] =	ssyncadd.s32 @!p0 $0xFFFFFC00  }
0x34: {  	s30 =	simm.s32 $0x4E20;
	[bflag:$0x0] =	sbarrier.arrive $0xFFFF  }
0x35: {  	[tilespmem:s30], [sflag:$0x1] =	stream.indirect.gather [hbm4b:s7+s22], $0x100, s20, s22, $0xb8;
	[tilespmem:$0x1A3E0] =	vst v63  }
0x36: {  	s28 =	simm.s32 $0x0;
	s31 =	simm.s32 $0xA0A0;
	p5 =	por $0x0, $0x0  }
0x37: {  	[tilespmem:s31], [sflag:$0x3] =	stream.indirect.gather [hbm4b:s5+s22], $0x10, s28, s22, $0xb8;
	[tilespmem:$0x1A3E0] =	vst v63  }
.LBB2_4:
0x38: {  	s29 =	smul.u32 $0x28, s28;
	_ =	sdelay $0x1  }
0x39: {  	s0 =	sadd.s32 s6, s29  }
0x3a: {  	s0 =	sshll.u32 s0, $0x1  }
0x3b: {  	s8 =	simm.s32 $0x1;
	s30 =	sand.u32 $0x1, s28;
	s0 =	sadd.s32 s4, s0  }
0x3c: {  	[tilespmem:s25], [sflag:$0x5] =	stream.linear.gather [hbm4b:s0+s3], $0x280, $0x38;
	[tilespmem:$0x1A3E0] =	vst v63  }
0x3d: {  	p6 =	seq.s32 s28, $0xF9;
	s8 =	simm.s32 @!p5 $0x0;
	_ =	swait.ge [sflag:s19], $0x280  }
0x3e: {  	s9 =	sadd.s32 $0x1, s30;
	s23 =	sadd.s32 @!p6 $0x1, s28;
	[sflag:s19] =	ssyncset.done $0x0  }
0x3f: {  	s13 =	sadd.s32 $0x3, s30;
	s12 =	smul.u32 $0xA00, s8;
	[sflag:s19] =	ssyncadd.s32 $0xFFFFFD80  }
0x40: {  	s24 =	sand.u32 @!p6 $0x1, s23;
	s23 =	smul.u32 @!p6 $0xA0, s23;
	_ =	swait.ge [sflag:s9], $0x2800  }
0x41: {  	s31 =	smul.u32 @!p6 $0xA000, s24;
	s11 =	sadd.s32 @!p6 $0x1, s24;
	[sflag:s9] =	ssyncset.done $0x0  }
0x42: {  	s23 =	sshra.s32 @!p6 s23, $0x2;
	s0 =	sshrl.u32 s12, $0x2;
	[sflag:s9] =	ssyncadd.s32 $0xFFFFD800  }
0x43: {  	s31 =	sshrl.u32 @!p6 s31, $0x2;
	s12 =	simm.s32 @!p6 $0x28;
	_ =	swait.ge [sflag:s13], $0x280  }
0x44: {  	s0 =	sadd.s32 $0xA0A0, s0;
	s9 =	sadd.s32 @!p6 $0x4E20, s31;
	[sflag:s13] =	ssyncset.done $0x0  }
0x45: {  	s31 =	sadd.s32 @!p6 $0x2710, s23;
	[sflag:s13] =	ssyncadd.s32 $0xFFFFFD80;
	s13 =	smul.u32 @!p6 $0xA00, s24  }
0x46: {  	v1 =	vmov s0;
	[tilespmem:s9], [sflag:s11] =	stream.indirect.gather @!p6 [hbm4b:s7+s12], $0x100, s31, s12, $0xb8;
	[tilespmem:$0x1A3E0] =	vst v63  }
0x47: {  	s0 =	smul.u32 $0x2800, s8;
	s9 =	sshrl.u32 @!p6 s13, $0x2  }
0x48: {  	s8 =	smul.u32 $0xA000, s8;
	s11 =	sadd.s32 @!p6 $0x3, s24;
	s9 =	sadd.s32 @!p6 $0xA0A0, s9  }
0x49: {  	[tilespmem:s9], [sflag:s11] =	stream.indirect.gather @!p6 [hbm4b:s5+s12], $0x10, s23, s12, $0xb8;
	[tilespmem:$0x1A3E0] =	vst v63  }
0x4a: {  	s0 =	sshrl.u32 s0, $0x2;
	s8 =	sshrl.u32 s8, $0x2;
	s23 =	simm.s32 $0x0  }
0x4b: {  	s31 =	sadd.s32 $0xA5C0, s0;
	s0 =	sadd.s32 $0x4EA0, s8;
	v2 =	vld.idx.msk [tilespmem:v1+s23+$0x0 ss:$0x1], $0xffff  }
0x4c: {  	s24 =	simm.s32 $0x40;
	s8 =	smov.u32 s0;
	v3 =	vld [tilespmem:s23+$0x9E20];
	s23 =	smov.u32 s31  }
.LBB2_5:
0x4d: {  	_ =	sdelay $0x1  }
0x4e: {  	p6 =	sne.s32 s24, $0x9C0;
	v4 =	vld [tilespmem:s0+$0xFFFFFFC0];
	s31 =	sadd.s32 $0x40, s31;
	s8 =	sadd.s32 $0x100, s8  }
0x4f: {  	s9 =	smov.u32 s24;
	s24 =	sadd.s32 $0x40, s24;
	v5 =	vld [tilespmem:s0+$0xFFFFFF80]  }
0x50: {  	v2 =	vmul.f32 v2, v3  }
0x51: {  	s9 =	sshra.s32 s9, $0x2;
	v3 =	vld [tilespmem:s0+$0x0]  }
0x52: {  	v6 =	vbroadcast v2, $0x0;
	v7 =	vbroadcast v2, $0x1  }
0x53: {  	v8 =	vbroadcast v2, $0x2;
	v2 =	vbroadcast v2, $0x3;
	v9 =	vld [tilespmem:s0+$0x40]  }
0x54: {  	v5 =	vmul.f32 v6, v5;
	v4 =	vmul.f32 v7, v4;
	_ =	sdelay $0x1  }
0x55: {  	v4 =	vadd.f32 v4, v5;
	v3 =	vmul.f32 v3, v8;
	_ =	sdelay $0x1  }
0x56: {  	v3 =	vadd.f32 v3, v4;
	v4 =	vmul.f32 v9, v2;
	_ =	sdelay $0x1  }
0x57: {  	v3 =	vadd.f32 v4, v3;
	_ =	sdelay $0x1  }
0x58: {  	[tilespmem:s23+$0xFFFFFFE0] =	vst v3  }
0x59: {  	v3 =	vld [tilespmem:s0+$0xFFFFFF90]  }
0x5a: {  	v4 =	vld [tilespmem:s0+$0xFFFFFFD0];
	_ =	sdelay $0x1  }
0x5b: {  	v5 =	vld [tilespmem:s0+$0x10];
	_ =	sdelay $0x1  }
0x5c: {  	v3 =	vmul.f32 v3, v6;
	v9 =	vld [tilespmem:s0+$0x50]  }
0x5d: {  	v4 =	vmul.f32 v4, v7;
	_ =	sdelay $0x1  }
0x5e: {  	v3 =	vadd.f32 v4, v3;
	v4 =	vmul.f32 v5, v8;
	_ =	sdelay $0x1  }
0x5f: {  	v3 =	vadd.f32 v4, v3;
	v4 =	vmul.f32 v9, v2;
	_ =	sdelay $0x1  }
0x60: {  	v3 =	vadd.f32 v4, v3;
	_ =	sdelay $0x1  }
0x61: {  	[tilespmem:s23+$0xFFFFFFF0] =	vst v3  }
0x62: {  	v3 =	vld [tilespmem:s0+$0xFFFFFFA0]  }
0x63: {  	v4 =	vld [tilespmem:s0+$0xFFFFFFE0];
	_ =	sdelay $0x1  }
0x64: {  	v5 =	vld [tilespmem:s0+$0x20];
	_ =	sdelay $0x1  }
0x65: {  	v3 =	vmul.f32 v3, v6;
	v9 =	vld [tilespmem:s0+$0x60]  }
0x66: {  	v4 =	vmul.f32 v4, v7;
	_ =	sdelay $0x1  }
0x67: {  	v3 =	vadd.f32 v4, v3;
	v4 =	vmul.f32 v5, v8;
	_ =	sdelay $0x1  }
0x68: {  	v3 =	vadd.f32 v4, v3;
	v4 =	vmul.f32 v9, v2;
	_ =	sdelay $0x1  }
0x69: {  	v3 =	vadd.f32 v4, v3;
	_ =	sdelay $0x1  }
0x6a: {  	[tilespmem:s23+$0x0] =	vst v3  }
0x6b: {  	v3 =	vld [tilespmem:s0+$0xFFFFFFB0]  }
0x6c: {  	v4 =	vld [tilespmem:s0+$0xFFFFFFF0]  }
0x6d: {  	v5 =	vld [tilespmem:s0+$0x30]  }
0x6e: {  	v9 =	vld [tilespmem:s0+$0x70];
	s0 =	smov.u32 s8;
	_ =	sdelay $0x1  }
0x6f: {  	v3 =	vmul.f32 v3, v6  }
0x70: {  	v4 =	vmul.f32 v4, v7  }
0x71: {  	v5 =	vmul.f32 v5, v8  }
0x72: {  	v3 =	vadd.f32 v4, v3;
	v2 =	vmul.f32 v9, v2;
	_ =	sdelay $0x1  }
0x73: {  	v3 =	vadd.f32 v5, v3;
	_ =	sdelay $0x1  }
.Ltmp1:
0x74: {  	v2 =	vadd.f32 v2, v3;
	(pc) =	sbr.rel @p6 .LBB2_5-.Ltmp1, $4  }
0x75: {  	_ = 	snop  }
0x76: {  	[tilespmem:s23+$0x10] =	vst v2;
	s23 =	smov.u32 s31  }
0x77: {  	v2 =	vld.idx.msk [tilespmem:v1+s9+$0x0 ss:$0x1], $0xffff  }
0x78: {  	v3 =	vld [tilespmem:s9+$0x9E20]  }
0x79: {  	_ =	sdelay $0x1  }
0x7a: {  	v1 =	vld [tilespmem:s0+$0xFFFFFFC0]  }
0x7b: {  	v4 =	vld [tilespmem:s0+$0xFFFFFF80]  }
0x7c: {  	v2 =	vmul.f32 v2, v3  }
0x7d: {  	v3 =	vld [tilespmem:s0+$0x0]  }
0x7e: {  	v5 =	vbroadcast v2, $0x0;
	v6 =	vbroadcast v2, $0x1  }
0x7f: {  	v8 =	vld [tilespmem:s0+$0x40];
	v7 =	vbroadcast v2, $0x2  }
0x80: {  	v4 =	vmul.f32 v5, v4;
	v1 =	vmul.f32 v6, v1;
	_ =	sdelay $0x1  }
0x81: {  	v2 =	vbroadcast v2, $0x3;
	v3 =	vmul.f32 v3, v7;
	v1 =	vadd.f32 v1, v4;
	_ =	sdelay $0x1  }
0x82: {  	v1 =	vadd.f32 v3, v1;
	v3 =	vmul.f32 v8, v2;
	_ =	sdelay $0x1  }
0x83: {  	v1 =	vadd.f32 v3, v1;
	_ =	sdelay $0x1  }
0x84: {  	[tilespmem:s23+$0xFFFFFFE0] =	vst v1  }
0x85: {  	v1 =	vld [tilespmem:s0+$0xFFFFFF90]  }
0x86: {  	v3 =	vld [tilespmem:s0+$0xFFFFFFD0];
	_ =	sdelay $0x1  }
0x87: {  	v58 =	vld [tilespmem:s0+$0x10];
	_ =	sdelay $0x1  }
0x88: {  	v59 =	vld [tilespmem:s0+$0x50]  }
0x89: {  	v1 =	vmul.f32 v1, v5;
	v3 =	vmul.f32 v3, v6;
	_ =	sdelay $0x1  }
0x8a: {  	v1 =	vadd.f32 v3, v1;
	v3 =	vmul.f32 v58, v7;
	_ =	sdelay $0x1  }
0x8b: {  	v1 =	vadd.f32 v3, v1;
	v3 =	vmul.f32 v59, v2;
	_ =	sdelay $0x1  }
0x8c: {  	v1 =	vadd.f32 v3, v1;
	_ =	sdelay $0x1  }
0x8d: {  	[tilespmem:s23+$0xFFFFFFF0] =	vst v1  }
0x8e: {  	v1 =	vld [tilespmem:s0+$0xFFFFFFA0]  }
0x8f: {  	v3 =	vld [tilespmem:s0+$0xFFFFFFE0];
	_ =	sdelay $0x1  }
0x90: {  	v60 =	vld [tilespmem:s0+$0x20];
	_ =	sdelay $0x1  }
0x91: {  	v61 =	vld [tilespmem:s0+$0x60]  }
0x92: {  	v1 =	vmul.f32 v1, v5;
	v3 =	vmul.f32 v3, v6;
	_ =	sdelay $0x1  }
0x93: {  	v1 =	vadd.f32 v3, v1;
	v3 =	vmul.f32 v60, v7;
	_ =	sdelay $0x1  }
0x94: {  	v1 =	vadd.f32 v3, v1;
	v3 =	vmul.f32 v61, v2;
	_ =	sdelay $0x1  }
0x95: {  	v1 =	vadd.f32 v3, v1;
	_ =	sdelay $0x1  }
0x96: {  	[tilespmem:s23+$0x0] =	vst v1  }
0x97: {  	v1 =	vld [tilespmem:s0+$0xFFFFFFB0]  }
0x98: {  	v3 =	vld [tilespmem:s0+$0xFFFFFFF0];
	_ =	sdelay $0x1  }
0x99: {  	v62 =	vld [tilespmem:s0+$0x30];
	_ =	sdelay $0x1  }
0x9a: {  	v63 =	vld [tilespmem:s0+$0x70]  }
0x9b: {  	v1 =	vmul.f32 v1, v5;
	v3 =	vmul.f32 v3, v6;
	_ =	sdelay $0x1  }
0x9c: {  	v4 =	vmul.f32 v62, v7;
	v1 =	vadd.f32 v3, v1;
	_ =	sdelay $0x1  }
0x9d: {  	v2 =	vmul.f32 v63, v2;
	v1 =	vadd.f32 v4, v1  }
0x9e: {  	s31 =	smul.u32 $0x2800, s30  }
0x9f: {  	s28 =	sadd.s32 $0x1, s28;
	v1 =	vadd.f32 v2, v1  }
0xa0: {  	p6 =	sne.s32 s28, $0xFA;
	s0 =	sshrl.u32 s31, $0x2  }
.Ltmp2:
0xa1: {  	s0 =	sadd.s32 $0xA5A0, s0;
	[tilespmem:s23+$0x10] =	vst v1;
	(pc) =	sbr.rel @p6 .LBB2_4-.Ltmp2, $4  }
0xa2: {  	[spmem:s1] =	stream.indirect.scatter.add.f32 [tilespmem:s0], [sflag:$0x5], $0x40, s29, s22, $0xb8;
	[tilespmem:$0x1A3E0] =	vst v63  }
0xa3: {  	_ =	swait.ge [sflag:s19], $0xA00  }
0xa4: {  	[sflag:s19] =	ssyncset.done $0x0  }
0xa5: {  	p5 =	por !p5, !p5;
	[sflag:s19] =	ssyncadd.s32 $0xFFFFF600  }
0xa6: {  	[bflag:$0x0] =	sbarrier.arrive $0xFFFF;
	s0 =	sshrl.u32 @!p1 s15, $0x3;
	s8 =	simm.s32 @!p1 $0x1FC5  }
0xa7: {  	[hbm:s14], [sflag:s8] =	dma.local @!p1 [spmem:s0], $0x1400  }
0xa8: {  	s0 =	simm.s32 @!p1 $0x5  }
0xa9: {  	_ =	swait.ge @!p1 [sflag:s0], $0x1400  }
0xaa: {  	s8 =	sshll.u32 @!p2 s2, $0x6;
	[sflag:s0] =	ssyncset.done @!p1 $0x0;
	s9 =	rddreg [dreg:$0x7]  }
0xab: {  	[sflag:s0] =	ssyncadd.s32 @!p1 $0xFFFFEC00;
	s0 =	sor.u32 @!p2 $0x1C05, s8;
	s8 =	sshrl.u32 @!p2 s10, $0x3  }
0xac: {  	[hbm:s9], [sflag:s0] =	dma.local @!p2 [spmem:s8], $0x1380  }
0xad: {  	s0 =	simm.s32 @!p2 $0x5  }
0xae: {  	_ =	swait.ge @!p2 [sflag:s0], $0x1380  }
0xaf: {  	[sflag:s0] =	ssyncset.done @!p2 $0x0  }
0xb0: {  	s8 =	simm.s32 @!p3 $0x1FC5;
	[sflag:s0] =	ssyncadd.s32 @!p2 $0xFFFFEC80;
	s0 =	sshrl.u32 @!p3 s15, $0x3  }
0xb1: {  	[hbm:s17], [sflag:s8] =	dma.local @!p3 [spmem:s0], $0x1400  }
0xb2: {  	s0 =	simm.s32 @!p3 $0x5  }
0xb3: {  	s26 =	sadd.s32 $0x1, s26;
	_ =	swait.ge @!p3 [sflag:s0], $0x1400  }
0xb4: {  	p5 =	sne.s32 s26, s18;
	s8 =	sshll.u32 @!p4 s2, $0x6;
	[sflag:s0] =	ssyncset.done @!p3 $0x0  }
0xb5: {  	[sflag:s0] =	ssyncadd.s32 @!p3 $0xFFFFEC00;
	s0 =	sor.u32 @!p4 $0x1C05, s8;
	s8 =	sshrl.u32 @!p4 s10, $0x3  }
0xb6: {  	[hbm:s16], [sflag:s0] =	dma.local @!p4 [spmem:s8], $0x1380  }
.Ltmp3:
0xb7: {  	_ = 	snop;
	(pc) =	sbr.rel @p5 .LBB2_1-.Ltmp3, $4  }
0xb8: {  	s0 =	simm.s32 @!p4 $0x5  }
0xb9: {  	_ =	swait.ge @!p4 [sflag:s0], $0x1380  }
0xba: {  	[sflag:s0] =	ssyncset.done @!p4 $0x0  }
0xbb: {  	[sflag:s0] =	ssyncadd.s32 @!p4 $0xFFFFEC80  }
0xbc: {  	_ =	sfence.sel $0x180000  }
0xbd: {  	[bflag:$0x0] =	sbarrier.arrive $0xFFFF  }
0xbe: {  	_ =	strace $0x9000004D  }
0xbf: {  	[bflag:$0x2] =	sbarrier.arrive $0xFFFF  }
0xc0: {  	p0 =	sne.s32 s2, $0x0;
	s0 =	rddreg [dreg:$0x3]  }
0xc1: {  	s0 =	sadd.s32 @!p0 $0x100000, s0  }
0xc2: {  	[sflag:s0] =	ssyncadd.tile.s32 @!p0 $0x1;
	_ =	shalt  }
.Lfunc_end2:
_tile_overlayer_lowered:
.L_overlay_start_2:
0xc3: {  	(tag) =	ssettag $0x2  }
0xc4: {  	s0 =	rddreg [dreg:$0x0];
	s2 =	stileid.u32  }
0xc5: {  	s1 =	rddreg [dreg:$0x1];
	p0 =	sne.s32 s2, $0x0  }
0xc6: {  	s3 =	rddreg [dreg:$0x2];
	[bflag:$0x3] =	sbarrier.arrive $0xFFFF;
	s2 =	simm.s32 @!p0 $0x1C05  }
0xc7: {  	[timem:s3], [sflag:s2] =	dma.local @!p0 [hbm:s0], s1  }
0xc8: {  	s0 =	simm.s32 @!p0 $0x5  }
0xc9: {  	_ =	swait.ge @!p0 [sflag:s0], s1  }
0xca: {  	s1 =	ssub.s32 @!p0 $0x0, s1;
	[sflag:s0] =	ssyncset.done @!p0 $0x0  }
0xcb: {  	[sflag:s0] =	ssyncadd.s32 @!p0 s1  }
0xcc: {  	[bflag:$0x3] =	sbarrier.arrive $0xFFFF  }
0xcd: {  	_ =	shalt  }

// kernel: kernel.8.cloned.1.call-start
scs
__scs_entry_jumppad:
0x0: {  	(pc) =	sbr.rel $0x88, $3  }
0x1: {  	(tag) =	ssettag $0x0;
	lr =	simm.s32 $0x1  }
0x2: {  	[smem:$0x3F97] =	sst lr;
	_ =	strace $0xD0000000  }
0x3: {  	_ = 	snop  }
0x4: {  	_ = 	snop  }
0x5: {  	_ = 	snop  }
0x6: {  	_ = 	snop  }
0x7: {  	_ = 	snop  }
__scs_overlays_trampoline_lowered:
0x8: {  	[smem:$0x3FA6] =	sst s0  }
0x9: {  	[smem:$0x3FA7] =	sst s1  }
0xa: {  	[smem:$0x3FA8] =	sst s2  }
0xb: {  	[smem:$0x3FA9] =	sst s3  }
0xc: {  	[smem:$0x3FAA] =	sst s4  }
0xd: {  	[smem:$0x3FAB] =	sst s5  }
0xe: {  	[smem:$0x3FAC] =	sst s6  }
0xf: {  	[smem:$0x3FAD] =	sst s7  }
0x10: {  	[smem:$0x3FAE] =	sst s8  }
0x11: {  	[smem:$0x3FAF] =	sst s9;
	s0 =	simm.s32 @!p0 $0x0  }
0x12: {  	s1 =	sld [smem:$0x3F95];
	s0 =	simm.s32 @p0 $0x1  }
0x13: {  	[smem:$0x3FB0] =	sst s0;
	s0 =	simm.s32 @!p1 $0x0  }
0x14: {  	s2 =	sld [smem:$0x3F94];
	s0 =	simm.s32 @p1 $0x1  }
0x15: {  	[smem:$0x3FB1] =	sst s0;
	s0 =	simm.s32 @!p2 $0x0  }
0x16: {  	s3 =	sld [smem:$0x3FDB];
	s0 =	simm.s32 @p2 $0x1  }
0x17: {  	s4 =	simm.s32 $0x1BF5;
	[smem:$0x3FB3] =	sst s0  }
0x18: {  	s0 =	sld [smem:$0x3F96];
	_ =	swait.ge [sflag:s4], $0x0  }
0x19: {  	s7 =	sld [smem:$0x3F97]  }
0x1a: {  	s8 =	sadd.s32 $0xFFFFE003, lr  }
0x1b: {  	s9 =	sadd.s32 $0xFFFFFEF7, lr;
	s5 =	simm.s32 $0xFFFFFFFF;
	p2 =	slt.u32 s8, $0xFFFFF086  }
0x1c: {  	p1 =	slt.u32 s9, $0xF7A;
	s5 =	simm.s32 @!p2 $0x0  }
0x1d: {  	s5 =	simm.s32 @p1 $0x1;
	p0 =	seq.s32 s7, s2  }
0x1e: {  	s7 =	smul.u32 @!p0 $0xF7A, s2;
	p2 =	seq.s32 @!p0 s5, $0x0  }
0x1f: {  	s9 =	smul.u32 $0xF7A, s1;
	s8 =	simm.s32 @!p0 $0x1BF5;
	p2 =	por !p2, p0  }
0x20: {  	[sflag:s8] =	ssyncset.s32 @!p0 $0xFFFFF086;
	s6 =	sadd.s32 @!p0 s3, s7;
	s7 =	simm.s32 @!p0 $0x108  }
0x21: {  	s3 =	sadd.s32 s3, s9;
	s6 =	sadd.s32 @!p0 $0x88, s6;
	s7 =	simm.s32 @p2 $0x1082  }
0x22: {  	[simem:s7], [sflag:s8] =	dma.local @!p0 [hbm:s6], $0xF7A  }
0x23: {  	s9 =	sor.u32 $0xD0000000, s2;
	s6 =	simm.s32 $0x108;
	_ =	swait.ge @!p0 [sflag:s8], $0x0  }
0x24: {  	s3 =	sadd.s32 $0x88, s3;
	s6 =	simm.s32 @!p1 $0x1082;
	[sflag:s4] =	ssyncset.s32 $0xFFFFF086  }
0x25: {  	[simem:s6], [sflag:s4] =	dma.local [hbm:s3], $0xF7A  }
0x26: {  	[smem:$0x3F97] =	sst s1;
	(tag) =	ssettag s2;
	_ =	strace s9  }
0x27: {  	s1 =	sld [smem:$0x3FA7]  }
0x28: {  	s2 =	sld [smem:$0x3FA8]  }
0x29: {  	s4 =	sld [smem:$0x3FAA]  }
0x2a: {  	p0 =	seq.s32 s5, $0x0;
	s5 =	sld [smem:$0x3FAB]  }
0x2b: {  	s6 =	sld [smem:$0x3FAC]  }
0x2c: {  	s7 =	sld [smem:$0x3FAD]  }
0x2d: {  	s3 =	simm.s32 $0x108;
	s8 =	sld [smem:$0x3FAE]  }
0x2e: {  	s3 =	simm.s32 @!p0 $0x1082;
	s9 =	sld [smem:$0x3FAF]  }
0x2f: {  	lr =	sadd.s32 s0, s3;
	s0 =	sld [smem:$0x3FA6]  }
0x30: {  	s3 =	sld [smem:$0x3FA9]  }
0x31: {  	[smem:$0x3FB2] =	sst s10  }
0x32: {  	s10 =	sld [smem:$0x3FB0];
	_ =	sdelay $0x3  }
0x33: {  	p0 =	seq.s32 s10, $0x1;
	s10 =	sld [smem:$0x3FB2];
	_ =	sdelay $0x3  }
0x34: {  	[smem:$0x3FB2] =	sst s10  }
0x35: {  	s10 =	sld [smem:$0x3FB1];
	_ =	sdelay $0x3  }
0x36: {  	p1 =	seq.s32 s10, $0x1;
	s10 =	sld [smem:$0x3FB2];
	_ =	sdelay $0x3  }
0x37: {  	[smem:$0x3FB2] =	sst s10  }
0x38: {  	s10 =	sld [smem:$0x3FB3]  }
0x39: {  	_ = 	snop;
	(pc) =	sbr.ind lr, $3  }
0x3a: {  	_ = 	snop  }
0x3b: {  	_ = 	snop  }
0x3c: {  	p2 =	seq.s32 s10, $0x1;
	s10 =	sld [smem:$0x3FB2]  }
0x3d: {  	_ =	shalt  }
0x3e: {  	_ =	shalt  }
0x3f: {  	_ =	shalt  }
0x40: {  	_ =	shalt  }
0x41: {  	_ =	shalt  }
0x42: {  	_ =	shalt  }
0x43: {  	_ =	shalt  }
0x44: {  	_ =	shalt  }
0x45: {  	_ =	shalt  }
0x46: {  	_ =	shalt  }
0x47: {  	_ =	shalt  }
0x48: {  	_ =	shalt  }
0x49: {  	_ =	shalt  }
0x4a: {  	_ =	shalt  }
0x4b: {  	_ =	shalt  }
0x4c: {  	_ =	shalt  }
0x4d: {  	_ =	shalt  }
0x4e: {  	_ =	shalt  }
0x4f: {  	_ =	shalt  }
0x50: {  	_ =	shalt  }
0x51: {  	_ =	shalt  }
0x52: {  	_ =	shalt  }
0x53: {  	_ =	shalt  }
0x54: {  	_ =	shalt  }
0x55: {  	_ =	shalt  }
0x56: {  	_ =	shalt  }
0x57: {  	_ =	shalt  }
0x58: {  	_ =	shalt  }
0x59: {  	_ =	shalt  }
0x5a: {  	_ =	shalt  }
0x5b: {  	_ =	shalt  }
0x5c: {  	_ =	shalt  }
0x5d: {  	_ =	shalt  }
0x5e: {  	_ =	shalt  }
0x5f: {  	_ =	shalt  }
0x60: {  	_ =	shalt  }
0x61: {  	_ =	shalt  }
0x62: {  	_ =	shalt  }
0x63: {  	_ =	shalt  }
0x64: {  	_ =	shalt  }
0x65: {  	_ =	shalt  }
0x66: {  	_ =	shalt  }
0x67: {  	_ =	shalt  }
0x68: {  	_ =	shalt  }
0x69: {  	_ =	shalt  }
0x6a: {  	_ =	shalt  }
0x6b: {  	_ =	shalt  }
0x6c: {  	_ =	shalt  }
0x6d: {  	_ =	shalt  }
0x6e: {  	_ =	shalt  }
0x6f: {  	_ =	shalt  }
0x70: {  	_ =	shalt  }
0x71: {  	_ =	shalt  }
0x72: {  	_ =	shalt  }
0x73: {  	_ =	shalt  }
0x74: {  	_ =	shalt  }
0x75: {  	_ =	shalt  }
0x76: {  	_ =	shalt  }
0x77: {  	_ =	shalt  }
0x78: {  	_ =	shalt  }
0x79: {  	_ =	shalt  }
0x7a: {  	_ =	shalt  }
0x7b: {  	_ =	shalt  }
0x7c: {  	_ =	shalt  }
0x7d: {  	_ =	shalt  }
0x7e: {  	_ =	shalt  }
0x7f: {  	_ =	shalt  }
0x80: {  	_ =	shalt  }
0x81: {  	_ =	shalt  }
0x82: {  	_ =	shalt  }
0x83: {  	_ =	shalt  }
0x84: {  	_ =	shalt  }
0x85: {  	_ =	shalt  }
0x86: {  	_ =	shalt  }
0x87: {  	_ =	shalt  }
.Lfunc_end0:
.L_simem_size_0:
called_computation_lowered:
.L_overlay_start_0:
0x88: {  	s2 =	sld [smem:$0x3FD9]  }
0x89: {  	s3 =	sld [smem:$0x3FFE];
	_ =	sdelay $0x1  }
0x8a: {  	s1 =	srdreg.scid  }
0x8b: {  	s0 =	sand.u32 $0x1, s1  }
0x8c: {  	s16 =	sshll.u32 s0, $0xA;
	s2 =	sadd.s32 s3, s2  }
0x8d: {  	s2 =	sadd.s32 s2, s16  }
0x8e: {  	[smem:$0x3FBE] =	sst s2  }
0x8f: {  	_ = 	snop  }
0x90: {  	(tm) =	ssettm $0x1  }
0x91: {  	s17 =	sld [smem:$0x3FFB];
	_ =	sdelay $0x3  }
0x92: {  	_ =	strace s17  }
0x93: {  	s2 =	sld [smem:$0x3FFC];
	_ =	sdelay $0x3  }
0x94: {  	_ =	strace s2  }
0x95: {  	s2 =	sld [smem:$0x3FFD];
	_ =	sdelay $0x3  }
0x96: {  	_ =	strace s2  }
0x97: {  	_ =	strace $0x8FFFFFFF  }
0x98: {  	s18 =	sld [smem:$0x3FDB];
	_ =	sdelay $0x1  }
0x99: {  	s19 =	simm.s32 $_scs_section_size  }
0x9a: {  	s4 =	simm.s32 $_size__tile_overlayer_lowered;
	s5 =	simm.s32 $_tile_overlayer_lowered  }
0x9b: {  	s22 =	simm.s32 $0x1BFF;
	s21 =	sshll.u32 s5, $0x1;
	s2 =	sadd.s32 s19, s18  }
0x9c: {  	s6 =	simm.s32 $0x0;
	s20 =	sshll.u32 s4, $0x1;
	s4 =	sadd.s32 s21, s2  }
0x9d: {  	[timem:s6], [sflag:s22] =	dma.local [hbm:s4], s20  }
0x9e: {  	_ =	swait.ge [sflag:s22], s20  }
0x9f: {  	s3 =	ssub.s32 $0x0, s20;
	[sflag:s22] =	ssyncset.done $0x0  }
0xa0: {  	[sflag:s22] =	ssyncadd.s32 s3;
	_ =	sdelay $0x1  }
0xa1: {  	s23 =	simm.s32 $0x1B8B  }
0xa2: {  	_ =	swait.ge [sflag:s23], $0x1  }
0xa3: {  	[sflag:s23] =	ssyncset.done $0x0  }
0xa4: {  	s25 =	simm.s32 $0x1B8E;
	s24 =	sld [smem:$0x3FFE];
	[sflag:s23] =	ssyncadd.s32 $0xFFFFFFFF  }
0xa5: {  	s26 =	simm.s32 $execute0_lowered;
	[smem:$0x3FD2] =	sst s25  }
0xa6: {  	s4 =	sshll.u32 s26, $0x1;
	_ =	strace $0x80000046;
	[dreg:$0x1] =	wrdreg $0xFFFFFFFF  }
0xa7: {  	s28 =	simm.s32 $_size_execute0_lowered;
	s2 =	sadd.s32 s2, s4;
	[dreg:$0x0] =	wrdreg $0x0  }
0xa8: {  	s4 =	sshll.u32 s28, $0x1;
	[dreg:$0x2] =	wrdreg s2  }
0xa9: {  	[dreg:$0x3] =	wrdreg s4  }
0xaa: {  	[dreg:$0x4] =	wrdreg $0xC0  }
0xab: {  	_ =	task [dreg:s6], $0x5FFFF  }
0xac: {  	[dreg:$0x1] =	wrdreg $0xFFFFFFFF  }
0xad: {  	[dreg:$0x0] =	wrdreg $0x60  }
0xae: {  	[dreg:$0x2] =	wrdreg s24  }
0xaf: {  	[dreg:$0x3] =	wrdreg $0x191900  }
0xb0: {  	[dreg:$0x4] =	wrdreg $0x9  }
0xb1: {  	_ =	task.clear_ibuf [dreg:s6], $0x5FFFF;
	_ =	strace $0x90000046  }
0xb2: {  	s29 =	simm.s32 $0x9;
	_ =	strace $0x80000048  }
0xb3: {  	_ =	swait.ge [sflag:s29], $0x1  }
0xb4: {  	[sflag:s29] =	ssyncadd.s32 $0xFFFFFFFF  }
0xb5: {  	_ =	strace $0x90000048  }
0xb6: {  	_ =	sfence  }
0xb7: {  	s30 =	sld [smem:$0x0];
	_ =	sdelay $0x2  }
0xb8: {  	s31 =	sshll.u32 s1, $0xD;
	s1 =	sshrl.u32 s1, $0x2  }
0xb9: {  	s3 =	sand.u32 $0x4000, s31;
	s1 =	sadd.s32 s1, s30  }
0xba: {  	s0 =	sor.u32 s3, s0;
	s1 =	sshll.u32 s1, $0x11  }
0xbb: {  	s0 =	sor.u32 s1, s0  }
0xbc: {  	s0 =	sadd.s32 $0x8F2B, s0  }
0xbd: {  	[sflag:s0] =	ssyncadd.remote.s32 $0x1  }
0xbe: {  	_ =	sfence.sel $0xFFFF  }
0xbf: {  	[dreg:$0x0] =	wrdreg $0xFFFFFFFF;
	(pc) =	sbr.abs _section_cstart, $3  }
0xc0: {  	[dreg:$0x1] =	wrdreg $0xFFFFFFFF  }
0xc1: {  	_ =	task.clear_ibuf [dreg:s6], $0x2FFFF;
	_ =	strace $0x9FFFFFFF  }
0xc2: {  	(tm) =	ssettm $0x7FFFFFFF  }
0xc3: {  	_ =	shalt  }
tec
execute0_lowered:
.L_overlay_start_1:
0x0: {  	(tag) =	ssettag $0x1  }
0x1: {  	s16 =	rddreg [dreg:$0x0]  }
0x2: {  	s2 =	rddreg [dreg:$0x1]  }
0x3: {  	s4 =	srdreg.scid;
	s1 =	stileid.u32;
	s3 =	simm.s32 $0x0;
	v0 =	vimm.s32 $0xFEDCBA98;
	v1 =	vimm.s32 $0x76543210  }
0x4: {  	v2 =	vimm.s32 $0xBA98FEDC;
	s19 =	simm.s32 $0x1388;
	s20 =	simm.s32 $0x28;
	s23 =	simm.s32 $0x16710  }
0x5: {  	v3 =	vimm.s32 $0x32107654;
	v4 =	vimm.s32 $0xDCFE98BA;
	v5 =	vimm.s32 $0x54761032;
	s24 =	simm.s32 $0x0;
	s12 =	sand.u32 $0x1, s4;
	s30 =	sshll.u32 s1, $0x1  }
0x6: {  	v6 =	vimm.s32 $0xEFCDAB89;
	[smem:$0x7FF] =	sst s3;
	s5 =	sadd.s32 $0x5800, s16;
	s13 =	smul.u32 $0x2700, s1  }
0x7: {  	v7 =	vimm.s32 $0x67452301;
	s6 =	sadd.s32 $0x228600, s16;
	s7 =	sadd.s32 $0xB5C00, s16;
	s9 =	smul.u32 $0x9C00, s1  }
0x8: {  	vm0 =	vcmask $0x3F0C;
	vm1 =	vcmask $0x3F08;
	p0 =	seq.s32 s1, $0xF;
	s4 =	sor.u32 s12, s30;
	_ =	strace $0x80000047  }
0x9: {  	v0 =	vunpack.c.l.s4.s8 v0;
	v1 =	vunpack.c.l.s4.s8 v1;
	v2 =	vunpack.c.l.s4.s8 v2;
	s11 =	ssub.s32 $0x2, s12;
	p4 =	seq.s32 s12, $0x1;
	s4 =	smul.u32 $0x1388, s4  }
0xa: {  	v3 =	vunpack.c.l.s4.s8 v3;
	v4 =	vunpack.c.l.s4.s8 v4;
	v5 =	vunpack.c.l.s4.s8 v5;
	s14 =	sshrl.u32 s13, $0x3;
	s15 =	sshrl.u32 s11, $0x1;
	s31 =	sshrl.u32 s9, $0x2  }
0xb: {  	v6 =	vunpack.c.l.s4.s8 v6;
	v7 =	vunpack.c.l.s4.s8 v7;
	v0 =	vunpack.c.0.s8.s32 v0;
	s13 =	sadd.s32 s13, s2;
	p2 =	seq.s32 @p4 s1, $0xF;
	p5 =	seq.s32 @!p4 s1, $0xF  }
0xc: {  	v2 =	vunpack.c.0.s8.s32 v2;
	v3 =	vunpack.c.0.s8.s32 v3;
	v4 =	vunpack.c.0.s8.s32 v4;
	s17 =	sadd.s32 s14, s16;
	s18 =	ssub.s32 s11, s15;
	s11 =	sadd.s32 $0x24900, s2  }
0xd: {  	v5 =	vunpack.c.0.s8.s32 v5;
	v6 =	vunpack.c.0.s8.s32 v6;
	v7 =	vunpack.c.0.s8.s32 v7;
	s14 =	sadd.s32 $0xB5520, s16;
	p1 =	por !p2, !p4;
	p2 =	por p2, !p4  }
0xe: {  	vm2 =	vmmov $0x1;
	v1 =	vunpack.c.0.s8.s32 v1;
	p3 =	por !p5, p4;
	p4 =	por p5, p4;
	s8 =	sshrl.u32 s4, $0x3;
	v2 =	vcombine.low v3, v2  }
0xf: {  	s12 =	sadd.s32 $0xB0C00, s17;
	s15 =	sadd.s32 $0xABC00, s17;
	s17 =	smax.u32 s18, $0x1;
	v3 =	vcombine.low v5, v4;
	v4 =	vand.u32 $0xF, v0;
	v5 =	vcombine.low v7, v6  }
0x10: {  	vm3 =	vmmov $0xf;
	s18 =	simm.s32 $0x5;
	v0 =	vimm.f32 $0.0e+00;
	s10 =	sadd.s32 s8, s16;
	s16 =	sadd.s32 $0xB0520, s16;
	v1 =	vcombine.low v4, v1  }
0x11: {  	s8 =	sadd.s32 $0xA6C00, s10;
	s9 =	sadd.s32 $0xA1C00, s10;
	s10 =	sadd.s32 s31, s2;
	v2 =	vand.u32 $0xF, v2;
	v3 =	vand.u32 $0xF, v3;
	v4 =	vand.u32 $0xF, v5  }
.LBB2_1:
0x12: {  	[tilespmem:s3], [sflag:$0x5] =	stream.linear.gather [hbm4b:s8+s3], $0x1388, $0x38;
	[tilespmem:$0x1B8A0] =	vst v63  }
0x13: {  	_ =	swait.ge [sflag:s18], $0x1388  }
0x14: {  	[sflag:s18] =	ssyncset.done $0x0  }
0x15: {  	[sflag:s18] =	ssyncadd.s32 $0xFFFFEC78  }
0x16: {  	[tilespmem:s19], [sflag:$0x5] =	stream.linear.gather [hbm4b:s9+s3], $0x1388, $0x38;
	[tilespmem:$0x1B8A0] =	vst v63  }
0x17: {  	_ =	swait.ge [sflag:s18], $0x1388  }
0x18: {  	[sflag:s18] =	ssyncset.done $0x0  }
0x19: {  	s25 =	simm.s32 $0x40;
	s26 =	simm.s32 $0x0;
	[sflag:s18] =	ssyncadd.s32 $0xFFFFEC78  }
.LBB2_2:
0x1a: {  	p5 =	sne.s32 s25, $0x9FC0;
	[tilespmem:s26+$0x16990] =	vst v0;
	s26 =	smov.u32 s25;
	s25 =	sadd.s32 $0x40, s25  }
.Ltmp0:
0x1b: {  	(pc) =	sbr.rel @p5 .LBB2_2-.Ltmp0, $2  }
0x1c: {  	_ =	sdelay $0x2  }
0x1d: {  	s26 =	sshra.s32 s26, $0x2  }
0x1e: {  	[tilespmem:s26+$0x16990] =	vst v0;
	s25 =	simm.s32 @p0 $0x16990  }
0x1f: {  	[spmem:s11] =	stream.linear.scatter @p0 [tilespmem:s25], [sflag:$0x5], $0x2800, $0x38;
	[tilespmem:$0x1B8A0] =	vst v63  }
0x20: {  	s25 =	simm.s32 @p0 $0x5  }
0x21: {  	_ =	swait.ge @p0 [sflag:s25], $0x2800  }
0x22: {  	[sflag:s25] =	ssyncset.done @p0 $0x0  }
0x23: {  	[sflag:s25] =	ssyncadd.s32 @p0 $0xFFFFD800;
	s25 =	simm.s32 @!p0 $0x16990  }
0x24: {  	[spmem:s10] =	stream.linear.scatter @!p0 [tilespmem:s25], [sflag:$0x5], $0x2700, $0x38;
	[tilespmem:$0x1B8A0] =	vst v63  }
0x25: {  	s25 =	simm.s32 @!p0 $0x5  }
0x26: {  	_ =	swait.ge @!p0 [sflag:s25], $0x2700  }
0x27: {  	[sflag:s25] =	ssyncset.done @!p0 $0x0  }
0x28: {  	[sflag:s25] =	ssyncadd.s32 @!p0 $0xFFFFD900  }
0x29: {  	s0 =	simm.s32 $0x2710;
	s25 =	simm.s32 $0x0;
	[bflag:$0x0] =	sbarrier.arrive $0xFFFF  }
0x2a: {  	[tilespmem:s0], [sflag:$0x1] =	stream.indirect.gather [hbm4b:s5+s20], $0x200, s25, s20, $0xb8;
	[tilespmem:$0x1B8A0] =	vst v63  }
0x2b: {  	s31 =	simm.s32 $0xC710;
	p5 =	por $0x0, $0x0  }
0x2c: {  	[tilespmem:s31], [sflag:$0x3] =	stream.indirect.gather [hbm4b:s6+s20], $0x200, s19, s20, $0xb8;
	[tilespmem:$0x1B8A0] =	vst v63  }
.LBB2_4:
0x2d: {  	s26 =	sand.u32 $0x1, s25  }
0x2e: {  	s28 =	simm.s32 $0x1;
	s29 =	sadd.s32 $0x1, s26  }
0x2f: {  	p6 =	seq.s32 s25, $0x7C;
	s28 =	simm.s32 @!p5 $0x0;
	_ =	swait.ge [sflag:s29], $0x5000  }
0x30: {  	s26 =	sadd.s32 $0x3, s26;
	s28 =	smul.u32 $0x14000, s28;
	[sflag:s29] =	ssyncset.done $0x0  }
0x31: {  	s22 =	simm.s32 @!p6 $0x28;
	[sflag:s29] =	ssyncadd.s32 $0xFFFFB000;
	s29 =	sadd.s32 @!p6 $0x1, s25  }
0x32: {  	s28 =	sshrl.u32 s28, $0x2;
	_ =	swait.ge [sflag:s26], $0x5000;
	s30 =	sand.u32 @!p6 $0x1, s29  }
0x33: {  	s31 =	sadd.s32 $0x2810, s28;
	[sflag:s26] =	ssyncset.done $0x0;
	s0 =	smul.u32 @!p6 $0x5000, s30  }
0x34: {  	s28 =	sadd.s32 $0xC900, s28;
	v6 =	vmov s31;
	[sflag:s26] =	ssyncadd.s32 $0xFFFFB000;
	s26 =	smul.u32 @!p6 $0x28, s29  }
0x35: {  	s21 =	sadd.s32 @!p6 $0x1, s30;
	v5 =	vmov s28;
	s31 =	simm.s32 $0x0;
	s29 =	sadd.s32 @!p6 $0x2710, s0  }
0x36: {  	[tilespmem:s29], [sflag:s21] =	stream.indirect.gather @!p6 [hbm4b:s5+s22], $0x200, s26, s22, $0xb8;
	[tilespmem:$0x1B8A0] =	vst v63  }
0x37: {  	s0 =	sadd.s32 @!p6 $0xC710, s0;
	s21 =	sadd.s32 @!p6 $0x1388, s26;
	s26 =	sadd.s32 @!p6 $0x3, s30  }
0x38: {  	[tilespmem:s0], [sflag:s26] =	stream.indirect.gather @!p6 [hbm4b:s6+s22], $0x200, s21, s22, $0xb8;
	[tilespmem:$0x1B8A0] =	vst v63  }
0x39: {  	v7 =	vld.idx.msk [tilespmem:v6+s31+$0xFFFFFF70 ss:$0x1], $0xffff  }
0x3a: {  	v8 =	vld.idx.msk [tilespmem:v5+s31+$0xFFFFFE80 ss:$0x1], $0xffff  }
0x3b: {  	v9 =	vld.idx.msk [tilespmem:v6+s31+$0xFFFFFF60 ss:$0x1], $0xffff  }
0x3c: {  	v14 =	vld.idx.msk [tilespmem:v5+s31+$0xFFFFFF00 ss:$0x1], $0xffff  }
0x3d: {  	v18 =	vld.idx.msk [tilespmem:v5+s31+$0xFFFFFF80 ss:$0x1], $0xffff  }
0x3e: {  	v20 =	vld.idx.msk [tilespmem:v5+s31+$0x0 ss:$0x1], $0xffff  }
0x3f: {  	v35 =	vld.idx.msk [tilespmem:v6+s31+$0xFFFFFF00 ss:$0x1], $0xffff  }
0x40: {  	v36 =	vld.idx.msk [tilespmem:v5+s31+$0xFFFFFE10 ss:$0x1], $0xffff  }
0x41: {  	v37 =	vld.idx.msk [tilespmem:v5+s31+$0xFFFFFEB0 ss:$0x1], $0xffff  }
0x42: {  	v47 =	vld.idx.msk [tilespmem:v6+s31+$0x30 ss:$0x1], $0xffff;
	v11 =	vand.u32 $0xFFFF0000, v7;
	v7 =	vshll.u32 v7, $0x10  }
0x43: {  	v39 =	vld.idx.msk [tilespmem:v5+s31+$0xFFFFFF40 ss:$0x1], $0xffff;
	v13 =	vand.u32 $0xFFFF0000, v8;
	v8 =	vshll.u32 v8, $0x10;
	v15 =	vand.u32 $0xFFFF0000, v9  }
0x44: {  	v10 =	vld.idx.msk [tilespmem:v5+s31+$0xFFFFFE70 ss:$0x1], $0xffff;
	v17 =	vand.u32 $0xFFFF0000, v14;
	v14 =	vshll.u32 v14, $0x10;
	v21 =	vand.u32 $0xFFFF0000, v18  }
0x45: {  	v50 =	vld.idx.msk [tilespmem:v5+s31+$0xFFFFFE90 ss:$0x1], $0xffff;
	v18 =	vshll.u32 v18, $0x10;
	v23 =	vand.u32 $0xFFFF0000, v20;
	v20 =	vshll.u32 v20, $0x10  }
0x46: {  	v52 =	vld.idx.msk [tilespmem:v6+s31+$0xFFFFFF90 ss:$0x1], $0xffff;
	v44 =	vshll.u32 v35, $0x10;
	v45 =	vand.u32 $0xFFFF0000, v36;
	v36 =	vshll.u32 v36, $0x10  }
0x47: {  	v12 =	vld.idx.msk [tilespmem:v6+s31+$0xFFFFFFF0 ss:$0x1], $0xffff;
	v48 =	vand.u32 $0xFFFF0000, v37;
	v49 =	vshll.u32 v37, $0x10;
	v51 =	vand.u32 $0xFFFF0000, v47  }
0x48: {  	v16 =	vld.idx.msk [tilespmem:v5+s31+$0xFFFFFE60 ss:$0x1], $0xffff;
	v53 =	vand.u32 $0xFFFF0000, v39;
	v7 =	vmul.f32 v8, v7;
	v11 =	vmul.f32 v13, v11  }
0x49: {  	v13 =	vld.idx.msk [tilespmem:v6+s31+$0xFFFFFF50 ss:$0x1], $0xffff;
	v8 =	vshll.u32 v9, $0x10;
	v9 =	vand.u32 $0xFFFF0000, v10;
	v10 =	vshll.u32 v10, $0x10  }
0x4a: {  	v54 =	vshll.u32 v39, $0x10;
	v8 =	vmul.f32 v10, v8;
	v9 =	vmul.f32 v9, v15;
	v10 =	vld.idx.msk [tilespmem:v6+s31+$0xFFFFFFE0 ss:$0x1], $0xffff  }
0x4b: {  	v58 =	vand.u32 $0xFFFF0000, v50;
	v59 =	vand.u32 $0xFFFF0000, v52;
	v15 =	vld.idx.msk [tilespmem:v5+s31+$0xFFFFFEF0 ss:$0x1], $0xffff;
	v7 =	vadd.f32 v11, v7  }
0x4c: {  	v55 =	vld.idx.msk [tilespmem:v5+s31+$0xFFFFFEA0 ss:$0x1], $0xffff;
	v8 =	vadd.f32 v9, v8;
	v9 =	vand.u32 $0xFFFF0000, v12;
	v12 =	vshll.u32 v12, $0x10  }
0x4d: {  	v11 =	vld.idx.msk [tilespmem:v6+s31+$0x70 ss:$0x1], $0xffff;
	v12 =	vmul.f32 v14, v12;
	v9 =	vmul.f32 v17, v9;
	v17 =	vand.u32 $0xFFFF0000, v16  }
0x4e: {  	v16 =	vshll.u32 v16, $0x10;
	v19 =	vand.u32 $0xFFFF0000, v13;
	v13 =	vshll.u32 v13, $0x10  }
0x4f: {  	v14 =	vld.idx.msk [tilespmem:v6+s31+$0xF0 ss:$0x1], $0xffff;
	v13 =	vmul.f32 v16, v13;
	v16 =	vmul.f32 v17, v19;
	v17 =	vand.u32 $0xFFFF0000, v10  }
0x50: {  	v22 =	vld.idx.msk [tilespmem:v5+s31+$0xFFFFFE50 ss:$0x1], $0xffff;
	v10 =	vshll.u32 v10, $0x10;
	v19 =	vand.u32 $0xFFFF0000, v15;
	v15 =	vshll.u32 v15, $0x10  }
0x51: {  	v24 =	vld.idx.msk [tilespmem:v5+s31+$0xFFFFFEE0 ss:$0x1], $0xffff;
	v41 =	vand.u32 $0xFFFF0000, v55;
	v39 =	vshll.u32 v55, $0x10;
	v10 =	vmul.f32 v15, v10  }
0x52: {  	v15 =	vmul.f32 v19, v17;
	v17 =	vand.u32 $0xFFFF0000, v11;
	v19 =	vld.idx.msk [tilespmem:v6+s31+$0xFFFFFF40 ss:$0x1], $0xffff;
	v11 =	vshll.u32 v11, $0x10  }
0x53: {  	v9 =	vadd.f32 v9, v12;
	v11 =	vmul.f32 v18, v11;
	v17 =	vmul.f32 v21, v17  }
0x54: {  	v21 =	vld.idx.msk [tilespmem:v6+s31+$0xFFFFFFD0 ss:$0x1], $0xffff;
	v13 =	vadd.f32 v16, v13;
	v18 =	vand.u32 $0xFFFF0000, v14;
	v14 =	vshll.u32 v14, $0x10  }
0x55: {  	v10 =	vadd.f32 v15, v10;
	v15 =	vld.idx.msk [tilespmem:v5+s31+$0xFFFFFF70 ss:$0x1], $0xffff;
	v12 =	vmul.f32 v20, v14;
	v14 =	vmul.f32 v23, v18  }
0x56: {  	v18 =	vld.idx.msk [tilespmem:v6+s31+$0x60 ss:$0x1], $0xffff;
	v11 =	vadd.f32 v17, v11;
	v20 =	vshll.u32 v22, $0x10;
	v23 =	vand.u32 $0xFFFF0000, v24  }
0x57: {  	v24 =	vshll.u32 v24, $0x10;
	v12 =	vadd.f32 v14, v12;
	v14 =	vld.idx.msk [tilespmem:v6+s31+$0xE0 ss:$0x1], $0xffff;
	v17 =	vshll.u32 v19, $0x10  }
0x58: {  	v16 =	vand.u32 $0xFFFF0000, v19;
	v19 =	vand.u32 $0xFFFF0000, v22;
	v22 =	vld.idx.msk [tilespmem:v5+s31+$0xFFFFFFF0 ss:$0x1], $0xffff;
	v17 =	vmul.f32 v20, v17  }
0x59: {  	v16 =	vmul.f32 v19, v16;
	v19 =	vand.u32 $0xFFFF0000, v21;
	v20 =	vld.idx.msk [tilespmem:v6+s31+$0xFFFFFF30 ss:$0x1], $0xffff;
	v21 =	vshll.u32 v21, $0x10  }
0x5a: {  	v25 =	vld.idx.msk [tilespmem:v5+s31+$0xFFFFFE40 ss:$0x1], $0xffff;
	v21 =	vmul.f32 v24, v21;
	v19 =	vmul.f32 v23, v19;
	v24 =	vand.u32 $0xFFFF0000, v15  }
0x5b: {  	v15 =	vshll.u32 v15, $0x10;
	v23 =	vand.u32 $0xFFFF0000, v18;
	v18 =	vshll.u32 v18, $0x10  }
0x5c: {  	v57 =	vld.idx.msk [tilespmem:v5+s31+$0xFFFFFF30 ss:$0x1], $0xffff;
	v15 =	vmul.f32 v15, v18;
	v18 =	vmul.f32 v24, v23;
	v23 =	vand.u32 $0xFFFF0000, v14  }
0x5d: {  	v27 =	vld.idx.msk [tilespmem:v5+s31+$0xFFFFFED0 ss:$0x1], $0xffff;
	v14 =	vshll.u32 v14, $0x10;
	v26 =	vand.u32 $0xFFFF0000, v22;
	v22 =	vshll.u32 v22, $0x10  }
0x5e: {  	v24 =	vld.idx.msk [tilespmem:v6+s31+$0xFFFFFFC0 ss:$0x1], $0xffff;
	v28 =	vand.u32 $0xFFFF0000, v20;
	v22 =	vmul.f32 v22, v14;
	v23 =	vmul.f32 v26, v23  }
0x5f: {  	v29 =	vld.idx.msk [tilespmem:v5+s31+$0xFFFFFF60 ss:$0x1], $0xffff;
	v14 =	vshll.u32 v20, $0x10;
	v20 =	vand.u32 $0xFFFF0000, v25;
	v25 =	vshll.u32 v25, $0x10  }
0x60: {  	v16 =	vadd.f32 v16, v17;
	v26 =	vld.idx.msk [tilespmem:v6+s31+$0x50 ss:$0x1], $0xffff;
	v25 =	vmul.f32 v25, v14;
	v20 =	vmul.f32 v20, v28  }
0x61: {  	v37 =	vand.u32 $0xFFFF0000, v57;
	v15 =	vadd.f32 v18, v15;
	v28 =	vld.idx.msk [tilespmem:v6+s31+$0xD0 ss:$0x1], $0xffff;
	v14 =	vadd.f32 v19, v21  }
0x62: {  	v19 =	vld.idx.msk [tilespmem:v5+s31+$0xFFFFFFE0 ss:$0x1], $0xffff;
	v17 =	vadd.f32 v23, v22;
	v23 =	vand.u32 $0xFFFF0000, v27;
	v18 =	vadd.f32 v20, v25  }
0x63: {  	v21 =	vld.idx.msk [tilespmem:v6+s31+$0xFFFFFF20 ss:$0x1], $0xffff;
	v20 =	vand.u32 $0xFFFF0000, v24;
	v22 =	vshll.u32 v24, $0x10;
	v24 =	vshll.u32 v27, $0x10  }
0x64: {  	v25 =	vld.idx.msk [tilespmem:v5+s31+$0xFFFFFE30 ss:$0x1], $0xffff;
	v27 =	vand.u32 $0xFFFF0000, v29;
	v29 =	vshll.u32 v29, $0x10;
	v22 =	vmul.f32 v24, v22  }
0x65: {  	v20 =	vmul.f32 v23, v20;
	v24 =	vld.idx.msk [tilespmem:v6+s31+$0xFFFFFFB0 ss:$0x1], $0xffff;
	v23 =	vand.u32 $0xFFFF0000, v26;
	v26 =	vshll.u32 v26, $0x10  }
0x66: {  	v30 =	vld.idx.msk [tilespmem:v5+s31+$0xFFFFFEC0 ss:$0x1], $0xffff;
	v26 =	vmul.f32 v29, v26;
	v23 =	vmul.f32 v27, v23;
	v27 =	vand.u32 $0xFFFF0000, v28  }
0x67: {  	v31 =	vld.idx.msk [tilespmem:v6+s31+$0x40 ss:$0x1], $0xffff;
	v28 =	vshll.u32 v28, $0x10;
	v29 =	vand.u32 $0xFFFF0000, v19;
	v19 =	vshll.u32 v19, $0x10  }
0x68: {  	v33 =	vld.idx.msk [tilespmem:v6+s31+$0xC0 ss:$0x1], $0xffff;
	v32 =	vand.u32 $0xFFFF0000, v21;
	v28 =	vmul.f32 v19, v28;
	v27 =	vmul.f32 v29, v27  }
0x69: {  	v43 =	vld.idx.msk [tilespmem:v6+s31+$0xFFFFFFA0 ss:$0x1], $0xffff;
	v19 =	vshll.u32 v21, $0x10;
	v21 =	vand.u32 $0xFFFF0000, v25;
	v25 =	vshll.u32 v25, $0x10  }
0x6a: {  	v29 =	vld.idx.msk [tilespmem:v5+s31+$0xFFFFFF50 ss:$0x1], $0xffff;
	v25 =	vmul.f32 v25, v19;
	v32 =	vmul.f32 v21, v32;
	v19 =	vand.u32 $0xFFFF0000, v24  }
0x6b: {  	v34 =	vld.idx.msk [tilespmem:v5+s31+$0xFFFFFFD0 ss:$0x1], $0xffff;
	v21 =	vshll.u32 v24, $0x10;
	v24 =	vand.u32 $0xFFFF0000, v30;
	v30 =	vshll.u32 v30, $0x10  }
0x6c: {  	v30 =	vmul.f32 v30, v21;
	v24 =	vmul.f32 v24, v19;
	v19 =	vadd.f32 v20, v22  }
0x6d: {  	v20 =	vadd.f32 v23, v26;
	v21 =	vadd.f32 v27, v28;
	v27 =	vshll.u32 v31, $0x10  }
0x6e: {  	v42 =	vld.idx.msk [tilespmem:v6+s31+$0x0 ss:$0x1], $0xffff;
	v23 =	vadd.f32 v32, v25;
	v32 =	vshll.u32 v43, $0x10;
	v22 =	vadd.f32 v24, v30  }
0x6f: {  	v61 =	vld.idx.msk [tilespmem:v6+s31+$0x10 ss:$0x1], $0xffff;
	v24 =	vand.u32 $0xFFFF0000, v31;
	v28 =	vand.u32 $0xFFFF0000, v29;
	v29 =	vshll.u32 v29, $0x10  }
0x70: {  	v26 =	vld.idx.msk [tilespmem:v6+s31+$0xFFFFFF10 ss:$0x1], $0xffff;
	v30 =	vshll.u32 v33, $0x10;
	v31 =	vand.u32 $0xFFFF0000, v34;
	v32 =	vmul.f32 v49, v32  }
0x71: {  	v34 =	vshll.u32 v34, $0x10;
	v27 =	vmul.f32 v29, v27;
	v24 =	vmul.f32 v28, v24  }
0x72: {  	v25 =	vld.idx.msk [tilespmem:v5+s31+$0xFFFFFE20 ss:$0x1], $0xffff;
	v28 =	vand.u32 $0xFFFF0000, v33;
	v29 =	vand.u32 $0xFFFF0000, v35;
	v33 =	vmul.f32 v36, v44  }
0x73: {  	v40 =	vld.idx.msk [tilespmem:v6+s31+$0xA0 ss:$0x1], $0xffff;
	v36 =	vshll.u32 v47, $0x10;
	v35 =	vshll.u32 v50, $0x10;
	v47 =	vand.u32 $0xFFFF0000, v42  }
0x74: {  	v60 =	vld.idx.msk [tilespmem:v5+s31+$0xFFFFFF10 ss:$0x1], $0xffff;
	v42 =	vshll.u32 v42, $0x10;
	v29 =	vmul.f32 v45, v29;
	v28 =	vmul.f32 v31, v28  }
0x75: {  	v36 =	vmul.f32 v54, v36;
	v54 =	vand.u32 $0xFFFF0000, v61;
	v46 =	vand.u32 $0xFFFF0000, v26  }
0x76: {  	v44 =	vld.idx.msk [tilespmem:v5+s31+$0xFFFFFF20 ss:$0x1], $0xffff;
	v26 =	vshll.u32 v26, $0x10;
	v24 =	vadd.f32 v24, v27;
	v27 =	vmul.f32 v34, v30  }
0x77: {  	v63 =	vld.idx.msk [tilespmem:v6+s31+$0x80 ss:$0x1], $0xffff;
	v34 =	vshll.u32 v52, $0x10;
	v38 =	vand.u32 $0xFFFF0000, v25;
	v25 =	vshll.u32 v25, $0x10  }
0x78: {  	v31 =	vld.idx.msk [tilespmem:v6+s31+$0xFFFFFF80 ss:$0x1], $0xffff;
	v29 =	vadd.f32 v29, v33;
	v33 =	vmul.f32 v53, v51;
	v34 =	vmul.f32 v39, v34  }
0x79: {  	v30 =	vld.idx.msk [tilespmem:v6+s31+$0xB0 ss:$0x1], $0xffff;
	v51 =	vshll.u32 v40, $0x10;
	v40 =	vand.u32 $0xFFFF0000, v40;
	v39 =	vshll.u32 v60, $0x10  }
0x7a: {  	v25 =	vmul.f32 v25, v26;
	v26 =	vmul.f32 v38, v46;
	v27 =	vadd.f32 v28, v27  }
0x7b: {  	v52 =	vld.idx.msk [tilespmem:v6+s31+$0x90 ss:$0x1], $0xffff;
	v39 =	vmul.f32 v39, v42;
	v33 =	vadd.f32 v33, v36;
	v55 =	vand.u32 $0xFFFF0000, v44  }
0x7c: {  	v49 =	vld.idx.msk [tilespmem:v5+s31+$0xFFFFFFA0 ss:$0x1], $0xffff;
	v44 =	vshll.u32 v44, $0x10;
	v25 =	vadd.f32 v26, v25;
	v26 =	vand.u32 $0xFFFF0000, v43  }
0x7d: {  	v56 =	vand.u32 $0xFFFF0000, v31;
	v31 =	vshll.u32 v31, $0x10;
	v43 =	vshll.u32 v57, $0x10  }
0x7e: {  	v38 =	vld.idx.msk [tilespmem:v5+s31+$0xFFFFFFB0 ss:$0x1], $0xffff;
	v57 =	vand.u32 $0xFFFF0000, v63;
	v26 =	vmul.f32 v48, v26;
	v36 =	vand.u32 $0xFFFF0000, v30  }
0x7f: {  	v46 =	vld.idx.msk [tilespmem:v5+s31+$0xFFFFFF90 ss:$0x1], $0xffff;
	v31 =	vmul.f32 v35, v31;
	v35 =	vmul.f32 v41, v59;
	v30 =	vshll.u32 v30, $0x10  }
0x80: {  	v48 =	vand.u32 $0xFFFF0000, v60;
	v41 =	vshll.u32 v61, $0x10;
	v60 =	vand.u32 $0xFFFF0000, v52  }
0x81: {  	v61 =	vand.u32 $0xFFFF0000, v49;
	v25 =	vadd.f32 v25, v29;
	v29 =	vld.idx.msk [tilespmem:v6+s31+$0x20 ss:$0x1], $0xffff;
	v53 =	vmul.f32 v48, v47  }
0x82: {  	v49 =	vshll.u32 v49, $0x10;
	v41 =	vmul.f32 v44, v41;
	v47 =	vmul.f32 v61, v60  }
0x83: {  	v26 =	vadd.f32 v26, v32;
	v32 =	vmul.f32 v58, v56;
	v34 =	vadd.f32 v35, v34  }
0x84: {  	v45 =	vshll.u32 v38, $0x10;
	v56 =	vmul.f32 v55, v54;
	v58 =	vand.u32 $0xFFFF0000, v46  }
0x85: {  	v28 =	vld.idx.msk [tilespmem:v5+s31+$0xFFFFFFC0 ss:$0x1], $0xffff;
	v46 =	vshll.u32 v46, $0x10;
	v38 =	vand.u32 $0xFFFF0000, v38;
	v59 =	vmul.f32 v58, v57  }
0x86: {  	v38 =	vmul.f32 v38, v40;
	v62 =	vshll.u32 v29, $0x10;
	v29 =	vand.u32 $0xFFFF0000, v29  }
0x87: {  	v39 =	vadd.f32 v53, v39;
	v35 =	vmul.f32 v43, v62;
	v29 =	vmul.f32 v37, v29  }
0x88: {  	v37 =	vmul.f32 v45, v51;
	v43 =	vshll.u32 v63, $0x10;
	v45 =	vshll.u32 v52, $0x10  }
0x89: {  	v31 =	vadd.f32 v32, v31;
	v43 =	vmul.f32 v46, v43;
	v45 =	vmul.f32 v49, v45  }
0x8a: {  	v32 =	vand.u32 $0xFFFF0000, v28;
	v28 =	vshll.u32 v28, $0x10;
	v41 =	vadd.f32 v56, v41  }
0x8b: {  	v28 =	vmul.f32 v28, v30;
	v62 =	vadd.f32 v59, v43;
	v63 =	vadd.f32 v47, v45  }
0x8c: {  	v32 =	vmul.f32 v32, v36;
	v29 =	vadd.f32 v29, v35;
	v30 =	vadd.f32 v38, v37  }
0x8d: {  	v45 =	vadd.f32 v41, v39;
	v46 =	vadd.f32 v63, v62  }
0x8e: {  	v31 =	vadd.f32 v34, v31;
	v28 =	vadd.f32 v32, v28  }
0x8f: {  	v29 =	vadd.f32 v29, v45;
	v30 =	vadd.f32 v30, v46  }
0x90: {  	v23 =	vadd.f32 v23, v25;
	v25 =	vadd.f32 v26, v31  }
0x91: {  	v26 =	vadd.f32 v33, v29;
	v28 =	vadd.f32 v28, v30  }
0x92: {  	v18 =	vadd.f32 v18, v23;
	v22 =	vadd.f32 v22, v25  }
0x93: {  	v23 =	vadd.f32 v24, v26;
	v24 =	vadd.f32 v27, v28  }
0x94: {  	v16 =	vadd.f32 v16, v18;
	v18 =	vadd.f32 v19, v22  }
0x95: {  	v19 =	vadd.f32 v20, v23;
	v20 =	vadd.f32 v21, v24  }
0x96: {  	v13 =	vadd.f32 v13, v16;
	v14 =	vadd.f32 v14, v18  }
0x97: {  	v15 =	vadd.f32 v15, v19;
	v16 =	vadd.f32 v17, v20  }
0x98: {  	v8 =	vadd.f32 v8, v13;
	v10 =	vadd.f32 v10, v14  }
0x99: {  	v11 =	vadd.f32 v11, v15;
	v12 =	vadd.f32 v12, v16  }
0x9a: {  	v9 =	vadd.f32 v9, v10  }
0x9b: {  	v7 =	vadd.f32 v7, v8;
	v8 =	vperm.xlane v11, v1;
	v10 =	vperm.xlane v12, v1  }
0x9c: {  	v13 =	vperm.xlane v9, v1  }
0x9d: {  	v14 =	vperm.xlane v7, v1;
	v8 =	vadd.f32 v11, v8;
	v10 =	vadd.f32 v12, v10  }
0x9e: {  	v9 =	vadd.f32 v9, v13  }
0x9f: {  	v7 =	vadd.f32 v7, v14;
	v11 =	vperm.xlane v8, v2;
	v12 =	vperm.xlane v10, v2  }
0xa0: {  	v13 =	vperm.xlane v9, v2  }
0xa1: {  	v14 =	vperm.xlane v7, v2;
	v8 =	vadd.f32 v8, v11;
	v10 =	vadd.f32 v10, v12  }
0xa2: {  	v9 =	vadd.f32 v9, v13  }
0xa3: {  	v7 =	vadd.f32 v7, v14;
	v11 =	vperm.xlane v8, v3;
	v12 =	vperm.xlane v10, v3  }
0xa4: {  	v13 =	vperm.xlane v9, v3  }
0xa5: {  	v14 =	vperm.xlane v7, v3;
	v8 =	vadd.f32 v8, v11;
	v10 =	vadd.f32 v10, v12  }
0xa6: {  	v9 =	vadd.f32 v9, v13  }
0xa7: {  	v7 =	vadd.f32 v7, v14;
	v11 =	vperm.xlane v8, v4;
	v12 =	vperm.xlane v10, v4  }
0xa8: {  	v13 =	vperm.xlane v9, v4  }
0xa9: {  	v14 =	vperm.xlane v7, v4;
	v8 =	vadd.f32 v8, v11;
	v10 =	vadd.f32 v10, v12  }
0xaa: {  	v9 =	vadd.f32 v9, v13  }
0xab: {  	v7 =	vadd.f32 v7, v14;
	v8 =	vsel vm0, v10, v8  }
0xac: {  	v8 =	vsel vm1, v8, v9  }
0xad: {  	v7 =	vsel vm2, v7, v8  }
0xae: {  	v7 =	vmul.f32 $6.250000000e-02, v7;
	_ =	sdelay $0x1  }
0xaf: {  	v7 =	vmul.f32 $1.442695020e+00, v7;
	_ =	sdelay $0x1  }
0xb0: {  	(erf) = vpow2.f32 v7;
	_ =	sdelay $0x8  }
0xb1: {  	v7 =	vpop (erf)  }
0xb2: {  	s26 =	simm.s32 $0x16710;
	v7 =	vnsel vm3, $0x0, v7  }
0xb3: {  	s28 =	simm.s32 $0x200;
	[tilespmem:s26+$0x0] =	vst v7  }
0xb4: {  	v7 =	vld.idx.msk [tilespmem:v6+s28+$0xFFFFFF70 ss:$0x1], $0xffff  }
0xb5: {  	v8 =	vld.idx.msk [tilespmem:v5+s28+$0xFFFFFE80 ss:$0x1], $0xffff  }
0xb6: {  	v9 =	vld.idx.msk [tilespmem:v6+s28+$0xFFFFFF60 ss:$0x1], $0xffff  }
0xb7: {  	v14 =	vld.idx.msk [tilespmem:v5+s28+$0xFFFFFF00 ss:$0x1], $0xffff  }
0xb8: {  	v18 =	vld.idx.msk [tilespmem:v5+s28+$0xFFFFFF80 ss:$0x1], $0xffff  }
0xb9: {  	v20 =	vld.idx.msk [tilespmem:v5+s28+$0x0 ss:$0x1], $0xffff  }
0xba: {  	v50 =	vld.idx.msk [tilespmem:v6+s28+$0xFFFFFF00 ss:$0x1], $0xffff  }
0xbb: {  	v51 =	vld.idx.msk [tilespmem:v5+s28+$0xFFFFFE10 ss:$0x1], $0xffff  }
0xbc: {  	v49 =	vld.idx.msk [tilespmem:v5+s28+$0xFFFFFFD0 ss:$0x1], $0xffff;
	v11 =	vand.u32 $0xFFFF0000, v7;
	v7 =	vshll.u32 v7, $0x10  }
0xbd: {  	v10 =	vld.idx.msk [tilespmem:v5+s28+$0xFFFFFE70 ss:$0x1], $0xffff;
	v13 =	vand.u32 $0xFFFF0000, v8;
	v8 =	vshll.u32 v8, $0x10;
	v15 =	vand.u32 $0xFFFF0000, v9  }
0xbe: {  	v55 =	vld.idx.msk [tilespmem:v5+s28+$0xFFFFFEB0 ss:$0x1], $0xffff;
	v17 =	vand.u32 $0xFFFF0000, v14;
	v14 =	vshll.u32 v14, $0x10;
	v21 =	vand.u32 $0xFFFF0000, v18  }
0xbf: {  	v59 =	vld.idx.msk [tilespmem:v5+s28+$0xFFFFFF40 ss:$0x1], $0xffff;
	v18 =	vshll.u32 v18, $0x10;
	v23 =	vand.u32 $0xFFFF0000, v20;
	v20 =	vshll.u32 v20, $0x10  }
0xc0: {  	v12 =	vld.idx.msk [tilespmem:v6+s28+$0xFFFFFFF0 ss:$0x1], $0xffff;
	v53 =	vshll.u32 v50, $0x10;
	v54 =	vand.u32 $0xFFFF0000, v51;
	v36 =	vshll.u32 v51, $0x10  }
0xc1: {  	v16 =	vld.idx.msk [tilespmem:v5+s28+$0xFFFFFE60 ss:$0x1], $0xffff;
	v34 =	vshll.u32 v49, $0x10;
	v7 =	vmul.f32 v8, v7;
	v11 =	vmul.f32 v13, v11  }
0xc2: {  	v13 =	vld.idx.msk [tilespmem:v6+s28+$0xFFFFFF50 ss:$0x1], $0xffff;
	v8 =	vshll.u32 v9, $0x10;
	v9 =	vand.u32 $0xFFFF0000, v10;
	v10 =	vshll.u32 v10, $0x10  }
0xc3: {  	v61 =	vand.u32 $0xFFFF0000, v55;
	v8 =	vmul.f32 v10, v8;
	v9 =	vmul.f32 v9, v15;
	v10 =	vld.idx.msk [tilespmem:v6+s28+$0xFFFFFFE0 ss:$0x1], $0xffff  }
0xc4: {  	v62 =	vshll.u32 v55, $0x10;
	v39 =	vshll.u32 v59, $0x10;
	v15 =	vld.idx.msk [tilespmem:v5+s28+$0xFFFFFEF0 ss:$0x1], $0xffff;
	v7 =	vadd.f32 v11, v7  }
0xc5: {  	v57 =	vld.idx.msk [tilespmem:v6+s28+$0x30 ss:$0x1], $0xffff;
	v8 =	vadd.f32 v9, v8;
	v9 =	vand.u32 $0xFFFF0000, v12;
	v12 =	vshll.u32 v12, $0x10  }
0xc6: {  	v11 =	vld.idx.msk [tilespmem:v6+s28+$0x70 ss:$0x1], $0xffff;
	v12 =	vmul.f32 v14, v12;
	v9 =	vmul.f32 v17, v9;
	v17 =	vand.u32 $0xFFFF0000, v16  }
0xc7: {  	v16 =	vshll.u32 v16, $0x10;
	v19 =	vand.u32 $0xFFFF0000, v13;
	v13 =	vshll.u32 v13, $0x10  }
0xc8: {  	v14 =	vld.idx.msk [tilespmem:v6+s28+$0xF0 ss:$0x1], $0xffff;
	v13 =	vmul.f32 v16, v13;
	v16 =	vmul.f32 v17, v19;
	v17 =	vand.u32 $0xFFFF0000, v10  }
0xc9: {  	v22 =	vld.idx.msk [tilespmem:v5+s28+$0xFFFFFE50 ss:$0x1], $0xffff;
	v10 =	vshll.u32 v10, $0x10;
	v19 =	vand.u32 $0xFFFF0000, v15;
	v15 =	vshll.u32 v15, $0x10  }
0xca: {  	v24 =	vld.idx.msk [tilespmem:v5+s28+$0xFFFFFEE0 ss:$0x1], $0xffff;
	v33 =	vmul.f32 v36, v53;
	v36 =	vshll.u32 v57, $0x10;
	v10 =	vmul.f32 v15, v10  }
0xcb: {  	v15 =	vmul.f32 v19, v17;
	v17 =	vand.u32 $0xFFFF0000, v11;
	v19 =	vld.idx.msk [tilespmem:v6+s28+$0xFFFFFF40 ss:$0x1], $0xffff;
	v11 =	vshll.u32 v11, $0x10  }
0xcc: {  	v9 =	vadd.f32 v9, v12;
	v11 =	vmul.f32 v18, v11;
	v17 =	vmul.f32 v21, v17  }
0xcd: {  	v21 =	vld.idx.msk [tilespmem:v6+s28+$0xFFFFFFD0 ss:$0x1], $0xffff;
	v13 =	vadd.f32 v16, v13;
	v18 =	vand.u32 $0xFFFF0000, v14;
	v14 =	vshll.u32 v14, $0x10  }
0xce: {  	v10 =	vadd.f32 v15, v10;
	v15 =	vld.idx.msk [tilespmem:v5+s28+$0xFFFFFF70 ss:$0x1], $0xffff;
	v12 =	vmul.f32 v20, v14;
	v14 =	vmul.f32 v23, v18  }
0xcf: {  	v18 =	vld.idx.msk [tilespmem:v6+s28+$0x60 ss:$0x1], $0xffff;
	v11 =	vadd.f32 v17, v11;
	v20 =	vshll.u32 v22, $0x10;
	v23 =	vand.u32 $0xFFFF0000, v24  }
0xd0: {  	v24 =	vshll.u32 v24, $0x10;
	v12 =	vadd.f32 v14, v12;
	v14 =	vld.idx.msk [tilespmem:v6+s28+$0xE0 ss:$0x1], $0xffff;
	v17 =	vshll.u32 v19, $0x10  }
0xd1: {  	v16 =	vand.u32 $0xFFFF0000, v19;
	v19 =	vand.u32 $0xFFFF0000, v22;
	v22 =	vld.idx.msk [tilespmem:v5+s28+$0xFFFFFFF0 ss:$0x1], $0xffff;
	v17 =	vmul.f32 v20, v17  }
0xd2: {  	v16 =	vmul.f32 v19, v16;
	v19 =	vand.u32 $0xFFFF0000, v21;
	v20 =	vld.idx.msk [tilespmem:v6+s28+$0xFFFFFF30 ss:$0x1], $0xffff;
	v21 =	vshll.u32 v21, $0x10  }
0xd3: {  	v25 =	vld.idx.msk [tilespmem:v5+s28+$0xFFFFFE40 ss:$0x1], $0xffff;
	v21 =	vmul.f32 v24, v21;
	v19 =	vmul.f32 v23, v19;
	v24 =	vand.u32 $0xFFFF0000, v15  }
0xd4: {  	v27 =	vld.idx.msk [tilespmem:v5+s28+$0xFFFFFED0 ss:$0x1], $0xffff;
	v15 =	vshll.u32 v15, $0x10;
	v23 =	vand.u32 $0xFFFF0000, v18;
	v18 =	vshll.u32 v18, $0x10  }
0xd5: {  	v29 =	vld.idx.msk [tilespmem:v6+s28+$0x50 ss:$0x1], $0xffff;
	v18 =	vmul.f32 v15, v18;
	v23 =	vmul.f32 v24, v23;
	v15 =	vand.u32 $0xFFFF0000, v14  }
0xd6: {  	v30 =	vld.idx.msk [tilespmem:v6+s28+$0xD0 ss:$0x1], $0xffff;
	v14 =	vshll.u32 v14, $0x10;
	v26 =	vand.u32 $0xFFFF0000, v22;
	v22 =	vshll.u32 v22, $0x10  }
0xd7: {  	v24 =	vld.idx.msk [tilespmem:v6+s28+$0xFFFFFFC0 ss:$0x1], $0xffff;
	v28 =	vand.u32 $0xFFFF0000, v20;
	v22 =	vmul.f32 v22, v14;
	v26 =	vmul.f32 v26, v15  }
0xd8: {  	v41 =	vld.idx.msk [tilespmem:v6+s28+$0x0 ss:$0x1], $0xffff;
	v14 =	vshll.u32 v20, $0x10;
	v15 =	vand.u32 $0xFFFF0000, v25;
	v20 =	vshll.u32 v25, $0x10  }
0xd9: {  	v16 =	vadd.f32 v16, v17;
	v25 =	vld.idx.msk [tilespmem:v5+s28+$0xFFFFFF60 ss:$0x1], $0xffff;
	v20 =	vmul.f32 v20, v14;
	v28 =	vmul.f32 v15, v28  }
0xda: {  	v55 =	vld.idx.msk [tilespmem:v6+s28+$0xA0 ss:$0x1], $0xffff;
	v36 =	vmul.f32 v39, v36;
	v15 =	vadd.f32 v19, v21;
	v14 =	vadd.f32 v23, v18  }
0xdb: {  	v19 =	vld.idx.msk [tilespmem:v5+s28+$0xFFFFFFE0 ss:$0x1], $0xffff;
	v23 =	vand.u32 $0xFFFF0000, v27;
	v17 =	vadd.f32 v26, v22;
	v18 =	vadd.f32 v28, v20  }
0xdc: {  	v21 =	vld.idx.msk [tilespmem:v6+s28+$0xFFFFFF20 ss:$0x1], $0xffff;
	v20 =	vand.u32 $0xFFFF0000, v24;
	v22 =	vshll.u32 v24, $0x10;
	v24 =	vshll.u32 v27, $0x10  }
0xdd: {  	v26 =	vld.idx.msk [tilespmem:v5+s28+$0xFFFFFE30 ss:$0x1], $0xffff;
	v27 =	vshll.u32 v29, $0x10;
	v22 =	vmul.f32 v24, v22;
	v20 =	vmul.f32 v23, v20  }
0xde: {  	v53 =	vld.idx.msk [tilespmem:v5+s28+$0xFFFFFF30 ss:$0x1], $0xffff;
	v23 =	vand.u32 $0xFFFF0000, v29;
	v28 =	vand.u32 $0xFFFF0000, v25;
	v25 =	vshll.u32 v25, $0x10  }
0xdf: {  	v24 =	vld.idx.msk [tilespmem:v6+s28+$0xFFFFFFB0 ss:$0x1], $0xffff;
	v25 =	vmul.f32 v25, v27;
	v23 =	vmul.f32 v28, v23;
	v27 =	vand.u32 $0xFFFF0000, v30  }
0xe0: {  	v29 =	vld.idx.msk [tilespmem:v5+s28+$0xFFFFFEC0 ss:$0x1], $0xffff;
	v28 =	vshll.u32 v30, $0x10;
	v30 =	vand.u32 $0xFFFF0000, v19;
	v19 =	vshll.u32 v19, $0x10  }
0xe1: {  	v39 =	vand.u32 $0xFFFF0000, v55;
	v47 =	vand.u32 $0xFFFF0000, v21;
	v28 =	vmul.f32 v19, v28  }
0xe2: {  	v52 =	vld.idx.msk [tilespmem:v6+s28+$0xFFFFFFA0 ss:$0x1], $0xffff;
	v19 =	vshll.u32 v21, $0x10;
	v21 =	vand.u32 $0xFFFF0000, v26;
	v26 =	vshll.u32 v26, $0x10  }
0xe3: {  	v31 =	vld.idx.msk [tilespmem:v6+s28+$0x40 ss:$0x1], $0xffff;
	v45 =	vand.u32 $0xFFFF0000, v53;
	v27 =	vmul.f32 v30, v27;
	v26 =	vmul.f32 v26, v19  }
0xe4: {  	v30 =	vld.idx.msk [tilespmem:v5+s28+$0xFFFFFF50 ss:$0x1], $0xffff;
	v32 =	vmul.f32 v21, v47;
	v47 =	vand.u32 $0xFFFF0000, v41;
	v19 =	vand.u32 $0xFFFF0000, v24  }
0xe5: {  	v21 =	vshll.u32 v24, $0x10;
	v24 =	vand.u32 $0xFFFF0000, v29;
	v29 =	vshll.u32 v29, $0x10  }
0xe6: {  	v48 =	vld.idx.msk [tilespmem:v6+s28+$0xC0 ss:$0x1], $0xffff;
	v29 =	vmul.f32 v29, v21;
	v24 =	vmul.f32 v24, v19;
	v19 =	vadd.f32 v20, v22  }
0xe7: {  	v20 =	vadd.f32 v23, v25;
	v25 =	vld.idx.msk [tilespmem:v6+s28+$0xFFFFFF10 ss:$0x1], $0xffff;
	v23 =	vadd.f32 v32, v26;
	v32 =	vshll.u32 v52, $0x10  }
0xe8: {  	v21 =	vadd.f32 v27, v28;
	v26 =	vld.idx.msk [tilespmem:v5+s28+$0xFFFFFE20 ss:$0x1], $0xffff;
	v27 =	vshll.u32 v31, $0x10;
	v32 =	vmul.f32 v62, v32  }
0xe9: {  	v22 =	vadd.f32 v24, v29;
	v24 =	vand.u32 $0xFFFF0000, v31;
	v29 =	vshll.u32 v30, $0x10  }
0xea: {  	v63 =	vld.idx.msk [tilespmem:v6+s28+$0xFFFFFF90 ss:$0x1], $0xffff;
	v28 =	vand.u32 $0xFFFF0000, v30;
	v31 =	vand.u32 $0xFFFF0000, v49;
	v27 =	vmul.f32 v29, v27  }
0xeb: {  	v51 =	vld.idx.msk [tilespmem:v6+s28+$0x20 ss:$0x1], $0xffff;
	v24 =	vmul.f32 v28, v24;
	v28 =	vand.u32 $0xFFFF0000, v48;
	v29 =	vand.u32 $0xFFFF0000, v50  }
0xec: {  	v30 =	vshll.u32 v48, $0x10;
	v48 =	vld.idx.msk [tilespmem:v5+s28+$0xFFFFFEA0 ss:$0x1], $0xffff;
	v29 =	vmul.f32 v54, v29;
	v28 =	vmul.f32 v31, v28  }
0xed: {  	v50 =	vld.idx.msk [tilespmem:v5+s28+$0xFFFFFFC0 ss:$0x1], $0xffff;
	v56 =	vand.u32 $0xFFFF0000, v25;
	v25 =	vshll.u32 v25, $0x10;
	v58 =	vand.u32 $0xFFFF0000, v26  }
0xee: {  	v31 =	vld.idx.msk [tilespmem:v5+s28+$0xFFFFFE90 ss:$0x1], $0xffff;
	v26 =	vshll.u32 v26, $0x10;
	v24 =	vadd.f32 v24, v27;
	v27 =	vmul.f32 v34, v30  }
0xef: {  	v62 =	vshll.u32 v55, $0x10;
	v30 =	vld.idx.msk [tilespmem:v6+s28+$0xFFFFFF80 ss:$0x1], $0xffff;
	v25 =	vmul.f32 v26, v25;
	v26 =	vmul.f32 v58, v56  }
0xf0: {  	v49 =	vand.u32 $0xFFFF0000, v59;
	v59 =	vshll.u32 v51, $0x10;
	v29 =	vadd.f32 v29, v33  }
0xf1: {  	v56 =	vand.u32 $0xFFFF0000, v63;
	v26 =	vadd.f32 v26, v25;
	v25 =	vand.u32 $0xFFFF0000, v52  }
0xf2: {  	v58 =	vand.u32 $0xFFFF0000, v48;
	v34 =	vshll.u32 v48, $0x10;
	v35 =	vshll.u32 v50, $0x10  }
0xf3: {  	v60 =	vld.idx.msk [tilespmem:v6+s28+$0xB0 ss:$0x1], $0xffff;
	v33 =	vmul.f32 v61, v25;
	v25 =	vand.u32 $0xFFFF0000, v57;
	v54 =	vand.u32 $0xFFFF0000, v31  }
0xf4: {  	v31 =	vshll.u32 v31, $0x10;
	v52 =	vand.u32 $0xFFFF0000, v30;
	v30 =	vshll.u32 v30, $0x10  }
0xf5: {  	v57 =	vshll.u32 v63, $0x10;
	v37 =	vmul.f32 v58, v56;
	v30 =	vmul.f32 v31, v30;
	v31 =	vld.idx.msk [tilespmem:v5+s28+$0xFFFFFFB0 ss:$0x1], $0xffff  }
0xf6: {  	v42 =	vld.idx.msk [tilespmem:v5+s28+$0xFFFFFF10 ss:$0x1], $0xffff;
	v61 =	vand.u32 $0xFFFF0000, v51;
	v38 =	vmul.f32 v49, v25;
	v25 =	vadd.f32 v28, v27  }
0xf7: {  	v40 =	vld.idx.msk [tilespmem:v6+s28+$0x10 ss:$0x1], $0xffff;
	v26 =	vadd.f32 v26, v29;
	v27 =	vadd.f32 v33, v32;
	v32 =	vmul.f32 v54, v52  }
0xf8: {  	v43 =	vld.idx.msk [tilespmem:v5+s28+$0xFFFFFF20 ss:$0x1], $0xffff;
	v29 =	vand.u32 $0xFFFF0000, v60;
	v28 =	vadd.f32 v38, v36;
	v36 =	vmul.f32 v34, v57  }
0xf9: {  	v44 =	vld.idx.msk [tilespmem:v6+s28+$0x80 ss:$0x1], $0xffff;
	v33 =	vshll.u32 v60, $0x10;
	v60 =	vshll.u32 v53, $0x10;
	v30 =	vadd.f32 v32, v30  }
0xfa: {  	v46 =	vld.idx.msk [tilespmem:v5+s28+$0xFFFFFF90 ss:$0x1], $0xffff;
	v32 =	vadd.f32 v37, v36;
	v36 =	vmul.f32 v60, v59;
	v63 =	vshll.u32 v31, $0x10  }
0xfb: {  	s29 =	simm.s32 $0x1000;
	v34 =	vand.u32 $0xFFFF0000, v50;
	v37 =	vmul.f32 v45, v61;
	v45 =	vld.idx.msk [tilespmem:v6+s28+$0x90 ss:$0x1], $0xffff;
	v38 =	vmul.f32 v63, v62  }
.LBB2_5:
0xfc: {  	p6 =	sne.s32 s29, $0x13800;
	v41 =	vshll.u32 v41, $0x10;
	v48 =	vand.u32 $0xFFFF0000, v42;
	v42 =	vshll.u32 v42, $0x10;
	v49 =	vld.idx.msk [tilespmem:v5+s28+$0xFFFFFFA0 ss:$0x1], $0xffff  }
0xfd: {  	v41 =	vmul.f32 v42, v41;
	v42 =	vmul.f32 v48, v47;
	v47 =	vand.u32 $0xFFFF0000, v40  }
0xfe: {  	v40 =	vshll.u32 v40, $0x10;
	v48 =	vand.u32 $0xFFFF0000, v43;
	v43 =	vshll.u32 v43, $0x10  }
0xff: {  	v40 =	vmul.f32 v43, v40;
	v43 =	vmul.f32 v48, v47;
	v47 =	vand.u32 $0xFFFF0000, v44  }
0x100: {  	v44 =	vshll.u32 v44, $0x10;
	v48 =	vand.u32 $0xFFFF0000, v46;
	v46 =	vshll.u32 v46, $0x10  }
0x101: {  	v44 =	vmul.f32 v46, v44;
	v46 =	vmul.f32 v48, v47;
	v47 =	vand.u32 $0xFFFF0000, v45  }
0x102: {  	v45 =	vshll.u32 v45, $0x10;
	v48 =	vand.u32 $0xFFFF0000, v49;
	v49 =	vshll.u32 v49, $0x10  }
0x103: {  	v31 =	vand.u32 $0xFFFF0000, v31;
	v45 =	vmul.f32 v49, v45;
	v47 =	vmul.f32 v48, v47  }
0x104: {  	v31 =	vmul.f32 v31, v39;
	v41 =	vadd.f32 v42, v41;
	v40 =	vadd.f32 v43, v40  }
0x105: {  	v33 =	vmul.f32 v35, v33;
	v39 =	vadd.f32 v46, v44;
	v42 =	vadd.f32 v47, v45  }
0x106: {  	v35 =	vadd.f32 v37, v36;
	v29 =	vmul.f32 v34, v29;
	v31 =	vadd.f32 v31, v38  }
0x107: {  	v34 =	vadd.f32 v40, v41;
	v36 =	vadd.f32 v42, v39  }
0x108: {  	v30 =	vadd.f32 v32, v30;
	v29 =	vadd.f32 v29, v33  }
0x109: {  	v32 =	vadd.f32 v35, v34;
	v31 =	vadd.f32 v31, v36  }
0x10a: {  	v23 =	vadd.f32 v23, v26;
	v26 =	vadd.f32 v27, v30  }
0x10b: {  	v27 =	vadd.f32 v28, v32;
	v28 =	vadd.f32 v29, v31  }
0x10c: {  	v18 =	vadd.f32 v18, v23;
	v22 =	vadd.f32 v22, v26  }
0x10d: {  	v23 =	vadd.f32 v24, v27;
	v24 =	vadd.f32 v25, v28  }
0x10e: {  	v16 =	vadd.f32 v16, v18;
	v18 =	vadd.f32 v19, v22  }
0x10f: {  	v19 =	vadd.f32 v20, v23;
	v20 =	vadd.f32 v21, v24  }
0x110: {  	v13 =	vadd.f32 v13, v16;
	v15 =	vadd.f32 v15, v18  }
0x111: {  	v14 =	vadd.f32 v14, v19;
	v16 =	vadd.f32 v17, v20  }
0x112: {  	v8 =	vadd.f32 v8, v13;
	v10 =	vadd.f32 v10, v15  }
0x113: {  	v11 =	vadd.f32 v11, v14;
	v12 =	vadd.f32 v12, v16  }
0x114: {  	v9 =	vadd.f32 v9, v10  }
0x115: {  	v7 =	vadd.f32 v7, v8;
	v8 =	vperm.xlane v11, v1;
	v10 =	vperm.xlane v12, v1  }
0x116: {  	v13 =	vperm.xlane v9, v1  }
0x117: {  	v14 =	vperm.xlane v7, v1;
	v8 =	vadd.f32 v11, v8;
	v10 =	vadd.f32 v12, v10  }
0x118: {  	v9 =	vadd.f32 v9, v13  }
0x119: {  	v7 =	vadd.f32 v7, v14;
	v11 =	vperm.xlane v8, v2;
	v12 =	vperm.xlane v10, v2  }
0x11a: {  	v13 =	vperm.xlane v9, v2  }
0x11b: {  	v14 =	vperm.xlane v7, v2;
	v8 =	vadd.f32 v8, v11;
	v10 =	vadd.f32 v10, v12  }
0x11c: {  	v9 =	vadd.f32 v9, v13  }
0x11d: {  	v7 =	vadd.f32 v7, v14;
	v11 =	vperm.xlane v8, v3;
	v12 =	vperm.xlane v10, v3  }
0x11e: {  	v13 =	vperm.xlane v9, v3  }
0x11f: {  	v14 =	vperm.xlane v7, v3;
	v8 =	vadd.f32 v8, v11;
	v10 =	vadd.f32 v10, v12  }
0x120: {  	v9 =	vadd.f32 v9, v13  }
0x121: {  	v7 =	vadd.f32 v7, v14;
	v11 =	vperm.xlane v8, v4;
	v12 =	vperm.xlane v10, v4  }
0x122: {  	v13 =	vperm.xlane v9, v4  }
0x123: {  	v14 =	vperm.xlane v7, v4;
	v8 =	vadd.f32 v8, v11;
	v10 =	vadd.f32 v10, v12  }
0x124: {  	v9 =	vadd.f32 v9, v13  }
0x125: {  	v7 =	vadd.f32 v7, v14;
	v8 =	vsel vm0, v10, v8  }
0x126: {  	v8 =	vsel vm1, v8, v9  }
0x127: {  	v7 =	vsel vm2, v7, v8  }
0x128: {  	v7 =	vmul.f32 $6.250000000e-02, v7;
	_ =	sdelay $0x1  }
0x129: {  	v7 =	vmul.f32 $1.442695020e+00, v7;
	_ =	sdelay $0x1  }
0x12a: {  	(erf) = vpow2.f32 v7;
	_ =	sdelay $0x8  }
0x12b: {  	v7 =	vpop (erf)  }
0x12c: {  	s26 =	sadd.s32 $0x10, s26;
	v7 =	vnsel vm3, $0x0, v7  }
0x12d: {  	s28 =	sshra.s32 s29, $0x2;
	[tilespmem:s26+$0x0] =	vst v7  }
0x12e: {  	v7 =	vld.idx.msk [tilespmem:v6+s28+$0xFFFFFF70 ss:$0x1], $0xffff  }
0x12f: {  	v8 =	vld.idx.msk [tilespmem:v5+s28+$0xFFFFFE80 ss:$0x1], $0xffff  }
0x130: {  	v9 =	vld.idx.msk [tilespmem:v6+s28+$0xFFFFFF60 ss:$0x1], $0xffff  }
0x131: {  	v10 =	vld.idx.msk [tilespmem:v5+s28+$0xFFFFFE70 ss:$0x1], $0xffff;
	_ =	sdelay $0x2  }
0x132: {  	v11 =	vand.u32 $0xFFFF0000, v7;
	v12 =	vld.idx.msk [tilespmem:v6+s28+$0xFFFFFFF0 ss:$0x1], $0xffff  }
0x133: {  	v7 =	vshll.u32 v7, $0x10;
	v13 =	vand.u32 $0xFFFF0000, v8;
	v8 =	vshll.u32 v8, $0x10;
	v14 =	vld.idx.msk [tilespmem:v5+s28+$0xFFFFFF00 ss:$0x1], $0xffff  }
0x134: {  	v16 =	vand.u32 $0xFFFF0000, v9;
	v7 =	vmul.f32 v8, v7;
	v11 =	vmul.f32 v13, v11;
	v15 =	vld.idx.msk [tilespmem:v6+s28+$0xFFFFFF50 ss:$0x1], $0xffff  }
0x135: {  	v8 =	vshll.u32 v9, $0x10;
	v9 =	vand.u32 $0xFFFF0000, v10;
	v10 =	vshll.u32 v10, $0x10;
	v13 =	vld.idx.msk [tilespmem:v5+s28+$0xFFFFFE60 ss:$0x1], $0xffff  }
0x136: {  	v8 =	vmul.f32 v10, v8;
	v9 =	vmul.f32 v9, v16;
	v10 =	vld.idx.msk [tilespmem:v6+s28+$0xFFFFFFE0 ss:$0x1], $0xffff  }
0x137: {  	v16 =	vld.idx.msk [tilespmem:v5+s28+$0xFFFFFEF0 ss:$0x1], $0xffff  }
0x138: {  	v7 =	vadd.f32 v11, v7;
	v8 =	vadd.f32 v9, v8;
	v9 =	vand.u32 $0xFFFF0000, v12;
	v11 =	vld.idx.msk [tilespmem:v6+s28+$0x70 ss:$0x1], $0xffff  }
0x139: {  	v12 =	vshll.u32 v12, $0x10;
	v17 =	vand.u32 $0xFFFF0000, v14;
	v14 =	vshll.u32 v14, $0x10;
	v18 =	vld.idx.msk [tilespmem:v5+s28+$0xFFFFFF80 ss:$0x1], $0xffff  }
0x13a: {  	v19 =	vand.u32 $0xFFFF0000, v15;
	v12 =	vmul.f32 v14, v12;
	v9 =	vmul.f32 v17, v9;
	v14 =	vld.idx.msk [tilespmem:v6+s28+$0xF0 ss:$0x1], $0xffff  }
0x13b: {  	v15 =	vshll.u32 v15, $0x10;
	v17 =	vand.u32 $0xFFFF0000, v13;
	v13 =	vshll.u32 v13, $0x10;
	v20 =	vld.idx.msk [tilespmem:v5+s28+$0x0 ss:$0x1], $0xffff  }
0x13c: {  	v13 =	vmul.f32 v13, v15;
	v15 =	vmul.f32 v17, v19;
	v17 =	vand.u32 $0xFFFF0000, v10  }
0x13d: {  	v10 =	vshll.u32 v10, $0x10;
	v19 =	vand.u32 $0xFFFF0000, v16;
	v16 =	vshll.u32 v16, $0x10  }
0x13e: {  	v10 =	vmul.f32 v16, v10;
	v16 =	vmul.f32 v19, v17;
	v17 =	vand.u32 $0xFFFF0000, v11;
	v21 =	vld.idx.msk [tilespmem:v6+s28+$0xFFFFFF40 ss:$0x1], $0xffff  }
0x13f: {  	v11 =	vshll.u32 v11, $0x10;
	v22 =	vand.u32 $0xFFFF0000, v18;
	v18 =	vshll.u32 v18, $0x10;
	v19 =	vld.idx.msk [tilespmem:v5+s28+$0xFFFFFE50 ss:$0x1], $0xffff  }
0x140: {  	v11 =	vmul.f32 v18, v11;
	v17 =	vmul.f32 v22, v17;
	v18 =	vand.u32 $0xFFFF0000, v14;
	v23 =	vld.idx.msk [tilespmem:v6+s28+$0xFFFFFFD0 ss:$0x1], $0xffff  }
0x141: {  	v14 =	vshll.u32 v14, $0x10;
	v24 =	vand.u32 $0xFFFF0000, v20;
	v20 =	vshll.u32 v20, $0x10;
	v22 =	vld.idx.msk [tilespmem:v5+s28+$0xFFFFFEE0 ss:$0x1], $0xffff  }
0x142: {  	v9 =	vadd.f32 v9, v12;
	v12 =	vmul.f32 v20, v14;
	v14 =	vmul.f32 v24, v18;
	v25 =	vld.idx.msk [tilespmem:v6+s28+$0x60 ss:$0x1], $0xffff  }
0x143: {  	v13 =	vadd.f32 v15, v13;
	v10 =	vadd.f32 v16, v10;
	v15 =	vld.idx.msk [tilespmem:v5+s28+$0xFFFFFF70 ss:$0x1], $0xffff  }
0x144: {  	v11 =	vadd.f32 v17, v11;
	v16 =	vand.u32 $0xFFFF0000, v21;
	v12 =	vadd.f32 v14, v12;
	v17 =	vld.idx.msk [tilespmem:v6+s28+$0xE0 ss:$0x1], $0xffff  }
0x145: {  	v14 =	vshll.u32 v21, $0x10;
	v18 =	vand.u32 $0xFFFF0000, v19;
	v19 =	vshll.u32 v19, $0x10;
	v20 =	vld.idx.msk [tilespmem:v5+s28+$0xFFFFFFF0 ss:$0x1], $0xffff  }
0x146: {  	v14 =	vmul.f32 v19, v14;
	v16 =	vmul.f32 v18, v16;
	v18 =	vand.u32 $0xFFFF0000, v23;
	v21 =	vld.idx.msk [tilespmem:v6+s28+$0xFFFFFF30 ss:$0x1], $0xffff  }
0x147: {  	v23 =	vshll.u32 v23, $0x10;
	v24 =	vand.u32 $0xFFFF0000, v22;
	v22 =	vshll.u32 v22, $0x10;
	v19 =	vld.idx.msk [tilespmem:v5+s28+$0xFFFFFE40 ss:$0x1], $0xffff  }
0x148: {  	v22 =	vmul.f32 v22, v23;
	v18 =	vmul.f32 v24, v18;
	v23 =	vand.u32 $0xFFFF0000, v25  }
0x149: {  	v24 =	vshll.u32 v25, $0x10;
	v25 =	vand.u32 $0xFFFF0000, v15;
	v15 =	vshll.u32 v15, $0x10  }
0x14a: {  	v24 =	vmul.f32 v15, v24;
	v23 =	vmul.f32 v25, v23;
	v15 =	vand.u32 $0xFFFF0000, v17;
	v26 =	vld.idx.msk [tilespmem:v6+s28+$0xFFFFFFC0 ss:$0x1], $0xffff  }
0x14b: {  	v17 =	vshll.u32 v17, $0x10;
	v27 =	vand.u32 $0xFFFF0000, v20;
	v20 =	vshll.u32 v20, $0x10;
	v25 =	vld.idx.msk [tilespmem:v5+s28+$0xFFFFFED0 ss:$0x1], $0xffff  }
0x14c: {  	v28 =	vand.u32 $0xFFFF0000, v21;
	v17 =	vmul.f32 v20, v17;
	v20 =	vmul.f32 v27, v15;
	v29 =	vld.idx.msk [tilespmem:v6+s28+$0x50 ss:$0x1], $0xffff  }
0x14d: {  	v15 =	vshll.u32 v21, $0x10;
	v21 =	vand.u32 $0xFFFF0000, v19;
	v19 =	vshll.u32 v19, $0x10;
	v27 =	vld.idx.msk [tilespmem:v5+s28+$0xFFFFFF60 ss:$0x1], $0xffff  }
0x14e: {  	v16 =	vadd.f32 v16, v14;
	v19 =	vmul.f32 v19, v15;
	v21 =	vmul.f32 v21, v28;
	v28 =	vld.idx.msk [tilespmem:v6+s28+$0xD0 ss:$0x1], $0xffff  }
0x14f: {  	v14 =	vadd.f32 v23, v24;
	v15 =	vadd.f32 v18, v22;
	v22 =	vld.idx.msk [tilespmem:v5+s28+$0xFFFFFFE0 ss:$0x1], $0xffff  }
0x150: {  	v17 =	vadd.f32 v20, v17;
	v18 =	vadd.f32 v21, v19;
	v19 =	vand.u32 $0xFFFF0000, v26;
	v23 =	vld.idx.msk [tilespmem:v6+s28+$0xFFFFFF20 ss:$0x1], $0xffff  }
0x151: {  	v21 =	vshll.u32 v26, $0x10;
	v24 =	vand.u32 $0xFFFF0000, v25;
	v25 =	vshll.u32 v25, $0x10;
	v20 =	vld.idx.msk [tilespmem:v5+s28+$0xFFFFFE30 ss:$0x1], $0xffff  }
0x152: {  	v21 =	vmul.f32 v25, v21;
	v19 =	vmul.f32 v24, v19;
	v24 =	vand.u32 $0xFFFF0000, v29;
	v26 =	vld.idx.msk [tilespmem:v6+s28+$0xFFFFFFB0 ss:$0x1], $0xffff  }
0x153: {  	v29 =	vshll.u32 v29, $0x10;
	v30 =	vand.u32 $0xFFFF0000, v27;
	v27 =	vshll.u32 v27, $0x10;
	v25 =	vld.idx.msk [tilespmem:v5+s28+$0xFFFFFEC0 ss:$0x1], $0xffff  }
0x154: {  	v27 =	vmul.f32 v27, v29;
	v24 =	vmul.f32 v30, v24;
	v29 =	vand.u32 $0xFFFF0000, v28  }
0x155: {  	v28 =	vshll.u32 v28, $0x10;
	v31 =	vand.u32 $0xFFFF0000, v22;
	v22 =	vshll.u32 v22, $0x10;
	v30 =	vld.idx.msk [tilespmem:v6+s28+$0x40 ss:$0x1], $0xffff  }
0x156: {  	v32 =	vand.u32 $0xFFFF0000, v23;
	v22 =	vmul.f32 v22, v28;
	v28 =	vmul.f32 v31, v29;
	v33 =	vld.idx.msk [tilespmem:v5+s28+$0xFFFFFF50 ss:$0x1], $0xffff  }
0x157: {  	v23 =	vshll.u32 v23, $0x10;
	v29 =	vand.u32 $0xFFFF0000, v20;
	v20 =	vshll.u32 v20, $0x10;
	v31 =	vld.idx.msk [tilespmem:v6+s28+$0xC0 ss:$0x1], $0xffff  }
0x158: {  	v23 =	vmul.f32 v20, v23;
	v29 =	vmul.f32 v29, v32;
	v20 =	vand.u32 $0xFFFF0000, v26;
	v32 =	vld.idx.msk [tilespmem:v5+s28+$0xFFFFFFD0 ss:$0x1], $0xffff  }
0x159: {  	v26 =	vshll.u32 v26, $0x10;
	v35 =	vand.u32 $0xFFFF0000, v25;
	v25 =	vshll.u32 v25, $0x10;
	v34 =	vld.idx.msk [tilespmem:v6+s28+$0xFFFFFF00 ss:$0x1], $0xffff  }
0x15a: {  	v19 =	vadd.f32 v19, v21;
	v25 =	vmul.f32 v25, v26;
	v26 =	vmul.f32 v35, v20;
	v36 =	vld.idx.msk [tilespmem:v5+s28+$0xFFFFFE10 ss:$0x1], $0xffff  }
0x15b: {  	v21 =	vadd.f32 v28, v22;
	v20 =	vadd.f32 v24, v27;
	v35 =	vld.idx.msk [tilespmem:v6+s28+$0xFFFFFF10 ss:$0x1], $0xffff  }
0x15c: {  	v23 =	vadd.f32 v29, v23;
	v22 =	vadd.f32 v26, v25;
	v25 =	vand.u32 $0xFFFF0000, v30;
	v24 =	vld.idx.msk [tilespmem:v5+s28+$0xFFFFFE20 ss:$0x1], $0xffff  }
0x15d: {  	v26 =	vshll.u32 v30, $0x10;
	v27 =	vand.u32 $0xFFFF0000, v33;
	v28 =	vshll.u32 v33, $0x10  }
0x15e: {  	v26 =	vmul.f32 v28, v26;
	v25 =	vmul.f32 v27, v25;
	v27 =	vand.u32 $0xFFFF0000, v31  }
0x15f: {  	v30 =	vshll.u32 v31, $0x10;
	v31 =	vand.u32 $0xFFFF0000, v32;
	v28 =	vand.u32 $0xFFFF0000, v34;
	v29 =	vld.idx.msk [tilespmem:v6+s28+$0xFFFFFFA0 ss:$0x1], $0xffff  }
0x160: {  	v33 =	vshll.u32 v34, $0x10;
	v34 =	vand.u32 $0xFFFF0000, v36;
	v36 =	vshll.u32 v36, $0x10;
	v37 =	vld.idx.msk [tilespmem:v5+s28+$0xFFFFFEB0 ss:$0x1], $0xffff  }
0x161: {  	v33 =	vmul.f32 v36, v33;
	v28 =	vmul.f32 v34, v28;
	v34 =	vand.u32 $0xFFFF0000, v35;
	v36 =	vld.idx.msk [tilespmem:v6+s28+$0x30 ss:$0x1], $0xffff  }
0x162: {  	v35 =	vshll.u32 v35, $0x10;
	v38 =	vand.u32 $0xFFFF0000, v24;
	v24 =	vshll.u32 v24, $0x10;
	v39 =	vld.idx.msk [tilespmem:v5+s28+$0xFFFFFF40 ss:$0x1], $0xffff  }
0x163: {  	v32 =	vshll.u32 v32, $0x10;
	v35 =	vmul.f32 v24, v35;
	v34 =	vmul.f32 v38, v34  }
0x164: {  	v24 =	vadd.f32 v25, v26;
	v25 =	vmul.f32 v32, v30;
	v26 =	vmul.f32 v31, v27;
	v38 =	vld.idx.msk [tilespmem:v6+s28+$0xB0 ss:$0x1], $0xffff  }
0x165: {  	v27 =	vadd.f32 v28, v33;
	v28 =	vadd.f32 v34, v35;
	v31 =	vand.u32 $0xFFFF0000, v29;
	v30 =	vld.idx.msk [tilespmem:v6+s28+$0xFFFFFF80 ss:$0x1], $0xffff  }
0x166: {  	v29 =	vshll.u32 v29, $0x10;
	v33 =	vand.u32 $0xFFFF0000, v37;
	v34 =	vshll.u32 v37, $0x10;
	v32 =	vld.idx.msk [tilespmem:v5+s28+$0xFFFFFE90 ss:$0x1], $0xffff  }
0x167: {  	v29 =	vmul.f32 v34, v29;
	v31 =	vmul.f32 v33, v31;
	v33 =	vand.u32 $0xFFFF0000, v36;
	v35 =	vld.idx.msk [tilespmem:v6+s28+$0xFFFFFF90 ss:$0x1], $0xffff  }
0x168: {  	v36 =	vshll.u32 v36, $0x10;
	v37 =	vand.u32 $0xFFFF0000, v39;
	v39 =	vshll.u32 v39, $0x10;
	v34 =	vld.idx.msk [tilespmem:v5+s28+$0xFFFFFEA0 ss:$0x1], $0xffff  }
0x169: {  	v25 =	vadd.f32 v26, v25;
	v36 =	vmul.f32 v39, v36;
	v33 =	vmul.f32 v37, v33;
	v37 =	vld.idx.msk [tilespmem:v5+s28+$0xFFFFFFC0 ss:$0x1], $0xffff  }
0x16a: {  	v26 =	vadd.f32 v28, v27;
	v27 =	vadd.f32 v31, v29;
	v39 =	vld.idx.msk [tilespmem:v6+s28+$0x20 ss:$0x1], $0xffff  }
0x16b: {  	v29 =	vand.u32 $0xFFFF0000, v38;
	v31 =	vand.u32 $0xFFFF0000, v30;
	v28 =	vadd.f32 v33, v36;
	v44 =	vld.idx.msk [tilespmem:v5+s28+$0xFFFFFF30 ss:$0x1], $0xffff  }
0x16c: {  	v30 =	vshll.u32 v30, $0x10;
	v33 =	vand.u32 $0xFFFF0000, v32;
	v32 =	vshll.u32 v32, $0x10;
	v48 =	vld.idx.msk [tilespmem:v6+s28+$0xA0 ss:$0x1], $0xffff  }
0x16d: {  	v30 =	vmul.f32 v32, v30;
	v32 =	vmul.f32 v33, v31;
	v33 =	vand.u32 $0xFFFF0000, v35;
	v31 =	vld.idx.msk [tilespmem:v5+s28+$0xFFFFFFB0 ss:$0x1], $0xffff  }
0x16e: {  	v35 =	vshll.u32 v35, $0x10;
	v36 =	vand.u32 $0xFFFF0000, v34;
	v34 =	vshll.u32 v34, $0x10;
	v41 =	vld.idx.msk [tilespmem:v6+s28+$0x0 ss:$0x1], $0xffff  }
0x16f: {  	v43 =	vmul.f32 v34, v35;
	v36 =	vmul.f32 v36, v33;
	v33 =	vshll.u32 v38, $0x10;
	v42 =	vld.idx.msk [tilespmem:v5+s28+$0xFFFFFF10 ss:$0x1], $0xffff  }
.Ltmp1:
0x170: {  	v30 =	vadd.f32 v32, v30;
	v34 =	vand.u32 $0xFFFF0000, v37;
	v35 =	vshll.u32 v37, $0x10;
	v40 =	vld.idx.msk [tilespmem:v6+s28+$0x10 ss:$0x1], $0xffff;
	(pc) =	sbr.rel @p6 .LBB2_5-.Ltmp1, $4  }
0x171: {  	v32 =	vadd.f32 v36, v43;
	v36 =	vshll.u32 v39, $0x10;
	v37 =	vshll.u32 v44, $0x10;
	v43 =	vld.idx.msk [tilespmem:v5+s28+$0xFFFFFF20 ss:$0x1], $0xffff  }
0x172: {  	v38 =	vand.u32 $0xFFFF0000, v39;
	v39 =	vand.u32 $0xFFFF0000, v44;
	v36 =	vmul.f32 v37, v36;
	v44 =	vld.idx.msk [tilespmem:v6+s28+$0x80 ss:$0x1], $0xffff  }
0x173: {  	v37 =	vmul.f32 v39, v38;
	v38 =	vshll.u32 v48, $0x10;
	v49 =	vshll.u32 v31, $0x10;
	v46 =	vld.idx.msk [tilespmem:v5+s28+$0xFFFFFF90 ss:$0x1], $0xffff  }
0x174: {  	s29 =	sadd.s32 $0x800, s29;
	v39 =	vand.u32 $0xFFFF0000, v48;
	v47 =	vand.u32 $0xFFFF0000, v41;
	v38 =	vmul.f32 v49, v38;
	v45 =	vld.idx.msk [tilespmem:v6+s28+$0x90 ss:$0x1], $0xffff  }
0x175: {  	_ =	sdelay $0x2  }
0x176: {  	v6 =	vshll.u32 v41, $0x10;
	v56 =	vand.u32 $0xFFFF0000, v42;
	v57 =	vshll.u32 v42, $0x10  }
0x177: {  	v5 =	vld.idx.msk [tilespmem:v5+s28+$0xFFFFFFA0 ss:$0x1], $0xffff;
	v58 =	vand.u32 $0xFFFF0000, v40;
	v59 =	vshll.u32 v40, $0x10;
	v6 =	vmul.f32 v57, v6  }
0x178: {  	v41 =	vmul.f32 v56, v47;
	v60 =	vand.u32 $0xFFFF0000, v43;
	v61 =	vshll.u32 v43, $0x10  }
0x179: {  	v40 =	vmul.f32 v61, v59;
	v42 =	vmul.f32 v60, v58;
	v62 =	vand.u32 $0xFFFF0000, v44  }
0x17a: {  	v63 =	vshll.u32 v44, $0x10;
	v48 =	vand.u32 $0xFFFF0000, v46;
	v49 =	vshll.u32 v46, $0x10  }
0x17b: {  	v44 =	vmul.f32 v49, v63;
	v43 =	vmul.f32 v48, v62;
	v50 =	vand.u32 $0xFFFF0000, v45  }
0x17c: {  	v51 =	vshll.u32 v45, $0x10;
	v52 =	vand.u32 $0xFFFF0000, v5;
	v5 =	vshll.u32 v5, $0x10  }
0x17d: {  	v31 =	vand.u32 $0xFFFF0000, v31;
	v5 =	vmul.f32 v5, v51;
	v53 =	vmul.f32 v52, v50  }
0x17e: {  	v31 =	vmul.f32 v31, v39;
	v6 =	vadd.f32 v41, v6;
	v40 =	vadd.f32 v42, v40  }
0x17f: {  	v33 =	vmul.f32 v35, v33;
	v54 =	vadd.f32 v43, v44;
	v5 =	vadd.f32 v53, v5  }
0x180: {  	v55 =	vadd.f32 v37, v36;
	v29 =	vmul.f32 v34, v29;
	v31 =	vadd.f32 v31, v38  }
0x181: {  	v6 =	vadd.f32 v40, v6;
	v5 =	vadd.f32 v5, v54  }
0x182: {  	v30 =	vadd.f32 v32, v30;
	v29 =	vadd.f32 v29, v33  }
0x183: {  	v6 =	vadd.f32 v55, v6;
	v5 =	vadd.f32 v31, v5  }
0x184: {  	v23 =	vadd.f32 v23, v26;
	v56 =	vadd.f32 v27, v30  }
0x185: {  	v6 =	vadd.f32 v28, v6;
	v5 =	vadd.f32 v29, v5  }
0x186: {  	v18 =	vadd.f32 v18, v23;
	v22 =	vadd.f32 v22, v56  }
0x187: {  	v6 =	vadd.f32 v24, v6;
	v5 =	vadd.f32 v25, v5  }
0x188: {  	v16 =	vadd.f32 v16, v18;
	v57 =	vadd.f32 v19, v22  }
0x189: {  	v6 =	vadd.f32 v20, v6;
	v5 =	vadd.f32 v21, v5  }
0x18a: {  	v13 =	vadd.f32 v13, v16;
	v15 =	vadd.f32 v15, v57  }
0x18b: {  	v6 =	vadd.f32 v14, v6;
	v5 =	vadd.f32 v17, v5  }
0x18c: {  	v8 =	vadd.f32 v8, v13;
	v10 =	vadd.f32 v10, v15  }
0x18d: {  	v6 =	vadd.f32 v11, v6;
	v5 =	vadd.f32 v12, v5  }
0x18e: {  	v9 =	vadd.f32 v9, v10  }
0x18f: {  	v7 =	vadd.f32 v7, v8;
	v58 =	vperm.xlane v6, v1;
	v59 =	vperm.xlane v5, v1  }
0x190: {  	v60 =	vperm.xlane v9, v1  }
0x191: {  	v61 =	vperm.xlane v7, v1;
	v6 =	vadd.f32 v6, v58;
	v5 =	vadd.f32 v5, v59  }
0x192: {  	v62 =	vadd.f32 v9, v60  }
0x193: {  	v7 =	vadd.f32 v7, v61;
	v63 =	vperm.xlane v6, v2;
	v10 =	vperm.xlane v5, v2  }
0x194: {  	v11 =	vperm.xlane v62, v2  }
0x195: {  	v12 =	vperm.xlane v7, v2;
	v6 =	vadd.f32 v6, v63;
	v5 =	vadd.f32 v5, v10  }
0x196: {  	v8 =	vadd.f32 v62, v11  }
0x197: {  	v7 =	vadd.f32 v7, v12;
	v9 =	vperm.xlane v6, v3;
	v10 =	vperm.xlane v5, v3  }
0x198: {  	v11 =	vperm.xlane v8, v3  }
0x199: {  	v12 =	vperm.xlane v7, v3;
	v6 =	vadd.f32 v6, v9;
	v5 =	vadd.f32 v5, v10  }
0x19a: {  	v8 =	vadd.f32 v8, v11  }
0x19b: {  	v7 =	vadd.f32 v7, v12;
	v9 =	vperm.xlane v6, v4;
	v10 =	vperm.xlane v5, v4  }
0x19c: {  	v11 =	vperm.xlane v8, v4  }
0x19d: {  	v12 =	vperm.xlane v7, v4;
	v6 =	vadd.f32 v6, v9;
	v5 =	vadd.f32 v5, v10  }
0x19e: {  	v8 =	vadd.f32 v8, v11  }
0x19f: {  	v7 =	vadd.f32 v7, v12;
	v5 =	vsel vm0, v5, v6  }
0x1a0: {  	v5 =	vsel vm1, v5, v8  }
0x1a1: {  	v5 =	vsel vm2, v7, v5  }
0x1a2: {  	v5 =	vmul.f32 $6.250000000e-02, v5;
	_ =	sdelay $0x1  }
0x1a3: {  	v5 =	vmul.f32 $1.442695020e+00, v5;
	_ =	sdelay $0x1  }
0x1a4: {  	(erf) = vpow2.f32 v5;
	_ =	sdelay $0x6  }
0x1a5: {  	s0 =	smul.u32 $0x28, s25;
	_ =	sdelay $0x1  }
0x1a6: {  	s21 =	sadd.s32 s4, s0;
	v5 =	vpop (erf)  }
0x1a7: {  	s22 =	sadd.s32 $0x10, s26;
	s21 =	sshll.u32 s21, $0x1;
	v5 =	vnsel vm3, $0x0, v5  }
0x1a8: {  	s21 =	sadd.s32 s7, s21;
	[tilespmem:s22+$0x0] =	vst v5  }
0x1a9: {  	[hbm4b:s21+s3] =	stream.linear.scatter [tilespmem:s23], [sflag:$0x5], $0x280, $0x38;
	[tilespmem:$0x1B8A0] =	vst v63  }
0x1aa: {  	s25 =	sadd.s32 $0x1, s25;
	_ =	swait.ge [sflag:s18], $0x280  }
0x1ab: {  	p6 =	sne.s32 s25, $0x7D;
	[sflag:s18] =	ssyncset.done $0x0  }
.Ltmp2:
0x1ac: {  	[sflag:s18] =	ssyncadd.s32 $0xFFFFFD80;
	(pc) =	sbr.rel @p6 .LBB2_4-.Ltmp2, $4  }
0x1ad: {  	[spmem:s2] =	stream.indirect.scatter.add.f32 [tilespmem:s23], [sflag:$0x5], $0x10, s0, s20, $0xb8;
	[tilespmem:$0x1B8A0] =	vst v63  }
0x1ae: {  	_ =	swait.ge [sflag:s18], $0x280  }
0x1af: {  	[sflag:s18] =	ssyncset.done $0x0  }
0x1b0: {  	p5 =	por !p5, !p5;
	[sflag:s18] =	ssyncadd.s32 $0xFFFFFD80  }
0x1b1: {  	[bflag:$0x0] =	sbarrier.arrive $0xFFFF;
	s0 =	sshrl.u32 @!p1 s11, $0x3;
	s21 =	simm.s32 @!p1 $0x1FC5  }
0x1b2: {  	[hbm:s16], [sflag:s21] =	dma.local @!p1 [spmem:s0], $0x500  }
0x1b3: {  	s0 =	simm.s32 @!p1 $0x5  }
0x1b4: {  	_ =	swait.ge @!p1 [sflag:s0], $0x500  }
0x1b5: {  	s21 =	sshll.u32 @!p2 s1, $0x6;
	[sflag:s0] =	ssyncset.done @!p1 $0x0  }
0x1b6: {  	[sflag:s0] =	ssyncadd.s32 @!p1 $0xFFFFFB00;
	s0 =	sor.u32 @!p2 $0x1C05, s21;
	s21 =	sshrl.u32 @!p2 s13, $0x3  }
0x1b7: {  	[hbm:s15], [sflag:s0] =	dma.local @!p2 [spmem:s21], $0x4E0  }
0x1b8: {  	s0 =	simm.s32 @!p2 $0x5  }
0x1b9: {  	_ =	swait.ge @!p2 [sflag:s0], $0x4E0  }
0x1ba: {  	[sflag:s0] =	ssyncset.done @!p2 $0x0  }
0x1bb: {  	s21 =	simm.s32 @!p3 $0x1FC5;
	[sflag:s0] =	ssyncadd.s32 @!p2 $0xFFFFFB20;
	s0 =	sshrl.u32 @!p3 s11, $0x3  }
0x1bc: {  	[hbm:s14], [sflag:s21] =	dma.local @!p3 [spmem:s0], $0x500  }
0x1bd: {  	s0 =	simm.s32 @!p3 $0x5  }
0x1be: {  	s24 =	sadd.s32 $0x1, s24;
	_ =	swait.ge @!p3 [sflag:s0], $0x500  }
0x1bf: {  	p5 =	sne.s32 s24, s17;
	s21 =	sshll.u32 @!p4 s1, $0x6;
	[sflag:s0] =	ssyncset.done @!p3 $0x0  }
0x1c0: {  	[sflag:s0] =	ssyncadd.s32 @!p3 $0xFFFFFB00;
	s0 =	sor.u32 @!p4 $0x1C05, s21;
	s21 =	sshrl.u32 @!p4 s13, $0x3  }
0x1c1: {  	[hbm:s12], [sflag:s0] =	dma.local @!p4 [spmem:s21], $0x4E0  }
.Ltmp3:
0x1c2: {  	_ = 	snop;
	(pc) =	sbr.rel @p5 .LBB2_1-.Ltmp3, $4  }
0x1c3: {  	s0 =	simm.s32 @!p4 $0x5  }
0x1c4: {  	_ =	swait.ge @!p4 [sflag:s0], $0x4E0  }
0x1c5: {  	[sflag:s0] =	ssyncset.done @!p4 $0x0  }
0x1c6: {  	[sflag:s0] =	ssyncadd.s32 @!p4 $0xFFFFFB20  }
0x1c7: {  	_ =	sfence.sel $0x180000  }
0x1c8: {  	[bflag:$0x0] =	sbarrier.arrive $0xFFFF  }
0x1c9: {  	_ =	strace $0x90000047  }
0x1ca: {  	[bflag:$0x2] =	sbarrier.arrive $0xFFFF  }
0x1cb: {  	p0 =	sne.s32 s1, $0x0;
	s0 =	rddreg [dreg:$0x2]  }
0x1cc: {  	s0 =	sadd.s32 @!p0 $0x100000, s0  }
0x1cd: {  	[sflag:s0] =	ssyncadd.tile.s32 @!p0 $0x1;
	_ =	shalt  }
.Lfunc_end2:
_tile_overlayer_lowered:
.L_overlay_start_2:
0x1ce: {  	(tag) =	ssettag $0x2  }
0x1cf: {  	s0 =	rddreg [dreg:$0x0];
	s2 =	stileid.u32  }
0x1d0: {  	s1 =	rddreg [dreg:$0x1];
	p0 =	sne.s32 s2, $0x0  }
0x1d1: {  	s3 =	rddreg [dreg:$0x2];
	[bflag:$0x3] =	sbarrier.arrive $0xFFFF;
	s2 =	simm.s32 @!p0 $0x1C05  }
0x1d2: {  	[timem:s3], [sflag:s2] =	dma.local @!p0 [hbm:s0], s1  }
0x1d3: {  	s0 =	simm.s32 @!p0 $0x5  }
0x1d4: {  	_ =	swait.ge @!p0 [sflag:s0], s1  }
0x1d5: {  	s1 =	ssub.s32 @!p0 $0x0, s1;
	[sflag:s0] =	ssyncset.done @!p0 $0x0  }
0x1d6: {  	[sflag:s0] =	ssyncadd.s32 @!p0 s1  }
0x1d7: {  	[bflag:$0x3] =	sbarrier.arrive $0xFFFF  }
0x1d8: {  	_ =	shalt  }

</sc_bundles>
